<compile_context>
chip_gen: v7x
topology: tpu7x:2x2x1
jax: 0.10.2.dev20260603
libtpu: 0.0.44.dev20260713+nightly
codegen_flags: <defaults>
</compile_context>

<pallas_src>
import functools

import numpy as _np

import jax
import jax.numpy as jnp
from jax import lax
from jax.experimental import pallas as pl
from jax.experimental.pallas import tpu as pltpu
from jax.experimental.pallas import tpu_sc as plsc

B, V, N, D, K = 2, 4, 196, 384, 8
NV = V - 1
M = V * N
NP = 256
NPQ = 208
WSTG = 40
QT = 49
NT = B * M // QT
NCH = NP // 16
KQ = QT * K
QTB = 28
NTB = M // QTB
KQB = QTB * K


def _scores_proj_body(xq_ref, xk_ref, we_ref, wo1_ref, bo_ref,
                      out_ref, u16_ref, p_ref):
    xq = xq_ref[0, 0]
    xk = xk_ref[0, 0]
    gram = jax.lax.dot_general(xq, xk, (((1,), (1,)), ((), ())),
                               preferred_element_type=jnp.float32)
    ones_row = jnp.ones((8, D), jnp.float32)
    ss = jax.lax.dot_general(ones_row, xk * xk, (((1,), (1,)), ((), ())),
                             preferred_element_type=jnp.float32)[:1]
    s = ss - 2.0 * gram
    pad = jnp.full((N, NP - N), jnp.inf, jnp.float32)
    rpad = jnp.full((NPQ - N, NP), jnp.inf, jnp.float32)
    out_ref[0] = jnp.concatenate(
        [jnp.concatenate([s, pad], axis=1), rpad], axis=0)

    @pl.when(pl.program_id(2) == 0)
    def _():
        u16_ref[0, 0] = jax.lax.dot_general(
            xq, we_ref[...], (((1,), (0,)), ((), ())),
            preferred_element_type=jnp.float32).astype(jnp.bfloat16)
        p_ref[0, 0] = xq + jax.lax.dot_general(
            xq, wo1_ref[...], (((1,), (0,)), ((), ())),
            preferred_element_type=jnp.float32) + bo_ref[...][None, :]


def _scores_proj(x, W_edge, Wo1, b_offset):
    grid = (B, V, NV)
    return pl.pallas_call(
        _scores_proj_body,
        grid=grid,
        in_specs=[
            pl.BlockSpec((1, 1, N, D), lambda b, v, j: (b, v, 0, 0)),
            pl.BlockSpec((1, 1, N, D),
                         lambda b, v, j: (b, j + (j >= v).astype(j.dtype), 0, 0)),
            pl.BlockSpec((D, D), lambda b, v, j: (0, 0)),
            pl.BlockSpec((D, D), lambda b, v, j: (0, 0)),
            pl.BlockSpec((D,), lambda b, v, j: (0,)),
        ],
        out_specs=[
            pl.BlockSpec((1, NPQ, NP),
                         lambda b, v, j: ((b * V + v) * NV + j, 0, 0)),
            pl.BlockSpec((1, 1, N, D), lambda b, v, j: (b, v, 0, 0)),
            pl.BlockSpec((1, 1, N, D), lambda b, v, j: (b, v, 0, 0)),
        ],
        out_shape=[
            jax.ShapeDtypeStruct((B * V * NV, NPQ, NP), jnp.float32),
            jax.ShapeDtypeStruct((B, V, N, D), jnp.bfloat16),
            jax.ShapeDtypeStruct((B, V, N, D), jnp.float32),
        ],
    )(x, x, W_edge, Wo1, b_offset)


def _sc_topk_body(scores_hbm, idx_hbm, b0, b1, b2, idx_v, *, bb):
    nc = 2
    wid = lax.axis_index("s") * nc + lax.axis_index("c")

    @pl.when(wid < NTB)
    def _():
        q0 = wid * QTB
        v = q0 // N
        n0 = q0 % N
        bufs = (b0, b1, b2)
        offs = []
        for j in range(NV):
            row0 = ((bb * V + v) * NV + j) * NPQ + n0
            al = (row0 // 8) * 8
            offs.append(row0 - al)
            pltpu.sync_copy(scores_hbm.at[pl.ds(al, WSTG)], bufs[j])

        lane = lax.iota(jnp.int32, 16)
        inf16 = jnp.full((16,), jnp.inf, jnp.float32)
        zero16 = jnp.zeros((16,), jnp.int32)
        sentinel = jnp.where(lane < K, 0, jnp.int32(2**30))

        def per_query(qq, _):
            def per_chunk(c, st):
                out = []
                for j in range(NV):
                    bv, bi = st[2 * j], st[2 * j + 1]
                    vals = bufs[j][qq + offs[j], pl.ds(c * 16, 16)]
                    idxs = c * 16 + lane
                    sv, si = plsc.sort_key_val(vals, idxs)
                    rv = lax.rev(sv, (0,))
                    ri = lax.rev(si, (0,))
                    keep = bv <= rv
                    mv = jnp.where(keep, bv, rv)
                    mi = jnp.where(keep, bi, ri)
                    nbv, nbi = plsc.sort_key_val(mv, mi)
                    out.extend([nbv, nbi])
                return tuple(out)

            st = (inf16, zero16) * NV
            for c in range(NCH):
                st = per_chunk(c, st)
            for j in range(NV):
                keys = st[2 * j + 1] + sentinel
                gidx, _ = plsc.sort_key_val(keys, keys)
                plsc.store_compressed(idx_v.at[pl.ds(j * KQB + qq * K, 16)],
                                      gidx, mask=lane < K)
            return 0

        lax.fori_loop(0, QTB, per_query, 0)
        pltpu.sync_copy(idx_v.at[pl.ds(0, NV * KQB)],
                        idx_hbm.at[pl.ds(wid * NV * KQB, NV * KQB)])


def _topk_sc(scores2, b):
    mesh = plsc.VectorSubcoreMesh(core_axis_name="c", subcore_axis_name="s")
    fn = pl.kernel(
        functools.partial(_sc_topk_body, bb=b),
        out_type=jax.ShapeDtypeStruct((NTB * NV * KQB,), jnp.int32),
        mesh=mesh,
        scratch_types=[
            pltpu.VMEM((WSTG, NP), jnp.float32),
            pltpu.VMEM((WSTG, NP), jnp.float32),
            pltpu.VMEM((WSTG, NP), jnp.float32),
            pltpu.VMEM((NV * KQB + 8,), jnp.int32),
        ],
        compiler_params=pltpu.CompilerParams(needs_layout_passes=False),
    )
    return fn(scores2)


TPB = N // QTB
NR = N * K


def _fusion_body(idx_ref, uq_ref, ut0_ref, ut1_ref, ut2_ref, p_ref,
                 wf_ref, wo2_ref, be_ref, rmat_ref, smat_ref, out_ref):
    uts = (ut0_ref, ut1_ref, ut2_ref)
    iota0 = lax.broadcasted_iota(jnp.int32, (N, KQB), 0)
    rq = jax.lax.dot_general(rmat_ref[...], uq_ref[0, 0],
                             (((1,), (0,)), ((), ())),
                             preferred_element_type=jnp.float32)
    base = be_ref[...][None, :] - rq
    ee_sum = jnp.zeros((NR, D), jnp.float32)
    e_sum = jnp.zeros((NR, D), jnp.float32)
    for j in range(NV):
        ug_parts = []
        for t in range(TPB):
            row = idx_ref[t, j].reshape(1, KQB)
            oht = jnp.where(row == iota0, 1.0, 0.0).astype(jnp.bfloat16)
            ug_parts.append(jax.lax.dot_general(
                oht, uts[j][0, 0], (((0,), (0,)), ((), ())),
                preferred_element_type=jnp.float32))
        ug = jnp.concatenate(ug_parts, axis=0)
        pre = ug + base
        edge = 0.5 * pre * (1.0 + lax.erf(pre * (2.0 ** -0.5)))
        lg = jax.lax.dot_general(
            edge.astype(jnp.bfloat16), wf_ref[...], (((1,), (0,)), ((), ())),
            preferred_element_type=jnp.float32)
        e = jnp.exp(lg)
        e_sum = e_sum + e
        ee_sum = ee_sum + edge * e
    both = jnp.concatenate([ee_sum.astype(jnp.bfloat16),
                            e_sum.astype(jnp.bfloat16)], axis=1)
    red = jax.lax.dot_general(smat_ref[...], both, (((1,), (0,)), ((), ())),
                              preferred_element_type=jnp.float32)
    edge_sum = red[:, :D] / red[:, D:]
    out_ref[0] = p_ref[0, 0] + jax.lax.dot_general(
        edge_sum, wo2_ref[...], (((1,), (0,)), ((), ())),
        preferred_element_type=jnp.float32)


def _fusion(idx3, U16, P, Wf16, Wo2, b_edge, Rmat, Smat, b):
    grid = (V,)

    def _ut_spec(j):
        def imap(v):
            return (b, j + (j >= v).astype(v.dtype), 0, 0)
        return pl.BlockSpec((1, 1, N, D), imap)

    return pl.pallas_call(
        _fusion_body,
        grid=grid,
        in_specs=[
            pl.BlockSpec((TPB, NV, KQB), lambda v: (v, 0, 0)),
            pl.BlockSpec((1, 1, N, D), lambda v: (b, v, 0, 0)),
            _ut_spec(0),
            _ut_spec(1),
            _ut_spec(2),
            pl.BlockSpec((1, 1, N, D), lambda v: (b, v, 0, 0)),
            pl.BlockSpec((D, D), lambda v: (0, 0)),
            pl.BlockSpec((D, D), lambda v: (0, 0)),
            pl.BlockSpec((D,), lambda v: (0,)),
            pl.BlockSpec((NR, N), lambda v: (0, 0)),
            pl.BlockSpec((N, NR), lambda v: (0, 0)),
        ],
        out_specs=pl.BlockSpec((1, N, D), lambda v: (v, 0, 0)),
        out_shape=jax.ShapeDtypeStruct((V, N, D), jnp.float32),
    )(idx3, U16, U16, U16, U16, P, Wf16, Wo2, b_edge, Rmat, Smat)


_REP = _np.arange(NR)[:, None] // K == _np.arange(N)[None, :]


def kernel(x, W_edge, b_edge, W_fusion, W_offset, b_offset):
    rmat = jnp.asarray(_REP.astype(_np.float32), dtype=jnp.bfloat16)
    smat = jnp.asarray(_REP.T.astype(_np.float32), dtype=jnp.bfloat16)
    wf16 = W_fusion.astype(jnp.bfloat16)
    scores3, U16, P = _scores_proj(x, W_edge, W_offset[:D], b_offset)
    scores2 = scores3.reshape(B * V * NV * NPQ, NP)
    idx = [_topk_sc(scores2, b).reshape(NTB, NV, KQB) for b in range(B)]
    outs = [_fusion(idx[b], U16, P, wf16, W_offset[D:], b_edge,
                    rmat, smat, b) for b in range(B)]
    return jnp.stack(outs, axis=0)

# --- scband reference (transcript-rebuilt; emitter-appended) ---
"""Pipeline reference for scband-encoder-63015760167352 (READ-ONLY COPY).

The authoritative reference and input builder live on the scoring server;
editing this copy changes nothing except your own understanding.
"""

import jax, jax.numpy as jnp
import numpy as np

B, V, N, D, K = 2, 4, 196, 384, 8


def setup_inputs(seed: int = 0) -> dict:
    key = jax.random.key(seed)
    ks = jax.random.split(key, 6)
    x = jax.random.normal(ks[0], (B, V, N, D), dtype=jnp.float32)
    W_edge = jax.random.normal(ks[1], (D, D), dtype=jnp.float32) * 0.02
    b_edge = jnp.zeros((D,), dtype=jnp.float32)
    W_fusion = jax.random.normal(ks[2], (D, D), dtype=jnp.float32) * 0.02
    W_offset = jax.random.normal(ks[3], (2 * D, D), dtype=jnp.float32) * 0.02
    b_offset = jnp.zeros((D,), dtype=jnp.float32)
    return {"x": x, "W_edge": W_edge, "b_edge": b_edge, "W_fusion": W_fusion,
            "W_offset": W_offset, "b_offset": b_offset}


def _grouping(x, k):
    b, v, n, d = x.shape
    xf = x.reshape(b, v * n, d)
    sum_sq = jnp.sum(xf ** 2, axis=-1)
    gram = jnp.einsum('bid,bjd->bij', xf, xf)
    dist = jnp.sqrt(jnp.maximum(sum_sq[:, None, :] + sum_sq[:, :, None] - 2.0 * gram, 0.0))
    dist5 = dist.reshape(b, v, n, v, n)  # [b, v, n, v1, n1]
    order = jnp.argsort(dist5, axis=-1)
    topk = jnp.sort(order[..., :k], axis=-1)  # ascending patch index, matching torch.where row-major order
    b_idx = jnp.arange(b)[:, None, None, None, None]
    v1_idx = jnp.arange(v)[None, None, None, :, None]
    neighbor = x[b_idx, v1_idx, topk]  # [b, v, n, v1, k, d]
    triu = jnp.triu(jnp.ones((v, v), dtype=x.dtype), 1)[None, :, None, :, None, None]
    tril = jnp.tril(jnp.ones((v, v), dtype=x.dtype), -1)[None, :, None, :, None, None]
    neighbor = (neighbor * triu)[:, :, :, 1:, :, :] + (neighbor * tril)[:, :, :, :-1, :, :]
    neighbor = neighbor.reshape(b, v, n, (v - 1) * k, d)
    return neighbor


def reference(x, W_edge, b_edge, W_fusion, W_offset, b_offset):
    k = K
    neighbor = jax.lax.stop_gradient(_grouping(x, k))  # torch computes grouping under no_grad
    # similar_correlation (VIT_IVDB_Offset, type_id=0)
    diff = neighbor - x[:, :, :, None, :]
    edge = jax.nn.gelu(diff @ W_edge + b_edge, approximate=False)
    weights = jax.nn.softmax(edge @ W_fusion, axis=3)  # fusion layer, no bias; softmax over neighbor dim
    edge_sum = jnp.sum(edge * weights, axis=3)
    out = x + (jnp.concatenate([x, edge_sum], axis=-1) @ W_offset + b_offset)
    return out

if __name__ == "__main__":
    import jax
    _d = setup_inputs()
    print(jax.jit(kernel)(*tuple(_d.values())))

</pallas_src>

<mosaic_0001>
#map = affine_map<(d0, d1) -> (0, 0)>
#map1 = affine_map<(d0, d1) -> (0)>
module attributes {stable_mosaic.version = 14 : i64} {
  func.func @_sc_topk_body(%arg0: i32, %arg1: i32, %arg2: memref<4992x256xf32, #tpu.memory_space<hbm>>, %arg3: memref<18816xi32, #tpu.memory_space<hbm>>, %arg4: memref<40x256xf32, #tpu.memory_space<vmem>>, %arg5: memref<40x256xf32, #tpu.memory_space<vmem>>, %arg6: memref<40x256xf32, #tpu.memory_space<vmem>>, %arg7: memref<680xi32, #tpu.memory_space<vmem>>) attributes {dimension_semantics = [#tpu.dimension_semantics<core_parallel>, #tpu.dimension_semantics<subcore_parallel>], iteration_bounds = array<i64: 2, 16>, scalar_prefetch = 0 : i64, scratch_operands = 4 : i64, tpu.core_type = #tpu.core_type<sc_vector_subcore>, window_params = [{transform_indices = #map}, {transform_indices = #map1}]} {
    %mul3A = arith.constant 2 : i32
    %mul3A_0 = arith.muli %arg1, %mul3A : i32
    %add3A = arith.addi %mul3A_0, %arg0 : i32
    %lt3A = arith.constant 28 : i32
    %lt3A_1 = arith.cmpi slt, %add3A, %lt3A : i32
    %convert_element_type3A = arith.extui %lt3A_1 : i1 to i32
    %cond3A = arith.constant 0 : i32
    %cond3A_2 = arith.cmpi ne, %convert_element_type3A, %cond3A : i32
    scf.if %cond3A_2 {
      %mul3A_3 = arith.constant 28 : i32
      %mul3A_4 = arith.muli %add3A, %mul3A_3 : i32
      %jit3A = arith.constant 196 : i32
      %div3A = arith.divsi %mul3A_4, %jit3A : i32
      %sign3A = arith.constant 0 : i32
      %sign3A_5 = arith.cmpi sgt, %mul3A_4, %sign3A : i32
      %sign3A_6 = arith.extui %sign3A_5 : i1 to i32
      %sign3A_7 = arith.constant 0 : i32
      %sign3A_8 = arith.cmpi slt, %mul3A_4, %sign3A_7 : i32
      %sign3A_9 = arith.extui %sign3A_8 : i1 to i32
      %sign3A_10 = arith.subi %sign3A_6, %sign3A_9 : i32
      %sign3A_11 = arith.constant 0 : i32
      %sign3A_12 = arith.cmpi sgt, %jit3A, %sign3A_11 : i32
      %sign3A_13 = arith.extui %sign3A_12 : i1 to i32
      %sign3A_14 = arith.constant 0 : i32
      %sign3A_15 = arith.cmpi slt, %jit3A, %sign3A_14 : i32
      %sign3A_16 = arith.extui %sign3A_15 : i1 to i32
      %sign3A_17 = arith.subi %sign3A_13, %sign3A_16 : i32
      %ne3A = arith.cmpi ne, %sign3A_10, %sign3A_17 : i32
      %rem3A = arith.remsi %mul3A_4, %jit3A : i32
      %ne3A_18 = arith.constant 0 : i32
      %ne3A_19 = arith.cmpi ne, %rem3A, %ne3A_18 : i32
      %and3A = arith.andi %ne3A, %ne3A_19 : i1
      %sub3A = arith.constant 1 : i32
      %sub3A_20 = arith.subi %div3A, %sub3A : i32
      %select_n3A = arith.select %and3A, %sub3A_20, %div3A : i32
      %jit3A_21 = arith.constant 196 : i32
      %eq3A = arith.constant 0 : i32
      %eq3A_22 = arith.cmpi eq, %jit3A_21, %eq3A : i32
      %jit3A_23 = arith.constant 1 : i32
      %select_n3A_24 = arith.select %eq3A_22, %jit3A_23, %jit3A_21 : i32
      %rem3A_25 = arith.remsi %mul3A_4, %select_n3A_24 : i32
      %ne3A_26 = arith.constant 0 : i32
      %ne3A_27 = arith.cmpi ne, %rem3A_25, %ne3A_26 : i32
      %lt3A_28 = arith.constant 0 : i32
      %lt3A_29 = arith.cmpi slt, %rem3A_25, %lt3A_28 : i32
      %lt3A_30 = arith.constant 0 : i32
      %lt3A_31 = arith.cmpi slt, %select_n3A_24, %lt3A_30 : i32
      %ne3A_32 = arith.xori %lt3A_29, %lt3A_31 : i1
      %and3A_33 = arith.andi %ne3A_32, %ne3A_27 : i1
      %add3A_34 = arith.addi %rem3A_25, %select_n3A_24 : i32
      %select_n3A_35 = arith.select %and3A_33, %add3A_34, %rem3A_25 : i32
      %add3A_36 = arith.constant 0 : i32
      %add3A_37 = arith.addi %add3A_36, %select_n3A : i32
      %mul3A_38 = arith.constant 3 : i32
      %mul3A_39 = arith.muli %add3A_37, %mul3A_38 : i32
      %add3A_40 = arith.constant 0 : i32
      %add3A_41 = arith.addi %mul3A_39, %add3A_40 : i32
      %mul3A_42 = arith.constant 208 : i32
      %mul3A_43 = arith.muli %add3A_41, %mul3A_42 : i32
      %add3A_44 = arith.addi %mul3A_43, %select_n3A_35 : i32
      %jit3A_45 = arith.constant 8 : i32
      %div3A_46 = arith.divsi %add3A_44, %jit3A_45 : i32
      %sign3A_47 = arith.constant 0 : i32
      %sign3A_48 = arith.cmpi sgt, %add3A_44, %sign3A_47 : i32
      %sign3A_49 = arith.extui %sign3A_48 : i1 to i32
      %sign3A_50 = arith.constant 0 : i32
      %sign3A_51 = arith.cmpi slt, %add3A_44, %sign3A_50 : i32
      %sign3A_52 = arith.extui %sign3A_51 : i1 to i32
      %sign3A_53 = arith.subi %sign3A_49, %sign3A_52 : i32
      %sign3A_54 = arith.constant 0 : i32
      %sign3A_55 = arith.cmpi sgt, %jit3A_45, %sign3A_54 : i32
      %sign3A_56 = arith.extui %sign3A_55 : i1 to i32
      %sign3A_57 = arith.constant 0 : i32
      %sign3A_58 = arith.cmpi slt, %jit3A_45, %sign3A_57 : i32
      %sign3A_59 = arith.extui %sign3A_58 : i1 to i32
      %sign3A_60 = arith.subi %sign3A_56, %sign3A_59 : i32
      %ne3A_61 = arith.cmpi ne, %sign3A_53, %sign3A_60 : i32
      %rem3A_62 = arith.remsi %add3A_44, %jit3A_45 : i32
      %ne3A_63 = arith.constant 0 : i32
      %ne3A_64 = arith.cmpi ne, %rem3A_62, %ne3A_63 : i32
      %and3A_65 = arith.andi %ne3A_61, %ne3A_64 : i1
      %sub3A_66 = arith.constant 1 : i32
      %sub3A_67 = arith.subi %div3A_46, %sub3A_66 : i32
      %select_n3A_68 = arith.select %and3A_65, %sub3A_67, %div3A_46 : i32
      %mul3A_69 = arith.constant 8 : i32
      %mul3A_70 = arith.muli %select_n3A_68, %mul3A_69 : i32
      %sub3A_71 = arith.subi %add3A_44, %mul3A_70 : i32
      "tpu.region"() ({
        %run_scoped3A = tpu.sem_alloc : memref<!tpu.dma_semaphore, #tpu.memory_space<semaphore_mem>>
        %dma_start3A = arith.constant 0 : i32
        %dma_start3A_165 = tpu.memref_slice %arg2[%mul3A_70, %dma_start3A] : memref<4992x256xf32, #tpu.memory_space<hbm>> -> memref<40x256xf32, #tpu.memory_space<hbm>>
        %dma_start3A_166 = arith.constant 0 : i32
        %dma_start3A_167 = tpu.memref_slice %arg2[%mul3A_70, %dma_start3A_166] : memref<4992x256xf32, #tpu.memory_space<hbm>> -> memref<40x256xf32, #tpu.memory_space<hbm>>
        tpu.enqueue_dma source(%dma_start3A_167 : memref<40x256xf32, #tpu.memory_space<hbm>>) target(%arg4 : memref<40x256xf32, #tpu.memory_space<vmem>>) target_semaphore(%run_scoped3A : memref<!tpu.dma_semaphore, #tpu.memory_space<semaphore_mem>>)
        %dma_wait3A = arith.constant 0 : i32
        %dma_wait3A_168 = tpu.memref_slice %arg2[%mul3A_70, %dma_wait3A] : memref<4992x256xf32, #tpu.memory_space<hbm>> -> memref<40x256xf32, #tpu.memory_space<hbm>>
        %dma_wait3A_169 = arith.constant 0 : i32
        %dma_wait3A_170 = tpu.memref_slice %arg2[%mul3A_70, %dma_wait3A_169] : memref<4992x256xf32, #tpu.memory_space<hbm>> -> memref<40x256xf32, #tpu.memory_space<hbm>>
        tpu.wait_dma2 semaphore(%run_scoped3A : memref<!tpu.dma_semaphore, #tpu.memory_space<semaphore_mem>>) src(%dma_wait3A_170 : memref<40x256xf32, #tpu.memory_space<hbm>>) dst(%arg4 : memref<40x256xf32, #tpu.memory_space<vmem>>)
        tpu.yield
      }) : () -> ()
      %add3A_72 = arith.constant 0 : i32
      %add3A_73 = arith.addi %add3A_72, %select_n3A : i32
      %mul3A_74 = arith.constant 3 : i32
      %mul3A_75 = arith.muli %add3A_73, %mul3A_74 : i32
      %add3A_76 = arith.constant 1 : i32
      %add3A_77 = arith.addi %mul3A_75, %add3A_76 : i32
      %mul3A_78 = arith.constant 208 : i32
      %mul3A_79 = arith.muli %add3A_77, %mul3A_78 : i32
      %add3A_80 = arith.addi %mul3A_79, %select_n3A_35 : i32
      %jit3A_81 = arith.constant 8 : i32
      %div3A_82 = arith.divsi %add3A_80, %jit3A_81 : i32
      %sign3A_83 = arith.constant 0 : i32
      %sign3A_84 = arith.cmpi sgt, %add3A_80, %sign3A_83 : i32
      %sign3A_85 = arith.extui %sign3A_84 : i1 to i32
      %sign3A_86 = arith.constant 0 : i32
      %sign3A_87 = arith.cmpi slt, %add3A_80, %sign3A_86 : i32
      %sign3A_88 = arith.extui %sign3A_87 : i1 to i32
      %sign3A_89 = arith.subi %sign3A_85, %sign3A_88 : i32
      %sign3A_90 = arith.constant 0 : i32
      %sign3A_91 = arith.cmpi sgt, %jit3A_81, %sign3A_90 : i32
      %sign3A_92 = arith.extui %sign3A_91 : i1 to i32
      %sign3A_93 = arith.constant 0 : i32
      %sign3A_94 = arith.cmpi slt, %jit3A_81, %sign3A_93 : i32
      %sign3A_95 = arith.extui %sign3A_94 : i1 to i32
      %sign3A_96 = arith.subi %sign3A_92, %sign3A_95 : i32
      %ne3A_97 = arith.cmpi ne, %sign3A_89, %sign3A_96 : i32
      %rem3A_98 = arith.remsi %add3A_80, %jit3A_81 : i32
      %ne3A_99 = arith.constant 0 : i32
      %ne3A_100 = arith.cmpi ne, %rem3A_98, %ne3A_99 : i32
      %and3A_101 = arith.andi %ne3A_97, %ne3A_100 : i1
      %sub3A_102 = arith.constant 1 : i32
      %sub3A_103 = arith.subi %div3A_82, %sub3A_102 : i32
      %select_n3A_104 = arith.select %and3A_101, %sub3A_103, %div3A_82 : i32
      %mul3A_105 = arith.constant 8 : i32
      %mul3A_106 = arith.muli %select_n3A_104, %mul3A_105 : i32
      %sub3A_107 = arith.subi %add3A_80, %mul3A_106 : i32
      "tpu.region"() ({
        %run_scoped3A = tpu.sem_alloc : memref<!tpu.dma_semaphore, #tpu.memory_space<semaphore_mem>>
        %dma_start3A = arith.constant 0 : i32
        %dma_start3A_165 = tpu.memref_slice %arg2[%mul3A_106, %dma_start3A] : memref<4992x256xf32, #tpu.memory_space<hbm>> -> memref<40x256xf32, #tpu.memory_space<hbm>>
        %dma_start3A_166 = arith.constant 0 : i32
        %dma_start3A_167 = tpu.memref_slice %arg2[%mul3A_106, %dma_start3A_166] : memref<4992x256xf32, #tpu.memory_space<hbm>> -> memref<40x256xf32, #tpu.memory_space<hbm>>
        tpu.enqueue_dma source(%dma_start3A_167 : memref<40x256xf32, #tpu.memory_space<hbm>>) target(%arg5 : memref<40x256xf32, #tpu.memory_space<vmem>>) target_semaphore(%run_scoped3A : memref<!tpu.dma_semaphore, #tpu.memory_space<semaphore_mem>>)
        %dma_wait3A = arith.constant 0 : i32
        %dma_wait3A_168 = tpu.memref_slice %arg2[%mul3A_106, %dma_wait3A] : memref<4992x256xf32, #tpu.memory_space<hbm>> -> memref<40x256xf32, #tpu.memory_space<hbm>>
        %dma_wait3A_169 = arith.constant 0 : i32
        %dma_wait3A_170 = tpu.memref_slice %arg2[%mul3A_106, %dma_wait3A_169] : memref<4992x256xf32, #tpu.memory_space<hbm>> -> memref<40x256xf32, #tpu.memory_space<hbm>>
        tpu.wait_dma2 semaphore(%run_scoped3A : memref<!tpu.dma_semaphore, #tpu.memory_space<semaphore_mem>>) src(%dma_wait3A_170 : memref<40x256xf32, #tpu.memory_space<hbm>>) dst(%arg5 : memref<40x256xf32, #tpu.memory_space<vmem>>)
        tpu.yield
      }) : () -> ()
      %add3A_108 = arith.constant 0 : i32
      %add3A_109 = arith.addi %add3A_108, %select_n3A : i32
      %mul3A_110 = arith.constant 3 : i32
      %mul3A_111 = arith.muli %add3A_109, %mul3A_110 : i32
      %add3A_112 = arith.constant 2 : i32
      %add3A_113 = arith.addi %mul3A_111, %add3A_112 : i32
      %mul3A_114 = arith.constant 208 : i32
      %mul3A_115 = arith.muli %add3A_113, %mul3A_114 : i32
      %add3A_116 = arith.addi %mul3A_115, %select_n3A_35 : i32
      %jit3A_117 = arith.constant 8 : i32
      %div3A_118 = arith.divsi %add3A_116, %jit3A_117 : i32
      %sign3A_119 = arith.constant 0 : i32
      %sign3A_120 = arith.cmpi sgt, %add3A_116, %sign3A_119 : i32
      %sign3A_121 = arith.extui %sign3A_120 : i1 to i32
      %sign3A_122 = arith.constant 0 : i32
      %sign3A_123 = arith.cmpi slt, %add3A_116, %sign3A_122 : i32
      %sign3A_124 = arith.extui %sign3A_123 : i1 to i32
      %sign3A_125 = arith.subi %sign3A_121, %sign3A_124 : i32
      %sign3A_126 = arith.constant 0 : i32
      %sign3A_127 = arith.cmpi sgt, %jit3A_117, %sign3A_126 : i32
      %sign3A_128 = arith.extui %sign3A_127 : i1 to i32
      %sign3A_129 = arith.constant 0 : i32
      %sign3A_130 = arith.cmpi slt, %jit3A_117, %sign3A_129 : i32
      %sign3A_131 = arith.extui %sign3A_130 : i1 to i32
      %sign3A_132 = arith.subi %sign3A_128, %sign3A_131 : i32
      %ne3A_133 = arith.cmpi ne, %sign3A_125, %sign3A_132 : i32
      %rem3A_134 = arith.remsi %add3A_116, %jit3A_117 : i32
      %ne3A_135 = arith.constant 0 : i32
      %ne3A_136 = arith.cmpi ne, %rem3A_134, %ne3A_135 : i32
      %and3A_137 = arith.andi %ne3A_133, %ne3A_136 : i1
      %sub3A_138 = arith.constant 1 : i32
      %sub3A_139 = arith.subi %div3A_118, %sub3A_138 : i32
      %select_n3A_140 = arith.select %and3A_137, %sub3A_139, %div3A_118 : i32
      %mul3A_141 = arith.constant 8 : i32
      %mul3A_142 = arith.muli %select_n3A_140, %mul3A_141 : i32
      %sub3A_143 = arith.subi %add3A_116, %mul3A_142 : i32
      "tpu.region"() ({
        %run_scoped3A = tpu.sem_alloc : memref<!tpu.dma_semaphore, #tpu.memory_space<semaphore_mem>>
        %dma_start3A = arith.constant 0 : i32
        %dma_start3A_165 = tpu.memref_slice %arg2[%mul3A_142, %dma_start3A] : memref<4992x256xf32, #tpu.memory_space<hbm>> -> memref<40x256xf32, #tpu.memory_space<hbm>>
        %dma_start3A_166 = arith.constant 0 : i32
        %dma_start3A_167 = tpu.memref_slice %arg2[%mul3A_142, %dma_start3A_166] : memref<4992x256xf32, #tpu.memory_space<hbm>> -> memref<40x256xf32, #tpu.memory_space<hbm>>
        tpu.enqueue_dma source(%dma_start3A_167 : memref<40x256xf32, #tpu.memory_space<hbm>>) target(%arg6 : memref<40x256xf32, #tpu.memory_space<vmem>>) target_semaphore(%run_scoped3A : memref<!tpu.dma_semaphore, #tpu.memory_space<semaphore_mem>>)
        %dma_wait3A = arith.constant 0 : i32
        %dma_wait3A_168 = tpu.memref_slice %arg2[%mul3A_142, %dma_wait3A] : memref<4992x256xf32, #tpu.memory_space<hbm>> -> memref<40x256xf32, #tpu.memory_space<hbm>>
        %dma_wait3A_169 = arith.constant 0 : i32
        %dma_wait3A_170 = tpu.memref_slice %arg2[%mul3A_142, %dma_wait3A_169] : memref<4992x256xf32, #tpu.memory_space<hbm>> -> memref<40x256xf32, #tpu.memory_space<hbm>>
        tpu.wait_dma2 semaphore(%run_scoped3A : memref<!tpu.dma_semaphore, #tpu.memory_space<semaphore_mem>>) src(%dma_wait3A_170 : memref<40x256xf32, #tpu.memory_space<hbm>>) dst(%arg6 : memref<40x256xf32, #tpu.memory_space<vmem>>)
        tpu.yield
      }) : () -> ()
      %iota3A = tpu.iota {dimensions = array<i32: 0>} : vector<16xi32>
      %broadcast_in_dim3A = arith.constant 0x7F800000 : f32
      %broadcast_in_dim3A_144 = vector.broadcast %broadcast_in_dim3A : f32 to vector<16xf32>
      %broadcast_in_dim3A_145 = arith.constant 0 : i32
      %broadcast_in_dim3A_146 = vector.broadcast %broadcast_in_dim3A_145 : i32 to vector<16xi32>
      %lt3A_147 = arith.constant 8 : i32
      %lt3A_148 = vector.broadcast %lt3A_147 : i32 to vector<16xi32>
      %lt3A_149 = arith.cmpi slt, %iota3A, %lt3A_148 : vector<16xi32>
      %jit3A_150 = arith.constant 0 : i32
      %jit3A_151 = arith.constant 1073741824 : i32
      %broadcast_in_dim3A_152 = vector.broadcast %jit3A_150 : i32 to vector<16xi32>
      %broadcast_in_dim3A_153 = vector.broadcast %jit3A_151 : i32 to vector<16xi32>
      %select_n3A_154 = arith.select %lt3A_149, %broadcast_in_dim3A_152, %broadcast_in_dim3A_153 : vector<16xi1>, vector<16xi32>
      %scan3A = arith.constant 0 : i32
      %scan3A_155 = arith.constant 0 : i32
      %scan3A_156 = arith.constant 28 : i32
      %scan3A_157 = arith.addi %scan3A_155, %scan3A_156 : i32
      %scan3A_158 = arith.constant 1 : i32
      %scan3A_159 = scf.for %scan3A_165 = %scan3A_155 to %scan3A_157 step %scan3A_158 iter_args(%scan3A_166 = %scan3A) -> (i32)  : i32 {
        %add3A_167 = arith.addi %scan3A_165, %sub3A_71 : i32
        %get3A = arith.index_cast %add3A_167 : i32 to index
        %get3A_168 = arith.constant 0 : index
        %get3A_169 = tpu.vector_load %arg4[%get3A, %get3A_168] {strides = array<i32>} : memref<40x256xf32, #tpu.memory_space<vmem>>, vector<16xf32>,
        %add3A_170 = arith.constant 0 : i32
        %add3A_171 = vector.broadcast %add3A_170 : i32 to vector<16xi32>
        %add3A_172 = arith.addi %add3A_171, %iota3A : vector<16xi32>
        %masked_sort3A = arith.constant dense<true> : vector<16xi1>
        %masked_sort3A_173, %masked_sort3A_174, %masked_sort3A_175 = tpu.sort %get3A_169, %add3A_172 masked %masked_sort3A : (vector<16xf32>, vector<16xi32>, vector<16xi1>) -> (vector<16xi1>, vector<16xf32>, vector<16xi32>)
        %rev3A = arith.constant 15 : i32
        %rev3A_176 = vector.broadcast %rev3A : i32 to vector<16xi32>
        %rev3A_177 = tpu.iota {dimensions = array<i32: 0>} : vector<16xi32>
        %rev3A_178 = arith.subi %rev3A_176, %rev3A_177 : vector<16xi32>
        %rev3A_179 = tpu.dynamic_gather %masked_sort3A_174[%rev3A_178] in [0] : vector<16xf32>, vector<16xi32> -> vector<16xf32>
        %rev3A_180 = arith.constant 15 : i32
        %rev3A_181 = vector.broadcast %rev3A_180 : i32 to vector<16xi32>
        %rev3A_182 = tpu.iota {dimensions = array<i32: 0>} : vector<16xi32>
        %rev3A_183 = arith.subi %rev3A_181, %rev3A_182 : vector<16xi32>
        %rev3A_184 = tpu.dynamic_gather %masked_sort3A_175[%rev3A_183] in [0] : vector<16xi32>, vector<16xi32> -> vector<16xi32>
        %le3A = arith.cmpf ole, %broadcast_in_dim3A_144, %rev3A_179 : vector<16xf32>
        %select_n3A_185 = arith.select %le3A, %broadcast_in_dim3A_144, %rev3A_179 : vector<16xi1>, vector<16xf32>
        %select_n3A_186 = arith.select %le3A, %broadcast_in_dim3A_146, %rev3A_184 : vector<16xi1>, vector<16xi32>
        %masked_sort3A_187 = arith.constant dense<true> : vector<16xi1>
        %masked_sort3A_188, %masked_sort3A_189, %masked_sort3A_190 = tpu.sort %select_n3A_185, %select_n3A_186 masked %masked_sort3A_187 : (vector<16xf32>, vector<16xi32>, vector<16xi1>) -> (vector<16xi1>, vector<16xf32>, vector<16xi32>)
        %add3A_191 = arith.addi %scan3A_165, %sub3A_107 : i32
        %get3A_192 = arith.index_cast %add3A_191 : i32 to index
        %get3A_193 = arith.constant 0 : index
        %get3A_194 = tpu.vector_load %arg5[%get3A_192, %get3A_193] {strides = array<i32>} : memref<40x256xf32, #tpu.memory_space<vmem>>, vector<16xf32>,
        %add3A_195 = arith.constant 0 : i32
        %add3A_196 = vector.broadcast %add3A_195 : i32 to vector<16xi32>
        %add3A_197 = arith.addi %add3A_196, %iota3A : vector<16xi32>
        %masked_sort3A_198 = arith.constant dense<true> : vector<16xi1>
        %masked_sort3A_199, %masked_sort3A_200, %masked_sort3A_201 = tpu.sort %get3A_194, %add3A_197 masked %masked_sort3A_198 : (vector<16xf32>, vector<16xi32>, vector<16xi1>) -> (vector<16xi1>, vector<16xf32>, vector<16xi32>)
        %rev3A_202 = arith.constant 15 : i32
        %rev3A_203 = vector.broadcast %rev3A_202 : i32 to vector<16xi32>
        %rev3A_204 = tpu.iota {dimensions = array<i32: 0>} : vector<16xi32>
        %rev3A_205 = arith.subi %rev3A_203, %rev3A_204 : vector<16xi32>
        %rev3A_206 = tpu.dynamic_gather %masked_sort3A_200[%rev3A_205] in [0] : vector<16xf32>, vector<16xi32> -> vector<16xf32>
        %rev3A_207 = arith.constant 15 : i32
        %rev3A_208 = vector.broadcast %rev3A_207 : i32 to vector<16xi32>
        %rev3A_209 = tpu.iota {dimensions = array<i32: 0>} : vector<16xi32>
        %rev3A_210 = arith.subi %rev3A_208, %rev3A_209 : vector<16xi32>
        %rev3A_211 = tpu.dynamic_gather %masked_sort3A_201[%rev3A_210] in [0] : vector<16xi32>, vector<16xi32> -> vector<16xi32>
        %le3A_212 = arith.cmpf ole, %broadcast_in_dim3A_144, %rev3A_206 : vector<16xf32>
        %select_n3A_213 = arith.select %le3A_212, %broadcast_in_dim3A_144, %rev3A_206 : vector<16xi1>, vector<16xf32>
        %select_n3A_214 = arith.select %le3A_212, %broadcast_in_dim3A_146, %rev3A_211 : vector<16xi1>, vector<16xi32>
        %masked_sort3A_215 = arith.constant dense<true> : vector<16xi1>
        %masked_sort3A_216, %masked_sort3A_217, %masked_sort3A_218 = tpu.sort %select_n3A_213, %select_n3A_214 masked %masked_sort3A_215 : (vector<16xf32>, vector<16xi32>, vector<16xi1>) -> (vector<16xi1>, vector<16xf32>, vector<16xi32>)
        %add3A_219 = arith.addi %scan3A_165, %sub3A_143 : i32
        %get3A_220 = arith.index_cast %add3A_219 : i32 to index
        %get3A_221 = arith.constant 0 : index
        %get3A_222 = tpu.vector_load %arg6[%get3A_220, %get3A_221] {strides = array<i32>} : memref<40x256xf32, #tpu.memory_space<vmem>>, vector<16xf32>,
        %add3A_223 = arith.constant 0 : i32
        %add3A_224 = vector.broadcast %add3A_223 : i32 to vector<16xi32>
        %add3A_225 = arith.addi %add3A_224, %iota3A : vector<16xi32>
        %masked_sort3A_226 = arith.constant dense<true> : vector<16xi1>
        %masked_sort3A_227, %masked_sort3A_228, %masked_sort3A_229 = tpu.sort %get3A_222, %add3A_225 masked %masked_sort3A_226 : (vector<16xf32>, vector<16xi32>, vector<16xi1>) -> (vector<16xi1>, vector<16xf32>, vector<16xi32>)
        %rev3A_230 = arith.constant 15 : i32
        %rev3A_231 = vector.broadcast %rev3A_230 : i32 to vector<16xi32>
        %rev3A_232 = tpu.iota {dimensions = array<i32: 0>} : vector<16xi32>
        %rev3A_233 = arith.subi %rev3A_231, %rev3A_232 : vector<16xi32>
        %rev3A_234 = tpu.dynamic_gather %masked_sort3A_228[%rev3A_233] in [0] : vector<16xf32>, vector<16xi32> -> vector<16xf32>
        %rev3A_235 = arith.constant 15 : i32
        %rev3A_236 = vector.broadcast %rev3A_235 : i32 to vector<16xi32>
        %rev3A_237 = tpu.iota {dimensions = array<i32: 0>} : vector<16xi32>
        %rev3A_238 = arith.subi %rev3A_236, %rev3A_237 : vector<16xi32>
        %rev3A_239 = tpu.dynamic_gather %masked_sort3A_229[%rev3A_238] in [0] : vector<16xi32>, vector<16xi32> -> vector<16xi32>
        %le3A_240 = arith.cmpf ole, %broadcast_in_dim3A_144, %rev3A_234 : vector<16xf32>
        %select_n3A_241 = arith.select %le3A_240, %broadcast_in_dim3A_144, %rev3A_234 : vector<16xi1>, vector<16xf32>
        %select_n3A_242 = arith.select %le3A_240, %broadcast_in_dim3A_146, %rev3A_239 : vector<16xi1>, vector<16xi32>
        %masked_sort3A_243 = arith.constant dense<true> : vector<16xi1>
        %masked_sort3A_244, %masked_sort3A_245, %masked_sort3A_246 = tpu.sort %select_n3A_241, %select_n3A_242 masked %masked_sort3A_243 : (vector<16xf32>, vector<16xi32>, vector<16xi1>) -> (vector<16xi1>, vector<16xf32>, vector<16xi32>)
        %add3A_247 = arith.addi %scan3A_165, %sub3A_71 : i32
        %get3A_248 = arith.index_cast %add3A_247 : i32 to index
        %get3A_249 = arith.constant 16 : index
        %get3A_250 = tpu.vector_load %arg4[%get3A_248, %get3A_249] {strides = array<i32>} : memref<40x256xf32, #tpu.memory_space<vmem>>, vector<16xf32>,
        %add3A_251 = arith.constant 16 : i32
        %add3A_252 = vector.broadcast %add3A_251 : i32 to vector<16xi32>
        %add3A_253 = arith.addi %add3A_252, %iota3A : vector<16xi32>
        %masked_sort3A_254 = arith.constant dense<true> : vector<16xi1>
        %masked_sort3A_255, %masked_sort3A_256, %masked_sort3A_257 = tpu.sort %get3A_250, %add3A_253 masked %masked_sort3A_254 : (vector<16xf32>, vector<16xi32>, vector<16xi1>) -> (vector<16xi1>, vector<16xf32>, vector<16xi32>)
        %rev3A_258 = arith.constant 15 : i32
        %rev3A_259 = vector.broadcast %rev3A_258 : i32 to vector<16xi32>
        %rev3A_260 = tpu.iota {dimensions = array<i32: 0>} : vector<16xi32>
        %rev3A_261 = arith.subi %rev3A_259, %rev3A_260 : vector<16xi32>
        %rev3A_262 = tpu.dynamic_gather %masked_sort3A_256[%rev3A_261] in [0] : vector<16xf32>, vector<16xi32> -> vector<16xf32>
        %rev3A_263 = arith.constant 15 : i32
        %rev3A_264 = vector.broadcast %rev3A_263 : i32 to vector<16xi32>
        %rev3A_265 = tpu.iota {dimensions = array<i32: 0>} : vector<16xi32>
        %rev3A_266 = arith.subi %rev3A_264, %rev3A_265 : vector<16xi32>
        %rev3A_267 = tpu.dynamic_gather %masked_sort3A_257[%rev3A_266] in [0] : vector<16xi32>, vector<16xi32> -> vector<16xi32>
        %le3A_268 = arith.cmpf ole, %masked_sort3A_189, %rev3A_262 : vector<16xf32>
        %select_n3A_269 = arith.select %le3A_268, %masked_sort3A_189, %rev3A_262 : vector<16xi1>, vector<16xf32>
        %select_n3A_270 = arith.select %le3A_268, %masked_sort3A_190, %rev3A_267 : vector<16xi1>, vector<16xi32>
        %masked_sort3A_271 = arith.constant dense<true> : vector<16xi1>
        %masked_sort3A_272, %masked_sort3A_273, %masked_sort3A_274 = tpu.sort %select_n3A_269, %select_n3A_270 masked %masked_sort3A_271 : (vector<16xf32>, vector<16xi32>, vector<16xi1>) -> (vector<16xi1>, vector<16xf32>, vector<16xi32>)
        %add3A_275 = arith.addi %scan3A_165, %sub3A_107 : i32
        %get3A_276 = arith.index_cast %add3A_275 : i32 to index
        %get3A_277 = arith.constant 16 : index
        %get3A_278 = tpu.vector_load %arg5[%get3A_276, %get3A_277] {strides = array<i32>} : memref<40x256xf32, #tpu.memory_space<vmem>>, vector<16xf32>,
        %add3A_279 = arith.constant 16 : i32
        %add3A_280 = vector.broadcast %add3A_279 : i32 to vector<16xi32>
        %add3A_281 = arith.addi %add3A_280, %iota3A : vector<16xi32>
        %masked_sort3A_282 = arith.constant dense<true> : vector<16xi1>
        %masked_sort3A_283, %masked_sort3A_284, %masked_sort3A_285 = tpu.sort %get3A_278, %add3A_281 masked %masked_sort3A_282 : (vector<16xf32>, vector<16xi32>, vector<16xi1>) -> (vector<16xi1>, vector<16xf32>, vector<16xi32>)
        %rev3A_286 = arith.constant 15 : i32
        %rev3A_287 = vector.broadcast %rev3A_286 : i32 to vector<16xi32>
        %rev3A_288 = tpu.iota {dimensions = array<i32: 0>} : vector<16xi32>
        %rev3A_289 = arith.subi %rev3A_287, %rev3A_288 : vector<16xi32>
        %rev3A_290 = tpu.dynamic_gather %masked_sort3A_284[%rev3A_289] in [0] : vector<16xf32>, vector<16xi32> -> vector<16xf32>
        %rev3A_291 = arith.constant 15 : i32
        %rev3A_292 = vector.broadcast %rev3A_291 : i32 to vector<16xi32>
        %rev3A_293 = tpu.iota {dimensions = array<i32: 0>} : vector<16xi32>
        %rev3A_294 = arith.subi %rev3A_292, %rev3A_293 : vector<16xi32>
        %rev3A_295 = tpu.dynamic_gather %masked_sort3A_285[%rev3A_294] in [0] : vector<16xi32>, vector<16xi32> -> vector<16xi32>
        %le3A_296 = arith.cmpf ole, %masked_sort3A_217, %rev3A_290 : vector<16xf32>
        %select_n3A_297 = arith.select %le3A_296, %masked_sort3A_217, %rev3A_290 : vector<16xi1>, vector<16xf32>
        %select_n3A_298 = arith.select %le3A_296, %masked_sort3A_218, %rev3A_295 : vector<16xi1>, vector<16xi32>
        %masked_sort3A_299 = arith.constant dense<true> : vector<16xi1>
        %masked_sort3A_300, %masked_sort3A_301, %masked_sort3A_302 = tpu.sort %select_n3A_297, %select_n3A_298 masked %masked_sort3A_299 : (vector<16xf32>, vector<16xi32>, vector<16xi1>) -> (vector<16xi1>, vector<16xf32>, vector<16xi32>)
        %add3A_303 = arith.addi %scan3A_165, %sub3A_143 : i32
        %get3A_304 = arith.index_cast %add3A_303 : i32 to index
        %get3A_305 = arith.constant 16 : index
        %get3A_306 = tpu.vector_load %arg6[%get3A_304, %get3A_305] {strides = array<i32>} : memref<40x256xf32, #tpu.memory_space<vmem>>, vector<16xf32>,
        %add3A_307 = arith.constant 16 : i32
        %add3A_308 = vector.broadcast %add3A_307 : i32 to vector<16xi32>
        %add3A_309 = arith.addi %add3A_308, %iota3A : vector<16xi32>
        %masked_sort3A_310 = arith.constant dense<true> : vector<16xi1>
        %masked_sort3A_311, %masked_sort3A_312, %masked_sort3A_313 = tpu.sort %get3A_306, %add3A_309 masked %masked_sort3A_310 : (vector<16xf32>, vector<16xi32>, vector<16xi1>) -> (vector<16xi1>, vector<16xf32>, vector<16xi32>)
        %rev3A_314 = arith.constant 15 : i32
        %rev3A_315 = vector.broadcast %rev3A_314 : i32 to vector<16xi32>
        %rev3A_316 = tpu.iota {dimensions = array<i32: 0>} : vector<16xi32>
        %rev3A_317 = arith.subi %rev3A_315, %rev3A_316 : vector<16xi32>
        %rev3A_318 = tpu.dynamic_gather %masked_sort3A_312[%rev3A_317] in [0] : vector<16xf32>, vector<16xi32> -> vector<16xf32>
        %rev3A_319 = arith.constant 15 : i32
        %rev3A_320 = vector.broadcast %rev3A_319 : i32 to vector<16xi32>
        %rev3A_321 = tpu.iota {dimensions = array<i32: 0>} : vector<16xi32>
        %rev3A_322 = arith.subi %rev3A_320, %rev3A_321 : vector<16xi32>
        %rev3A_323 = tpu.dynamic_gather %masked_sort3A_313[%rev3A_322] in [0] : vector<16xi32>, vector<16xi32> -> vector<16xi32>
        %le3A_324 = arith.cmpf ole, %masked_sort3A_245, %rev3A_318 : vector<16xf32>
        %select_n3A_325 = arith.select %le3A_324, %masked_sort3A_245, %rev3A_318 : vector<16xi1>, vector<16xf32>
        %select_n3A_326 = arith.select %le3A_324, %masked_sort3A_246, %rev3A_323 : vector<16xi1>, vector<16xi32>
        %masked_sort3A_327 = arith.constant dense<true> : vector<16xi1>
        %masked_sort3A_328, %masked_sort3A_329, %masked_sort3A_330 = tpu.sort %select_n3A_325, %select_n3A_326 masked %masked_sort3A_327 : (vector<16xf32>, vector<16xi32>, vector<16xi1>) -> (vector<16xi1>, vector<16xf32>, vector<16xi32>)
        %add3A_331 = arith.addi %scan3A_165, %sub3A_71 : i32
        %get3A_332 = arith.index_cast %add3A_331 : i32 to index
        %get3A_333 = arith.constant 32 : index
        %get3A_334 = tpu.vector_load %arg4[%get3A_332, %get3A_333] {strides = array<i32>} : memref<40x256xf32, #tpu.memory_space<vmem>>, vector<16xf32>,
        %add3A_335 = arith.constant 32 : i32
        %add3A_336 = vector.broadcast %add3A_335 : i32 to vector<16xi32>
        %add3A_337 = arith.addi %add3A_336, %iota3A : vector<16xi32>
        %masked_sort3A_338 = arith.constant dense<true> : vector<16xi1>
        %masked_sort3A_339, %masked_sort3A_340, %masked_sort3A_341 = tpu.sort %get3A_334, %add3A_337 masked %masked_sort3A_338 : (vector<16xf32>, vector<16xi32>, vector<16xi1>) -> (vector<16xi1>, vector<16xf32>, vector<16xi32>)
        %rev3A_342 = arith.constant 15 : i32
        %rev3A_343 = vector.broadcast %rev3A_342 : i32 to vector<16xi32>
        %rev3A_344 = tpu.iota {dimensions = array<i32: 0>} : vector<16xi32>
        %rev3A_345 = arith.subi %rev3A_343, %rev3A_344 : vector<16xi32>
        %rev3A_346 = tpu.dynamic_gather %masked_sort3A_340[%rev3A_345] in [0] : vector<16xf32>, vector<16xi32> -> vector<16xf32>
        %rev3A_347 = arith.constant 15 : i32
        %rev3A_348 = vector.broadcast %rev3A_347 : i32 to vector<16xi32>
        %rev3A_349 = tpu.iota {dimensions = array<i32: 0>} : vector<16xi32>
        %rev3A_350 = arith.subi %rev3A_348, %rev3A_349 : vector<16xi32>
        %rev3A_351 = tpu.dynamic_gather %masked_sort3A_341[%rev3A_350] in [0] : vector<16xi32>, vector<16xi32> -> vector<16xi32>
        %le3A_352 = arith.cmpf ole, %masked_sort3A_273, %rev3A_346 : vector<16xf32>
        %select_n3A_353 = arith.select %le3A_352, %masked_sort3A_273, %rev3A_346 : vector<16xi1>, vector<16xf32>
        %select_n3A_354 = arith.select %le3A_352, %masked_sort3A_274, %rev3A_351 : vector<16xi1>, vector<16xi32>
        %masked_sort3A_355 = arith.constant dense<true> : vector<16xi1>
        %masked_sort3A_356, %masked_sort3A_357, %masked_sort3A_358 = tpu.sort %select_n3A_353, %select_n3A_354 masked %masked_sort3A_355 : (vector<16xf32>, vector<16xi32>, vector<16xi1>) -> (vector<16xi1>, vector<16xf32>, vector<16xi32>)
        %add3A_359 = arith.addi %scan3A_165, %sub3A_107 : i32
        %get3A_360 = arith.index_cast %add3A_359 : i32 to index
        %get3A_361 = arith.constant 32 : index
        %get3A_362 = tpu.vector_load %arg5[%get3A_360, %get3A_361] {strides = array<i32>} : memref<40x256xf32, #tpu.memory_space<vmem>>, vector<16xf32>,
        %add3A_363 = arith.constant 32 : i32
        %add3A_364 = vector.broadcast %add3A_363 : i32 to vector<16xi32>
        %add3A_365 = arith.addi %add3A_364, %iota3A : vector<16xi32>
        %masked_sort3A_366 = arith.constant dense<true> : vector<16xi1>
        %masked_sort3A_367, %masked_sort3A_368, %masked_sort3A_369 = tpu.sort %get3A_362, %add3A_365 masked %masked_sort3A_366 : (vector<16xf32>, vector<16xi32>, vector<16xi1>) -> (vector<16xi1>, vector<16xf32>, vector<16xi32>)
        %rev3A_370 = arith.constant 15 : i32
        %rev3A_371 = vector.broadcast %rev3A_370 : i32 to vector<16xi32>
        %rev3A_372 = tpu.iota {dimensions = array<i32: 0>} : vector<16xi32>
        %rev3A_373 = arith.subi %rev3A_371, %rev3A_372 : vector<16xi32>
        %rev3A_374 = tpu.dynamic_gather %masked_sort3A_368[%rev3A_373] in [0] : vector<16xf32>, vector<16xi32> -> vector<16xf32>
        %rev3A_375 = arith.constant 15 : i32
        %rev3A_376 = vector.broadcast %rev3A_375 : i32 to vector<16xi32>
        %rev3A_377 = tpu.iota {dimensions = array<i32: 0>} : vector<16xi32>
        %rev3A_378 = arith.subi %rev3A_376, %rev3A_377 : vector<16xi32>
        %rev3A_379 = tpu.dynamic_gather %masked_sort3A_369[%rev3A_378] in [0] : vector<16xi32>, vector<16xi32> -> vector<16xi32>
        %le3A_380 = arith.cmpf ole, %masked_sort3A_301, %rev3A_374 : vector<16xf32>
        %select_n3A_381 = arith.select %le3A_380, %masked_sort3A_301, %rev3A_374 : vector<16xi1>, vector<16xf32>
        %select_n3A_382 = arith.select %le3A_380, %masked_sort3A_302, %rev3A_379 : vector<16xi1>, vector<16xi32>
        %masked_sort3A_383 = arith.constant dense<true> : vector<16xi1>
        %masked_sort3A_384, %masked_sort3A_385, %masked_sort3A_386 = tpu.sort %select_n3A_381, %select_n3A_382 masked %masked_sort3A_383 : (vector<16xf32>, vector<16xi32>, vector<16xi1>) -> (vector<16xi1>, vector<16xf32>, vector<16xi32>)
        %add3A_387 = arith.addi %scan3A_165, %sub3A_143 : i32
        %get3A_388 = arith.index_cast %add3A_387 : i32 to index
        %get3A_389 = arith.constant 32 : index
        %get3A_390 = tpu.vector_load %arg6[%get3A_388, %get3A_389] {strides = array<i32>} : memref<40x256xf32, #tpu.memory_space<vmem>>, vector<16xf32>,
        %add3A_391 = arith.constant 32 : i32
        %add3A_392 = vector.broadcast %add3A_391 : i32 to vector<16xi32>
        %add3A_393 = arith.addi %add3A_392, %iota3A : vector<16xi32>
        %masked_sort3A_394 = arith.constant dense<true> : vector<16xi1>
        %masked_sort3A_395, %masked_sort3A_396, %masked_sort3A_397 = tpu.sort %get3A_390, %add3A_393 masked %masked_sort3A_394 : (vector<16xf32>, vector<16xi32>, vector<16xi1>) -> (vector<16xi1>, vector<16xf32>, vector<16xi32>)
        %rev3A_398 = arith.constant 15 : i32
        %rev3A_399 = vector.broadcast %rev3A_398 : i32 to vector<16xi32>
        %rev3A_400 = tpu.iota {dimensions = array<i32: 0>} : vector<16xi32>
        %rev3A_401 = arith.subi %rev3A_399, %rev3A_400 : vector<16xi32>
        %rev3A_402 = tpu.dynamic_gather %masked_sort3A_396[%rev3A_401] in [0] : vector<16xf32>, vector<16xi32> -> vector<16xf32>
        %rev3A_403 = arith.constant 15 : i32
        %rev3A_404 = vector.broadcast %rev3A_403 : i32 to vector<16xi32>
        %rev3A_405 = tpu.iota {dimensions = array<i32: 0>} : vector<16xi32>
        %rev3A_406 = arith.subi %rev3A_404, %rev3A_405 : vector<16xi32>
        %rev3A_407 = tpu.dynamic_gather %masked_sort3A_397[%rev3A_406] in [0] : vector<16xi32>, vector<16xi32> -> vector<16xi32>
        %le3A_408 = arith.cmpf ole, %masked_sort3A_329, %rev3A_402 : vector<16xf32>
        %select_n3A_409 = arith.select %le3A_408, %masked_sort3A_329, %rev3A_402 : vector<16xi1>, vector<16xf32>
        %select_n3A_410 = arith.select %le3A_408, %masked_sort3A_330, %rev3A_407 : vector<16xi1>, vector<16xi32>
        %masked_sort3A_411 = arith.constant dense<true> : vector<16xi1>
        %masked_sort3A_412, %masked_sort3A_413, %masked_sort3A_414 = tpu.sort %select_n3A_409, %select_n3A_410 masked %masked_sort3A_411 : (vector<16xf32>, vector<16xi32>, vector<16xi1>) -> (vector<16xi1>, vector<16xf32>, vector<16xi32>)
        %add3A_415 = arith.addi %scan3A_165, %sub3A_71 : i32
        %get3A_416 = arith.index_cast %add3A_415 : i32 to index
        %get3A_417 = arith.constant 48 : index
        %get3A_418 = tpu.vector_load %arg4[%get3A_416, %get3A_417] {strides = array<i32>} : memref<40x256xf32, #tpu.memory_space<vmem>>, vector<16xf32>,
        %add3A_419 = arith.constant 48 : i32
        %add3A_420 = vector.broadcast %add3A_419 : i32 to vector<16xi32>
        %add3A_421 = arith.addi %add3A_420, %iota3A : vector<16xi32>
        %masked_sort3A_422 = arith.constant dense<true> : vector<16xi1>
        %masked_sort3A_423, %masked_sort3A_424, %masked_sort3A_425 = tpu.sort %get3A_418, %add3A_421 masked %masked_sort3A_422 : (vector<16xf32>, vector<16xi32>, vector<16xi1>) -> (vector<16xi1>, vector<16xf32>, vector<16xi32>)
        %rev3A_426 = arith.constant 15 : i32
        %rev3A_427 = vector.broadcast %rev3A_426 : i32 to vector<16xi32>
        %rev3A_428 = tpu.iota {dimensions = array<i32: 0>} : vector<16xi32>
        %rev3A_429 = arith.subi %rev3A_427, %rev3A_428 : vector<16xi32>
        %rev3A_430 = tpu.dynamic_gather %masked_sort3A_424[%rev3A_429] in [0] : vector<16xf32>, vector<16xi32> -> vector<16xf32>
        %rev3A_431 = arith.constant 15 : i32
        %rev3A_432 = vector.broadcast %rev3A_431 : i32 to vector<16xi32>
        %rev3A_433 = tpu.iota {dimensions = array<i32: 0>} : vector<16xi32>
        %rev3A_434 = arith.subi %rev3A_432, %rev3A_433 : vector<16xi32>
        %rev3A_435 = tpu.dynamic_gather %masked_sort3A_425[%rev3A_434] in [0] : vector<16xi32>, vector<16xi32> -> vector<16xi32>
        %le3A_436 = arith.cmpf ole, %masked_sort3A_357, %rev3A_430 : vector<16xf32>
        %select_n3A_437 = arith.select %le3A_436, %masked_sort3A_357, %rev3A_430 : vector<16xi1>, vector<16xf32>
        %select_n3A_438 = arith.select %le3A_436, %masked_sort3A_358, %rev3A_435 : vector<16xi1>, vector<16xi32>
        %masked_sort3A_439 = arith.constant dense<true> : vector<16xi1>
        %masked_sort3A_440, %masked_sort3A_441, %masked_sort3A_442 = tpu.sort %select_n3A_437, %select_n3A_438 masked %masked_sort3A_439 : (vector<16xf32>, vector<16xi32>, vector<16xi1>) -> (vector<16xi1>, vector<16xf32>, vector<16xi32>)
        %add3A_443 = arith.addi %scan3A_165, %sub3A_107 : i32
        %get3A_444 = arith.index_cast %add3A_443 : i32 to index
        %get3A_445 = arith.constant 48 : index
        %get3A_446 = tpu.vector_load %arg5[%get3A_444, %get3A_445] {strides = array<i32>} : memref<40x256xf32, #tpu.memory_space<vmem>>, vector<16xf32>,
        %add3A_447 = arith.constant 48 : i32
        %add3A_448 = vector.broadcast %add3A_447 : i32 to vector<16xi32>
        %add3A_449 = arith.addi %add3A_448, %iota3A : vector<16xi32>
        %masked_sort3A_450 = arith.constant dense<true> : vector<16xi1>
        %masked_sort3A_451, %masked_sort3A_452, %masked_sort3A_453 = tpu.sort %get3A_446, %add3A_449 masked %masked_sort3A_450 : (vector<16xf32>, vector<16xi32>, vector<16xi1>) -> (vector<16xi1>, vector<16xf32>, vector<16xi32>)
        %rev3A_454 = arith.constant 15 : i32
        %rev3A_455 = vector.broadcast %rev3A_454 : i32 to vector<16xi32>
        %rev3A_456 = tpu.iota {dimensions = array<i32: 0>} : vector<16xi32>
        %rev3A_457 = arith.subi %rev3A_455, %rev3A_456 : vector<16xi32>
        %rev3A_458 = tpu.dynamic_gather %masked_sort3A_452[%rev3A_457] in [0] : vector<16xf32>, vector<16xi32> -> vector<16xf32>
        %rev3A_459 = arith.constant 15 : i32
        %rev3A_460 = vector.broadcast %rev3A_459 : i32 to vector<16xi32>
        %rev3A_461 = tpu.iota {dimensions = array<i32: 0>} : vector<16xi32>
        %rev3A_462 = arith.subi %rev3A_460, %rev3A_461 : vector<16xi32>
        %rev3A_463 = tpu.dynamic_gather %masked_sort3A_453[%rev3A_462] in [0] : vector<16xi32>, vector<16xi32> -> vector<16xi32>
        %le3A_464 = arith.cmpf ole, %masked_sort3A_385, %rev3A_458 : vector<16xf32>
        %select_n3A_465 = arith.select %le3A_464, %masked_sort3A_385, %rev3A_458 : vector<16xi1>, vector<16xf32>
        %select_n3A_466 = arith.select %le3A_464, %masked_sort3A_386, %rev3A_463 : vector<16xi1>, vector<16xi32>
        %masked_sort3A_467 = arith.constant dense<true> : vector<16xi1>
        %masked_sort3A_468, %masked_sort3A_469, %masked_sort3A_470 = tpu.sort %select_n3A_465, %select_n3A_466 masked %masked_sort3A_467 : (vector<16xf32>, vector<16xi32>, vector<16xi1>) -> (vector<16xi1>, vector<16xf32>, vector<16xi32>)
        %add3A_471 = arith.addi %scan3A_165, %sub3A_143 : i32
        %get3A_472 = arith.index_cast %add3A_471 : i32 to index
        %get3A_473 = arith.constant 48 : index
        %get3A_474 = tpu.vector_load %arg6[%get3A_472, %get3A_473] {strides = array<i32>} : memref<40x256xf32, #tpu.memory_space<vmem>>, vector<16xf32>,
        %add3A_475 = arith.constant 48 : i32
        %add3A_476 = vector.broadcast %add3A_475 : i32 to vector<16xi32>
        %add3A_477 = arith.addi %add3A_476, %iota3A : vector<16xi32>
        %masked_sort3A_478 = arith.constant dense<true> : vector<16xi1>
        %masked_sort3A_479, %masked_sort3A_480, %masked_sort3A_481 = tpu.sort %get3A_474, %add3A_477 masked %masked_sort3A_478 : (vector<16xf32>, vector<16xi32>, vector<16xi1>) -> (vector<16xi1>, vector<16xf32>, vector<16xi32>)
        %rev3A_482 = arith.constant 15 : i32
        %rev3A_483 = vector.broadcast %rev3A_482 : i32 to vector<16xi32>
        %rev3A_484 = tpu.iota {dimensions = array<i32: 0>} : vector<16xi32>
        %rev3A_485 = arith.subi %rev3A_483, %rev3A_484 : vector<16xi32>
        %rev3A_486 = tpu.dynamic_gather %masked_sort3A_480[%rev3A_485] in [0] : vector<16xf32>, vector<16xi32> -> vector<16xf32>
        %rev3A_487 = arith.constant 15 : i32
        %rev3A_488 = vector.broadcast %rev3A_487 : i32 to vector<16xi32>
        %rev3A_489 = tpu.iota {dimensions = array<i32: 0>} : vector<16xi32>
        %rev3A_490 = arith.subi %rev3A_488, %rev3A_489 : vector<16xi32>
        %rev3A_491 = tpu.dynamic_gather %masked_sort3A_481[%rev3A_490] in [0] : vector<16xi32>, vector<16xi32> -> vector<16xi32>
        %le3A_492 = arith.cmpf ole, %masked_sort3A_413, %rev3A_486 : vector<16xf32>
        %select_n3A_493 = arith.select %le3A_492, %masked_sort3A_413, %rev3A_486 : vector<16xi1>, vector<16xf32>
        %select_n3A_494 = arith.select %le3A_492, %masked_sort3A_414, %rev3A_491 : vector<16xi1>, vector<16xi32>
        %masked_sort3A_495 = arith.constant dense<true> : vector<16xi1>
        %masked_sort3A_496, %masked_sort3A_497, %masked_sort3A_498 = tpu.sort %select_n3A_493, %select_n3A_494 masked %masked_sort3A_495 : (vector<16xf32>, vector<16xi32>, vector<16xi1>) -> (vector<16xi1>, vector<16xf32>, vector<16xi32>)
        %add3A_499 = arith.addi %scan3A_165, %sub3A_71 : i32
        %get3A_500 = arith.index_cast %add3A_499 : i32 to index
        %get3A_501 = arith.constant 64 : index
        %get3A_502 = tpu.vector_load %arg4[%get3A_500, %get3A_501] {strides = array<i32>} : memref<40x256xf32, #tpu.memory_space<vmem>>, vector<16xf32>,
        %add3A_503 = arith.constant 64 : i32
        %add3A_504 = vector.broadcast %add3A_503 : i32 to vector<16xi32>
        %add3A_505 = arith.addi %add3A_504, %iota3A : vector<16xi32>
        %masked_sort3A_506 = arith.constant dense<true> : vector<16xi1>
        %masked_sort3A_507, %masked_sort3A_508, %masked_sort3A_509 = tpu.sort %get3A_502, %add3A_505 masked %masked_sort3A_506 : (vector<16xf32>, vector<16xi32>, vector<16xi1>) -> (vector<16xi1>, vector<16xf32>, vector<16xi32>)
        %rev3A_510 = arith.constant 15 : i32
        %rev3A_511 = vector.broadcast %rev3A_510 : i32 to vector<16xi32>
        %rev3A_512 = tpu.iota {dimensions = array<i32: 0>} : vector<16xi32>
        %rev3A_513 = arith.subi %rev3A_511, %rev3A_512 : vector<16xi32>
        %rev3A_514 = tpu.dynamic_gather %masked_sort3A_508[%rev3A_513] in [0] : vector<16xf32>, vector<16xi32> -> vector<16xf32>
        %rev3A_515 = arith.constant 15 : i32
        %rev3A_516 = vector.broadcast %rev3A_515 : i32 to vector<16xi32>
        %rev3A_517 = tpu.iota {dimensions = array<i32: 0>} : vector<16xi32>
        %rev3A_518 = arith.subi %rev3A_516, %rev3A_517 : vector<16xi32>
        %rev3A_519 = tpu.dynamic_gather %masked_sort3A_509[%rev3A_518] in [0] : vector<16xi32>, vector<16xi32> -> vector<16xi32>
        %le3A_520 = arith.cmpf ole, %masked_sort3A_441, %rev3A_514 : vector<16xf32>
        %select_n3A_521 = arith.select %le3A_520, %masked_sort3A_441, %rev3A_514 : vector<16xi1>, vector<16xf32>
        %select_n3A_522 = arith.select %le3A_520, %masked_sort3A_442, %rev3A_519 : vector<16xi1>, vector<16xi32>
        %masked_sort3A_523 = arith.constant dense<true> : vector<16xi1>
        %masked_sort3A_524, %masked_sort3A_525, %masked_sort3A_526 = tpu.sort %select_n3A_521, %select_n3A_522 masked %masked_sort3A_523 : (vector<16xf32>, vector<16xi32>, vector<16xi1>) -> (vector<16xi1>, vector<16xf32>, vector<16xi32>)
        %add3A_527 = arith.addi %scan3A_165, %sub3A_107 : i32
        %get3A_528 = arith.index_cast %add3A_527 : i32 to index
        %get3A_529 = arith.constant 64 : index
        %get3A_530 = tpu.vector_load %arg5[%get3A_528, %get3A_529] {strides = array<i32>} : memref<40x256xf32, #tpu.memory_space<vmem>>, vector<16xf32>,
        %add3A_531 = arith.constant 64 : i32
        %add3A_532 = vector.broadcast %add3A_531 : i32 to vector<16xi32>
        %add3A_533 = arith.addi %add3A_532, %iota3A : vector<16xi32>
        %masked_sort3A_534 = arith.constant dense<true> : vector<16xi1>
        %masked_sort3A_535, %masked_sort3A_536, %masked_sort3A_537 = tpu.sort %get3A_530, %add3A_533 masked %masked_sort3A_534 : (vector<16xf32>, vector<16xi32>, vector<16xi1>) -> (vector<16xi1>, vector<16xf32>, vector<16xi32>)
        %rev3A_538 = arith.constant 15 : i32
        %rev3A_539 = vector.broadcast %rev3A_538 : i32 to vector<16xi32>
        %rev3A_540 = tpu.iota {dimensions = array<i32: 0>} : vector<16xi32>
        %rev3A_541 = arith.subi %rev3A_539, %rev3A_540 : vector<16xi32>
        %rev3A_542 = tpu.dynamic_gather %masked_sort3A_536[%rev3A_541] in [0] : vector<16xf32>, vector<16xi32> -> vector<16xf32>
        %rev3A_543 = arith.constant 15 : i32
        %rev3A_544 = vector.broadcast %rev3A_543 : i32 to vector<16xi32>
        %rev3A_545 = tpu.iota {dimensions = array<i32: 0>} : vector<16xi32>
        %rev3A_546 = arith.subi %rev3A_544, %rev3A_545 : vector<16xi32>
        %rev3A_547 = tpu.dynamic_gather %masked_sort3A_537[%rev3A_546] in [0] : vector<16xi32>, vector<16xi32> -> vector<16xi32>
        %le3A_548 = arith.cmpf ole, %masked_sort3A_469, %rev3A_542 : vector<16xf32>
        %select_n3A_549 = arith.select %le3A_548, %masked_sort3A_469, %rev3A_542 : vector<16xi1>, vector<16xf32>
        %select_n3A_550 = arith.select %le3A_548, %masked_sort3A_470, %rev3A_547 : vector<16xi1>, vector<16xi32>
        %masked_sort3A_551 = arith.constant dense<true> : vector<16xi1>
        %masked_sort3A_552, %masked_sort3A_553, %masked_sort3A_554 = tpu.sort %select_n3A_549, %select_n3A_550 masked %masked_sort3A_551 : (vector<16xf32>, vector<16xi32>, vector<16xi1>) -> (vector<16xi1>, vector<16xf32>, vector<16xi32>)
        %add3A_555 = arith.addi %scan3A_165, %sub3A_143 : i32
        %get3A_556 = arith.index_cast %add3A_555 : i32 to index
        %get3A_557 = arith.constant 64 : index
        %get3A_558 = tpu.vector_load %arg6[%get3A_556, %get3A_557] {strides = array<i32>} : memref<40x256xf32, #tpu.memory_space<vmem>>, vector<16xf32>,
        %add3A_559 = arith.constant 64 : i32
        %add3A_560 = vector.broadcast %add3A_559 : i32 to vector<16xi32>
        %add3A_561 = arith.addi %add3A_560, %iota3A : vector<16xi32>
        %masked_sort3A_562 = arith.constant dense<true> : vector<16xi1>
        %masked_sort3A_563, %masked_sort3A_564, %masked_sort3A_565 = tpu.sort %get3A_558, %add3A_561 masked %masked_sort3A_562 : (vector<16xf32>, vector<16xi32>, vector<16xi1>) -> (vector<16xi1>, vector<16xf32>, vector<16xi32>)
        %rev3A_566 = arith.constant 15 : i32
        %rev3A_567 = vector.broadcast %rev3A_566 : i32 to vector<16xi32>
        %rev3A_568 = tpu.iota {dimensions = array<i32: 0>} : vector<16xi32>
        %rev3A_569 = arith.subi %rev3A_567, %rev3A_568 : vector<16xi32>
        %rev3A_570 = tpu.dynamic_gather %masked_sort3A_564[%rev3A_569] in [0] : vector<16xf32>, vector<16xi32> -> vector<16xf32>
        %rev3A_571 = arith.constant 15 : i32
        %rev3A_572 = vector.broadcast %rev3A_571 : i32 to vector<16xi32>
        %rev3A_573 = tpu.iota {dimensions = array<i32: 0>} : vector<16xi32>
        %rev3A_574 = arith.subi %rev3A_572, %rev3A_573 : vector<16xi32>
        %rev3A_575 = tpu.dynamic_gather %masked_sort3A_565[%rev3A_574] in [0] : vector<16xi32>, vector<16xi32> -> vector<16xi32>
        %le3A_576 = arith.cmpf ole, %masked_sort3A_497, %rev3A_570 : vector<16xf32>
        %select_n3A_577 = arith.select %le3A_576, %masked_sort3A_497, %rev3A_570 : vector<16xi1>, vector<16xf32>
        %select_n3A_578 = arith.select %le3A_576, %masked_sort3A_498, %rev3A_575 : vector<16xi1>, vector<16xi32>
        %masked_sort3A_579 = arith.constant dense<true> : vector<16xi1>
        %masked_sort3A_580, %masked_sort3A_581, %masked_sort3A_582 = tpu.sort %select_n3A_577, %select_n3A_578 masked %masked_sort3A_579 : (vector<16xf32>, vector<16xi32>, vector<16xi1>) -> (vector<16xi1>, vector<16xf32>, vector<16xi32>)
        %add3A_583 = arith.addi %scan3A_165, %sub3A_71 : i32
        %get3A_584 = arith.index_cast %add3A_583 : i32 to index
        %get3A_585 = arith.constant 80 : index
        %get3A_586 = tpu.vector_load %arg4[%get3A_584, %get3A_585] {strides = array<i32>} : memref<40x256xf32, #tpu.memory_space<vmem>>, vector<16xf32>,
        %add3A_587 = arith.constant 80 : i32
        %add3A_588 = vector.broadcast %add3A_587 : i32 to vector<16xi32>
        %add3A_589 = arith.addi %add3A_588, %iota3A : vector<16xi32>
        %masked_sort3A_590 = arith.constant dense<true> : vector<16xi1>
        %masked_sort3A_591, %masked_sort3A_592, %masked_sort3A_593 = tpu.sort %get3A_586, %add3A_589 masked %masked_sort3A_590 : (vector<16xf32>, vector<16xi32>, vector<16xi1>) -> (vector<16xi1>, vector<16xf32>, vector<16xi32>)
        %rev3A_594 = arith.constant 15 : i32
        %rev3A_595 = vector.broadcast %rev3A_594 : i32 to vector<16xi32>
        %rev3A_596 = tpu.iota {dimensions = array<i32: 0>} : vector<16xi32>
        %rev3A_597 = arith.subi %rev3A_595, %rev3A_596 : vector<16xi32>
        %rev3A_598 = tpu.dynamic_gather %masked_sort3A_592[%rev3A_597] in [0] : vector<16xf32>, vector<16xi32> -> vector<16xf32>
        %rev3A_599 = arith.constant 15 : i32
        %rev3A_600 = vector.broadcast %rev3A_599 : i32 to vector<16xi32>
        %rev3A_601 = tpu.iota {dimensions = array<i32: 0>} : vector<16xi32>
        %rev3A_602 = arith.subi %rev3A_600, %rev3A_601 : vector<16xi32>
        %rev3A_603 = tpu.dynamic_gather %masked_sort3A_593[%rev3A_602] in [0] : vector<16xi32>, vector<16xi32> -> vector<16xi32>
        %le3A_604 = arith.cmpf ole, %masked_sort3A_525, %rev3A_598 : vector<16xf32>
        %select_n3A_605 = arith.select %le3A_604, %masked_sort3A_525, %rev3A_598 : vector<16xi1>, vector<16xf32>
        %select_n3A_606 = arith.select %le3A_604, %masked_sort3A_526, %rev3A_603 : vector<16xi1>, vector<16xi32>
        %masked_sort3A_607 = arith.constant dense<true> : vector<16xi1>
        %masked_sort3A_608, %masked_sort3A_609, %masked_sort3A_610 = tpu.sort %select_n3A_605, %select_n3A_606 masked %masked_sort3A_607 : (vector<16xf32>, vector<16xi32>, vector<16xi1>) -> (vector<16xi1>, vector<16xf32>, vector<16xi32>)
        %add3A_611 = arith.addi %scan3A_165, %sub3A_107 : i32
        %get3A_612 = arith.index_cast %add3A_611 : i32 to index
        %get3A_613 = arith.constant 80 : index
        %get3A_614 = tpu.vector_load %arg5[%get3A_612, %get3A_613] {strides = array<i32>} : memref<40x256xf32, #tpu.memory_space<vmem>>, vector<16xf32>,
        %add3A_615 = arith.constant 80 : i32
        %add3A_616 = vector.broadcast %add3A_615 : i32 to vector<16xi32>
        %add3A_617 = arith.addi %add3A_616, %iota3A : vector<16xi32>
        %masked_sort3A_618 = arith.constant dense<true> : vector<16xi1>
        %masked_sort3A_619, %masked_sort3A_620, %masked_sort3A_621 = tpu.sort %get3A_614, %add3A_617 masked %masked_sort3A_618 : (vector<16xf32>, vector<16xi32>, vector<16xi1>) -> (vector<16xi1>, vector<16xf32>, vector<16xi32>)
        %rev3A_622 = arith.constant 15 : i32
        %rev3A_623 = vector.broadcast %rev3A_622 : i32 to vector<16xi32>
        %rev3A_624 = tpu.iota {dimensions = array<i32: 0>} : vector<16xi32>
        %rev3A_625 = arith.subi %rev3A_623, %rev3A_624 : vector<16xi32>
        %rev3A_626 = tpu.dynamic_gather %masked_sort3A_620[%rev3A_625] in [0] : vector<16xf32>, vector<16xi32> -> vector<16xf32>
        %rev3A_627 = arith.constant 15 : i32
        %rev3A_628 = vector.broadcast %rev3A_627 : i32 to vector<16xi32>
        %rev3A_629 = tpu.iota {dimensions = array<i32: 0>} : vector<16xi32>
        %rev3A_630 = arith.subi %rev3A_628, %rev3A_629 : vector<16xi32>
        %rev3A_631 = tpu.dynamic_gather %masked_sort3A_621[%rev3A_630] in [0] : vector<16xi32>, vector<16xi32> -> vector<16xi32>
        %le3A_632 = arith.cmpf ole, %masked_sort3A_553, %rev3A_626 : vector<16xf32>
        %select_n3A_633 = arith.select %le3A_632, %masked_sort3A_553, %rev3A_626 : vector<16xi1>, vector<16xf32>
        %select_n3A_634 = arith.select %le3A_632, %masked_sort3A_554, %rev3A_631 : vector<16xi1>, vector<16xi32>
        %masked_sort3A_635 = arith.constant dense<true> : vector<16xi1>
        %masked_sort3A_636, %masked_sort3A_637, %masked_sort3A_638 = tpu.sort %select_n3A_633, %select_n3A_634 masked %masked_sort3A_635 : (vector<16xf32>, vector<16xi32>, vector<16xi1>) -> (vector<16xi1>, vector<16xf32>, vector<16xi32>)
        %add3A_639 = arith.addi %scan3A_165, %sub3A_143 : i32
        %get3A_640 = arith.index_cast %add3A_639 : i32 to index
        %get3A_641 = arith.constant 80 : index
        %get3A_642 = tpu.vector_load %arg6[%get3A_640, %get3A_641] {strides = array<i32>} : memref<40x256xf32, #tpu.memory_space<vmem>>, vector<16xf32>,
        %add3A_643 = arith.constant 80 : i32
        %add3A_644 = vector.broadcast %add3A_643 : i32 to vector<16xi32>
        %add3A_645 = arith.addi %add3A_644, %iota3A : vector<16xi32>
        %masked_sort3A_646 = arith.constant dense<true> : vector<16xi1>
        %masked_sort3A_647, %masked_sort3A_648, %masked_sort3A_649 = tpu.sort %get3A_642, %add3A_645 masked %masked_sort3A_646 : (vector<16xf32>, vector<16xi32>, vector<16xi1>) -> (vector<16xi1>, vector<16xf32>, vector<16xi32>)
        %rev3A_650 = arith.constant 15 : i32
        %rev3A_651 = vector.broadcast %rev3A_650 : i32 to vector<16xi32>
        %rev3A_652 = tpu.iota {dimensions = array<i32: 0>} : vector<16xi32>
        %rev3A_653 = arith.subi %rev3A_651, %rev3A_652 : vector<16xi32>
        %rev3A_654 = tpu.dynamic_gather %masked_sort3A_648[%rev3A_653] in [0] : vector<16xf32>, vector<16xi32> -> vector<16xf32>
        %rev3A_655 = arith.constant 15 : i32
        %rev3A_656 = vector.broadcast %rev3A_655 : i32 to vector<16xi32>
        %rev3A_657 = tpu.iota {dimensions = array<i32: 0>} : vector<16xi32>
        %rev3A_658 = arith.subi %rev3A_656, %rev3A_657 : vector<16xi32>
        %rev3A_659 = tpu.dynamic_gather %masked_sort3A_649[%rev3A_658] in [0] : vector<16xi32>, vector<16xi32> -> vector<16xi32>
        %le3A_660 = arith.cmpf ole, %masked_sort3A_581, %rev3A_654 : vector<16xf32>
        %select_n3A_661 = arith.select %le3A_660, %masked_sort3A_581, %rev3A_654 : vector<16xi1>, vector<16xf32>
        %select_n3A_662 = arith.select %le3A_660, %masked_sort3A_582, %rev3A_659 : vector<16xi1>, vector<16xi32>
        %masked_sort3A_663 = arith.constant dense<true> : vector<16xi1>
        %masked_sort3A_664, %masked_sort3A_665, %masked_sort3A_666 = tpu.sort %select_n3A_661, %select_n3A_662 masked %masked_sort3A_663 : (vector<16xf32>, vector<16xi32>, vector<16xi1>) -> (vector<16xi1>, vector<16xf32>, vector<16xi32>)
        %add3A_667 = arith.addi %scan3A_165, %sub3A_71 : i32
        %get3A_668 = arith.index_cast %add3A_667 : i32 to index
        %get3A_669 = arith.constant 96 : index
        %get3A_670 = tpu.vector_load %arg4[%get3A_668, %get3A_669] {strides = array<i32>} : memref<40x256xf32, #tpu.memory_space<vmem>>, vector<16xf32>,
        %add3A_671 = arith.constant 96 : i32
        %add3A_672 = vector.broadcast %add3A_671 : i32 to vector<16xi32>
        %add3A_673 = arith.addi %add3A_672, %iota3A : vector<16xi32>
        %masked_sort3A_674 = arith.constant dense<true> : vector<16xi1>
        %masked_sort3A_675, %masked_sort3A_676, %masked_sort3A_677 = tpu.sort %get3A_670, %add3A_673 masked %masked_sort3A_674 : (vector<16xf32>, vector<16xi32>, vector<16xi1>) -> (vector<16xi1>, vector<16xf32>, vector<16xi32>)
        %rev3A_678 = arith.constant 15 : i32
        %rev3A_679 = vector.broadcast %rev3A_678 : i32 to vector<16xi32>
        %rev3A_680 = tpu.iota {dimensions = array<i32: 0>} : vector<16xi32>
        %rev3A_681 = arith.subi %rev3A_679, %rev3A_680 : vector<16xi32>
        %rev3A_682 = tpu.dynamic_gather %masked_sort3A_676[%rev3A_681] in [0] : vector<16xf32>, vector<16xi32> -> vector<16xf32>
        %rev3A_683 = arith.constant 15 : i32
        %rev3A_684 = vector.broadcast %rev3A_683 : i32 to vector<16xi32>
        %rev3A_685 = tpu.iota {dimensions = array<i32: 0>} : vector<16xi32>
        %rev3A_686 = arith.subi %rev3A_684, %rev3A_685 : vector<16xi32>
        %rev3A_687 = tpu.dynamic_gather %masked_sort3A_677[%rev3A_686] in [0] : vector<16xi32>, vector<16xi32> -> vector<16xi32>
        %le3A_688 = arith.cmpf ole, %masked_sort3A_609, %rev3A_682 : vector<16xf32>
        %select_n3A_689 = arith.select %le3A_688, %masked_sort3A_609, %rev3A_682 : vector<16xi1>, vector<16xf32>
        %select_n3A_690 = arith.select %le3A_688, %masked_sort3A_610, %rev3A_687 : vector<16xi1>, vector<16xi32>
        %masked_sort3A_691 = arith.constant dense<true> : vector<16xi1>
        %masked_sort3A_692, %masked_sort3A_693, %masked_sort3A_694 = tpu.sort %select_n3A_689, %select_n3A_690 masked %masked_sort3A_691 : (vector<16xf32>, vector<16xi32>, vector<16xi1>) -> (vector<16xi1>, vector<16xf32>, vector<16xi32>)
        %add3A_695 = arith.addi %scan3A_165, %sub3A_107 : i32
        %get3A_696 = arith.index_cast %add3A_695 : i32 to index
        %get3A_697 = arith.constant 96 : index
        %get3A_698 = tpu.vector_load %arg5[%get3A_696, %get3A_697] {strides = array<i32>} : memref<40x256xf32, #tpu.memory_space<vmem>>, vector<16xf32>,
        %add3A_699 = arith.constant 96 : i32
        %add3A_700 = vector.broadcast %add3A_699 : i32 to vector<16xi32>
        %add3A_701 = arith.addi %add3A_700, %iota3A : vector<16xi32>
        %masked_sort3A_702 = arith.constant dense<true> : vector<16xi1>
        %masked_sort3A_703, %masked_sort3A_704, %masked_sort3A_705 = tpu.sort %get3A_698, %add3A_701 masked %masked_sort3A_702 : (vector<16xf32>, vector<16xi32>, vector<16xi1>) -> (vector<16xi1>, vector<16xf32>, vector<16xi32>)
        %rev3A_706 = arith.constant 15 : i32
        %rev3A_707 = vector.broadcast %rev3A_706 : i32 to vector<16xi32>
        %rev3A_708 = tpu.iota {dimensions = array<i32: 0>} : vector<16xi32>
        %rev3A_709 = arith.subi %rev3A_707, %rev3A_708 : vector<16xi32>
        %rev3A_710 = tpu.dynamic_gather %masked_sort3A_704[%rev3A_709] in [0] : vector<16xf32>, vector<16xi32> -> vector<16xf32>
        %rev3A_711 = arith.constant 15 : i32
        %rev3A_712 = vector.broadcast %rev3A_711 : i32 to vector<16xi32>
        %rev3A_713 = tpu.iota {dimensions = array<i32: 0>} : vector<16xi32>
        %rev3A_714 = arith.subi %rev3A_712, %rev3A_713 : vector<16xi32>
        %rev3A_715 = tpu.dynamic_gather %masked_sort3A_705[%rev3A_714] in [0] : vector<16xi32>, vector<16xi32> -> vector<16xi32>
        %le3A_716 = arith.cmpf ole, %masked_sort3A_637, %rev3A_710 : vector<16xf32>
        %select_n3A_717 = arith.select %le3A_716, %masked_sort3A_637, %rev3A_710 : vector<16xi1>, vector<16xf32>
        %select_n3A_718 = arith.select %le3A_716, %masked_sort3A_638, %rev3A_715 : vector<16xi1>, vector<16xi32>
        %masked_sort3A_719 = arith.constant dense<true> : vector<16xi1>
        %masked_sort3A_720, %masked_sort3A_721, %masked_sort3A_722 = tpu.sort %select_n3A_717, %select_n3A_718 masked %masked_sort3A_719 : (vector<16xf32>, vector<16xi32>, vector<16xi1>) -> (vector<16xi1>, vector<16xf32>, vector<16xi32>)
        %add3A_723 = arith.addi %scan3A_165, %sub3A_143 : i32
        %get3A_724 = arith.index_cast %add3A_723 : i32 to index
        %get3A_725 = arith.constant 96 : index
        %get3A_726 = tpu.vector_load %arg6[%get3A_724, %get3A_725] {strides = array<i32>} : memref<40x256xf32, #tpu.memory_space<vmem>>, vector<16xf32>,
        %add3A_727 = arith.constant 96 : i32
        %add3A_728 = vector.broadcast %add3A_727 : i32 to vector<16xi32>
        %add3A_729 = arith.addi %add3A_728, %iota3A : vector<16xi32>
        %masked_sort3A_730 = arith.constant dense<true> : vector<16xi1>
        %masked_sort3A_731, %masked_sort3A_732, %masked_sort3A_733 = tpu.sort %get3A_726, %add3A_729 masked %masked_sort3A_730 : (vector<16xf32>, vector<16xi32>, vector<16xi1>) -> (vector<16xi1>, vector<16xf32>, vector<16xi32>)
        %rev3A_734 = arith.constant 15 : i32
        %rev3A_735 = vector.broadcast %rev3A_734 : i32 to vector<16xi32>
        %rev3A_736 = tpu.iota {dimensions = array<i32: 0>} : vector<16xi32>
        %rev3A_737 = arith.subi %rev3A_735, %rev3A_736 : vector<16xi32>
        %rev3A_738 = tpu.dynamic_gather %masked_sort3A_732[%rev3A_737] in [0] : vector<16xf32>, vector<16xi32> -> vector<16xf32>
        %rev3A_739 = arith.constant 15 : i32
        %rev3A_740 = vector.broadcast %rev3A_739 : i32 to vector<16xi32>
        %rev3A_741 = tpu.iota {dimensions = array<i32: 0>} : vector<16xi32>
        %rev3A_742 = arith.subi %rev3A_740, %rev3A_741 : vector<16xi32>
        %rev3A_743 = tpu.dynamic_gather %masked_sort3A_733[%rev3A_742] in [0] : vector<16xi32>, vector<16xi32> -> vector<16xi32>
        %le3A_744 = arith.cmpf ole, %masked_sort3A_665, %rev3A_738 : vector<16xf32>
        %select_n3A_745 = arith.select %le3A_744, %masked_sort3A_665, %rev3A_738 : vector<16xi1>, vector<16xf32>
        %select_n3A_746 = arith.select %le3A_744, %masked_sort3A_666, %rev3A_743 : vector<16xi1>, vector<16xi32>
        %masked_sort3A_747 = arith.constant dense<true> : vector<16xi1>
        %masked_sort3A_748, %masked_sort3A_749, %masked_sort3A_750 = tpu.sort %select_n3A_745, %select_n3A_746 masked %masked_sort3A_747 : (vector<16xf32>, vector<16xi32>, vector<16xi1>) -> (vector<16xi1>, vector<16xf32>, vector<16xi32>)
        %add3A_751 = arith.addi %scan3A_165, %sub3A_71 : i32
        %get3A_752 = arith.index_cast %add3A_751 : i32 to index
        %get3A_753 = arith.constant 112 : index
        %get3A_754 = tpu.vector_load %arg4[%get3A_752, %get3A_753] {strides = array<i32>} : memref<40x256xf32, #tpu.memory_space<vmem>>, vector<16xf32>,
        %add3A_755 = arith.constant 112 : i32
        %add3A_756 = vector.broadcast %add3A_755 : i32 to vector<16xi32>
        %add3A_757 = arith.addi %add3A_756, %iota3A : vector<16xi32>
        %masked_sort3A_758 = arith.constant dense<true> : vector<16xi1>
        %masked_sort3A_759, %masked_sort3A_760, %masked_sort3A_761 = tpu.sort %get3A_754, %add3A_757 masked %masked_sort3A_758 : (vector<16xf32>, vector<16xi32>, vector<16xi1>) -> (vector<16xi1>, vector<16xf32>, vector<16xi32>)
        %rev3A_762 = arith.constant 15 : i32
        %rev3A_763 = vector.broadcast %rev3A_762 : i32 to vector<16xi32>
        %rev3A_764 = tpu.iota {dimensions = array<i32: 0>} : vector<16xi32>
        %rev3A_765 = arith.subi %rev3A_763, %rev3A_764 : vector<16xi32>
        %rev3A_766 = tpu.dynamic_gather %masked_sort3A_760[%rev3A_765] in [0] : vector<16xf32>, vector<16xi32> -> vector<16xf32>
        %rev3A_767 = arith.constant 15 : i32
        %rev3A_768 = vector.broadcast %rev3A_767 : i32 to vector<16xi32>
        %rev3A_769 = tpu.iota {dimensions = array<i32: 0>} : vector<16xi32>
        %rev3A_770 = arith.subi %rev3A_768, %rev3A_769 : vector<16xi32>
        %rev3A_771 = tpu.dynamic_gather %masked_sort3A_761[%rev3A_770] in [0] : vector<16xi32>, vector<16xi32> -> vector<16xi32>
        %le3A_772 = arith.cmpf ole, %masked_sort3A_693, %rev3A_766 : vector<16xf32>
        %select_n3A_773 = arith.select %le3A_772, %masked_sort3A_693, %rev3A_766 : vector<16xi1>, vector<16xf32>
        %select_n3A_774 = arith.select %le3A_772, %masked_sort3A_694, %rev3A_771 : vector<16xi1>, vector<16xi32>
        %masked_sort3A_775 = arith.constant dense<true> : vector<16xi1>
        %masked_sort3A_776, %masked_sort3A_777, %masked_sort3A_778 = tpu.sort %select_n3A_773, %select_n3A_774 masked %masked_sort3A_775 : (vector<16xf32>, vector<16xi32>, vector<16xi1>) -> (vector<16xi1>, vector<16xf32>, vector<16xi32>)
        %add3A_779 = arith.addi %scan3A_165, %sub3A_107 : i32
        %get3A_780 = arith.index_cast %add3A_779 : i32 to index
        %get3A_781 = arith.constant 112 : index
        %get3A_782 = tpu.vector_load %arg5[%get3A_780, %get3A_781] {strides = array<i32>} : memref<40x256xf32, #tpu.memory_space<vmem>>, vector<16xf32>,
        %add3A_783 = arith.constant 112 : i32
        %add3A_784 = vector.broadcast %add3A_783 : i32 to vector<16xi32>
        %add3A_785 = arith.addi %add3A_784, %iota3A : vector<16xi32>
        %masked_sort3A_786 = arith.constant dense<true> : vector<16xi1>
        %masked_sort3A_787, %masked_sort3A_788, %masked_sort3A_789 = tpu.sort %get3A_782, %add3A_785 masked %masked_sort3A_786 : (vector<16xf32>, vector<16xi32>, vector<16xi1>) -> (vector<16xi1>, vector<16xf32>, vector<16xi32>)
        %rev3A_790 = arith.constant 15 : i32
        %rev3A_791 = vector.broadcast %rev3A_790 : i32 to vector<16xi32>
        %rev3A_792 = tpu.iota {dimensions = array<i32: 0>} : vector<16xi32>
        %rev3A_793 = arith.subi %rev3A_791, %rev3A_792 : vector<16xi32>
        %rev3A_794 = tpu.dynamic_gather %masked_sort3A_788[%rev3A_793] in [0] : vector<16xf32>, vector<16xi32> -> vector<16xf32>
        %rev3A_795 = arith.constant 15 : i32
        %rev3A_796 = vector.broadcast %rev3A_795 : i32 to vector<16xi32>
        %rev3A_797 = tpu.iota {dimensions = array<i32: 0>} : vector<16xi32>
        %rev3A_798 = arith.subi %rev3A_796, %rev3A_797 : vector<16xi32>
        %rev3A_799 = tpu.dynamic_gather %masked_sort3A_789[%rev3A_798] in [0] : vector<16xi32>, vector<16xi32> -> vector<16xi32>
        %le3A_800 = arith.cmpf ole, %masked_sort3A_721, %rev3A_794 : vector<16xf32>
        %select_n3A_801 = arith.select %le3A_800, %masked_sort3A_721, %rev3A_794 : vector<16xi1>, vector<16xf32>
        %select_n3A_802 = arith.select %le3A_800, %masked_sort3A_722, %rev3A_799 : vector<16xi1>, vector<16xi32>
        %masked_sort3A_803 = arith.constant dense<true> : vector<16xi1>
        %masked_sort3A_804, %masked_sort3A_805, %masked_sort3A_806 = tpu.sort %select_n3A_801, %select_n3A_802 masked %masked_sort3A_803 : (vector<16xf32>, vector<16xi32>, vector<16xi1>) -> (vector<16xi1>, vector<16xf32>, vector<16xi32>)
        %add3A_807 = arith.addi %scan3A_165, %sub3A_143 : i32
        %get3A_808 = arith.index_cast %add3A_807 : i32 to index
        %get3A_809 = arith.constant 112 : index
        %get3A_810 = tpu.vector_load %arg6[%get3A_808, %get3A_809] {strides = array<i32>} : memref<40x256xf32, #tpu.memory_space<vmem>>, vector<16xf32>,
        %add3A_811 = arith.constant 112 : i32
        %add3A_812 = vector.broadcast %add3A_811 : i32 to vector<16xi32>
        %add3A_813 = arith.addi %add3A_812, %iota3A : vector<16xi32>
        %masked_sort3A_814 = arith.constant dense<true> : vector<16xi1>
        %masked_sort3A_815, %masked_sort3A_816, %masked_sort3A_817 = tpu.sort %get3A_810, %add3A_813 masked %masked_sort3A_814 : (vector<16xf32>, vector<16xi32>, vector<16xi1>) -> (vector<16xi1>, vector<16xf32>, vector<16xi32>)
        %rev3A_818 = arith.constant 15 : i32
        %rev3A_819 = vector.broadcast %rev3A_818 : i32 to vector<16xi32>
        %rev3A_820 = tpu.iota {dimensions = array<i32: 0>} : vector<16xi32>
        %rev3A_821 = arith.subi %rev3A_819, %rev3A_820 : vector<16xi32>
        %rev3A_822 = tpu.dynamic_gather %masked_sort3A_816[%rev3A_821] in [0] : vector<16xf32>, vector<16xi32> -> vector<16xf32>
        %rev3A_823 = arith.constant 15 : i32
        %rev3A_824 = vector.broadcast %rev3A_823 : i32 to vector<16xi32>
        %rev3A_825 = tpu.iota {dimensions = array<i32: 0>} : vector<16xi32>
        %rev3A_826 = arith.subi %rev3A_824, %rev3A_825 : vector<16xi32>
        %rev3A_827 = tpu.dynamic_gather %masked_sort3A_817[%rev3A_826] in [0] : vector<16xi32>, vector<16xi32> -> vector<16xi32>
        %le3A_828 = arith.cmpf ole, %masked_sort3A_749, %rev3A_822 : vector<16xf32>
        %select_n3A_829 = arith.select %le3A_828, %masked_sort3A_749, %rev3A_822 : vector<16xi1>, vector<16xf32>
        %select_n3A_830 = arith.select %le3A_828, %masked_sort3A_750, %rev3A_827 : vector<16xi1>, vector<16xi32>
        %masked_sort3A_831 = arith.constant dense<true> : vector<16xi1>
        %masked_sort3A_832, %masked_sort3A_833, %masked_sort3A_834 = tpu.sort %select_n3A_829, %select_n3A_830 masked %masked_sort3A_831 : (vector<16xf32>, vector<16xi32>, vector<16xi1>) -> (vector<16xi1>, vector<16xf32>, vector<16xi32>)
        %add3A_835 = arith.addi %scan3A_165, %sub3A_71 : i32
        %get3A_836 = arith.index_cast %add3A_835 : i32 to index
        %get3A_837 = arith.constant 128 : index
        %get3A_838 = tpu.vector_load %arg4[%get3A_836, %get3A_837] {strides = array<i32>} : memref<40x256xf32, #tpu.memory_space<vmem>>, vector<16xf32>,
        %add3A_839 = arith.constant 128 : i32
        %add3A_840 = vector.broadcast %add3A_839 : i32 to vector<16xi32>
        %add3A_841 = arith.addi %add3A_840, %iota3A : vector<16xi32>
        %masked_sort3A_842 = arith.constant dense<true> : vector<16xi1>
        %masked_sort3A_843, %masked_sort3A_844, %masked_sort3A_845 = tpu.sort %get3A_838, %add3A_841 masked %masked_sort3A_842 : (vector<16xf32>, vector<16xi32>, vector<16xi1>) -> (vector<16xi1>, vector<16xf32>, vector<16xi32>)
        %rev3A_846 = arith.constant 15 : i32
        %rev3A_847 = vector.broadcast %rev3A_846 : i32 to vector<16xi32>
        %rev3A_848 = tpu.iota {dimensions = array<i32: 0>} : vector<16xi32>
        %rev3A_849 = arith.subi %rev3A_847, %rev3A_848 : vector<16xi32>
        %rev3A_850 = tpu.dynamic_gather %masked_sort3A_844[%rev3A_849] in [0] : vector<16xf32>, vector<16xi32> -> vector<16xf32>
        %rev3A_851 = arith.constant 15 : i32
        %rev3A_852 = vector.broadcast %rev3A_851 : i32 to vector<16xi32>
        %rev3A_853 = tpu.iota {dimensions = array<i32: 0>} : vector<16xi32>
        %rev3A_854 = arith.subi %rev3A_852, %rev3A_853 : vector<16xi32>
        %rev3A_855 = tpu.dynamic_gather %masked_sort3A_845[%rev3A_854] in [0] : vector<16xi32>, vector<16xi32> -> vector<16xi32>
        %le3A_856 = arith.cmpf ole, %masked_sort3A_777, %rev3A_850 : vector<16xf32>
        %select_n3A_857 = arith.select %le3A_856, %masked_sort3A_777, %rev3A_850 : vector<16xi1>, vector<16xf32>
        %select_n3A_858 = arith.select %le3A_856, %masked_sort3A_778, %rev3A_855 : vector<16xi1>, vector<16xi32>
        %masked_sort3A_859 = arith.constant dense<true> : vector<16xi1>
        %masked_sort3A_860, %masked_sort3A_861, %masked_sort3A_862 = tpu.sort %select_n3A_857, %select_n3A_858 masked %masked_sort3A_859 : (vector<16xf32>, vector<16xi32>, vector<16xi1>) -> (vector<16xi1>, vector<16xf32>, vector<16xi32>)
        %add3A_863 = arith.addi %scan3A_165, %sub3A_107 : i32
        %get3A_864 = arith.index_cast %add3A_863 : i32 to index
        %get3A_865 = arith.constant 128 : index
        %get3A_866 = tpu.vector_load %arg5[%get3A_864, %get3A_865] {strides = array<i32>} : memref<40x256xf32, #tpu.memory_space<vmem>>, vector<16xf32>,
        %add3A_867 = arith.constant 128 : i32
        %add3A_868 = vector.broadcast %add3A_867 : i32 to vector<16xi32>
        %add3A_869 = arith.addi %add3A_868, %iota3A : vector<16xi32>
        %masked_sort3A_870 = arith.constant dense<true> : vector<16xi1>
        %masked_sort3A_871, %masked_sort3A_872, %masked_sort3A_873 = tpu.sort %get3A_866, %add3A_869 masked %masked_sort3A_870 : (vector<16xf32>, vector<16xi32>, vector<16xi1>) -> (vector<16xi1>, vector<16xf32>, vector<16xi32>)
        %rev3A_874 = arith.constant 15 : i32
        %rev3A_875 = vector.broadcast %rev3A_874 : i32 to vector<16xi32>
        %rev3A_876 = tpu.iota {dimensions = array<i32: 0>} : vector<16xi32>
        %rev3A_877 = arith.subi %rev3A_875, %rev3A_876 : vector<16xi32>
        %rev3A_878 = tpu.dynamic_gather %masked_sort3A_872[%rev3A_877] in [0] : vector<16xf32>, vector<16xi32> -> vector<16xf32>
        %rev3A_879 = arith.constant 15 : i32
        %rev3A_880 = vector.broadcast %rev3A_879 : i32 to vector<16xi32>
        %rev3A_881 = tpu.iota {dimensions = array<i32: 0>} : vector<16xi32>
        %rev3A_882 = arith.subi %rev3A_880, %rev3A_881 : vector<16xi32>
        %rev3A_883 = tpu.dynamic_gather %masked_sort3A_873[%rev3A_882] in [0] : vector<16xi32>, vector<16xi32> -> vector<16xi32>
        %le3A_884 = arith.cmpf ole, %masked_sort3A_805, %rev3A_878 : vector<16xf32>
        %select_n3A_885 = arith.select %le3A_884, %masked_sort3A_805, %rev3A_878 : vector<16xi1>, vector<16xf32>
        %select_n3A_886 = arith.select %le3A_884, %masked_sort3A_806, %rev3A_883 : vector<16xi1>, vector<16xi32>
        %masked_sort3A_887 = arith.constant dense<true> : vector<16xi1>
        %masked_sort3A_888, %masked_sort3A_889, %masked_sort3A_890 = tpu.sort %select_n3A_885, %select_n3A_886 masked %masked_sort3A_887 : (vector<16xf32>, vector<16xi32>, vector<16xi1>) -> (vector<16xi1>, vector<16xf32>, vector<16xi32>)
        %add3A_891 = arith.addi %scan3A_165, %sub3A_143 : i32
        %get3A_892 = arith.index_cast %add3A_891 : i32 to index
        %get3A_893 = arith.constant 128 : index
        %get3A_894 = tpu.vector_load %arg6[%get3A_892, %get3A_893] {strides = array<i32>} : memref<40x256xf32, #tpu.memory_space<vmem>>, vector<16xf32>,
        %add3A_895 = arith.constant 128 : i32
        %add3A_896 = vector.broadcast %add3A_895 : i32 to vector<16xi32>
        %add3A_897 = arith.addi %add3A_896, %iota3A : vector<16xi32>
        %masked_sort3A_898 = arith.constant dense<true> : vector<16xi1>
        %masked_sort3A_899, %masked_sort3A_900, %masked_sort3A_901 = tpu.sort %get3A_894, %add3A_897 masked %masked_sort3A_898 : (vector<16xf32>, vector<16xi32>, vector<16xi1>) -> (vector<16xi1>, vector<16xf32>, vector<16xi32>)
        %rev3A_902 = arith.constant 15 : i32
        %rev3A_903 = vector.broadcast %rev3A_902 : i32 to vector<16xi32>
        %rev3A_904 = tpu.iota {dimensions = array<i32: 0>} : vector<16xi32>
        %rev3A_905 = arith.subi %rev3A_903, %rev3A_904 : vector<16xi32>
        %rev3A_906 = tpu.dynamic_gather %masked_sort3A_900[%rev3A_905] in [0] : vector<16xf32>, vector<16xi32> -> vector<16xf32>
        %rev3A_907 = arith.constant 15 : i32
        %rev3A_908 = vector.broadcast %rev3A_907 : i32 to vector<16xi32>
        %rev3A_909 = tpu.iota {dimensions = array<i32: 0>} : vector<16xi32>
        %rev3A_910 = arith.subi %rev3A_908, %rev3A_909 : vector<16xi32>
        %rev3A_911 = tpu.dynamic_gather %masked_sort3A_901[%rev3A_910] in [0] : vector<16xi32>, vector<16xi32> -> vector<16xi32>
        %le3A_912 = arith.cmpf ole, %masked_sort3A_833, %rev3A_906 : vector<16xf32>
        %select_n3A_913 = arith.select %le3A_912, %masked_sort3A_833, %rev3A_906 : vector<16xi1>, vector<16xf32>
        %select_n3A_914 = arith.select %le3A_912, %masked_sort3A_834, %rev3A_911 : vector<16xi1>, vector<16xi32>
        %masked_sort3A_915 = arith.constant dense<true> : vector<16xi1>
        %masked_sort3A_916, %masked_sort3A_917, %masked_sort3A_918 = tpu.sort %select_n3A_913, %select_n3A_914 masked %masked_sort3A_915 : (vector<16xf32>, vector<16xi32>, vector<16xi1>) -> (vector<16xi1>, vector<16xf32>, vector<16xi32>)
        %add3A_919 = arith.addi %scan3A_165, %sub3A_71 : i32
        %get3A_920 = arith.index_cast %add3A_919 : i32 to index
        %get3A_921 = arith.constant 144 : index
        %get3A_922 = tpu.vector_load %arg4[%get3A_920, %get3A_921] {strides = array<i32>} : memref<40x256xf32, #tpu.memory_space<vmem>>, vector<16xf32>,
        %add3A_923 = arith.constant 144 : i32
        %add3A_924 = vector.broadcast %add3A_923 : i32 to vector<16xi32>
        %add3A_925 = arith.addi %add3A_924, %iota3A : vector<16xi32>
        %masked_sort3A_926 = arith.constant dense<true> : vector<16xi1>
        %masked_sort3A_927, %masked_sort3A_928, %masked_sort3A_929 = tpu.sort %get3A_922, %add3A_925 masked %masked_sort3A_926 : (vector<16xf32>, vector<16xi32>, vector<16xi1>) -> (vector<16xi1>, vector<16xf32>, vector<16xi32>)
        %rev3A_930 = arith.constant 15 : i32
        %rev3A_931 = vector.broadcast %rev3A_930 : i32 to vector<16xi32>
        %rev3A_932 = tpu.iota {dimensions = array<i32: 0>} : vector<16xi32>
        %rev3A_933 = arith.subi %rev3A_931, %rev3A_932 : vector<16xi32>
        %rev3A_934 = tpu.dynamic_gather %masked_sort3A_928[%rev3A_933] in [0] : vector<16xf32>, vector<16xi32> -> vector<16xf32>
        %rev3A_935 = arith.constant 15 : i32
        %rev3A_936 = vector.broadcast %rev3A_935 : i32 to vector<16xi32>
        %rev3A_937 = tpu.iota {dimensions = array<i32: 0>} : vector<16xi32>
        %rev3A_938 = arith.subi %rev3A_936, %rev3A_937 : vector<16xi32>
        %rev3A_939 = tpu.dynamic_gather %masked_sort3A_929[%rev3A_938] in [0] : vector<16xi32>, vector<16xi32> -> vector<16xi32>
        %le3A_940 = arith.cmpf ole, %masked_sort3A_861, %rev3A_934 : vector<16xf32>
        %select_n3A_941 = arith.select %le3A_940, %masked_sort3A_861, %rev3A_934 : vector<16xi1>, vector<16xf32>
        %select_n3A_942 = arith.select %le3A_940, %masked_sort3A_862, %rev3A_939 : vector<16xi1>, vector<16xi32>
        %masked_sort3A_943 = arith.constant dense<true> : vector<16xi1>
        %masked_sort3A_944, %masked_sort3A_945, %masked_sort3A_946 = tpu.sort %select_n3A_941, %select_n3A_942 masked %masked_sort3A_943 : (vector<16xf32>, vector<16xi32>, vector<16xi1>) -> (vector<16xi1>, vector<16xf32>, vector<16xi32>)
        %add3A_947 = arith.addi %scan3A_165, %sub3A_107 : i32
        %get3A_948 = arith.index_cast %add3A_947 : i32 to index
        %get3A_949 = arith.constant 144 : index
        %get3A_950 = tpu.vector_load %arg5[%get3A_948, %get3A_949] {strides = array<i32>} : memref<40x256xf32, #tpu.memory_space<vmem>>, vector<16xf32>,
        %add3A_951 = arith.constant 144 : i32
        %add3A_952 = vector.broadcast %add3A_951 : i32 to vector<16xi32>
        %add3A_953 = arith.addi %add3A_952, %iota3A : vector<16xi32>
        %masked_sort3A_954 = arith.constant dense<true> : vector<16xi1>
        %masked_sort3A_955, %masked_sort3A_956, %masked_sort3A_957 = tpu.sort %get3A_950, %add3A_953 masked %masked_sort3A_954 : (vector<16xf32>, vector<16xi32>, vector<16xi1>) -> (vector<16xi1>, vector<16xf32>, vector<16xi32>)
        %rev3A_958 = arith.constant 15 : i32
        %rev3A_959 = vector.broadcast %rev3A_958 : i32 to vector<16xi32>
        %rev3A_960 = tpu.iota {dimensions = array<i32: 0>} : vector<16xi32>
        %rev3A_961 = arith.subi %rev3A_959, %rev3A_960 : vector<16xi32>
        %rev3A_962 = tpu.dynamic_gather %masked_sort3A_956[%rev3A_961] in [0] : vector<16xf32>, vector<16xi32> -> vector<16xf32>
        %rev3A_963 = arith.constant 15 : i32
        %rev3A_964 = vector.broadcast %rev3A_963 : i32 to vector<16xi32>
        %rev3A_965 = tpu.iota {dimensions = array<i32: 0>} : vector<16xi32>
        %rev3A_966 = arith.subi %rev3A_964, %rev3A_965 : vector<16xi32>
        %rev3A_967 = tpu.dynamic_gather %masked_sort3A_957[%rev3A_966] in [0] : vector<16xi32>, vector<16xi32> -> vector<16xi32>
        %le3A_968 = arith.cmpf ole, %masked_sort3A_889, %rev3A_962 : vector<16xf32>
        %select_n3A_969 = arith.select %le3A_968, %masked_sort3A_889, %rev3A_962 : vector<16xi1>, vector<16xf32>
        %select_n3A_970 = arith.select %le3A_968, %masked_sort3A_890, %rev3A_967 : vector<16xi1>, vector<16xi32>
        %masked_sort3A_971 = arith.constant dense<true> : vector<16xi1>
        %masked_sort3A_972, %masked_sort3A_973, %masked_sort3A_974 = tpu.sort %select_n3A_969, %select_n3A_970 masked %masked_sort3A_971 : (vector<16xf32>, vector<16xi32>, vector<16xi1>) -> (vector<16xi1>, vector<16xf32>, vector<16xi32>)
        %add3A_975 = arith.addi %scan3A_165, %sub3A_143 : i32
        %get3A_976 = arith.index_cast %add3A_975 : i32 to index
        %get3A_977 = arith.constant 144 : index
        %get3A_978 = tpu.vector_load %arg6[%get3A_976, %get3A_977] {strides = array<i32>} : memref<40x256xf32, #tpu.memory_space<vmem>>, vector<16xf32>,
        %add3A_979 = arith.constant 144 : i32
        %add3A_980 = vector.broadcast %add3A_979 : i32 to vector<16xi32>
        %add3A_981 = arith.addi %add3A_980, %iota3A : vector<16xi32>
        %masked_sort3A_982 = arith.constant dense<true> : vector<16xi1>
        %masked_sort3A_983, %masked_sort3A_984, %masked_sort3A_985 = tpu.sort %get3A_978, %add3A_981 masked %masked_sort3A_982 : (vector<16xf32>, vector<16xi32>, vector<16xi1>) -> (vector<16xi1>, vector<16xf32>, vector<16xi32>)
        %rev3A_986 = arith.constant 15 : i32
        %rev3A_987 = vector.broadcast %rev3A_986 : i32 to vector<16xi32>
        %rev3A_988 = tpu.iota {dimensions = array<i32: 0>} : vector<16xi32>
        %rev3A_989 = arith.subi %rev3A_987, %rev3A_988 : vector<16xi32>
        %rev3A_990 = tpu.dynamic_gather %masked_sort3A_984[%rev3A_989] in [0] : vector<16xf32>, vector<16xi32> -> vector<16xf32>
        %rev3A_991 = arith.constant 15 : i32
        %rev3A_992 = vector.broadcast %rev3A_991 : i32 to vector<16xi32>
        %rev3A_993 = tpu.iota {dimensions = array<i32: 0>} : vector<16xi32>
        %rev3A_994 = arith.subi %rev3A_992, %rev3A_993 : vector<16xi32>
        %rev3A_995 = tpu.dynamic_gather %masked_sort3A_985[%rev3A_994] in [0] : vector<16xi32>, vector<16xi32> -> vector<16xi32>
        %le3A_996 = arith.cmpf ole, %masked_sort3A_917, %rev3A_990 : vector<16xf32>
        %select_n3A_997 = arith.select %le3A_996, %masked_sort3A_917, %rev3A_990 : vector<16xi1>, vector<16xf32>
        %select_n3A_998 = arith.select %le3A_996, %masked_sort3A_918, %rev3A_995 : vector<16xi1>, vector<16xi32>
        %masked_sort3A_999 = arith.constant dense<true> : vector<16xi1>
        %masked_sort3A_1000, %masked_sort3A_1001, %masked_sort3A_1002 = tpu.sort %select_n3A_997, %select_n3A_998 masked %masked_sort3A_999 : (vector<16xf32>, vector<16xi32>, vector<16xi1>) -> (vector<16xi1>, vector<16xf32>, vector<16xi32>)
        %add3A_1003 = arith.addi %scan3A_165, %sub3A_71 : i32
        %get3A_1004 = arith.index_cast %add3A_1003 : i32 to index
        %get3A_1005 = arith.constant 160 : index
        %get3A_1006 = tpu.vector_load %arg4[%get3A_1004, %get3A_1005] {strides = array<i32>} : memref<40x256xf32, #tpu.memory_space<vmem>>, vector<16xf32>,
        %add3A_1007 = arith.constant 160 : i32
        %add3A_1008 = vector.broadcast %add3A_1007 : i32 to vector<16xi32>
        %add3A_1009 = arith.addi %add3A_1008, %iota3A : vector<16xi32>
        %masked_sort3A_1010 = arith.constant dense<true> : vector<16xi1>
        %masked_sort3A_1011, %masked_sort3A_1012, %masked_sort3A_1013 = tpu.sort %get3A_1006, %add3A_1009 masked %masked_sort3A_1010 : (vector<16xf32>, vector<16xi32>, vector<16xi1>) -> (vector<16xi1>, vector<16xf32>, vector<16xi32>)
        %rev3A_1014 = arith.constant 15 : i32
        %rev3A_1015 = vector.broadcast %rev3A_1014 : i32 to vector<16xi32>
        %rev3A_1016 = tpu.iota {dimensions = array<i32: 0>} : vector<16xi32>
        %rev3A_1017 = arith.subi %rev3A_1015, %rev3A_1016 : vector<16xi32>
        %rev3A_1018 = tpu.dynamic_gather %masked_sort3A_1012[%rev3A_1017] in [0] : vector<16xf32>, vector<16xi32> -> vector<16xf32>
        %rev3A_1019 = arith.constant 15 : i32
        %rev3A_1020 = vector.broadcast %rev3A_1019 : i32 to vector<16xi32>
        %rev3A_1021 = tpu.iota {dimensions = array<i32: 0>} : vector<16xi32>
        %rev3A_1022 = arith.subi %rev3A_1020, %rev3A_1021 : vector<16xi32>
        %rev3A_1023 = tpu.dynamic_gather %masked_sort3A_1013[%rev3A_1022] in [0] : vector<16xi32>, vector<16xi32> -> vector<16xi32>
        %le3A_1024 = arith.cmpf ole, %masked_sort3A_945, %rev3A_1018 : vector<16xf32>
        %select_n3A_1025 = arith.select %le3A_1024, %masked_sort3A_945, %rev3A_1018 : vector<16xi1>, vector<16xf32>
        %select_n3A_1026 = arith.select %le3A_1024, %masked_sort3A_946, %rev3A_1023 : vector<16xi1>, vector<16xi32>
        %masked_sort3A_1027 = arith.constant dense<true> : vector<16xi1>
        %masked_sort3A_1028, %masked_sort3A_1029, %masked_sort3A_1030 = tpu.sort %select_n3A_1025, %select_n3A_1026 masked %masked_sort3A_1027 : (vector<16xf32>, vector<16xi32>, vector<16xi1>) -> (vector<16xi1>, vector<16xf32>, vector<16xi32>)
        %add3A_1031 = arith.addi %scan3A_165, %sub3A_107 : i32
        %get3A_1032 = arith.index_cast %add3A_1031 : i32 to index
        %get3A_1033 = arith.constant 160 : index
        %get3A_1034 = tpu.vector_load %arg5[%get3A_1032, %get3A_1033] {strides = array<i32>} : memref<40x256xf32, #tpu.memory_space<vmem>>, vector<16xf32>,
        %add3A_1035 = arith.constant 160 : i32
        %add3A_1036 = vector.broadcast %add3A_1035 : i32 to vector<16xi32>
        %add3A_1037 = arith.addi %add3A_1036, %iota3A : vector<16xi32>
        %masked_sort3A_1038 = arith.constant dense<true> : vector<16xi1>
        %masked_sort3A_1039, %masked_sort3A_1040, %masked_sort3A_1041 = tpu.sort %get3A_1034, %add3A_1037 masked %masked_sort3A_1038 : (vector<16xf32>, vector<16xi32>, vector<16xi1>) -> (vector<16xi1>, vector<16xf32>, vector<16xi32>)
        %rev3A_1042 = arith.constant 15 : i32
        %rev3A_1043 = vector.broadcast %rev3A_1042 : i32 to vector<16xi32>
        %rev3A_1044 = tpu.iota {dimensions = array<i32: 0>} : vector<16xi32>
        %rev3A_1045 = arith.subi %rev3A_1043, %rev3A_1044 : vector<16xi32>
        %rev3A_1046 = tpu.dynamic_gather %masked_sort3A_1040[%rev3A_1045] in [0] : vector<16xf32>, vector<16xi32> -> vector<16xf32>
        %rev3A_1047 = arith.constant 15 : i32
        %rev3A_1048 = vector.broadcast %rev3A_1047 : i32 to vector<16xi32>
        %rev3A_1049 = tpu.iota {dimensions = array<i32: 0>} : vector<16xi32>
        %rev3A_1050 = arith.subi %rev3A_1048, %rev3A_1049 : vector<16xi32>
        %rev3A_1051 = tpu.dynamic_gather %masked_sort3A_1041[%rev3A_1050] in [0] : vector<16xi32>, vector<16xi32> -> vector<16xi32>
        %le3A_1052 = arith.cmpf ole, %masked_sort3A_973, %rev3A_1046 : vector<16xf32>
        %select_n3A_1053 = arith.select %le3A_1052, %masked_sort3A_973, %rev3A_1046 : vector<16xi1>, vector<16xf32>
        %select_n3A_1054 = arith.select %le3A_1052, %masked_sort3A_974, %rev3A_1051 : vector<16xi1>, vector<16xi32>
        %masked_sort3A_1055 = arith.constant dense<true> : vector<16xi1>
        %masked_sort3A_1056, %masked_sort3A_1057, %masked_sort3A_1058 = tpu.sort %select_n3A_1053, %select_n3A_1054 masked %masked_sort3A_1055 : (vector<16xf32>, vector<16xi32>, vector<16xi1>) -> (vector<16xi1>, vector<16xf32>, vector<16xi32>)
        %add3A_1059 = arith.addi %scan3A_165, %sub3A_143 : i32
        %get3A_1060 = arith.index_cast %add3A_1059 : i32 to index
        %get3A_1061 = arith.constant 160 : index
        %get3A_1062 = tpu.vector_load %arg6[%get3A_1060, %get3A_1061] {strides = array<i32>} : memref<40x256xf32, #tpu.memory_space<vmem>>, vector<16xf32>,
        %add3A_1063 = arith.constant 160 : i32
        %add3A_1064 = vector.broadcast %add3A_1063 : i32 to vector<16xi32>
        %add3A_1065 = arith.addi %add3A_1064, %iota3A : vector<16xi32>
        %masked_sort3A_1066 = arith.constant dense<true> : vector<16xi1>
        %masked_sort3A_1067, %masked_sort3A_1068, %masked_sort3A_1069 = tpu.sort %get3A_1062, %add3A_1065 masked %masked_sort3A_1066 : (vector<16xf32>, vector<16xi32>, vector<16xi1>) -> (vector<16xi1>, vector<16xf32>, vector<16xi32>)
        %rev3A_1070 = arith.constant 15 : i32
        %rev3A_1071 = vector.broadcast %rev3A_1070 : i32 to vector<16xi32>
        %rev3A_1072 = tpu.iota {dimensions = array<i32: 0>} : vector<16xi32>
        %rev3A_1073 = arith.subi %rev3A_1071, %rev3A_1072 : vector<16xi32>
        %rev3A_1074 = tpu.dynamic_gather %masked_sort3A_1068[%rev3A_1073] in [0] : vector<16xf32>, vector<16xi32> -> vector<16xf32>
        %rev3A_1075 = arith.constant 15 : i32
        %rev3A_1076 = vector.broadcast %rev3A_1075 : i32 to vector<16xi32>
        %rev3A_1077 = tpu.iota {dimensions = array<i32: 0>} : vector<16xi32>
        %rev3A_1078 = arith.subi %rev3A_1076, %rev3A_1077 : vector<16xi32>
        %rev3A_1079 = tpu.dynamic_gather %masked_sort3A_1069[%rev3A_1078] in [0] : vector<16xi32>, vector<16xi32> -> vector<16xi32>
        %le3A_1080 = arith.cmpf ole, %masked_sort3A_1001, %rev3A_1074 : vector<16xf32>
        %select_n3A_1081 = arith.select %le3A_1080, %masked_sort3A_1001, %rev3A_1074 : vector<16xi1>, vector<16xf32>
        %select_n3A_1082 = arith.select %le3A_1080, %masked_sort3A_1002, %rev3A_1079 : vector<16xi1>, vector<16xi32>
        %masked_sort3A_1083 = arith.constant dense<true> : vector<16xi1>
        %masked_sort3A_1084, %masked_sort3A_1085, %masked_sort3A_1086 = tpu.sort %select_n3A_1081, %select_n3A_1082 masked %masked_sort3A_1083 : (vector<16xf32>, vector<16xi32>, vector<16xi1>) -> (vector<16xi1>, vector<16xf32>, vector<16xi32>)
        %add3A_1087 = arith.addi %scan3A_165, %sub3A_71 : i32
        %get3A_1088 = arith.index_cast %add3A_1087 : i32 to index
        %get3A_1089 = arith.constant 176 : index
        %get3A_1090 = tpu.vector_load %arg4[%get3A_1088, %get3A_1089] {strides = array<i32>} : memref<40x256xf32, #tpu.memory_space<vmem>>, vector<16xf32>,
        %add3A_1091 = arith.constant 176 : i32
        %add3A_1092 = vector.broadcast %add3A_1091 : i32 to vector<16xi32>
        %add3A_1093 = arith.addi %add3A_1092, %iota3A : vector<16xi32>
        %masked_sort3A_1094 = arith.constant dense<true> : vector<16xi1>
        %masked_sort3A_1095, %masked_sort3A_1096, %masked_sort3A_1097 = tpu.sort %get3A_1090, %add3A_1093 masked %masked_sort3A_1094 : (vector<16xf32>, vector<16xi32>, vector<16xi1>) -> (vector<16xi1>, vector<16xf32>, vector<16xi32>)
        %rev3A_1098 = arith.constant 15 : i32
        %rev3A_1099 = vector.broadcast %rev3A_1098 : i32 to vector<16xi32>
        %rev3A_1100 = tpu.iota {dimensions = array<i32: 0>} : vector<16xi32>
        %rev3A_1101 = arith.subi %rev3A_1099, %rev3A_1100 : vector<16xi32>
        %rev3A_1102 = tpu.dynamic_gather %masked_sort3A_1096[%rev3A_1101] in [0] : vector<16xf32>, vector<16xi32> -> vector<16xf32>
        %rev3A_1103 = arith.constant 15 : i32
        %rev3A_1104 = vector.broadcast %rev3A_1103 : i32 to vector<16xi32>
        %rev3A_1105 = tpu.iota {dimensions = array<i32: 0>} : vector<16xi32>
        %rev3A_1106 = arith.subi %rev3A_1104, %rev3A_1105 : vector<16xi32>
        %rev3A_1107 = tpu.dynamic_gather %masked_sort3A_1097[%rev3A_1106] in [0] : vector<16xi32>, vector<16xi32> -> vector<16xi32>
        %le3A_1108 = arith.cmpf ole, %masked_sort3A_1029, %rev3A_1102 : vector<16xf32>
        %select_n3A_1109 = arith.select %le3A_1108, %masked_sort3A_1029, %rev3A_1102 : vector<16xi1>, vector<16xf32>
        %select_n3A_1110 = arith.select %le3A_1108, %masked_sort3A_1030, %rev3A_1107 : vector<16xi1>, vector<16xi32>
        %masked_sort3A_1111 = arith.constant dense<true> : vector<16xi1>
        %masked_sort3A_1112, %masked_sort3A_1113, %masked_sort3A_1114 = tpu.sort %select_n3A_1109, %select_n3A_1110 masked %masked_sort3A_1111 : (vector<16xf32>, vector<16xi32>, vector<16xi1>) -> (vector<16xi1>, vector<16xf32>, vector<16xi32>)
        %add3A_1115 = arith.addi %scan3A_165, %sub3A_107 : i32
        %get3A_1116 = arith.index_cast %add3A_1115 : i32 to index
        %get3A_1117 = arith.constant 176 : index
        %get3A_1118 = tpu.vector_load %arg5[%get3A_1116, %get3A_1117] {strides = array<i32>} : memref<40x256xf32, #tpu.memory_space<vmem>>, vector<16xf32>,
        %add3A_1119 = arith.constant 176 : i32
        %add3A_1120 = vector.broadcast %add3A_1119 : i32 to vector<16xi32>
        %add3A_1121 = arith.addi %add3A_1120, %iota3A : vector<16xi32>
        %masked_sort3A_1122 = arith.constant dense<true> : vector<16xi1>
        %masked_sort3A_1123, %masked_sort3A_1124, %masked_sort3A_1125 = tpu.sort %get3A_1118, %add3A_1121 masked %masked_sort3A_1122 : (vector<16xf32>, vector<16xi32>, vector<16xi1>) -> (vector<16xi1>, vector<16xf32>, vector<16xi32>)
        %rev3A_1126 = arith.constant 15 : i32
        %rev3A_1127 = vector.broadcast %rev3A_1126 : i32 to vector<16xi32>
        %rev3A_1128 = tpu.iota {dimensions = array<i32: 0>} : vector<16xi32>
        %rev3A_1129 = arith.subi %rev3A_1127, %rev3A_1128 : vector<16xi32>
        %rev3A_1130 = tpu.dynamic_gather %masked_sort3A_1124[%rev3A_1129] in [0] : vector<16xf32>, vector<16xi32> -> vector<16xf32>
        %rev3A_1131 = arith.constant 15 : i32
        %rev3A_1132 = vector.broadcast %rev3A_1131 : i32 to vector<16xi32>
        %rev3A_1133 = tpu.iota {dimensions = array<i32: 0>} : vector<16xi32>
        %rev3A_1134 = arith.subi %rev3A_1132, %rev3A_1133 : vector<16xi32>
        %rev3A_1135 = tpu.dynamic_gather %masked_sort3A_1125[%rev3A_1134] in [0] : vector<16xi32>, vector<16xi32> -> vector<16xi32>
        %le3A_1136 = arith.cmpf ole, %masked_sort3A_1057, %rev3A_1130 : vector<16xf32>
        %select_n3A_1137 = arith.select %le3A_1136, %masked_sort3A_1057, %rev3A_1130 : vector<16xi1>, vector<16xf32>
        %select_n3A_1138 = arith.select %le3A_1136, %masked_sort3A_1058, %rev3A_1135 : vector<16xi1>, vector<16xi32>
        %masked_sort3A_1139 = arith.constant dense<true> : vector<16xi1>
        %masked_sort3A_1140, %masked_sort3A_1141, %masked_sort3A_1142 = tpu.sort %select_n3A_1137, %select_n3A_1138 masked %masked_sort3A_1139 : (vector<16xf32>, vector<16xi32>, vector<16xi1>) -> (vector<16xi1>, vector<16xf32>, vector<16xi32>)
        %add3A_1143 = arith.addi %scan3A_165, %sub3A_143 : i32
        %get3A_1144 = arith.index_cast %add3A_1143 : i32 to index
        %get3A_1145 = arith.constant 176 : index
        %get3A_1146 = tpu.vector_load %arg6[%get3A_1144, %get3A_1145] {strides = array<i32>} : memref<40x256xf32, #tpu.memory_space<vmem>>, vector<16xf32>,
        %add3A_1147 = arith.constant 176 : i32
        %add3A_1148 = vector.broadcast %add3A_1147 : i32 to vector<16xi32>
        %add3A_1149 = arith.addi %add3A_1148, %iota3A : vector<16xi32>
        %masked_sort3A_1150 = arith.constant dense<true> : vector<16xi1>
        %masked_sort3A_1151, %masked_sort3A_1152, %masked_sort3A_1153 = tpu.sort %get3A_1146, %add3A_1149 masked %masked_sort3A_1150 : (vector<16xf32>, vector<16xi32>, vector<16xi1>) -> (vector<16xi1>, vector<16xf32>, vector<16xi32>)
        %rev3A_1154 = arith.constant 15 : i32
        %rev3A_1155 = vector.broadcast %rev3A_1154 : i32 to vector<16xi32>
        %rev3A_1156 = tpu.iota {dimensions = array<i32: 0>} : vector<16xi32>
        %rev3A_1157 = arith.subi %rev3A_1155, %rev3A_1156 : vector<16xi32>
        %rev3A_1158 = tpu.dynamic_gather %masked_sort3A_1152[%rev3A_1157] in [0] : vector<16xf32>, vector<16xi32> -> vector<16xf32>
        %rev3A_1159 = arith.constant 15 : i32
        %rev3A_1160 = vector.broadcast %rev3A_1159 : i32 to vector<16xi32>
        %rev3A_1161 = tpu.iota {dimensions = array<i32: 0>} : vector<16xi32>
        %rev3A_1162 = arith.subi %rev3A_1160, %rev3A_1161 : vector<16xi32>
        %rev3A_1163 = tpu.dynamic_gather %masked_sort3A_1153[%rev3A_1162] in [0] : vector<16xi32>, vector<16xi32> -> vector<16xi32>
        %le3A_1164 = arith.cmpf ole, %masked_sort3A_1085, %rev3A_1158 : vector<16xf32>
        %select_n3A_1165 = arith.select %le3A_1164, %masked_sort3A_1085, %rev3A_1158 : vector<16xi1>, vector<16xf32>
        %select_n3A_1166 = arith.select %le3A_1164, %masked_sort3A_1086, %rev3A_1163 : vector<16xi1>, vector<16xi32>
        %masked_sort3A_1167 = arith.constant dense<true> : vector<16xi1>
        %masked_sort3A_1168, %masked_sort3A_1169, %masked_sort3A_1170 = tpu.sort %select_n3A_1165, %select_n3A_1166 masked %masked_sort3A_1167 : (vector<16xf32>, vector<16xi32>, vector<16xi1>) -> (vector<16xi1>, vector<16xf32>, vector<16xi32>)
        %add3A_1171 = arith.addi %scan3A_165, %sub3A_71 : i32
        %get3A_1172 = arith.index_cast %add3A_1171 : i32 to index
        %get3A_1173 = arith.constant 192 : index
        %get3A_1174 = tpu.vector_load %arg4[%get3A_1172, %get3A_1173] {strides = array<i32>} : memref<40x256xf32, #tpu.memory_space<vmem>>, vector<16xf32>,
        %add3A_1175 = arith.constant 192 : i32
        %add3A_1176 = vector.broadcast %add3A_1175 : i32 to vector<16xi32>
        %add3A_1177 = arith.addi %add3A_1176, %iota3A : vector<16xi32>
        %masked_sort3A_1178 = arith.constant dense<true> : vector<16xi1>
        %masked_sort3A_1179, %masked_sort3A_1180, %masked_sort3A_1181 = tpu.sort %get3A_1174, %add3A_1177 masked %masked_sort3A_1178 : (vector<16xf32>, vector<16xi32>, vector<16xi1>) -> (vector<16xi1>, vector<16xf32>, vector<16xi32>)
        %rev3A_1182 = arith.constant 15 : i32
        %rev3A_1183 = vector.broadcast %rev3A_1182 : i32 to vector<16xi32>
        %rev3A_1184 = tpu.iota {dimensions = array<i32: 0>} : vector<16xi32>
        %rev3A_1185 = arith.subi %rev3A_1183, %rev3A_1184 : vector<16xi32>
        %rev3A_1186 = tpu.dynamic_gather %masked_sort3A_1180[%rev3A_1185] in [0] : vector<16xf32>, vector<16xi32> -> vector<16xf32>
        %rev3A_1187 = arith.constant 15 : i32
        %rev3A_1188 = vector.broadcast %rev3A_1187 : i32 to vector<16xi32>
        %rev3A_1189 = tpu.iota {dimensions = array<i32: 0>} : vector<16xi32>
        %rev3A_1190 = arith.subi %rev3A_1188, %rev3A_1189 : vector<16xi32>
        %rev3A_1191 = tpu.dynamic_gather %masked_sort3A_1181[%rev3A_1190] in [0] : vector<16xi32>, vector<16xi32> -> vector<16xi32>
        %le3A_1192 = arith.cmpf ole, %masked_sort3A_1113, %rev3A_1186 : vector<16xf32>
        %select_n3A_1193 = arith.select %le3A_1192, %masked_sort3A_1113, %rev3A_1186 : vector<16xi1>, vector<16xf32>
        %select_n3A_1194 = arith.select %le3A_1192, %masked_sort3A_1114, %rev3A_1191 : vector<16xi1>, vector<16xi32>
        %masked_sort3A_1195 = arith.constant dense<true> : vector<16xi1>
        %masked_sort3A_1196, %masked_sort3A_1197, %masked_sort3A_1198 = tpu.sort %select_n3A_1193, %select_n3A_1194 masked %masked_sort3A_1195 : (vector<16xf32>, vector<16xi32>, vector<16xi1>) -> (vector<16xi1>, vector<16xf32>, vector<16xi32>)
        %add3A_1199 = arith.addi %scan3A_165, %sub3A_107 : i32
        %get3A_1200 = arith.index_cast %add3A_1199 : i32 to index
        %get3A_1201 = arith.constant 192 : index
        %get3A_1202 = tpu.vector_load %arg5[%get3A_1200, %get3A_1201] {strides = array<i32>} : memref<40x256xf32, #tpu.memory_space<vmem>>, vector<16xf32>,
        %add3A_1203 = arith.constant 192 : i32
        %add3A_1204 = vector.broadcast %add3A_1203 : i32 to vector<16xi32>
        %add3A_1205 = arith.addi %add3A_1204, %iota3A : vector<16xi32>
        %masked_sort3A_1206 = arith.constant dense<true> : vector<16xi1>
        %masked_sort3A_1207, %masked_sort3A_1208, %masked_sort3A_1209 = tpu.sort %get3A_1202, %add3A_1205 masked %masked_sort3A_1206 : (vector<16xf32>, vector<16xi32>, vector<16xi1>) -> (vector<16xi1>, vector<16xf32>, vector<16xi32>)
        %rev3A_1210 = arith.constant 15 : i32
        %rev3A_1211 = vector.broadcast %rev3A_1210 : i32 to vector<16xi32>
        %rev3A_1212 = tpu.iota {dimensions = array<i32: 0>} : vector<16xi32>
        %rev3A_1213 = arith.subi %rev3A_1211, %rev3A_1212 : vector<16xi32>
        %rev3A_1214 = tpu.dynamic_gather %masked_sort3A_1208[%rev3A_1213] in [0] : vector<16xf32>, vector<16xi32> -> vector<16xf32>
        %rev3A_1215 = arith.constant 15 : i32
        %rev3A_1216 = vector.broadcast %rev3A_1215 : i32 to vector<16xi32>
        %rev3A_1217 = tpu.iota {dimensions = array<i32: 0>} : vector<16xi32>
        %rev3A_1218 = arith.subi %rev3A_1216, %rev3A_1217 : vector<16xi32>
        %rev3A_1219 = tpu.dynamic_gather %masked_sort3A_1209[%rev3A_1218] in [0] : vector<16xi32>, vector<16xi32> -> vector<16xi32>
        %le3A_1220 = arith.cmpf ole, %masked_sort3A_1141, %rev3A_1214 : vector<16xf32>
        %select_n3A_1221 = arith.select %le3A_1220, %masked_sort3A_1141, %rev3A_1214 : vector<16xi1>, vector<16xf32>
        %select_n3A_1222 = arith.select %le3A_1220, %masked_sort3A_1142, %rev3A_1219 : vector<16xi1>, vector<16xi32>
        %masked_sort3A_1223 = arith.constant dense<true> : vector<16xi1>
        %masked_sort3A_1224, %masked_sort3A_1225, %masked_sort3A_1226 = tpu.sort %select_n3A_1221, %select_n3A_1222 masked %masked_sort3A_1223 : (vector<16xf32>, vector<16xi32>, vector<16xi1>) -> (vector<16xi1>, vector<16xf32>, vector<16xi32>)
        %add3A_1227 = arith.addi %scan3A_165, %sub3A_143 : i32
        %get3A_1228 = arith.index_cast %add3A_1227 : i32 to index
        %get3A_1229 = arith.constant 192 : index
        %get3A_1230 = tpu.vector_load %arg6[%get3A_1228, %get3A_1229] {strides = array<i32>} : memref<40x256xf32, #tpu.memory_space<vmem>>, vector<16xf32>,
        %add3A_1231 = arith.constant 192 : i32
        %add3A_1232 = vector.broadcast %add3A_1231 : i32 to vector<16xi32>
        %add3A_1233 = arith.addi %add3A_1232, %iota3A : vector<16xi32>
        %masked_sort3A_1234 = arith.constant dense<true> : vector<16xi1>
        %masked_sort3A_1235, %masked_sort3A_1236, %masked_sort3A_1237 = tpu.sort %get3A_1230, %add3A_1233 masked %masked_sort3A_1234 : (vector<16xf32>, vector<16xi32>, vector<16xi1>) -> (vector<16xi1>, vector<16xf32>, vector<16xi32>)
        %rev3A_1238 = arith.constant 15 : i32
        %rev3A_1239 = vector.broadcast %rev3A_1238 : i32 to vector<16xi32>
        %rev3A_1240 = tpu.iota {dimensions = array<i32: 0>} : vector<16xi32>
        %rev3A_1241 = arith.subi %rev3A_1239, %rev3A_1240 : vector<16xi32>
        %rev3A_1242 = tpu.dynamic_gather %masked_sort3A_1236[%rev3A_1241] in [0] : vector<16xf32>, vector<16xi32> -> vector<16xf32>
        %rev3A_1243 = arith.constant 15 : i32
        %rev3A_1244 = vector.broadcast %rev3A_1243 : i32 to vector<16xi32>
        %rev3A_1245 = tpu.iota {dimensions = array<i32: 0>} : vector<16xi32>
        %rev3A_1246 = arith.subi %rev3A_1244, %rev3A_1245 : vector<16xi32>
        %rev3A_1247 = tpu.dynamic_gather %masked_sort3A_1237[%rev3A_1246] in [0] : vector<16xi32>, vector<16xi32> -> vector<16xi32>
        %le3A_1248 = arith.cmpf ole, %masked_sort3A_1169, %rev3A_1242 : vector<16xf32>
        %select_n3A_1249 = arith.select %le3A_1248, %masked_sort3A_1169, %rev3A_1242 : vector<16xi1>, vector<16xf32>
        %select_n3A_1250 = arith.select %le3A_1248, %masked_sort3A_1170, %rev3A_1247 : vector<16xi1>, vector<16xi32>
        %masked_sort3A_1251 = arith.constant dense<true> : vector<16xi1>
        %masked_sort3A_1252, %masked_sort3A_1253, %masked_sort3A_1254 = tpu.sort %select_n3A_1249, %select_n3A_1250 masked %masked_sort3A_1251 : (vector<16xf32>, vector<16xi32>, vector<16xi1>) -> (vector<16xi1>, vector<16xf32>, vector<16xi32>)
        %add3A_1255 = arith.addi %scan3A_165, %sub3A_71 : i32
        %get3A_1256 = arith.index_cast %add3A_1255 : i32 to index
        %get3A_1257 = arith.constant 208 : index
        %get3A_1258 = tpu.vector_load %arg4[%get3A_1256, %get3A_1257] {strides = array<i32>} : memref<40x256xf32, #tpu.memory_space<vmem>>, vector<16xf32>,
        %add3A_1259 = arith.constant 208 : i32
        %add3A_1260 = vector.broadcast %add3A_1259 : i32 to vector<16xi32>
        %add3A_1261 = arith.addi %add3A_1260, %iota3A : vector<16xi32>
        %masked_sort3A_1262 = arith.constant dense<true> : vector<16xi1>
        %masked_sort3A_1263, %masked_sort3A_1264, %masked_sort3A_1265 = tpu.sort %get3A_1258, %add3A_1261 masked %masked_sort3A_1262 : (vector<16xf32>, vector<16xi32>, vector<16xi1>) -> (vector<16xi1>, vector<16xf32>, vector<16xi32>)
        %rev3A_1266 = arith.constant 15 : i32
        %rev3A_1267 = vector.broadcast %rev3A_1266 : i32 to vector<16xi32>
        %rev3A_1268 = tpu.iota {dimensions = array<i32: 0>} : vector<16xi32>
        %rev3A_1269 = arith.subi %rev3A_1267, %rev3A_1268 : vector<16xi32>
        %rev3A_1270 = tpu.dynamic_gather %masked_sort3A_1264[%rev3A_1269] in [0] : vector<16xf32>, vector<16xi32> -> vector<16xf32>
        %rev3A_1271 = arith.constant 15 : i32
        %rev3A_1272 = vector.broadcast %rev3A_1271 : i32 to vector<16xi32>
        %rev3A_1273 = tpu.iota {dimensions = array<i32: 0>} : vector<16xi32>
        %rev3A_1274 = arith.subi %rev3A_1272, %rev3A_1273 : vector<16xi32>
        %rev3A_1275 = tpu.dynamic_gather %masked_sort3A_1265[%rev3A_1274] in [0] : vector<16xi32>, vector<16xi32> -> vector<16xi32>
        %le3A_1276 = arith.cmpf ole, %masked_sort3A_1197, %rev3A_1270 : vector<16xf32>
        %select_n3A_1277 = arith.select %le3A_1276, %masked_sort3A_1197, %rev3A_1270 : vector<16xi1>, vector<16xf32>
        %select_n3A_1278 = arith.select %le3A_1276, %masked_sort3A_1198, %rev3A_1275 : vector<16xi1>, vector<16xi32>
        %masked_sort3A_1279 = arith.constant dense<true> : vector<16xi1>
        %masked_sort3A_1280, %masked_sort3A_1281, %masked_sort3A_1282 = tpu.sort %select_n3A_1277, %select_n3A_1278 masked %masked_sort3A_1279 : (vector<16xf32>, vector<16xi32>, vector<16xi1>) -> (vector<16xi1>, vector<16xf32>, vector<16xi32>)
        %add3A_1283 = arith.addi %scan3A_165, %sub3A_107 : i32
        %get3A_1284 = arith.index_cast %add3A_1283 : i32 to index
        %get3A_1285 = arith.constant 208 : index
        %get3A_1286 = tpu.vector_load %arg5[%get3A_1284, %get3A_1285] {strides = array<i32>} : memref<40x256xf32, #tpu.memory_space<vmem>>, vector<16xf32>,
        %add3A_1287 = arith.constant 208 : i32
        %add3A_1288 = vector.broadcast %add3A_1287 : i32 to vector<16xi32>
        %add3A_1289 = arith.addi %add3A_1288, %iota3A : vector<16xi32>
        %masked_sort3A_1290 = arith.constant dense<true> : vector<16xi1>
        %masked_sort3A_1291, %masked_sort3A_1292, %masked_sort3A_1293 = tpu.sort %get3A_1286, %add3A_1289 masked %masked_sort3A_1290 : (vector<16xf32>, vector<16xi32>, vector<16xi1>) -> (vector<16xi1>, vector<16xf32>, vector<16xi32>)
        %rev3A_1294 = arith.constant 15 : i32
        %rev3A_1295 = vector.broadcast %rev3A_1294 : i32 to vector<16xi32>
        %rev3A_1296 = tpu.iota {dimensions = array<i32: 0>} : vector<16xi32>
        %rev3A_1297 = arith.subi %rev3A_1295, %rev3A_1296 : vector<16xi32>
        %rev3A_1298 = tpu.dynamic_gather %masked_sort3A_1292[%rev3A_1297] in [0] : vector<16xf32>, vector<16xi32> -> vector<16xf32>
        %rev3A_1299 = arith.constant 15 : i32
        %rev3A_1300 = vector.broadcast %rev3A_1299 : i32 to vector<16xi32>
        %rev3A_1301 = tpu.iota {dimensions = array<i32: 0>} : vector<16xi32>
        %rev3A_1302 = arith.subi %rev3A_1300, %rev3A_1301 : vector<16xi32>
        %rev3A_1303 = tpu.dynamic_gather %masked_sort3A_1293[%rev3A_1302] in [0] : vector<16xi32>, vector<16xi32> -> vector<16xi32>
        %le3A_1304 = arith.cmpf ole, %masked_sort3A_1225, %rev3A_1298 : vector<16xf32>
        %select_n3A_1305 = arith.select %le3A_1304, %masked_sort3A_1225, %rev3A_1298 : vector<16xi1>, vector<16xf32>
        %select_n3A_1306 = arith.select %le3A_1304, %masked_sort3A_1226, %rev3A_1303 : vector<16xi1>, vector<16xi32>
        %masked_sort3A_1307 = arith.constant dense<true> : vector<16xi1>
        %masked_sort3A_1308, %masked_sort3A_1309, %masked_sort3A_1310 = tpu.sort %select_n3A_1305, %select_n3A_1306 masked %masked_sort3A_1307 : (vector<16xf32>, vector<16xi32>, vector<16xi1>) -> (vector<16xi1>, vector<16xf32>, vector<16xi32>)
        %add3A_1311 = arith.addi %scan3A_165, %sub3A_143 : i32
        %get3A_1312 = arith.index_cast %add3A_1311 : i32 to index
        %get3A_1313 = arith.constant 208 : index
        %get3A_1314 = tpu.vector_load %arg6[%get3A_1312, %get3A_1313] {strides = array<i32>} : memref<40x256xf32, #tpu.memory_space<vmem>>, vector<16xf32>,
        %add3A_1315 = arith.constant 208 : i32
        %add3A_1316 = vector.broadcast %add3A_1315 : i32 to vector<16xi32>
        %add3A_1317 = arith.addi %add3A_1316, %iota3A : vector<16xi32>
        %masked_sort3A_1318 = arith.constant dense<true> : vector<16xi1>
        %masked_sort3A_1319, %masked_sort3A_1320, %masked_sort3A_1321 = tpu.sort %get3A_1314, %add3A_1317 masked %masked_sort3A_1318 : (vector<16xf32>, vector<16xi32>, vector<16xi1>) -> (vector<16xi1>, vector<16xf32>, vector<16xi32>)
        %rev3A_1322 = arith.constant 15 : i32
        %rev3A_1323 = vector.broadcast %rev3A_1322 : i32 to vector<16xi32>
        %rev3A_1324 = tpu.iota {dimensions = array<i32: 0>} : vector<16xi32>
        %rev3A_1325 = arith.subi %rev3A_1323, %rev3A_1324 : vector<16xi32>
        %rev3A_1326 = tpu.dynamic_gather %masked_sort3A_1320[%rev3A_1325] in [0] : vector<16xf32>, vector<16xi32> -> vector<16xf32>
        %rev3A_1327 = arith.constant 15 : i32
        %rev3A_1328 = vector.broadcast %rev3A_1327 : i32 to vector<16xi32>
        %rev3A_1329 = tpu.iota {dimensions = array<i32: 0>} : vector<16xi32>
        %rev3A_1330 = arith.subi %rev3A_1328, %rev3A_1329 : vector<16xi32>
        %rev3A_1331 = tpu.dynamic_gather %masked_sort3A_1321[%rev3A_1330] in [0] : vector<16xi32>, vector<16xi32> -> vector<16xi32>
        %le3A_1332 = arith.cmpf ole, %masked_sort3A_1253, %rev3A_1326 : vector<16xf32>
        %select_n3A_1333 = arith.select %le3A_1332, %masked_sort3A_1253, %rev3A_1326 : vector<16xi1>, vector<16xf32>
        %select_n3A_1334 = arith.select %le3A_1332, %masked_sort3A_1254, %rev3A_1331 : vector<16xi1>, vector<16xi32>
        %masked_sort3A_1335 = arith.constant dense<true> : vector<16xi1>
        %masked_sort3A_1336, %masked_sort3A_1337, %masked_sort3A_1338 = tpu.sort %select_n3A_1333, %select_n3A_1334 masked %masked_sort3A_1335 : (vector<16xf32>, vector<16xi32>, vector<16xi1>) -> (vector<16xi1>, vector<16xf32>, vector<16xi32>)
        %add3A_1339 = arith.addi %scan3A_165, %sub3A_71 : i32
        %get3A_1340 = arith.index_cast %add3A_1339 : i32 to index
        %get3A_1341 = arith.constant 224 : index
        %get3A_1342 = tpu.vector_load %arg4[%get3A_1340, %get3A_1341] {strides = array<i32>} : memref<40x256xf32, #tpu.memory_space<vmem>>, vector<16xf32>,
        %add3A_1343 = arith.constant 224 : i32
        %add3A_1344 = vector.broadcast %add3A_1343 : i32 to vector<16xi32>
        %add3A_1345 = arith.addi %add3A_1344, %iota3A : vector<16xi32>
        %masked_sort3A_1346 = arith.constant dense<true> : vector<16xi1>
        %masked_sort3A_1347, %masked_sort3A_1348, %masked_sort3A_1349 = tpu.sort %get3A_1342, %add3A_1345 masked %masked_sort3A_1346 : (vector<16xf32>, vector<16xi32>, vector<16xi1>) -> (vector<16xi1>, vector<16xf32>, vector<16xi32>)
        %rev3A_1350 = arith.constant 15 : i32
        %rev3A_1351 = vector.broadcast %rev3A_1350 : i32 to vector<16xi32>
        %rev3A_1352 = tpu.iota {dimensions = array<i32: 0>} : vector<16xi32>
        %rev3A_1353 = arith.subi %rev3A_1351, %rev3A_1352 : vector<16xi32>
        %rev3A_1354 = tpu.dynamic_gather %masked_sort3A_1348[%rev3A_1353] in [0] : vector<16xf32>, vector<16xi32> -> vector<16xf32>
        %rev3A_1355 = arith.constant 15 : i32
        %rev3A_1356 = vector.broadcast %rev3A_1355 : i32 to vector<16xi32>
        %rev3A_1357 = tpu.iota {dimensions = array<i32: 0>} : vector<16xi32>
        %rev3A_1358 = arith.subi %rev3A_1356, %rev3A_1357 : vector<16xi32>
        %rev3A_1359 = tpu.dynamic_gather %masked_sort3A_1349[%rev3A_1358] in [0] : vector<16xi32>, vector<16xi32> -> vector<16xi32>
        %le3A_1360 = arith.cmpf ole, %masked_sort3A_1281, %rev3A_1354 : vector<16xf32>
        %select_n3A_1361 = arith.select %le3A_1360, %masked_sort3A_1281, %rev3A_1354 : vector<16xi1>, vector<16xf32>
        %select_n3A_1362 = arith.select %le3A_1360, %masked_sort3A_1282, %rev3A_1359 : vector<16xi1>, vector<16xi32>
        %masked_sort3A_1363 = arith.constant dense<true> : vector<16xi1>
        %masked_sort3A_1364, %masked_sort3A_1365, %masked_sort3A_1366 = tpu.sort %select_n3A_1361, %select_n3A_1362 masked %masked_sort3A_1363 : (vector<16xf32>, vector<16xi32>, vector<16xi1>) -> (vector<16xi1>, vector<16xf32>, vector<16xi32>)
        %add3A_1367 = arith.addi %scan3A_165, %sub3A_107 : i32
        %get3A_1368 = arith.index_cast %add3A_1367 : i32 to index
        %get3A_1369 = arith.constant 224 : index
        %get3A_1370 = tpu.vector_load %arg5[%get3A_1368, %get3A_1369] {strides = array<i32>} : memref<40x256xf32, #tpu.memory_space<vmem>>, vector<16xf32>,
        %add3A_1371 = arith.constant 224 : i32
        %add3A_1372 = vector.broadcast %add3A_1371 : i32 to vector<16xi32>
        %add3A_1373 = arith.addi %add3A_1372, %iota3A : vector<16xi32>
        %masked_sort3A_1374 = arith.constant dense<true> : vector<16xi1>
        %masked_sort3A_1375, %masked_sort3A_1376, %masked_sort3A_1377 = tpu.sort %get3A_1370, %add3A_1373 masked %masked_sort3A_1374 : (vector<16xf32>, vector<16xi32>, vector<16xi1>) -> (vector<16xi1>, vector<16xf32>, vector<16xi32>)
        %rev3A_1378 = arith.constant 15 : i32
        %rev3A_1379 = vector.broadcast %rev3A_1378 : i32 to vector<16xi32>
        %rev3A_1380 = tpu.iota {dimensions = array<i32: 0>} : vector<16xi32>
        %rev3A_1381 = arith.subi %rev3A_1379, %rev3A_1380 : vector<16xi32>
        %rev3A_1382 = tpu.dynamic_gather %masked_sort3A_1376[%rev3A_1381] in [0] : vector<16xf32>, vector<16xi32> -> vector<16xf32>
        %rev3A_1383 = arith.constant 15 : i32
        %rev3A_1384 = vector.broadcast %rev3A_1383 : i32 to vector<16xi32>
        %rev3A_1385 = tpu.iota {dimensions = array<i32: 0>} : vector<16xi32>
        %rev3A_1386 = arith.subi %rev3A_1384, %rev3A_1385 : vector<16xi32>
        %rev3A_1387 = tpu.dynamic_gather %masked_sort3A_1377[%rev3A_1386] in [0] : vector<16xi32>, vector<16xi32> -> vector<16xi32>
        %le3A_1388 = arith.cmpf ole, %masked_sort3A_1309, %rev3A_1382 : vector<16xf32>
        %select_n3A_1389 = arith.select %le3A_1388, %masked_sort3A_1309, %rev3A_1382 : vector<16xi1>, vector<16xf32>
        %select_n3A_1390 = arith.select %le3A_1388, %masked_sort3A_1310, %rev3A_1387 : vector<16xi1>, vector<16xi32>
        %masked_sort3A_1391 = arith.constant dense<true> : vector<16xi1>
        %masked_sort3A_1392, %masked_sort3A_1393, %masked_sort3A_1394 = tpu.sort %select_n3A_1389, %select_n3A_1390 masked %masked_sort3A_1391 : (vector<16xf32>, vector<16xi32>, vector<16xi1>) -> (vector<16xi1>, vector<16xf32>, vector<16xi32>)
        %add3A_1395 = arith.addi %scan3A_165, %sub3A_143 : i32
        %get3A_1396 = arith.index_cast %add3A_1395 : i32 to index
        %get3A_1397 = arith.constant 224 : index
        %get3A_1398 = tpu.vector_load %arg6[%get3A_1396, %get3A_1397] {strides = array<i32>} : memref<40x256xf32, #tpu.memory_space<vmem>>, vector<16xf32>,
        %add3A_1399 = arith.constant 224 : i32
        %add3A_1400 = vector.broadcast %add3A_1399 : i32 to vector<16xi32>
        %add3A_1401 = arith.addi %add3A_1400, %iota3A : vector<16xi32>
        %masked_sort3A_1402 = arith.constant dense<true> : vector<16xi1>
        %masked_sort3A_1403, %masked_sort3A_1404, %masked_sort3A_1405 = tpu.sort %get3A_1398, %add3A_1401 masked %masked_sort3A_1402 : (vector<16xf32>, vector<16xi32>, vector<16xi1>) -> (vector<16xi1>, vector<16xf32>, vector<16xi32>)
        %rev3A_1406 = arith.constant 15 : i32
        %rev3A_1407 = vector.broadcast %rev3A_1406 : i32 to vector<16xi32>
        %rev3A_1408 = tpu.iota {dimensions = array<i32: 0>} : vector<16xi32>
        %rev3A_1409 = arith.subi %rev3A_1407, %rev3A_1408 : vector<16xi32>
        %rev3A_1410 = tpu.dynamic_gather %masked_sort3A_1404[%rev3A_1409] in [0] : vector<16xf32>, vector<16xi32> -> vector<16xf32>
        %rev3A_1411 = arith.constant 15 : i32
        %rev3A_1412 = vector.broadcast %rev3A_1411 : i32 to vector<16xi32>
        %rev3A_1413 = tpu.iota {dimensions = array<i32: 0>} : vector<16xi32>
        %rev3A_1414 = arith.subi %rev3A_1412, %rev3A_1413 : vector<16xi32>
        %rev3A_1415 = tpu.dynamic_gather %masked_sort3A_1405[%rev3A_1414] in [0] : vector<16xi32>, vector<16xi32> -> vector<16xi32>
        %le3A_1416 = arith.cmpf ole, %masked_sort3A_1337, %rev3A_1410 : vector<16xf32>
        %select_n3A_1417 = arith.select %le3A_1416, %masked_sort3A_1337, %rev3A_1410 : vector<16xi1>, vector<16xf32>
        %select_n3A_1418 = arith.select %le3A_1416, %masked_sort3A_1338, %rev3A_1415 : vector<16xi1>, vector<16xi32>
        %masked_sort3A_1419 = arith.constant dense<true> : vector<16xi1>
        %masked_sort3A_1420, %masked_sort3A_1421, %masked_sort3A_1422 = tpu.sort %select_n3A_1417, %select_n3A_1418 masked %masked_sort3A_1419 : (vector<16xf32>, vector<16xi32>, vector<16xi1>) -> (vector<16xi1>, vector<16xf32>, vector<16xi32>)
        %add3A_1423 = arith.addi %scan3A_165, %sub3A_71 : i32
        %get3A_1424 = arith.index_cast %add3A_1423 : i32 to index
        %get3A_1425 = arith.constant 240 : index
        %get3A_1426 = tpu.vector_load %arg4[%get3A_1424, %get3A_1425] {strides = array<i32>} : memref<40x256xf32, #tpu.memory_space<vmem>>, vector<16xf32>,
        %add3A_1427 = arith.constant 240 : i32
        %add3A_1428 = vector.broadcast %add3A_1427 : i32 to vector<16xi32>
        %add3A_1429 = arith.addi %add3A_1428, %iota3A : vector<16xi32>
        %masked_sort3A_1430 = arith.constant dense<true> : vector<16xi1>
        %masked_sort3A_1431, %masked_sort3A_1432, %masked_sort3A_1433 = tpu.sort %get3A_1426, %add3A_1429 masked %masked_sort3A_1430 : (vector<16xf32>, vector<16xi32>, vector<16xi1>) -> (vector<16xi1>, vector<16xf32>, vector<16xi32>)
        %rev3A_1434 = arith.constant 15 : i32
        %rev3A_1435 = vector.broadcast %rev3A_1434 : i32 to vector<16xi32>
        %rev3A_1436 = tpu.iota {dimensions = array<i32: 0>} : vector<16xi32>
        %rev3A_1437 = arith.subi %rev3A_1435, %rev3A_1436 : vector<16xi32>
        %rev3A_1438 = tpu.dynamic_gather %masked_sort3A_1432[%rev3A_1437] in [0] : vector<16xf32>, vector<16xi32> -> vector<16xf32>
        %rev3A_1439 = arith.constant 15 : i32
        %rev3A_1440 = vector.broadcast %rev3A_1439 : i32 to vector<16xi32>
        %rev3A_1441 = tpu.iota {dimensions = array<i32: 0>} : vector<16xi32>
        %rev3A_1442 = arith.subi %rev3A_1440, %rev3A_1441 : vector<16xi32>
        %rev3A_1443 = tpu.dynamic_gather %masked_sort3A_1433[%rev3A_1442] in [0] : vector<16xi32>, vector<16xi32> -> vector<16xi32>
        %le3A_1444 = arith.cmpf ole, %masked_sort3A_1365, %rev3A_1438 : vector<16xf32>
        %select_n3A_1445 = arith.select %le3A_1444, %masked_sort3A_1365, %rev3A_1438 : vector<16xi1>, vector<16xf32>
        %select_n3A_1446 = arith.select %le3A_1444, %masked_sort3A_1366, %rev3A_1443 : vector<16xi1>, vector<16xi32>
        %masked_sort3A_1447 = arith.constant dense<true> : vector<16xi1>
        %masked_sort3A_1448, %masked_sort3A_1449, %masked_sort3A_1450 = tpu.sort %select_n3A_1445, %select_n3A_1446 masked %masked_sort3A_1447 : (vector<16xf32>, vector<16xi32>, vector<16xi1>) -> (vector<16xi1>, vector<16xf32>, vector<16xi32>)
        %add3A_1451 = arith.addi %scan3A_165, %sub3A_107 : i32
        %get3A_1452 = arith.index_cast %add3A_1451 : i32 to index
        %get3A_1453 = arith.constant 240 : index
        %get3A_1454 = tpu.vector_load %arg5[%get3A_1452, %get3A_1453] {strides = array<i32>} : memref<40x256xf32, #tpu.memory_space<vmem>>, vector<16xf32>,
        %add3A_1455 = arith.constant 240 : i32
        %add3A_1456 = vector.broadcast %add3A_1455 : i32 to vector<16xi32>
        %add3A_1457 = arith.addi %add3A_1456, %iota3A : vector<16xi32>
        %masked_sort3A_1458 = arith.constant dense<true> : vector<16xi1>
        %masked_sort3A_1459, %masked_sort3A_1460, %masked_sort3A_1461 = tpu.sort %get3A_1454, %add3A_1457 masked %masked_sort3A_1458 : (vector<16xf32>, vector<16xi32>, vector<16xi1>) -> (vector<16xi1>, vector<16xf32>, vector<16xi32>)
        %rev3A_1462 = arith.constant 15 : i32
        %rev3A_1463 = vector.broadcast %rev3A_1462 : i32 to vector<16xi32>
        %rev3A_1464 = tpu.iota {dimensions = array<i32: 0>} : vector<16xi32>
        %rev3A_1465 = arith.subi %rev3A_1463, %rev3A_1464 : vector<16xi32>
        %rev3A_1466 = tpu.dynamic_gather %masked_sort3A_1460[%rev3A_1465] in [0] : vector<16xf32>, vector<16xi32> -> vector<16xf32>
        %rev3A_1467 = arith.constant 15 : i32
        %rev3A_1468 = vector.broadcast %rev3A_1467 : i32 to vector<16xi32>
        %rev3A_1469 = tpu.iota {dimensions = array<i32: 0>} : vector<16xi32>
        %rev3A_1470 = arith.subi %rev3A_1468, %rev3A_1469 : vector<16xi32>
        %rev3A_1471 = tpu.dynamic_gather %masked_sort3A_1461[%rev3A_1470] in [0] : vector<16xi32>, vector<16xi32> -> vector<16xi32>
        %le3A_1472 = arith.cmpf ole, %masked_sort3A_1393, %rev3A_1466 : vector<16xf32>
        %select_n3A_1473 = arith.select %le3A_1472, %masked_sort3A_1393, %rev3A_1466 : vector<16xi1>, vector<16xf32>
        %select_n3A_1474 = arith.select %le3A_1472, %masked_sort3A_1394, %rev3A_1471 : vector<16xi1>, vector<16xi32>
        %masked_sort3A_1475 = arith.constant dense<true> : vector<16xi1>
        %masked_sort3A_1476, %masked_sort3A_1477, %masked_sort3A_1478 = tpu.sort %select_n3A_1473, %select_n3A_1474 masked %masked_sort3A_1475 : (vector<16xf32>, vector<16xi32>, vector<16xi1>) -> (vector<16xi1>, vector<16xf32>, vector<16xi32>)
        %add3A_1479 = arith.addi %scan3A_165, %sub3A_143 : i32
        %get3A_1480 = arith.index_cast %add3A_1479 : i32 to index
        %get3A_1481 = arith.constant 240 : index
        %get3A_1482 = tpu.vector_load %arg6[%get3A_1480, %get3A_1481] {strides = array<i32>} : memref<40x256xf32, #tpu.memory_space<vmem>>, vector<16xf32>,
        %add3A_1483 = arith.constant 240 : i32
        %add3A_1484 = vector.broadcast %add3A_1483 : i32 to vector<16xi32>
        %add3A_1485 = arith.addi %add3A_1484, %iota3A : vector<16xi32>
        %masked_sort3A_1486 = arith.constant dense<true> : vector<16xi1>
        %masked_sort3A_1487, %masked_sort3A_1488, %masked_sort3A_1489 = tpu.sort %get3A_1482, %add3A_1485 masked %masked_sort3A_1486 : (vector<16xf32>, vector<16xi32>, vector<16xi1>) -> (vector<16xi1>, vector<16xf32>, vector<16xi32>)
        %rev3A_1490 = arith.constant 15 : i32
        %rev3A_1491 = vector.broadcast %rev3A_1490 : i32 to vector<16xi32>
        %rev3A_1492 = tpu.iota {dimensions = array<i32: 0>} : vector<16xi32>
        %rev3A_1493 = arith.subi %rev3A_1491, %rev3A_1492 : vector<16xi32>
        %rev3A_1494 = tpu.dynamic_gather %masked_sort3A_1488[%rev3A_1493] in [0] : vector<16xf32>, vector<16xi32> -> vector<16xf32>
        %rev3A_1495 = arith.constant 15 : i32
        %rev3A_1496 = vector.broadcast %rev3A_1495 : i32 to vector<16xi32>
        %rev3A_1497 = tpu.iota {dimensions = array<i32: 0>} : vector<16xi32>
        %rev3A_1498 = arith.subi %rev3A_1496, %rev3A_1497 : vector<16xi32>
        %rev3A_1499 = tpu.dynamic_gather %masked_sort3A_1489[%rev3A_1498] in [0] : vector<16xi32>, vector<16xi32> -> vector<16xi32>
        %le3A_1500 = arith.cmpf ole, %masked_sort3A_1421, %rev3A_1494 : vector<16xf32>
        %select_n3A_1501 = arith.select %le3A_1500, %masked_sort3A_1421, %rev3A_1494 : vector<16xi1>, vector<16xf32>
        %select_n3A_1502 = arith.select %le3A_1500, %masked_sort3A_1422, %rev3A_1499 : vector<16xi1>, vector<16xi32>
        %masked_sort3A_1503 = arith.constant dense<true> : vector<16xi1>
        %masked_sort3A_1504, %masked_sort3A_1505, %masked_sort3A_1506 = tpu.sort %select_n3A_1501, %select_n3A_1502 masked %masked_sort3A_1503 : (vector<16xf32>, vector<16xi32>, vector<16xi1>) -> (vector<16xi1>, vector<16xf32>, vector<16xi32>)
        %add3A_1507 = arith.addi %masked_sort3A_1450, %select_n3A_154 : vector<16xi32>
        %masked_sort3A_1508 = arith.constant dense<true> : vector<16xi1>
        %masked_sort3A_1509 = arith.constant -2147483648 : i32
        %masked_sort3A_1510 = vector.broadcast %masked_sort3A_1509 : i32 to vector<16xi32>
        %masked_sort3A_1511 = arith.xori %add3A_1507, %masked_sort3A_1510 : vector<16xi32>
        %masked_sort3A_1512, %masked_sort3A_1513, %masked_sort3A_1514 = tpu.sort %masked_sort3A_1511, %add3A_1507 masked %masked_sort3A_1508 : (vector<16xi32>, vector<16xi32>, vector<16xi1>) -> (vector<16xi1>, vector<16xi32>, vector<16xi32>)
        %masked_sort3A_1515 = arith.xori %masked_sort3A_1513, %masked_sort3A_1510 : vector<16xi32>
        %mul3A_1516 = arith.constant 8 : i32
        %mul3A_1517 = arith.muli %scan3A_165, %mul3A_1516 : i32
        %add3A_1518 = arith.constant 0 : i32
        %add3A_1519 = arith.addi %add3A_1518, %mul3A_1517 : i32
        %lt3A_1520 = arith.constant 8 : i32
        %lt3A_1521 = vector.broadcast %lt3A_1520 : i32 to vector<16xi32>
        %lt3A_1522 = arith.cmpi slt, %iota3A, %lt3A_1521 : vector<16xi32>
        %swap3A = arith.index_cast %add3A_1519 : i32 to index
        %swap3A_1523 = tpu.vector_load %arg7[%swap3A] masked %lt3A_1522 {strides = array<i32>} : memref<680xi32, #tpu.memory_space<vmem>>, vector<16xi32>, vector<16xi1>
        tpu.vector_store %arg7[%swap3A], %masked_sort3A_1515 masked %lt3A_1522 {strides = array<i32>} : memref<680xi32, #tpu.memory_space<vmem>>, vector<16xi32>, vector<16xi1>
        %add3A_1524 = arith.addi %masked_sort3A_1478, %select_n3A_154 : vector<16xi32>
        %masked_sort3A_1525 = arith.constant dense<true> : vector<16xi1>
        %masked_sort3A_1526 = arith.constant -2147483648 : i32
        %masked_sort3A_1527 = vector.broadcast %masked_sort3A_1526 : i32 to vector<16xi32>
        %masked_sort3A_1528 = arith.xori %add3A_1524, %masked_sort3A_1527 : vector<16xi32>
        %masked_sort3A_1529, %masked_sort3A_1530, %masked_sort3A_1531 = tpu.sort %masked_sort3A_1528, %add3A_1524 masked %masked_sort3A_1525 : (vector<16xi32>, vector<16xi32>, vector<16xi1>) -> (vector<16xi1>, vector<16xi32>, vector<16xi32>)
        %masked_sort3A_1532 = arith.xori %masked_sort3A_1530, %masked_sort3A_1527 : vector<16xi32>
        %mul3A_1533 = arith.constant 8 : i32
        %mul3A_1534 = arith.muli %scan3A_165, %mul3A_1533 : i32
        %add3A_1535 = arith.constant 224 : i32
        %add3A_1536 = arith.addi %add3A_1535, %mul3A_1534 : i32
        %lt3A_1537 = arith.constant 8 : i32
        %lt3A_1538 = vector.broadcast %lt3A_1537 : i32 to vector<16xi32>
        %lt3A_1539 = arith.cmpi slt, %iota3A, %lt3A_1538 : vector<16xi32>
        %swap3A_1540 = arith.index_cast %add3A_1536 : i32 to index
        %swap3A_1541 = tpu.vector_load %arg7[%swap3A_1540] masked %lt3A_1539 {strides = array<i32>} : memref<680xi32, #tpu.memory_space<vmem>>, vector<16xi32>, vector<16xi1>
        tpu.vector_store %arg7[%swap3A_1540], %masked_sort3A_1532 masked %lt3A_1539 {strides = array<i32>} : memref<680xi32, #tpu.memory_space<vmem>>, vector<16xi32>, vector<16xi1>
        %add3A_1542 = arith.addi %masked_sort3A_1506, %select_n3A_154 : vector<16xi32>
        %masked_sort3A_1543 = arith.constant dense<true> : vector<16xi1>
        %masked_sort3A_1544 = arith.constant -2147483648 : i32
        %masked_sort3A_1545 = vector.broadcast %masked_sort3A_1544 : i32 to vector<16xi32>
        %masked_sort3A_1546 = arith.xori %add3A_1542, %masked_sort3A_1545 : vector<16xi32>
        %masked_sort3A_1547, %masked_sort3A_1548, %masked_sort3A_1549 = tpu.sort %masked_sort3A_1546, %add3A_1542 masked %masked_sort3A_1543 : (vector<16xi32>, vector<16xi32>, vector<16xi1>) -> (vector<16xi1>, vector<16xi32>, vector<16xi32>)
        %masked_sort3A_1550 = arith.xori %masked_sort3A_1548, %masked_sort3A_1545 : vector<16xi32>
        %mul3A_1551 = arith.constant 8 : i32
        %mul3A_1552 = arith.muli %scan3A_165, %mul3A_1551 : i32
        %add3A_1553 = arith.constant 448 : i32
        %add3A_1554 = arith.addi %add3A_1553, %mul3A_1552 : i32
        %lt3A_1555 = arith.constant 8 : i32
        %lt3A_1556 = vector.broadcast %lt3A_1555 : i32 to vector<16xi32>
        %lt3A_1557 = arith.cmpi slt, %iota3A, %lt3A_1556 : vector<16xi32>
        %swap3A_1558 = arith.index_cast %add3A_1554 : i32 to index
        %swap3A_1559 = tpu.vector_load %arg7[%swap3A_1558] masked %lt3A_1557 {strides = array<i32>} : memref<680xi32, #tpu.memory_space<vmem>>, vector<16xi32>, vector<16xi1>
        tpu.vector_store %arg7[%swap3A_1558], %masked_sort3A_1550 masked %lt3A_1557 {strides = array<i32>} : memref<680xi32, #tpu.memory_space<vmem>>, vector<16xi32>, vector<16xi1>
        %scan3A_1560 = arith.constant 0 : i32
        scf.yield %scan3A_1560 : i32
      }
      %scan3A_160 = arith.constant 28 : i32
      %mul3A_161 = arith.constant 3 : i32
      %mul3A_162 = arith.muli %add3A, %mul3A_161 : i32
      %mul3A_163 = arith.constant 224 : i32
      %mul3A_164 = arith.muli %mul3A_162, %mul3A_163 : i32
      "tpu.region"() ({
        %run_scoped3A = tpu.sem_alloc : memref<!tpu.dma_semaphore, #tpu.memory_space<semaphore_mem>>
        %dma_start3A = arith.constant 0 : i32
        %dma_start3A_165 = tpu.memref_slice %arg7[%dma_start3A] : memref<680xi32, #tpu.memory_space<vmem>> -> memref<672xi32, #tpu.memory_space<vmem>>
        %dma_start3A_166 = tpu.memref_slice %arg3[%mul3A_164] : memref<18816xi32, #tpu.memory_space<hbm>> -> memref<672xi32, #tpu.memory_space<hbm>>
        %dma_start3A_167 = tpu.memref_slice %arg3[%mul3A_164] : memref<18816xi32, #tpu.memory_space<hbm>> -> memref<672xi32, #tpu.memory_space<hbm>>
        %dma_start3A_168 = arith.constant 0 : i32
        %dma_start3A_169 = tpu.memref_slice %arg7[%dma_start3A_168] : memref<680xi32, #tpu.memory_space<vmem>> -> memref<672xi32, #tpu.memory_space<vmem>>
        tpu.enqueue_dma source(%dma_start3A_169 : memref<672xi32, #tpu.memory_space<vmem>>) target(%dma_start3A_167 : memref<672xi32, #tpu.memory_space<hbm>>) target_semaphore(%run_scoped3A : memref<!tpu.dma_semaphore, #tpu.memory_space<semaphore_mem>>)
        %dma_wait3A = arith.constant 0 : i32
        %dma_wait3A_170 = tpu.memref_slice %arg7[%dma_wait3A] : memref<680xi32, #tpu.memory_space<vmem>> -> memref<672xi32, #tpu.memory_space<vmem>>
        %dma_wait3A_171 = tpu.memref_slice %arg3[%mul3A_164] : memref<18816xi32, #tpu.memory_space<hbm>> -> memref<672xi32, #tpu.memory_space<hbm>>
        %dma_wait3A_172 = tpu.memref_slice %arg3[%mul3A_164] : memref<18816xi32, #tpu.memory_space<hbm>> -> memref<672xi32, #tpu.memory_space<hbm>>
        %dma_wait3A_173 = arith.constant 0 : i32
        %dma_wait3A_174 = tpu.memref_slice %arg7[%dma_wait3A_173] : memref<680xi32, #tpu.memory_space<vmem>> -> memref<672xi32, #tpu.memory_space<vmem>>
        tpu.wait_dma2 semaphore(%run_scoped3A : memref<!tpu.dma_semaphore, #tpu.memory_space<semaphore_mem>>) src(%dma_wait3A_174 : memref<672xi32, #tpu.memory_space<vmem>>) dst(%dma_wait3A_172 : memref<672xi32, #tpu.memory_space<hbm>>)
        tpu.yield
      }) : () -> ()
    } else {
    }
    return
  }
}

#map = affine_map<(d0, d1) -> (0, 0)>
#map1 = affine_map<(d0, d1) -> (0)>
module attributes {stable_mosaic.version = 14 : i64} {
  func.func @_sc_topk_body(%arg0: i32, %arg1: i32, %arg2: memref<4992x256xf32, #tpu.memory_space<hbm>>, %arg3: memref<18816xi32, #tpu.memory_space<hbm>>, %arg4: memref<40x256xf32, #tpu.memory_space<vmem>>, %arg5: memref<40x256xf32, #tpu.memory_space<vmem>>, %arg6: memref<40x256xf32, #tpu.memory_space<vmem>>, %arg7: memref<680xi32, #tpu.memory_space<vmem>>) attributes {dimension_semantics = [#tpu.dimension_semantics<core_parallel>, #tpu.dimension_semantics<subcore_parallel>], iteration_bounds = array<i64: 2, 16>, scalar_prefetch = 0 : i64, scratch_operands = 4 : i64, tpu.core_type = #tpu.core_type<sc_vector_subcore>, window_params = [{transform_indices = #map}, {transform_indices = #map1}]} {
    %mul3A = arith.constant 2 : i32
    %mul3A_0 = arith.muli %arg1, %mul3A : i32
    %add3A = arith.addi %mul3A_0, %arg0 : i32
    %lt3A = arith.constant 28 : i32
    %lt3A_1 = arith.cmpi slt, %add3A, %lt3A : i32
    %convert_element_type3A = arith.extui %lt3A_1 : i1 to i32
    %cond3A = arith.constant 0 : i32
    %cond3A_2 = arith.cmpi ne, %convert_element_type3A, %cond3A : i32
    scf.if %cond3A_2 {
      %mul3A_3 = arith.constant 28 : i32
      %mul3A_4 = arith.muli %add3A, %mul3A_3 : i32
      %jit3A = arith.constant 196 : i32
      %div3A = arith.divsi %mul3A_4, %jit3A : i32
      %sign3A = arith.constant 0 : i32
      %sign3A_5 = arith.cmpi sgt, %mul3A_4, %sign3A : i32
      %sign3A_6 = arith.extui %sign3A_5 : i1 to i32
      %sign3A_7 = arith.constant 0 : i32
      %sign3A_8 = arith.cmpi slt, %mul3A_4, %sign3A_7 : i32
      %sign3A_9 = arith.extui %sign3A_8 : i1 to i32
      %sign3A_10 = arith.subi %sign3A_6, %sign3A_9 : i32
      %sign3A_11 = arith.constant 0 : i32
      %sign3A_12 = arith.cmpi sgt, %jit3A, %sign3A_11 : i32
      %sign3A_13 = arith.extui %sign3A_12 : i1 to i32
      %sign3A_14 = arith.constant 0 : i32
      %sign3A_15 = arith.cmpi slt, %jit3A, %sign3A_14 : i32
      %sign3A_16 = arith.extui %sign3A_15 : i1 to i32
      %sign3A_17 = arith.subi %sign3A_13, %sign3A_16 : i32
      %ne3A = arith.cmpi ne, %sign3A_10, %sign3A_17 : i32
      %rem3A = arith.remsi %mul3A_4, %jit3A : i32
      %ne3A_18 = arith.constant 0 : i32
      %ne3A_19 = arith.cmpi ne, %rem3A, %ne3A_18 : i32
      %and3A = arith.andi %ne3A, %ne3A_19 : i1
      %sub3A = arith.constant 1 : i32
      %sub3A_20 = arith.subi %div3A, %sub3A : i32
      %select_n3A = arith.select %and3A, %sub3A_20, %div3A : i32
      %jit3A_21 = arith.constant 196 : i32
      %eq3A = arith.constant 0 : i32
      %eq3A_22 = arith.cmpi eq, %jit3A_21, %eq3A : i32
      %jit3A_23 = arith.constant 1 : i32
      %select_n3A_24 = arith.select %eq3A_22, %jit3A_23, %jit3A_21 : i32
      %rem3A_25 = arith.remsi %mul3A_4, %select_n3A_24 : i32
      %ne3A_26 = arith.constant 0 : i32
      %ne3A_27 = arith.cmpi ne, %rem3A_25, %ne3A_26 : i32
      %lt3A_28 = arith.constant 0 : i32
      %lt3A_29 = arith.cmpi slt, %rem3A_25, %lt3A_28 : i32
      %lt3A_30 = arith.constant 0 : i32
      %lt3A_31 = arith.cmpi slt, %select_n3A_24, %lt3A_30 : i32
      %ne3A_32 = arith.xori %lt3A_29, %lt3A_31 : i1
      %and3A_33 = arith.andi %ne3A_32, %ne3A_27 : i1
      %add3A_34 = arith.addi %rem3A_25, %select_n3A_24 : i32
      %select_n3A_35 = arith.select %and3A_33, %add3A_34, %rem3A_25 : i32
      %add3A_36 = arith.constant 4 : i32
      %add3A_37 = arith.addi %add3A_36, %select_n3A : i32
      %mul3A_38 = arith.constant 3 : i32
      %mul3A_39 = arith.muli %add3A_37, %mul3A_38 : i32
      %add3A_40 = arith.constant 0 : i32
      %add3A_41 = arith.addi %mul3A_39, %add3A_40 : i32
      %mul3A_42 = arith.constant 208 : i32
      %mul3A_43 = arith.muli %add3A_41, %mul3A_42 : i32
      %add3A_44 = arith.addi %mul3A_43, %select_n3A_35 : i32
      %jit3A_45 = arith.constant 8 : i32
      %div3A_46 = arith.divsi %add3A_44, %jit3A_45 : i32
      %sign3A_47 = arith.constant 0 : i32
      %sign3A_48 = arith.cmpi sgt, %add3A_44, %sign3A_47 : i32
      %sign3A_49 = arith.extui %sign3A_48 : i1 to i32
      %sign3A_50 = arith.constant 0 : i32
      %sign3A_51 = arith.cmpi slt, %add3A_44, %sign3A_50 : i32
      %sign3A_52 = arith.extui %sign3A_51 : i1 to i32
      %sign3A_53 = arith.subi %sign3A_49, %sign3A_52 : i32
      %sign3A_54 = arith.constant 0 : i32
      %sign3A_55 = arith.cmpi sgt, %jit3A_45, %sign3A_54 : i32
      %sign3A_56 = arith.extui %sign3A_55 : i1 to i32
      %sign3A_57 = arith.constant 0 : i32
      %sign3A_58 = arith.cmpi slt, %jit3A_45, %sign3A_57 : i32
      %sign3A_59 = arith.extui %sign3A_58 : i1 to i32
      %sign3A_60 = arith.subi %sign3A_56, %sign3A_59 : i32
      %ne3A_61 = arith.cmpi ne, %sign3A_53, %sign3A_60 : i32
      %rem3A_62 = arith.remsi %add3A_44, %jit3A_45 : i32
      %ne3A_63 = arith.constant 0 : i32
      %ne3A_64 = arith.cmpi ne, %rem3A_62, %ne3A_63 : i32
      %and3A_65 = arith.andi %ne3A_61, %ne3A_64 : i1
      %sub3A_66 = arith.constant 1 : i32
      %sub3A_67 = arith.subi %div3A_46, %sub3A_66 : i32
      %select_n3A_68 = arith.select %and3A_65, %sub3A_67, %div3A_46 : i32
      %mul3A_69 = arith.constant 8 : i32
      %mul3A_70 = arith.muli %select_n3A_68, %mul3A_69 : i32
      %sub3A_71 = arith.subi %add3A_44, %mul3A_70 : i32
      "tpu.region"() ({
        %run_scoped3A = tpu.sem_alloc : memref<!tpu.dma_semaphore, #tpu.memory_space<semaphore_mem>>
        %dma_start3A = arith.constant 0 : i32
        %dma_start3A_165 = tpu.memref_slice %arg2[%mul3A_70, %dma_start3A] : memref<4992x256xf32, #tpu.memory_space<hbm>> -> memref<40x256xf32, #tpu.memory_space<hbm>>
        %dma_start3A_166 = arith.constant 0 : i32
        %dma_start3A_167 = tpu.memref_slice %arg2[%mul3A_70, %dma_start3A_166] : memref<4992x256xf32, #tpu.memory_space<hbm>> -> memref<40x256xf32, #tpu.memory_space<hbm>>
        tpu.enqueue_dma source(%dma_start3A_167 : memref<40x256xf32, #tpu.memory_space<hbm>>) target(%arg4 : memref<40x256xf32, #tpu.memory_space<vmem>>) target_semaphore(%run_scoped3A : memref<!tpu.dma_semaphore, #tpu.memory_space<semaphore_mem>>)
        %dma_wait3A = arith.constant 0 : i32
        %dma_wait3A_168 = tpu.memref_slice %arg2[%mul3A_70, %dma_wait3A] : memref<4992x256xf32, #tpu.memory_space<hbm>> -> memref<40x256xf32, #tpu.memory_space<hbm>>
        %dma_wait3A_169 = arith.constant 0 : i32
        %dma_wait3A_170 = tpu.memref_slice %arg2[%mul3A_70, %dma_wait3A_169] : memref<4992x256xf32, #tpu.memory_space<hbm>> -> memref<40x256xf32, #tpu.memory_space<hbm>>
        tpu.wait_dma2 semaphore(%run_scoped3A : memref<!tpu.dma_semaphore, #tpu.memory_space<semaphore_mem>>) src(%dma_wait3A_170 : memref<40x256xf32, #tpu.memory_space<hbm>>) dst(%arg4 : memref<40x256xf32, #tpu.memory_space<vmem>>)
        tpu.yield
      }) : () -> ()
      %add3A_72 = arith.constant 4 : i32
      %add3A_73 = arith.addi %add3A_72, %select_n3A : i32
      %mul3A_74 = arith.constant 3 : i32
      %mul3A_75 = arith.muli %add3A_73, %mul3A_74 : i32
      %add3A_76 = arith.constant 1 : i32
      %add3A_77 = arith.addi %mul3A_75, %add3A_76 : i32
      %mul3A_78 = arith.constant 208 : i32
      %mul3A_79 = arith.muli %add3A_77, %mul3A_78 : i32
      %add3A_80 = arith.addi %mul3A_79, %select_n3A_35 : i32
      %jit3A_81 = arith.constant 8 : i32
      %div3A_82 = arith.divsi %add3A_80, %jit3A_81 : i32
      %sign3A_83 = arith.constant 0 : i32
      %sign3A_84 = arith.cmpi sgt, %add3A_80, %sign3A_83 : i32
      %sign3A_85 = arith.extui %sign3A_84 : i1 to i32
      %sign3A_86 = arith.constant 0 : i32
      %sign3A_87 = arith.cmpi slt, %add3A_80, %sign3A_86 : i32
      %sign3A_88 = arith.extui %sign3A_87 : i1 to i32
      %sign3A_89 = arith.subi %sign3A_85, %sign3A_88 : i32
      %sign3A_90 = arith.constant 0 : i32
      %sign3A_91 = arith.cmpi sgt, %jit3A_81, %sign3A_90 : i32
      %sign3A_92 = arith.extui %sign3A_91 : i1 to i32
      %sign3A_93 = arith.constant 0 : i32
      %sign3A_94 = arith.cmpi slt, %jit3A_81, %sign3A_93 : i32
      %sign3A_95 = arith.extui %sign3A_94 : i1 to i32
      %sign3A_96 = arith.subi %sign3A_92, %sign3A_95 : i32
      %ne3A_97 = arith.cmpi ne, %sign3A_89, %sign3A_96 : i32
      %rem3A_98 = arith.remsi %add3A_80, %jit3A_81 : i32
      %ne3A_99 = arith.constant 0 : i32
      %ne3A_100 = arith.cmpi ne, %rem3A_98, %ne3A_99 : i32
      %and3A_101 = arith.andi %ne3A_97, %ne3A_100 : i1
      %sub3A_102 = arith.constant 1 : i32
      %sub3A_103 = arith.subi %div3A_82, %sub3A_102 : i32
      %select_n3A_104 = arith.select %and3A_101, %sub3A_103, %div3A_82 : i32
      %mul3A_105 = arith.constant 8 : i32
      %mul3A_106 = arith.muli %select_n3A_104, %mul3A_105 : i32
      %sub3A_107 = arith.subi %add3A_80, %mul3A_106 : i32
      "tpu.region"() ({
        %run_scoped3A = tpu.sem_alloc : memref<!tpu.dma_semaphore, #tpu.memory_space<semaphore_mem>>
        %dma_start3A = arith.constant 0 : i32
        %dma_start3A_165 = tpu.memref_slice %arg2[%mul3A_106, %dma_start3A] : memref<4992x256xf32, #tpu.memory_space<hbm>> -> memref<40x256xf32, #tpu.memory_space<hbm>>
        %dma_start3A_166 = arith.constant 0 : i32
        %dma_start3A_167 = tpu.memref_slice %arg2[%mul3A_106, %dma_start3A_166] : memref<4992x256xf32, #tpu.memory_space<hbm>> -> memref<40x256xf32, #tpu.memory_space<hbm>>
        tpu.enqueue_dma source(%dma_start3A_167 : memref<40x256xf32, #tpu.memory_space<hbm>>) target(%arg5 : memref<40x256xf32, #tpu.memory_space<vmem>>) target_semaphore(%run_scoped3A : memref<!tpu.dma_semaphore, #tpu.memory_space<semaphore_mem>>)
        %dma_wait3A = arith.constant 0 : i32
        %dma_wait3A_168 = tpu.memref_slice %arg2[%mul3A_106, %dma_wait3A] : memref<4992x256xf32, #tpu.memory_space<hbm>> -> memref<40x256xf32, #tpu.memory_space<hbm>>
        %dma_wait3A_169 = arith.constant 0 : i32
        %dma_wait3A_170 = tpu.memref_slice %arg2[%mul3A_106, %dma_wait3A_169] : memref<4992x256xf32, #tpu.memory_space<hbm>> -> memref<40x256xf32, #tpu.memory_space<hbm>>
        tpu.wait_dma2 semaphore(%run_scoped3A : memref<!tpu.dma_semaphore, #tpu.memory_space<semaphore_mem>>) src(%dma_wait3A_170 : memref<40x256xf32, #tpu.memory_space<hbm>>) dst(%arg5 : memref<40x256xf32, #tpu.memory_space<vmem>>)
        tpu.yield
      }) : () -> ()
      %add3A_108 = arith.constant 4 : i32
      %add3A_109 = arith.addi %add3A_108, %select_n3A : i32
      %mul3A_110 = arith.constant 3 : i32
      %mul3A_111 = arith.muli %add3A_109, %mul3A_110 : i32
      %add3A_112 = arith.constant 2 : i32
      %add3A_113 = arith.addi %mul3A_111, %add3A_112 : i32
      %mul3A_114 = arith.constant 208 : i32
      %mul3A_115 = arith.muli %add3A_113, %mul3A_114 : i32
      %add3A_116 = arith.addi %mul3A_115, %select_n3A_35 : i32
      %jit3A_117 = arith.constant 8 : i32
      %div3A_118 = arith.divsi %add3A_116, %jit3A_117 : i32
      %sign3A_119 = arith.constant 0 : i32
      %sign3A_120 = arith.cmpi sgt, %add3A_116, %sign3A_119 : i32
      %sign3A_121 = arith.extui %sign3A_120 : i1 to i32
      %sign3A_122 = arith.constant 0 : i32
      %sign3A_123 = arith.cmpi slt, %add3A_116, %sign3A_122 : i32
      %sign3A_124 = arith.extui %sign3A_123 : i1 to i32
      %sign3A_125 = arith.subi %sign3A_121, %sign3A_124 : i32
      %sign3A_126 = arith.constant 0 : i32
      %sign3A_127 = arith.cmpi sgt, %jit3A_117, %sign3A_126 : i32
      %sign3A_128 = arith.extui %sign3A_127 : i1 to i32
      %sign3A_129 = arith.constant 0 : i32
      %sign3A_130 = arith.cmpi slt, %jit3A_117, %sign3A_129 : i32
      %sign3A_131 = arith.extui %sign3A_130 : i1 to i32
      %sign3A_132 = arith.subi %sign3A_128, %sign3A_131 : i32
      %ne3A_133 = arith.cmpi ne, %sign3A_125, %sign3A_132 : i32
      %rem3A_134 = arith.remsi %add3A_116, %jit3A_117 : i32
      %ne3A_135 = arith.constant 0 : i32
      %ne3A_136 = arith.cmpi ne, %rem3A_134, %ne3A_135 : i32
      %and3A_137 = arith.andi %ne3A_133, %ne3A_136 : i1
      %sub3A_138 = arith.constant 1 : i32
      %sub3A_139 = arith.subi %div3A_118, %sub3A_138 : i32
      %select_n3A_140 = arith.select %and3A_137, %sub3A_139, %div3A_118 : i32
      %mul3A_141 = arith.constant 8 : i32
      %mul3A_142 = arith.muli %select_n3A_140, %mul3A_141 : i32
      %sub3A_143 = arith.subi %add3A_116, %mul3A_142 : i32
      "tpu.region"() ({
        %run_scoped3A = tpu.sem_alloc : memref<!tpu.dma_semaphore, #tpu.memory_space<semaphore_mem>>
        %dma_start3A = arith.constant 0 : i32
        %dma_start3A_165 = tpu.memref_slice %arg2[%mul3A_142, %dma_start3A] : memref<4992x256xf32, #tpu.memory_space<hbm>> -> memref<40x256xf32, #tpu.memory_space<hbm>>
        %dma_start3A_166 = arith.constant 0 : i32
        %dma_start3A_167 = tpu.memref_slice %arg2[%mul3A_142, %dma_start3A_166] : memref<4992x256xf32, #tpu.memory_space<hbm>> -> memref<40x256xf32, #tpu.memory_space<hbm>>
        tpu.enqueue_dma source(%dma_start3A_167 : memref<40x256xf32, #tpu.memory_space<hbm>>) target(%arg6 : memref<40x256xf32, #tpu.memory_space<vmem>>) target_semaphore(%run_scoped3A : memref<!tpu.dma_semaphore, #tpu.memory_space<semaphore_mem>>)
        %dma_wait3A = arith.constant 0 : i32
        %dma_wait3A_168 = tpu.memref_slice %arg2[%mul3A_142, %dma_wait3A] : memref<4992x256xf32, #tpu.memory_space<hbm>> -> memref<40x256xf32, #tpu.memory_space<hbm>>
        %dma_wait3A_169 = arith.constant 0 : i32
        %dma_wait3A_170 = tpu.memref_slice %arg2[%mul3A_142, %dma_wait3A_169] : memref<4992x256xf32, #tpu.memory_space<hbm>> -> memref<40x256xf32, #tpu.memory_space<hbm>>
        tpu.wait_dma2 semaphore(%run_scoped3A : memref<!tpu.dma_semaphore, #tpu.memory_space<semaphore_mem>>) src(%dma_wait3A_170 : memref<40x256xf32, #tpu.memory_space<hbm>>) dst(%arg6 : memref<40x256xf32, #tpu.memory_space<vmem>>)
        tpu.yield
      }) : () -> ()
      %iota3A = tpu.iota {dimensions = array<i32: 0>} : vector<16xi32>
      %broadcast_in_dim3A = arith.constant 0x7F800000 : f32
      %broadcast_in_dim3A_144 = vector.broadcast %broadcast_in_dim3A : f32 to vector<16xf32>
      %broadcast_in_dim3A_145 = arith.constant 0 : i32
      %broadcast_in_dim3A_146 = vector.broadcast %broadcast_in_dim3A_145 : i32 to vector<16xi32>
      %lt3A_147 = arith.constant 8 : i32
      %lt3A_148 = vector.broadcast %lt3A_147 : i32 to vector<16xi32>
      %lt3A_149 = arith.cmpi slt, %iota3A, %lt3A_148 : vector<16xi32>
      %jit3A_150 = arith.constant 0 : i32
      %jit3A_151 = arith.constant 1073741824 : i32
      %broadcast_in_dim3A_152 = vector.broadcast %jit3A_150 : i32 to vector<16xi32>
      %broadcast_in_dim3A_153 = vector.broadcast %jit3A_151 : i32 to vector<16xi32>
      %select_n3A_154 = arith.select %lt3A_149, %broadcast_in_dim3A_152, %broadcast_in_dim3A_153 : vector<16xi1>, vector<16xi32>
      %scan3A = arith.constant 0 : i32
      %scan3A_155 = arith.constant 0 : i32
      %scan3A_156 = arith.constant 28 : i32
      %scan3A_157 = arith.addi %scan3A_155, %scan3A_156 : i32
      %scan3A_158 = arith.constant 1 : i32
      %scan3A_159 = scf.for %scan3A_165 = %scan3A_155 to %scan3A_157 step %scan3A_158 iter_args(%scan3A_166 = %scan3A) -> (i32)  : i32 {
        %add3A_167 = arith.addi %scan3A_165, %sub3A_71 : i32
        %get3A = arith.index_cast %add3A_167 : i32 to index
        %get3A_168 = arith.constant 0 : index
        %get3A_169 = tpu.vector_load %arg4[%get3A, %get3A_168] {strides = array<i32>} : memref<40x256xf32, #tpu.memory_space<vmem>>, vector<16xf32>,
        %add3A_170 = arith.constant 0 : i32
        %add3A_171 = vector.broadcast %add3A_170 : i32 to vector<16xi32>
        %add3A_172 = arith.addi %add3A_171, %iota3A : vector<16xi32>
        %masked_sort3A = arith.constant dense<true> : vector<16xi1>
        %masked_sort3A_173, %masked_sort3A_174, %masked_sort3A_175 = tpu.sort %get3A_169, %add3A_172 masked %masked_sort3A : (vector<16xf32>, vector<16xi32>, vector<16xi1>) -> (vector<16xi1>, vector<16xf32>, vector<16xi32>)
        %rev3A = arith.constant 15 : i32
        %rev3A_176 = vector.broadcast %rev3A : i32 to vector<16xi32>
        %rev3A_177 = tpu.iota {dimensions = array<i32: 0>} : vector<16xi32>
        %rev3A_178 = arith.subi %rev3A_176, %rev3A_177 : vector<16xi32>
        %rev3A_179 = tpu.dynamic_gather %masked_sort3A_174[%rev3A_178] in [0] : vector<16xf32>, vector<16xi32> -> vector<16xf32>
        %rev3A_180 = arith.constant 15 : i32
        %rev3A_181 = vector.broadcast %rev3A_180 : i32 to vector<16xi32>
        %rev3A_182 = tpu.iota {dimensions = array<i32: 0>} : vector<16xi32>
        %rev3A_183 = arith.subi %rev3A_181, %rev3A_182 : vector<16xi32>
        %rev3A_184 = tpu.dynamic_gather %masked_sort3A_175[%rev3A_183] in [0] : vector<16xi32>, vector<16xi32> -> vector<16xi32>
        %le3A = arith.cmpf ole, %broadcast_in_dim3A_144, %rev3A_179 : vector<16xf32>
        %select_n3A_185 = arith.select %le3A, %broadcast_in_dim3A_144, %rev3A_179 : vector<16xi1>, vector<16xf32>
        %select_n3A_186 = arith.select %le3A, %broadcast_in_dim3A_146, %rev3A_184 : vector<16xi1>, vector<16xi32>
        %masked_sort3A_187 = arith.constant dense<true> : vector<16xi1>
        %masked_sort3A_188, %masked_sort3A_189, %masked_sort3A_190 = tpu.sort %select_n3A_185, %select_n3A_186 masked %masked_sort3A_187 : (vector<16xf32>, vector<16xi32>, vector<16xi1>) -> (vector<16xi1>, vector<16xf32>, vector<16xi32>)
        %add3A_191 = arith.addi %scan3A_165, %sub3A_107 : i32
        %get3A_192 = arith.index_cast %add3A_191 : i32 to index
        %get3A_193 = arith.constant 0 : index
        %get3A_194 = tpu.vector_load %arg5[%get3A_192, %get3A_193] {strides = array<i32>} : memref<40x256xf32, #tpu.memory_space<vmem>>, vector<16xf32>,
        %add3A_195 = arith.constant 0 : i32
        %add3A_196 = vector.broadcast %add3A_195 : i32 to vector<16xi32>
        %add3A_197 = arith.addi %add3A_196, %iota3A : vector<16xi32>
        %masked_sort3A_198 = arith.constant dense<true> : vector<16xi1>
        %masked_sort3A_199, %masked_sort3A_200, %masked_sort3A_201 = tpu.sort %get3A_194, %add3A_197 masked %masked_sort3A_198 : (vector<16xf32>, vector<16xi32>, vector<16xi1>) -> (vector<16xi1>, vector<16xf32>, vector<16xi32>)
        %rev3A_202 = arith.constant 15 : i32
        %rev3A_203 = vector.broadcast %rev3A_202 : i32 to vector<16xi32>
        %rev3A_204 = tpu.iota {dimensions = array<i32: 0>} : vector<16xi32>
        %rev3A_205 = arith.subi %rev3A_203, %rev3A_204 : vector<16xi32>
        %rev3A_206 = tpu.dynamic_gather %masked_sort3A_200[%rev3A_205] in [0] : vector<16xf32>, vector<16xi32> -> vector<16xf32>
        %rev3A_207 = arith.constant 15 : i32
        %rev3A_208 = vector.broadcast %rev3A_207 : i32 to vector<16xi32>
        %rev3A_209 = tpu.iota {dimensions = array<i32: 0>} : vector<16xi32>
        %rev3A_210 = arith.subi %rev3A_208, %rev3A_209 : vector<16xi32>
        %rev3A_211 = tpu.dynamic_gather %masked_sort3A_201[%rev3A_210] in [0] : vector<16xi32>, vector<16xi32> -> vector<16xi32>
        %le3A_212 = arith.cmpf ole, %broadcast_in_dim3A_144, %rev3A_206 : vector<16xf32>
        %select_n3A_213 = arith.select %le3A_212, %broadcast_in_dim3A_144, %rev3A_206 : vector<16xi1>, vector<16xf32>
        %select_n3A_214 = arith.select %le3A_212, %broadcast_in_dim3A_146, %rev3A_211 : vector<16xi1>, vector<16xi32>
        %masked_sort3A_215 = arith.constant dense<true> : vector<16xi1>
        %masked_sort3A_216, %masked_sort3A_217, %masked_sort3A_218 = tpu.sort %select_n3A_213, %select_n3A_214 masked %masked_sort3A_215 : (vector<16xf32>, vector<16xi32>, vector<16xi1>) -> (vector<16xi1>, vector<16xf32>, vector<16xi32>)
        %add3A_219 = arith.addi %scan3A_165, %sub3A_143 : i32
        %get3A_220 = arith.index_cast %add3A_219 : i32 to index
        %get3A_221 = arith.constant 0 : index
        %get3A_222 = tpu.vector_load %arg6[%get3A_220, %get3A_221] {strides = array<i32>} : memref<40x256xf32, #tpu.memory_space<vmem>>, vector<16xf32>,
        %add3A_223 = arith.constant 0 : i32
        %add3A_224 = vector.broadcast %add3A_223 : i32 to vector<16xi32>
        %add3A_225 = arith.addi %add3A_224, %iota3A : vector<16xi32>
        %masked_sort3A_226 = arith.constant dense<true> : vector<16xi1>
        %masked_sort3A_227, %masked_sort3A_228, %masked_sort3A_229 = tpu.sort %get3A_222, %add3A_225 masked %masked_sort3A_226 : (vector<16xf32>, vector<16xi32>, vector<16xi1>) -> (vector<16xi1>, vector<16xf32>, vector<16xi32>)
        %rev3A_230 = arith.constant 15 : i32
        %rev3A_231 = vector.broadcast %rev3A_230 : i32 to vector<16xi32>
        %rev3A_232 = tpu.iota {dimensions = array<i32: 0>} : vector<16xi32>
        %rev3A_233 = arith.subi %rev3A_231, %rev3A_232 : vector<16xi32>
        %rev3A_234 = tpu.dynamic_gather %masked_sort3A_228[%rev3A_233] in [0] : vector<16xf32>, vector<16xi32> -> vector<16xf32>
        %rev3A_235 = arith.constant 15 : i32
        %rev3A_236 = vector.broadcast %rev3A_235 : i32 to vector<16xi32>
        %rev3A_237 = tpu.iota {dimensions = array<i32: 0>} : vector<16xi32>
        %rev3A_238 = arith.subi %rev3A_236, %rev3A_237 : vector<16xi32>
        %rev3A_239 = tpu.dynamic_gather %masked_sort3A_229[%rev3A_238] in [0] : vector<16xi32>, vector<16xi32> -> vector<16xi32>
        %le3A_240 = arith.cmpf ole, %broadcast_in_dim3A_144, %rev3A_234 : vector<16xf32>
        %select_n3A_241 = arith.select %le3A_240, %broadcast_in_dim3A_144, %rev3A_234 : vector<16xi1>, vector<16xf32>
        %select_n3A_242 = arith.select %le3A_240, %broadcast_in_dim3A_146, %rev3A_239 : vector<16xi1>, vector<16xi32>
        %masked_sort3A_243 = arith.constant dense<true> : vector<16xi1>
        %masked_sort3A_244, %masked_sort3A_245, %masked_sort3A_246 = tpu.sort %select_n3A_241, %select_n3A_242 masked %masked_sort3A_243 : (vector<16xf32>, vector<16xi32>, vector<16xi1>) -> (vector<16xi1>, vector<16xf32>, vector<16xi32>)
        %add3A_247 = arith.addi %scan3A_165, %sub3A_71 : i32
        %get3A_248 = arith.index_cast %add3A_247 : i32 to index
        %get3A_249 = arith.constant 16 : index
        %get3A_250 = tpu.vector_load %arg4[%get3A_248, %get3A_249] {strides = array<i32>} : memref<40x256xf32, #tpu.memory_space<vmem>>, vector<16xf32>,
        %add3A_251 = arith.constant 16 : i32
        %add3A_252 = vector.broadcast %add3A_251 : i32 to vector<16xi32>
        %add3A_253 = arith.addi %add3A_252, %iota3A : vector<16xi32>
        %masked_sort3A_254 = arith.constant dense<true> : vector<16xi1>
        %masked_sort3A_255, %masked_sort3A_256, %masked_sort3A_257 = tpu.sort %get3A_250, %add3A_253 masked %masked_sort3A_254 : (vector<16xf32>, vector<16xi32>, vector<16xi1>) -> (vector<16xi1>, vector<16xf32>, vector<16xi32>)
        %rev3A_258 = arith.constant 15 : i32
        %rev3A_259 = vector.broadcast %rev3A_258 : i32 to vector<16xi32>
        %rev3A_260 = tpu.iota {dimensions = array<i32: 0>} : vector<16xi32>
        %rev3A_261 = arith.subi %rev3A_259, %rev3A_260 : vector<16xi32>
        %rev3A_262 = tpu.dynamic_gather %masked_sort3A_256[%rev3A_261] in [0] : vector<16xf32>, vector<16xi32> -> vector<16xf32>
        %rev3A_263 = arith.constant 15 : i32
        %rev3A_264 = vector.broadcast %rev3A_263 : i32 to vector<16xi32>
        %rev3A_265 = tpu.iota {dimensions = array<i32: 0>} : vector<16xi32>
        %rev3A_266 = arith.subi %rev3A_264, %rev3A_265 : vector<16xi32>
        %rev3A_267 = tpu.dynamic_gather %masked_sort3A_257[%rev3A_266] in [0] : vector<16xi32>, vector<16xi32> -> vector<16xi32>
        %le3A_268 = arith.cmpf ole, %masked_sort3A_189, %rev3A_262 : vector<16xf32>
        %select_n3A_269 = arith.select %le3A_268, %masked_sort3A_189, %rev3A_262 : vector<16xi1>, vector<16xf32>
        %select_n3A_270 = arith.select %le3A_268, %masked_sort3A_190, %rev3A_267 : vector<16xi1>, vector<16xi32>
        %masked_sort3A_271 = arith.constant dense<true> : vector<16xi1>
        %masked_sort3A_272, %masked_sort3A_273, %masked_sort3A_274 = tpu.sort %select_n3A_269, %select_n3A_270 masked %masked_sort3A_271 : (vector<16xf32>, vector<16xi32>, vector<16xi1>) -> (vector<16xi1>, vector<16xf32>, vector<16xi32>)
        %add3A_275 = arith.addi %scan3A_165, %sub3A_107 : i32
        %get3A_276 = arith.index_cast %add3A_275 : i32 to index
        %get3A_277 = arith.constant 16 : index
        %get3A_278 = tpu.vector_load %arg5[%get3A_276, %get3A_277] {strides = array<i32>} : memref<40x256xf32, #tpu.memory_space<vmem>>, vector<16xf32>,
        %add3A_279 = arith.constant 16 : i32
        %add3A_280 = vector.broadcast %add3A_279 : i32 to vector<16xi32>
        %add3A_281 = arith.addi %add3A_280, %iota3A : vector<16xi32>
        %masked_sort3A_282 = arith.constant dense<true> : vector<16xi1>
        %masked_sort3A_283, %masked_sort3A_284, %masked_sort3A_285 = tpu.sort %get3A_278, %add3A_281 masked %masked_sort3A_282 : (vector<16xf32>, vector<16xi32>, vector<16xi1>) -> (vector<16xi1>, vector<16xf32>, vector<16xi32>)
        %rev3A_286 = arith.constant 15 : i32
        %rev3A_287 = vector.broadcast %rev3A_286 : i32 to vector<16xi32>
        %rev3A_288 = tpu.iota {dimensions = array<i32: 0>} : vector<16xi32>
        %rev3A_289 = arith.subi %rev3A_287, %rev3A_288 : vector<16xi32>
        %rev3A_290 = tpu.dynamic_gather %masked_sort3A_284[%rev3A_289] in [0] : vector<16xf32>, vector<16xi32> -> vector<16xf32>
        %rev3A_291 = arith.constant 15 : i32
        %rev3A_292 = vector.broadcast %rev3A_291 : i32 to vector<16xi32>
        %rev3A_293 = tpu.iota {dimensions = array<i32: 0>} : vector<16xi32>
        %rev3A_294 = arith.subi %rev3A_292, %rev3A_293 : vector<16xi32>
        %rev3A_295 = tpu.dynamic_gather %masked_sort3A_285[%rev3A_294] in [0] : vector<16xi32>, vector<16xi32> -> vector<16xi32>
        %le3A_296 = arith.cmpf ole, %masked_sort3A_217, %rev3A_290 : vector<16xf32>
        %select_n3A_297 = arith.select %le3A_296, %masked_sort3A_217, %rev3A_290 : vector<16xi1>, vector<16xf32>
        %select_n3A_298 = arith.select %le3A_296, %masked_sort3A_218, %rev3A_295 : vector<16xi1>, vector<16xi32>
        %masked_sort3A_299 = arith.constant dense<true> : vector<16xi1>
        %masked_sort3A_300, %masked_sort3A_301, %masked_sort3A_302 = tpu.sort %select_n3A_297, %select_n3A_298 masked %masked_sort3A_299 : (vector<16xf32>, vector<16xi32>, vector<16xi1>) -> (vector<16xi1>, vector<16xf32>, vector<16xi32>)
        %add3A_303 = arith.addi %scan3A_165, %sub3A_143 : i32
        %get3A_304 = arith.index_cast %add3A_303 : i32 to index
        %get3A_305 = arith.constant 16 : index
        %get3A_306 = tpu.vector_load %arg6[%get3A_304, %get3A_305] {strides = array<i32>} : memref<40x256xf32, #tpu.memory_space<vmem>>, vector<16xf32>,
        %add3A_307 = arith.constant 16 : i32
        %add3A_308 = vector.broadcast %add3A_307 : i32 to vector<16xi32>
        %add3A_309 = arith.addi %add3A_308, %iota3A : vector<16xi32>
        %masked_sort3A_310 = arith.constant dense<true> : vector<16xi1>
        %masked_sort3A_311, %masked_sort3A_312, %masked_sort3A_313 = tpu.sort %get3A_306, %add3A_309 masked %masked_sort3A_310 : (vector<16xf32>, vector<16xi32>, vector<16xi1>) -> (vector<16xi1>, vector<16xf32>, vector<16xi32>)
        %rev3A_314 = arith.constant 15 : i32
        %rev3A_315 = vector.broadcast %rev3A_314 : i32 to vector<16xi32>
        %rev3A_316 = tpu.iota {dimensions = array<i32: 0>} : vector<16xi32>
        %rev3A_317 = arith.subi %rev3A_315, %rev3A_316 : vector<16xi32>
        %rev3A_318 = tpu.dynamic_gather %masked_sort3A_312[%rev3A_317] in [0] : vector<16xf32>, vector<16xi32> -> vector<16xf32>
        %rev3A_319 = arith.constant 15 : i32
        %rev3A_320 = vector.broadcast %rev3A_319 : i32 to vector<16xi32>
        %rev3A_321 = tpu.iota {dimensions = array<i32: 0>} : vector<16xi32>
        %rev3A_322 = arith.subi %rev3A_320, %rev3A_321 : vector<16xi32>
        %rev3A_323 = tpu.dynamic_gather %masked_sort3A_313[%rev3A_322] in [0] : vector<16xi32>, vector<16xi32> -> vector<16xi32>
        %le3A_324 = arith.cmpf ole, %masked_sort3A_245, %rev3A_318 : vector<16xf32>
        %select_n3A_325 = arith.select %le3A_324, %masked_sort3A_245, %rev3A_318 : vector<16xi1>, vector<16xf32>
        %select_n3A_326 = arith.select %le3A_324, %masked_sort3A_246, %rev3A_323 : vector<16xi1>, vector<16xi32>
        %masked_sort3A_327 = arith.constant dense<true> : vector<16xi1>
        %masked_sort3A_328, %masked_sort3A_329, %masked_sort3A_330 = tpu.sort %select_n3A_325, %select_n3A_326 masked %masked_sort3A_327 : (vector<16xf32>, vector<16xi32>, vector<16xi1>) -> (vector<16xi1>, vector<16xf32>, vector<16xi32>)
        %add3A_331 = arith.addi %scan3A_165, %sub3A_71 : i32
        %get3A_332 = arith.index_cast %add3A_331 : i32 to index
        %get3A_333 = arith.constant 32 : index
        %get3A_334 = tpu.vector_load %arg4[%get3A_332, %get3A_333] {strides = array<i32>} : memref<40x256xf32, #tpu.memory_space<vmem>>, vector<16xf32>,
        %add3A_335 = arith.constant 32 : i32
        %add3A_336 = vector.broadcast %add3A_335 : i32 to vector<16xi32>
        %add3A_337 = arith.addi %add3A_336, %iota3A : vector<16xi32>
        %masked_sort3A_338 = arith.constant dense<true> : vector<16xi1>
        %masked_sort3A_339, %masked_sort3A_340, %masked_sort3A_341 = tpu.sort %get3A_334, %add3A_337 masked %masked_sort3A_338 : (vector<16xf32>, vector<16xi32>, vector<16xi1>) -> (vector<16xi1>, vector<16xf32>, vector<16xi32>)
        %rev3A_342 = arith.constant 15 : i32
        %rev3A_343 = vector.broadcast %rev3A_342 : i32 to vector<16xi32>
        %rev3A_344 = tpu.iota {dimensions = array<i32: 0>} : vector<16xi32>
        %rev3A_345 = arith.subi %rev3A_343, %rev3A_344 : vector<16xi32>
        %rev3A_346 = tpu.dynamic_gather %masked_sort3A_340[%rev3A_345] in [0] : vector<16xf32>, vector<16xi32> -> vector<16xf32>
        %rev3A_347 = arith.constant 15 : i32
        %rev3A_348 = vector.broadcast %rev3A_347 : i32 to vector<16xi32>
        %rev3A_349 = tpu.iota {dimensions = array<i32: 0>} : vector<16xi32>
        %rev3A_350 = arith.subi %rev3A_348, %rev3A_349 : vector<16xi32>
        %rev3A_351 = tpu.dynamic_gather %masked_sort3A_341[%rev3A_350] in [0] : vector<16xi32>, vector<16xi32> -> vector<16xi32>
        %le3A_352 = arith.cmpf ole, %masked_sort3A_273, %rev3A_346 : vector<16xf32>
        %select_n3A_353 = arith.select %le3A_352, %masked_sort3A_273, %rev3A_346 : vector<16xi1>, vector<16xf32>
        %select_n3A_354 = arith.select %le3A_352, %masked_sort3A_274, %rev3A_351 : vector<16xi1>, vector<16xi32>
        %masked_sort3A_355 = arith.constant dense<true> : vector<16xi1>
        %masked_sort3A_356, %masked_sort3A_357, %masked_sort3A_358 = tpu.sort %select_n3A_353, %select_n3A_354 masked %masked_sort3A_355 : (vector<16xf32>, vector<16xi32>, vector<16xi1>) -> (vector<16xi1>, vector<16xf32>, vector<16xi32>)
        %add3A_359 = arith.addi %scan3A_165, %sub3A_107 : i32
        %get3A_360 = arith.index_cast %add3A_359 : i32 to index
        %get3A_361 = arith.constant 32 : index
        %get3A_362 = tpu.vector_load %arg5[%get3A_360, %get3A_361] {strides = array<i32>} : memref<40x256xf32, #tpu.memory_space<vmem>>, vector<16xf32>,
        %add3A_363 = arith.constant 32 : i32
        %add3A_364 = vector.broadcast %add3A_363 : i32 to vector<16xi32>
        %add3A_365 = arith.addi %add3A_364, %iota3A : vector<16xi32>
        %masked_sort3A_366 = arith.constant dense<true> : vector<16xi1>
        %masked_sort3A_367, %masked_sort3A_368, %masked_sort3A_369 = tpu.sort %get3A_362, %add3A_365 masked %masked_sort3A_366 : (vector<16xf32>, vector<16xi32>, vector<16xi1>) -> (vector<16xi1>, vector<16xf32>, vector<16xi32>)
        %rev3A_370 = arith.constant 15 : i32
        %rev3A_371 = vector.broadcast %rev3A_370 : i32 to vector<16xi32>
        %rev3A_372 = tpu.iota {dimensions = array<i32: 0>} : vector<16xi32>
        %rev3A_373 = arith.subi %rev3A_371, %rev3A_372 : vector<16xi32>
        %rev3A_374 = tpu.dynamic_gather %masked_sort3A_368[%rev3A_373] in [0] : vector<16xf32>, vector<16xi32> -> vector<16xf32>
        %rev3A_375 = arith.constant 15 : i32
        %rev3A_376 = vector.broadcast %rev3A_375 : i32 to vector<16xi32>
        %rev3A_377 = tpu.iota {dimensions = array<i32: 0>} : vector<16xi32>
        %rev3A_378 = arith.subi %rev3A_376, %rev3A_377 : vector<16xi32>
        %rev3A_379 = tpu.dynamic_gather %masked_sort3A_369[%rev3A_378] in [0] : vector<16xi32>, vector<16xi32> -> vector<16xi32>
        %le3A_380 = arith.cmpf ole, %masked_sort3A_301, %rev3A_374 : vector<16xf32>
        %select_n3A_381 = arith.select %le3A_380, %masked_sort3A_301, %rev3A_374 : vector<16xi1>, vector<16xf32>
        %select_n3A_382 = arith.select %le3A_380, %masked_sort3A_302, %rev3A_379 : vector<16xi1>, vector<16xi32>
        %masked_sort3A_383 = arith.constant dense<true> : vector<16xi1>
        %masked_sort3A_384, %masked_sort3A_385, %masked_sort3A_386 = tpu.sort %select_n3A_381, %select_n3A_382 masked %masked_sort3A_383 : (vector<16xf32>, vector<16xi32>, vector<16xi1>) -> (vector<16xi1>, vector<16xf32>, vector<16xi32>)
        %add3A_387 = arith.addi %scan3A_165, %sub3A_143 : i32
        %get3A_388 = arith.index_cast %add3A_387 : i32 to index
        %get3A_389 = arith.constant 32 : index
        %get3A_390 = tpu.vector_load %arg6[%get3A_388, %get3A_389] {strides = array<i32>} : memref<40x256xf32, #tpu.memory_space<vmem>>, vector<16xf32>,
        %add3A_391 = arith.constant 32 : i32
        %add3A_392 = vector.broadcast %add3A_391 : i32 to vector<16xi32>
        %add3A_393 = arith.addi %add3A_392, %iota3A : vector<16xi32>
        %masked_sort3A_394 = arith.constant dense<true> : vector<16xi1>
        %masked_sort3A_395, %masked_sort3A_396, %masked_sort3A_397 = tpu.sort %get3A_390, %add3A_393 masked %masked_sort3A_394 : (vector<16xf32>, vector<16xi32>, vector<16xi1>) -> (vector<16xi1>, vector<16xf32>, vector<16xi32>)
        %rev3A_398 = arith.constant 15 : i32
        %rev3A_399 = vector.broadcast %rev3A_398 : i32 to vector<16xi32>
        %rev3A_400 = tpu.iota {dimensions = array<i32: 0>} : vector<16xi32>
        %rev3A_401 = arith.subi %rev3A_399, %rev3A_400 : vector<16xi32>
        %rev3A_402 = tpu.dynamic_gather %masked_sort3A_396[%rev3A_401] in [0] : vector<16xf32>, vector<16xi32> -> vector<16xf32>
        %rev3A_403 = arith.constant 15 : i32
        %rev3A_404 = vector.broadcast %rev3A_403 : i32 to vector<16xi32>
        %rev3A_405 = tpu.iota {dimensions = array<i32: 0>} : vector<16xi32>
        %rev3A_406 = arith.subi %rev3A_404, %rev3A_405 : vector<16xi32>
        %rev3A_407 = tpu.dynamic_gather %masked_sort3A_397[%rev3A_406] in [0] : vector<16xi32>, vector<16xi32> -> vector<16xi32>
        %le3A_408 = arith.cmpf ole, %masked_sort3A_329, %rev3A_402 : vector<16xf32>
        %select_n3A_409 = arith.select %le3A_408, %masked_sort3A_329, %rev3A_402 : vector<16xi1>, vector<16xf32>
        %select_n3A_410 = arith.select %le3A_408, %masked_sort3A_330, %rev3A_407 : vector<16xi1>, vector<16xi32>
        %masked_sort3A_411 = arith.constant dense<true> : vector<16xi1>
        %masked_sort3A_412, %masked_sort3A_413, %masked_sort3A_414 = tpu.sort %select_n3A_409, %select_n3A_410 masked %masked_sort3A_411 : (vector<16xf32>, vector<16xi32>, vector<16xi1>) -> (vector<16xi1>, vector<16xf32>, vector<16xi32>)
        %add3A_415 = arith.addi %scan3A_165, %sub3A_71 : i32
        %get3A_416 = arith.index_cast %add3A_415 : i32 to index
        %get3A_417 = arith.constant 48 : index
        %get3A_418 = tpu.vector_load %arg4[%get3A_416, %get3A_417] {strides = array<i32>} : memref<40x256xf32, #tpu.memory_space<vmem>>, vector<16xf32>,
        %add3A_419 = arith.constant 48 : i32
        %add3A_420 = vector.broadcast %add3A_419 : i32 to vector<16xi32>
        %add3A_421 = arith.addi %add3A_420, %iota3A : vector<16xi32>
        %masked_sort3A_422 = arith.constant dense<true> : vector<16xi1>
        %masked_sort3A_423, %masked_sort3A_424, %masked_sort3A_425 = tpu.sort %get3A_418, %add3A_421 masked %masked_sort3A_422 : (vector<16xf32>, vector<16xi32>, vector<16xi1>) -> (vector<16xi1>, vector<16xf32>, vector<16xi32>)
        %rev3A_426 = arith.constant 15 : i32
        %rev3A_427 = vector.broadcast %rev3A_426 : i32 to vector<16xi32>
        %rev3A_428 = tpu.iota {dimensions = array<i32: 0>} : vector<16xi32>
        %rev3A_429 = arith.subi %rev3A_427, %rev3A_428 : vector<16xi32>
        %rev3A_430 = tpu.dynamic_gather %masked_sort3A_424[%rev3A_429] in [0] : vector<16xf32>, vector<16xi32> -> vector<16xf32>
        %rev3A_431 = arith.constant 15 : i32
        %rev3A_432 = vector.broadcast %rev3A_431 : i32 to vector<16xi32>
        %rev3A_433 = tpu.iota {dimensions = array<i32: 0>} : vector<16xi32>
        %rev3A_434 = arith.subi %rev3A_432, %rev3A_433 : vector<16xi32>
        %rev3A_435 = tpu.dynamic_gather %masked_sort3A_425[%rev3A_434] in [0] : vector<16xi32>, vector<16xi32> -> vector<16xi32>
        %le3A_436 = arith.cmpf ole, %masked_sort3A_357, %rev3A_430 : vector<16xf32>
        %select_n3A_437 = arith.select %le3A_436, %masked_sort3A_357, %rev3A_430 : vector<16xi1>, vector<16xf32>
        %select_n3A_438 = arith.select %le3A_436, %masked_sort3A_358, %rev3A_435 : vector<16xi1>, vector<16xi32>
        %masked_sort3A_439 = arith.constant dense<true> : vector<16xi1>
        %masked_sort3A_440, %masked_sort3A_441, %masked_sort3A_442 = tpu.sort %select_n3A_437, %select_n3A_438 masked %masked_sort3A_439 : (vector<16xf32>, vector<16xi32>, vector<16xi1>) -> (vector<16xi1>, vector<16xf32>, vector<16xi32>)
        %add3A_443 = arith.addi %scan3A_165, %sub3A_107 : i32
        %get3A_444 = arith.index_cast %add3A_443 : i32 to index
        %get3A_445 = arith.constant 48 : index
        %get3A_446 = tpu.vector_load %arg5[%get3A_444, %get3A_445] {strides = array<i32>} : memref<40x256xf32, #tpu.memory_space<vmem>>, vector<16xf32>,
        %add3A_447 = arith.constant 48 : i32
        %add3A_448 = vector.broadcast %add3A_447 : i32 to vector<16xi32>
        %add3A_449 = arith.addi %add3A_448, %iota3A : vector<16xi32>
        %masked_sort3A_450 = arith.constant dense<true> : vector<16xi1>
        %masked_sort3A_451, %masked_sort3A_452, %masked_sort3A_453 = tpu.sort %get3A_446, %add3A_449 masked %masked_sort3A_450 : (vector<16xf32>, vector<16xi32>, vector<16xi1>) -> (vector<16xi1>, vector<16xf32>, vector<16xi32>)
        %rev3A_454 = arith.constant 15 : i32
        %rev3A_455 = vector.broadcast %rev3A_454 : i32 to vector<16xi32>
        %rev3A_456 = tpu.iota {dimensions = array<i32: 0>} : vector<16xi32>
        %rev3A_457 = arith.subi %rev3A_455, %rev3A_456 : vector<16xi32>
        %rev3A_458 = tpu.dynamic_gather %masked_sort3A_452[%rev3A_457] in [0] : vector<16xf32>, vector<16xi32> -> vector<16xf32>
        %rev3A_459 = arith.constant 15 : i32
        %rev3A_460 = vector.broadcast %rev3A_459 : i32 to vector<16xi32>
        %rev3A_461 = tpu.iota {dimensions = array<i32: 0>} : vector<16xi32>
        %rev3A_462 = arith.subi %rev3A_460, %rev3A_461 : vector<16xi32>
        %rev3A_463 = tpu.dynamic_gather %masked_sort3A_453[%rev3A_462] in [0] : vector<16xi32>, vector<16xi32> -> vector<16xi32>
        %le3A_464 = arith.cmpf ole, %masked_sort3A_385, %rev3A_458 : vector<16xf32>
        %select_n3A_465 = arith.select %le3A_464, %masked_sort3A_385, %rev3A_458 : vector<16xi1>, vector<16xf32>
        %select_n3A_466 = arith.select %le3A_464, %masked_sort3A_386, %rev3A_463 : vector<16xi1>, vector<16xi32>
        %masked_sort3A_467 = arith.constant dense<true> : vector<16xi1>
        %masked_sort3A_468, %masked_sort3A_469, %masked_sort3A_470 = tpu.sort %select_n3A_465, %select_n3A_466 masked %masked_sort3A_467 : (vector<16xf32>, vector<16xi32>, vector<16xi1>) -> (vector<16xi1>, vector<16xf32>, vector<16xi32>)
        %add3A_471 = arith.addi %scan3A_165, %sub3A_143 : i32
        %get3A_472 = arith.index_cast %add3A_471 : i32 to index
        %get3A_473 = arith.constant 48 : index
        %get3A_474 = tpu.vector_load %arg6[%get3A_472, %get3A_473] {strides = array<i32>} : memref<40x256xf32, #tpu.memory_space<vmem>>, vector<16xf32>,
        %add3A_475 = arith.constant 48 : i32
        %add3A_476 = vector.broadcast %add3A_475 : i32 to vector<16xi32>
        %add3A_477 = arith.addi %add3A_476, %iota3A : vector<16xi32>
        %masked_sort3A_478 = arith.constant dense<true> : vector<16xi1>
        %masked_sort3A_479, %masked_sort3A_480, %masked_sort3A_481 = tpu.sort %get3A_474, %add3A_477 masked %masked_sort3A_478 : (vector<16xf32>, vector<16xi32>, vector<16xi1>) -> (vector<16xi1>, vector<16xf32>, vector<16xi32>)
        %rev3A_482 = arith.constant 15 : i32
        %rev3A_483 = vector.broadcast %rev3A_482 : i32 to vector<16xi32>
        %rev3A_484 = tpu.iota {dimensions = array<i32: 0>} : vector<16xi32>
        %rev3A_485 = arith.subi %rev3A_483, %rev3A_484 : vector<16xi32>
        %rev3A_486 = tpu.dynamic_gather %masked_sort3A_480[%rev3A_485] in [0] : vector<16xf32>, vector<16xi32> -> vector<16xf32>
        %rev3A_487 = arith.constant 15 : i32
        %rev3A_488 = vector.broadcast %rev3A_487 : i32 to vector<16xi32>
        %rev3A_489 = tpu.iota {dimensions = array<i32: 0>} : vector<16xi32>
        %rev3A_490 = arith.subi %rev3A_488, %rev3A_489 : vector<16xi32>
        %rev3A_491 = tpu.dynamic_gather %masked_sort3A_481[%rev3A_490] in [0] : vector<16xi32>, vector<16xi32> -> vector<16xi32>
        %le3A_492 = arith.cmpf ole, %masked_sort3A_413, %rev3A_486 : vector<16xf32>
        %select_n3A_493 = arith.select %le3A_492, %masked_sort3A_413, %rev3A_486 : vector<16xi1>, vector<16xf32>
        %select_n3A_494 = arith.select %le3A_492, %masked_sort3A_414, %rev3A_491 : vector<16xi1>, vector<16xi32>
        %masked_sort3A_495 = arith.constant dense<true> : vector<16xi1>
        %masked_sort3A_496, %masked_sort3A_497, %masked_sort3A_498 = tpu.sort %select_n3A_493, %select_n3A_494 masked %masked_sort3A_495 : (vector<16xf32>, vector<16xi32>, vector<16xi1>) -> (vector<16xi1>, vector<16xf32>, vector<16xi32>)
        %add3A_499 = arith.addi %scan3A_165, %sub3A_71 : i32
        %get3A_500 = arith.index_cast %add3A_499 : i32 to index
        %get3A_501 = arith.constant 64 : index
        %get3A_502 = tpu.vector_load %arg4[%get3A_500, %get3A_501] {strides = array<i32>} : memref<40x256xf32, #tpu.memory_space<vmem>>, vector<16xf32>,
        %add3A_503 = arith.constant 64 : i32
        %add3A_504 = vector.broadcast %add3A_503 : i32 to vector<16xi32>
        %add3A_505 = arith.addi %add3A_504, %iota3A : vector<16xi32>
        %masked_sort3A_506 = arith.constant dense<true> : vector<16xi1>
        %masked_sort3A_507, %masked_sort3A_508, %masked_sort3A_509 = tpu.sort %get3A_502, %add3A_505 masked %masked_sort3A_506 : (vector<16xf32>, vector<16xi32>, vector<16xi1>) -> (vector<16xi1>, vector<16xf32>, vector<16xi32>)
        %rev3A_510 = arith.constant 15 : i32
        %rev3A_511 = vector.broadcast %rev3A_510 : i32 to vector<16xi32>
        %rev3A_512 = tpu.iota {dimensions = array<i32: 0>} : vector<16xi32>
        %rev3A_513 = arith.subi %rev3A_511, %rev3A_512 : vector<16xi32>
        %rev3A_514 = tpu.dynamic_gather %masked_sort3A_508[%rev3A_513] in [0] : vector<16xf32>, vector<16xi32> -> vector<16xf32>
        %rev3A_515 = arith.constant 15 : i32
        %rev3A_516 = vector.broadcast %rev3A_515 : i32 to vector<16xi32>
        %rev3A_517 = tpu.iota {dimensions = array<i32: 0>} : vector<16xi32>
        %rev3A_518 = arith.subi %rev3A_516, %rev3A_517 : vector<16xi32>
        %rev3A_519 = tpu.dynamic_gather %masked_sort3A_509[%rev3A_518] in [0] : vector<16xi32>, vector<16xi32> -> vector<16xi32>
        %le3A_520 = arith.cmpf ole, %masked_sort3A_441, %rev3A_514 : vector<16xf32>
        %select_n3A_521 = arith.select %le3A_520, %masked_sort3A_441, %rev3A_514 : vector<16xi1>, vector<16xf32>
        %select_n3A_522 = arith.select %le3A_520, %masked_sort3A_442, %rev3A_519 : vector<16xi1>, vector<16xi32>
        %masked_sort3A_523 = arith.constant dense<true> : vector<16xi1>
        %masked_sort3A_524, %masked_sort3A_525, %masked_sort3A_526 = tpu.sort %select_n3A_521, %select_n3A_522 masked %masked_sort3A_523 : (vector<16xf32>, vector<16xi32>, vector<16xi1>) -> (vector<16xi1>, vector<16xf32>, vector<16xi32>)
        %add3A_527 = arith.addi %scan3A_165, %sub3A_107 : i32
        %get3A_528 = arith.index_cast %add3A_527 : i32 to index
        %get3A_529 = arith.constant 64 : index
        %get3A_530 = tpu.vector_load %arg5[%get3A_528, %get3A_529] {strides = array<i32>} : memref<40x256xf32, #tpu.memory_space<vmem>>, vector<16xf32>,
        %add3A_531 = arith.constant 64 : i32
        %add3A_532 = vector.broadcast %add3A_531 : i32 to vector<16xi32>
        %add3A_533 = arith.addi %add3A_532, %iota3A : vector<16xi32>
        %masked_sort3A_534 = arith.constant dense<true> : vector<16xi1>
        %masked_sort3A_535, %masked_sort3A_536, %masked_sort3A_537 = tpu.sort %get3A_530, %add3A_533 masked %masked_sort3A_534 : (vector<16xf32>, vector<16xi32>, vector<16xi1>) -> (vector<16xi1>, vector<16xf32>, vector<16xi32>)
        %rev3A_538 = arith.constant 15 : i32
        %rev3A_539 = vector.broadcast %rev3A_538 : i32 to vector<16xi32>
        %rev3A_540 = tpu.iota {dimensions = array<i32: 0>} : vector<16xi32>
        %rev3A_541 = arith.subi %rev3A_539, %rev3A_540 : vector<16xi32>
        %rev3A_542 = tpu.dynamic_gather %masked_sort3A_536[%rev3A_541] in [0] : vector<16xf32>, vector<16xi32> -> vector<16xf32>
        %rev3A_543 = arith.constant 15 : i32
        %rev3A_544 = vector.broadcast %rev3A_543 : i32 to vector<16xi32>
        %rev3A_545 = tpu.iota {dimensions = array<i32: 0>} : vector<16xi32>
        %rev3A_546 = arith.subi %rev3A_544, %rev3A_545 : vector<16xi32>
        %rev3A_547 = tpu.dynamic_gather %masked_sort3A_537[%rev3A_546] in [0] : vector<16xi32>, vector<16xi32> -> vector<16xi32>
        %le3A_548 = arith.cmpf ole, %masked_sort3A_469, %rev3A_542 : vector<16xf32>
        %select_n3A_549 = arith.select %le3A_548, %masked_sort3A_469, %rev3A_542 : vector<16xi1>, vector<16xf32>
        %select_n3A_550 = arith.select %le3A_548, %masked_sort3A_470, %rev3A_547 : vector<16xi1>, vector<16xi32>
        %masked_sort3A_551 = arith.constant dense<true> : vector<16xi1>
        %masked_sort3A_552, %masked_sort3A_553, %masked_sort3A_554 = tpu.sort %select_n3A_549, %select_n3A_550 masked %masked_sort3A_551 : (vector<16xf32>, vector<16xi32>, vector<16xi1>) -> (vector<16xi1>, vector<16xf32>, vector<16xi32>)
        %add3A_555 = arith.addi %scan3A_165, %sub3A_143 : i32
        %get3A_556 = arith.index_cast %add3A_555 : i32 to index
        %get3A_557 = arith.constant 64 : index
        %get3A_558 = tpu.vector_load %arg6[%get3A_556, %get3A_557] {strides = array<i32>} : memref<40x256xf32, #tpu.memory_space<vmem>>, vector<16xf32>,
        %add3A_559 = arith.constant 64 : i32
        %add3A_560 = vector.broadcast %add3A_559 : i32 to vector<16xi32>
        %add3A_561 = arith.addi %add3A_560, %iota3A : vector<16xi32>
        %masked_sort3A_562 = arith.constant dense<true> : vector<16xi1>
        %masked_sort3A_563, %masked_sort3A_564, %masked_sort3A_565 = tpu.sort %get3A_558, %add3A_561 masked %masked_sort3A_562 : (vector<16xf32>, vector<16xi32>, vector<16xi1>) -> (vector<16xi1>, vector<16xf32>, vector<16xi32>)
        %rev3A_566 = arith.constant 15 : i32
        %rev3A_567 = vector.broadcast %rev3A_566 : i32 to vector<16xi32>
        %rev3A_568 = tpu.iota {dimensions = array<i32: 0>} : vector<16xi32>
        %rev3A_569 = arith.subi %rev3A_567, %rev3A_568 : vector<16xi32>
        %rev3A_570 = tpu.dynamic_gather %masked_sort3A_564[%rev3A_569] in [0] : vector<16xf32>, vector<16xi32> -> vector<16xf32>
        %rev3A_571 = arith.constant 15 : i32
        %rev3A_572 = vector.broadcast %rev3A_571 : i32 to vector<16xi32>
        %rev3A_573 = tpu.iota {dimensions = array<i32: 0>} : vector<16xi32>
        %rev3A_574 = arith.subi %rev3A_572, %rev3A_573 : vector<16xi32>
        %rev3A_575 = tpu.dynamic_gather %masked_sort3A_565[%rev3A_574] in [0] : vector<16xi32>, vector<16xi32> -> vector<16xi32>
        %le3A_576 = arith.cmpf ole, %masked_sort3A_497, %rev3A_570 : vector<16xf32>
        %select_n3A_577 = arith.select %le3A_576, %masked_sort3A_497, %rev3A_570 : vector<16xi1>, vector<16xf32>
        %select_n3A_578 = arith.select %le3A_576, %masked_sort3A_498, %rev3A_575 : vector<16xi1>, vector<16xi32>
        %masked_sort3A_579 = arith.constant dense<true> : vector<16xi1>
        %masked_sort3A_580, %masked_sort3A_581, %masked_sort3A_582 = tpu.sort %select_n3A_577, %select_n3A_578 masked %masked_sort3A_579 : (vector<16xf32>, vector<16xi32>, vector<16xi1>) -> (vector<16xi1>, vector<16xf32>, vector<16xi32>)
        %add3A_583 = arith.addi %scan3A_165, %sub3A_71 : i32
        %get3A_584 = arith.index_cast %add3A_583 : i32 to index
        %get3A_585 = arith.constant 80 : index
        %get3A_586 = tpu.vector_load %arg4[%get3A_584, %get3A_585] {strides = array<i32>} : memref<40x256xf32, #tpu.memory_space<vmem>>, vector<16xf32>,
        %add3A_587 = arith.constant 80 : i32
        %add3A_588 = vector.broadcast %add3A_587 : i32 to vector<16xi32>
        %add3A_589 = arith.addi %add3A_588, %iota3A : vector<16xi32>
        %masked_sort3A_590 = arith.constant dense<true> : vector<16xi1>
        %masked_sort3A_591, %masked_sort3A_592, %masked_sort3A_593 = tpu.sort %get3A_586, %add3A_589 masked %masked_sort3A_590 : (vector<16xf32>, vector<16xi32>, vector<16xi1>) -> (vector<16xi1>, vector<16xf32>, vector<16xi32>)
        %rev3A_594 = arith.constant 15 : i32
        %rev3A_595 = vector.broadcast %rev3A_594 : i32 to vector<16xi32>
        %rev3A_596 = tpu.iota {dimensions = array<i32: 0>} : vector<16xi32>
        %rev3A_597 = arith.subi %rev3A_595, %rev3A_596 : vector<16xi32>
        %rev3A_598 = tpu.dynamic_gather %masked_sort3A_592[%rev3A_597] in [0] : vector<16xf32>, vector<16xi32> -> vector<16xf32>
        %rev3A_599 = arith.constant 15 : i32
        %rev3A_600 = vector.broadcast %rev3A_599 : i32 to vector<16xi32>
        %rev3A_601 = tpu.iota {dimensions = array<i32: 0>} : vector<16xi32>
        %rev3A_602 = arith.subi %rev3A_600, %rev3A_601 : vector<16xi32>
        %rev3A_603 = tpu.dynamic_gather %masked_sort3A_593[%rev3A_602] in [0] : vector<16xi32>, vector<16xi32> -> vector<16xi32>
        %le3A_604 = arith.cmpf ole, %masked_sort3A_525, %rev3A_598 : vector<16xf32>
        %select_n3A_605 = arith.select %le3A_604, %masked_sort3A_525, %rev3A_598 : vector<16xi1>, vector<16xf32>
        %select_n3A_606 = arith.select %le3A_604, %masked_sort3A_526, %rev3A_603 : vector<16xi1>, vector<16xi32>
        %masked_sort3A_607 = arith.constant dense<true> : vector<16xi1>
        %masked_sort3A_608, %masked_sort3A_609, %masked_sort3A_610 = tpu.sort %select_n3A_605, %select_n3A_606 masked %masked_sort3A_607 : (vector<16xf32>, vector<16xi32>, vector<16xi1>) -> (vector<16xi1>, vector<16xf32>, vector<16xi32>)
        %add3A_611 = arith.addi %scan3A_165, %sub3A_107 : i32
        %get3A_612 = arith.index_cast %add3A_611 : i32 to index
        %get3A_613 = arith.constant 80 : index
        %get3A_614 = tpu.vector_load %arg5[%get3A_612, %get3A_613] {strides = array<i32>} : memref<40x256xf32, #tpu.memory_space<vmem>>, vector<16xf32>,
        %add3A_615 = arith.constant 80 : i32
        %add3A_616 = vector.broadcast %add3A_615 : i32 to vector<16xi32>
        %add3A_617 = arith.addi %add3A_616, %iota3A : vector<16xi32>
        %masked_sort3A_618 = arith.constant dense<true> : vector<16xi1>
        %masked_sort3A_619, %masked_sort3A_620, %masked_sort3A_621 = tpu.sort %get3A_614, %add3A_617 masked %masked_sort3A_618 : (vector<16xf32>, vector<16xi32>, vector<16xi1>) -> (vector<16xi1>, vector<16xf32>, vector<16xi32>)
        %rev3A_622 = arith.constant 15 : i32
        %rev3A_623 = vector.broadcast %rev3A_622 : i32 to vector<16xi32>
        %rev3A_624 = tpu.iota {dimensions = array<i32: 0>} : vector<16xi32>
        %rev3A_625 = arith.subi %rev3A_623, %rev3A_624 : vector<16xi32>
        %rev3A_626 = tpu.dynamic_gather %masked_sort3A_620[%rev3A_625] in [0] : vector<16xf32>, vector<16xi32> -> vector<16xf32>
        %rev3A_627 = arith.constant 15 : i32
        %rev3A_628 = vector.broadcast %rev3A_627 : i32 to vector<16xi32>
        %rev3A_629 = tpu.iota {dimensions = array<i32: 0>} : vector<16xi32>
        %rev3A_630 = arith.subi %rev3A_628, %rev3A_629 : vector<16xi32>
        %rev3A_631 = tpu.dynamic_gather %masked_sort3A_621[%rev3A_630] in [0] : vector<16xi32>, vector<16xi32> -> vector<16xi32>
        %le3A_632 = arith.cmpf ole, %masked_sort3A_553, %rev3A_626 : vector<16xf32>
        %select_n3A_633 = arith.select %le3A_632, %masked_sort3A_553, %rev3A_626 : vector<16xi1>, vector<16xf32>
        %select_n3A_634 = arith.select %le3A_632, %masked_sort3A_554, %rev3A_631 : vector<16xi1>, vector<16xi32>
        %masked_sort3A_635 = arith.constant dense<true> : vector<16xi1>
        %masked_sort3A_636, %masked_sort3A_637, %masked_sort3A_638 = tpu.sort %select_n3A_633, %select_n3A_634 masked %masked_sort3A_635 : (vector<16xf32>, vector<16xi32>, vector<16xi1>) -> (vector<16xi1>, vector<16xf32>, vector<16xi32>)
        %add3A_639 = arith.addi %scan3A_165, %sub3A_143 : i32
        %get3A_640 = arith.index_cast %add3A_639 : i32 to index
        %get3A_641 = arith.constant 80 : index
        %get3A_642 = tpu.vector_load %arg6[%get3A_640, %get3A_641] {strides = array<i32>} : memref<40x256xf32, #tpu.memory_space<vmem>>, vector<16xf32>,
        %add3A_643 = arith.constant 80 : i32
        %add3A_644 = vector.broadcast %add3A_643 : i32 to vector<16xi32>
        %add3A_645 = arith.addi %add3A_644, %iota3A : vector<16xi32>
        %masked_sort3A_646 = arith.constant dense<true> : vector<16xi1>
        %masked_sort3A_647, %masked_sort3A_648, %masked_sort3A_649 = tpu.sort %get3A_642, %add3A_645 masked %masked_sort3A_646 : (vector<16xf32>, vector<16xi32>, vector<16xi1>) -> (vector<16xi1>, vector<16xf32>, vector<16xi32>)
        %rev3A_650 = arith.constant 15 : i32
        %rev3A_651 = vector.broadcast %rev3A_650 : i32 to vector<16xi32>
        %rev3A_652 = tpu.iota {dimensions = array<i32: 0>} : vector<16xi32>
        %rev3A_653 = arith.subi %rev3A_651, %rev3A_652 : vector<16xi32>
        %rev3A_654 = tpu.dynamic_gather %masked_sort3A_648[%rev3A_653] in [0] : vector<16xf32>, vector<16xi32> -> vector<16xf32>
        %rev3A_655 = arith.constant 15 : i32
        %rev3A_656 = vector.broadcast %rev3A_655 : i32 to vector<16xi32>
        %rev3A_657 = tpu.iota {dimensions = array<i32: 0>} : vector<16xi32>
        %rev3A_658 = arith.subi %rev3A_656, %rev3A_657 : vector<16xi32>
        %rev3A_659 = tpu.dynamic_gather %masked_sort3A_649[%rev3A_658] in [0] : vector<16xi32>, vector<16xi32> -> vector<16xi32>
        %le3A_660 = arith.cmpf ole, %masked_sort3A_581, %rev3A_654 : vector<16xf32>
        %select_n3A_661 = arith.select %le3A_660, %masked_sort3A_581, %rev3A_654 : vector<16xi1>, vector<16xf32>
        %select_n3A_662 = arith.select %le3A_660, %masked_sort3A_582, %rev3A_659 : vector<16xi1>, vector<16xi32>
        %masked_sort3A_663 = arith.constant dense<true> : vector<16xi1>
        %masked_sort3A_664, %masked_sort3A_665, %masked_sort3A_666 = tpu.sort %select_n3A_661, %select_n3A_662 masked %masked_sort3A_663 : (vector<16xf32>, vector<16xi32>, vector<16xi1>) -> (vector<16xi1>, vector<16xf32>, vector<16xi32>)
        %add3A_667 = arith.addi %scan3A_165, %sub3A_71 : i32
        %get3A_668 = arith.index_cast %add3A_667 : i32 to index
        %get3A_669 = arith.constant 96 : index
        %get3A_670 = tpu.vector_load %arg4[%get3A_668, %get3A_669] {strides = array<i32>} : memref<40x256xf32, #tpu.memory_space<vmem>>, vector<16xf32>,
        %add3A_671 = arith.constant 96 : i32
        %add3A_672 = vector.broadcast %add3A_671 : i32 to vector<16xi32>
        %add3A_673 = arith.addi %add3A_672, %iota3A : vector<16xi32>
        %masked_sort3A_674 = arith.constant dense<true> : vector<16xi1>
        %masked_sort3A_675, %masked_sort3A_676, %masked_sort3A_677 = tpu.sort %get3A_670, %add3A_673 masked %masked_sort3A_674 : (vector<16xf32>, vector<16xi32>, vector<16xi1>) -> (vector<16xi1>, vector<16xf32>, vector<16xi32>)
        %rev3A_678 = arith.constant 15 : i32
        %rev3A_679 = vector.broadcast %rev3A_678 : i32 to vector<16xi32>
        %rev3A_680 = tpu.iota {dimensions = array<i32: 0>} : vector<16xi32>
        %rev3A_681 = arith.subi %rev3A_679, %rev3A_680 : vector<16xi32>
        %rev3A_682 = tpu.dynamic_gather %masked_sort3A_676[%rev3A_681] in [0] : vector<16xf32>, vector<16xi32> -> vector<16xf32>
        %rev3A_683 = arith.constant 15 : i32
        %rev3A_684 = vector.broadcast %rev3A_683 : i32 to vector<16xi32>
        %rev3A_685 = tpu.iota {dimensions = array<i32: 0>} : vector<16xi32>
        %rev3A_686 = arith.subi %rev3A_684, %rev3A_685 : vector<16xi32>
        %rev3A_687 = tpu.dynamic_gather %masked_sort3A_677[%rev3A_686] in [0] : vector<16xi32>, vector<16xi32> -> vector<16xi32>
        %le3A_688 = arith.cmpf ole, %masked_sort3A_609, %rev3A_682 : vector<16xf32>
        %select_n3A_689 = arith.select %le3A_688, %masked_sort3A_609, %rev3A_682 : vector<16xi1>, vector<16xf32>
        %select_n3A_690 = arith.select %le3A_688, %masked_sort3A_610, %rev3A_687 : vector<16xi1>, vector<16xi32>
        %masked_sort3A_691 = arith.constant dense<true> : vector<16xi1>
        %masked_sort3A_692, %masked_sort3A_693, %masked_sort3A_694 = tpu.sort %select_n3A_689, %select_n3A_690 masked %masked_sort3A_691 : (vector<16xf32>, vector<16xi32>, vector<16xi1>) -> (vector<16xi1>, vector<16xf32>, vector<16xi32>)
        %add3A_695 = arith.addi %scan3A_165, %sub3A_107 : i32
        %get3A_696 = arith.index_cast %add3A_695 : i32 to index
        %get3A_697 = arith.constant 96 : index
        %get3A_698 = tpu.vector_load %arg5[%get3A_696, %get3A_697] {strides = array<i32>} : memref<40x256xf32, #tpu.memory_space<vmem>>, vector<16xf32>,
        %add3A_699 = arith.constant 96 : i32
        %add3A_700 = vector.broadcast %add3A_699 : i32 to vector<16xi32>
        %add3A_701 = arith.addi %add3A_700, %iota3A : vector<16xi32>
        %masked_sort3A_702 = arith.constant dense<true> : vector<16xi1>
        %masked_sort3A_703, %masked_sort3A_704, %masked_sort3A_705 = tpu.sort %get3A_698, %add3A_701 masked %masked_sort3A_702 : (vector<16xf32>, vector<16xi32>, vector<16xi1>) -> (vector<16xi1>, vector<16xf32>, vector<16xi32>)
        %rev3A_706 = arith.constant 15 : i32
        %rev3A_707 = vector.broadcast %rev3A_706 : i32 to vector<16xi32>
        %rev3A_708 = tpu.iota {dimensions = array<i32: 0>} : vector<16xi32>
        %rev3A_709 = arith.subi %rev3A_707, %rev3A_708 : vector<16xi32>
        %rev3A_710 = tpu.dynamic_gather %masked_sort3A_704[%rev3A_709] in [0] : vector<16xf32>, vector<16xi32> -> vector<16xf32>
        %rev3A_711 = arith.constant 15 : i32
        %rev3A_712 = vector.broadcast %rev3A_711 : i32 to vector<16xi32>
        %rev3A_713 = tpu.iota {dimensions = array<i32: 0>} : vector<16xi32>
        %rev3A_714 = arith.subi %rev3A_712, %rev3A_713 : vector<16xi32>
        %rev3A_715 = tpu.dynamic_gather %masked_sort3A_705[%rev3A_714] in [0] : vector<16xi32>, vector<16xi32> -> vector<16xi32>
        %le3A_716 = arith.cmpf ole, %masked_sort3A_637, %rev3A_710 : vector<16xf32>
        %select_n3A_717 = arith.select %le3A_716, %masked_sort3A_637, %rev3A_710 : vector<16xi1>, vector<16xf32>
        %select_n3A_718 = arith.select %le3A_716, %masked_sort3A_638, %rev3A_715 : vector<16xi1>, vector<16xi32>
        %masked_sort3A_719 = arith.constant dense<true> : vector<16xi1>
        %masked_sort3A_720, %masked_sort3A_721, %masked_sort3A_722 = tpu.sort %select_n3A_717, %select_n3A_718 masked %masked_sort3A_719 : (vector<16xf32>, vector<16xi32>, vector<16xi1>) -> (vector<16xi1>, vector<16xf32>, vector<16xi32>)
        %add3A_723 = arith.addi %scan3A_165, %sub3A_143 : i32
        %get3A_724 = arith.index_cast %add3A_723 : i32 to index
        %get3A_725 = arith.constant 96 : index
        %get3A_726 = tpu.vector_load %arg6[%get3A_724, %get3A_725] {strides = array<i32>} : memref<40x256xf32, #tpu.memory_space<vmem>>, vector<16xf32>,
        %add3A_727 = arith.constant 96 : i32
        %add3A_728 = vector.broadcast %add3A_727 : i32 to vector<16xi32>
        %add3A_729 = arith.addi %add3A_728, %iota3A : vector<16xi32>
        %masked_sort3A_730 = arith.constant dense<true> : vector<16xi1>
        %masked_sort3A_731, %masked_sort3A_732, %masked_sort3A_733 = tpu.sort %get3A_726, %add3A_729 masked %masked_sort3A_730 : (vector<16xf32>, vector<16xi32>, vector<16xi1>) -> (vector<16xi1>, vector<16xf32>, vector<16xi32>)
        %rev3A_734 = arith.constant 15 : i32
        %rev3A_735 = vector.broadcast %rev3A_734 : i32 to vector<16xi32>
        %rev3A_736 = tpu.iota {dimensions = array<i32: 0>} : vector<16xi32>
        %rev3A_737 = arith.subi %rev3A_735, %rev3A_736 : vector<16xi32>
        %rev3A_738 = tpu.dynamic_gather %masked_sort3A_732[%rev3A_737] in [0] : vector<16xf32>, vector<16xi32> -> vector<16xf32>
        %rev3A_739 = arith.constant 15 : i32
        %rev3A_740 = vector.broadcast %rev3A_739 : i32 to vector<16xi32>
        %rev3A_741 = tpu.iota {dimensions = array<i32: 0>} : vector<16xi32>
        %rev3A_742 = arith.subi %rev3A_740, %rev3A_741 : vector<16xi32>
        %rev3A_743 = tpu.dynamic_gather %masked_sort3A_733[%rev3A_742] in [0] : vector<16xi32>, vector<16xi32> -> vector<16xi32>
        %le3A_744 = arith.cmpf ole, %masked_sort3A_665, %rev3A_738 : vector<16xf32>
        %select_n3A_745 = arith.select %le3A_744, %masked_sort3A_665, %rev3A_738 : vector<16xi1>, vector<16xf32>
        %select_n3A_746 = arith.select %le3A_744, %masked_sort3A_666, %rev3A_743 : vector<16xi1>, vector<16xi32>
        %masked_sort3A_747 = arith.constant dense<true> : vector<16xi1>
        %masked_sort3A_748, %masked_sort3A_749, %masked_sort3A_750 = tpu.sort %select_n3A_745, %select_n3A_746 masked %masked_sort3A_747 : (vector<16xf32>, vector<16xi32>, vector<16xi1>) -> (vector<16xi1>, vector<16xf32>, vector<16xi32>)
        %add3A_751 = arith.addi %scan3A_165, %sub3A_71 : i32
        %get3A_752 = arith.index_cast %add3A_751 : i32 to index
        %get3A_753 = arith.constant 112 : index
        %get3A_754 = tpu.vector_load %arg4[%get3A_752, %get3A_753] {strides = array<i32>} : memref<40x256xf32, #tpu.memory_space<vmem>>, vector<16xf32>,
        %add3A_755 = arith.constant 112 : i32
        %add3A_756 = vector.broadcast %add3A_755 : i32 to vector<16xi32>
        %add3A_757 = arith.addi %add3A_756, %iota3A : vector<16xi32>
        %masked_sort3A_758 = arith.constant dense<true> : vector<16xi1>
        %masked_sort3A_759, %masked_sort3A_760, %masked_sort3A_761 = tpu.sort %get3A_754, %add3A_757 masked %masked_sort3A_758 : (vector<16xf32>, vector<16xi32>, vector<16xi1>) -> (vector<16xi1>, vector<16xf32>, vector<16xi32>)
        %rev3A_762 = arith.constant 15 : i32
        %rev3A_763 = vector.broadcast %rev3A_762 : i32 to vector<16xi32>
        %rev3A_764 = tpu.iota {dimensions = array<i32: 0>} : vector<16xi32>
        %rev3A_765 = arith.subi %rev3A_763, %rev3A_764 : vector<16xi32>
        %rev3A_766 = tpu.dynamic_gather %masked_sort3A_760[%rev3A_765] in [0] : vector<16xf32>, vector<16xi32> -> vector<16xf32>
        %rev3A_767 = arith.constant 15 : i32
        %rev3A_768 = vector.broadcast %rev3A_767 : i32 to vector<16xi32>
        %rev3A_769 = tpu.iota {dimensions = array<i32: 0>} : vector<16xi32>
        %rev3A_770 = arith.subi %rev3A_768, %rev3A_769 : vector<16xi32>
        %rev3A_771 = tpu.dynamic_gather %masked_sort3A_761[%rev3A_770] in [0] : vector<16xi32>, vector<16xi32> -> vector<16xi32>
        %le3A_772 = arith.cmpf ole, %masked_sort3A_693, %rev3A_766 : vector<16xf32>
        %select_n3A_773 = arith.select %le3A_772, %masked_sort3A_693, %rev3A_766 : vector<16xi1>, vector<16xf32>
        %select_n3A_774 = arith.select %le3A_772, %masked_sort3A_694, %rev3A_771 : vector<16xi1>, vector<16xi32>
        %masked_sort3A_775 = arith.constant dense<true> : vector<16xi1>
        %masked_sort3A_776, %masked_sort3A_777, %masked_sort3A_778 = tpu.sort %select_n3A_773, %select_n3A_774 masked %masked_sort3A_775 : (vector<16xf32>, vector<16xi32>, vector<16xi1>) -> (vector<16xi1>, vector<16xf32>, vector<16xi32>)
        %add3A_779 = arith.addi %scan3A_165, %sub3A_107 : i32
        %get3A_780 = arith.index_cast %add3A_779 : i32 to index
        %get3A_781 = arith.constant 112 : index
        %get3A_782 = tpu.vector_load %arg5[%get3A_780, %get3A_781] {strides = array<i32>} : memref<40x256xf32, #tpu.memory_space<vmem>>, vector<16xf32>,
        %add3A_783 = arith.constant 112 : i32
        %add3A_784 = vector.broadcast %add3A_783 : i32 to vector<16xi32>
        %add3A_785 = arith.addi %add3A_784, %iota3A : vector<16xi32>
        %masked_sort3A_786 = arith.constant dense<true> : vector<16xi1>
        %masked_sort3A_787, %masked_sort3A_788, %masked_sort3A_789 = tpu.sort %get3A_782, %add3A_785 masked %masked_sort3A_786 : (vector<16xf32>, vector<16xi32>, vector<16xi1>) -> (vector<16xi1>, vector<16xf32>, vector<16xi32>)
        %rev3A_790 = arith.constant 15 : i32
        %rev3A_791 = vector.broadcast %rev3A_790 : i32 to vector<16xi32>
        %rev3A_792 = tpu.iota {dimensions = array<i32: 0>} : vector<16xi32>
        %rev3A_793 = arith.subi %rev3A_791, %rev3A_792 : vector<16xi32>
        %rev3A_794 = tpu.dynamic_gather %masked_sort3A_788[%rev3A_793] in [0] : vector<16xf32>, vector<16xi32> -> vector<16xf32>
        %rev3A_795 = arith.constant 15 : i32
        %rev3A_796 = vector.broadcast %rev3A_795 : i32 to vector<16xi32>
        %rev3A_797 = tpu.iota {dimensions = array<i32: 0>} : vector<16xi32>
        %rev3A_798 = arith.subi %rev3A_796, %rev3A_797 : vector<16xi32>
        %rev3A_799 = tpu.dynamic_gather %masked_sort3A_789[%rev3A_798] in [0] : vector<16xi32>, vector<16xi32> -> vector<16xi32>
        %le3A_800 = arith.cmpf ole, %masked_sort3A_721, %rev3A_794 : vector<16xf32>
        %select_n3A_801 = arith.select %le3A_800, %masked_sort3A_721, %rev3A_794 : vector<16xi1>, vector<16xf32>
        %select_n3A_802 = arith.select %le3A_800, %masked_sort3A_722, %rev3A_799 : vector<16xi1>, vector<16xi32>
        %masked_sort3A_803 = arith.constant dense<true> : vector<16xi1>
        %masked_sort3A_804, %masked_sort3A_805, %masked_sort3A_806 = tpu.sort %select_n3A_801, %select_n3A_802 masked %masked_sort3A_803 : (vector<16xf32>, vector<16xi32>, vector<16xi1>) -> (vector<16xi1>, vector<16xf32>, vector<16xi32>)
        %add3A_807 = arith.addi %scan3A_165, %sub3A_143 : i32
        %get3A_808 = arith.index_cast %add3A_807 : i32 to index
        %get3A_809 = arith.constant 112 : index
        %get3A_810 = tpu.vector_load %arg6[%get3A_808, %get3A_809] {strides = array<i32>} : memref<40x256xf32, #tpu.memory_space<vmem>>, vector<16xf32>,
        %add3A_811 = arith.constant 112 : i32
        %add3A_812 = vector.broadcast %add3A_811 : i32 to vector<16xi32>
        %add3A_813 = arith.addi %add3A_812, %iota3A : vector<16xi32>
        %masked_sort3A_814 = arith.constant dense<true> : vector<16xi1>
        %masked_sort3A_815, %masked_sort3A_816, %masked_sort3A_817 = tpu.sort %get3A_810, %add3A_813 masked %masked_sort3A_814 : (vector<16xf32>, vector<16xi32>, vector<16xi1>) -> (vector<16xi1>, vector<16xf32>, vector<16xi32>)
        %rev3A_818 = arith.constant 15 : i32
        %rev3A_819 = vector.broadcast %rev3A_818 : i32 to vector<16xi32>
        %rev3A_820 = tpu.iota {dimensions = array<i32: 0>} : vector<16xi32>
        %rev3A_821 = arith.subi %rev3A_819, %rev3A_820 : vector<16xi32>
        %rev3A_822 = tpu.dynamic_gather %masked_sort3A_816[%rev3A_821] in [0] : vector<16xf32>, vector<16xi32> -> vector<16xf32>
        %rev3A_823 = arith.constant 15 : i32
        %rev3A_824 = vector.broadcast %rev3A_823 : i32 to vector<16xi32>
        %rev3A_825 = tpu.iota {dimensions = array<i32: 0>} : vector<16xi32>
        %rev3A_826 = arith.subi %rev3A_824, %rev3A_825 : vector<16xi32>
        %rev3A_827 = tpu.dynamic_gather %masked_sort3A_817[%rev3A_826] in [0] : vector<16xi32>, vector<16xi32> -> vector<16xi32>
        %le3A_828 = arith.cmpf ole, %masked_sort3A_749, %rev3A_822 : vector<16xf32>
        %select_n3A_829 = arith.select %le3A_828, %masked_sort3A_749, %rev3A_822 : vector<16xi1>, vector<16xf32>
        %select_n3A_830 = arith.select %le3A_828, %masked_sort3A_750, %rev3A_827 : vector<16xi1>, vector<16xi32>
        %masked_sort3A_831 = arith.constant dense<true> : vector<16xi1>
        %masked_sort3A_832, %masked_sort3A_833, %masked_sort3A_834 = tpu.sort %select_n3A_829, %select_n3A_830 masked %masked_sort3A_831 : (vector<16xf32>, vector<16xi32>, vector<16xi1>) -> (vector<16xi1>, vector<16xf32>, vector<16xi32>)
        %add3A_835 = arith.addi %scan3A_165, %sub3A_71 : i32
        %get3A_836 = arith.index_cast %add3A_835 : i32 to index
        %get3A_837 = arith.constant 128 : index
        %get3A_838 = tpu.vector_load %arg4[%get3A_836, %get3A_837] {strides = array<i32>} : memref<40x256xf32, #tpu.memory_space<vmem>>, vector<16xf32>,
        %add3A_839 = arith.constant 128 : i32
        %add3A_840 = vector.broadcast %add3A_839 : i32 to vector<16xi32>
        %add3A_841 = arith.addi %add3A_840, %iota3A : vector<16xi32>
        %masked_sort3A_842 = arith.constant dense<true> : vector<16xi1>
        %masked_sort3A_843, %masked_sort3A_844, %masked_sort3A_845 = tpu.sort %get3A_838, %add3A_841 masked %masked_sort3A_842 : (vector<16xf32>, vector<16xi32>, vector<16xi1>) -> (vector<16xi1>, vector<16xf32>, vector<16xi32>)
        %rev3A_846 = arith.constant 15 : i32
        %rev3A_847 = vector.broadcast %rev3A_846 : i32 to vector<16xi32>
        %rev3A_848 = tpu.iota {dimensions = array<i32: 0>} : vector<16xi32>
        %rev3A_849 = arith.subi %rev3A_847, %rev3A_848 : vector<16xi32>
        %rev3A_850 = tpu.dynamic_gather %masked_sort3A_844[%rev3A_849] in [0] : vector<16xf32>, vector<16xi32> -> vector<16xf32>
        %rev3A_851 = arith.constant 15 : i32
        %rev3A_852 = vector.broadcast %rev3A_851 : i32 to vector<16xi32>
        %rev3A_853 = tpu.iota {dimensions = array<i32: 0>} : vector<16xi32>
        %rev3A_854 = arith.subi %rev3A_852, %rev3A_853 : vector<16xi32>
        %rev3A_855 = tpu.dynamic_gather %masked_sort3A_845[%rev3A_854] in [0] : vector<16xi32>, vector<16xi32> -> vector<16xi32>
        %le3A_856 = arith.cmpf ole, %masked_sort3A_777, %rev3A_850 : vector<16xf32>
        %select_n3A_857 = arith.select %le3A_856, %masked_sort3A_777, %rev3A_850 : vector<16xi1>, vector<16xf32>
        %select_n3A_858 = arith.select %le3A_856, %masked_sort3A_778, %rev3A_855 : vector<16xi1>, vector<16xi32>
        %masked_sort3A_859 = arith.constant dense<true> : vector<16xi1>
        %masked_sort3A_860, %masked_sort3A_861, %masked_sort3A_862 = tpu.sort %select_n3A_857, %select_n3A_858 masked %masked_sort3A_859 : (vector<16xf32>, vector<16xi32>, vector<16xi1>) -> (vector<16xi1>, vector<16xf32>, vector<16xi32>)
        %add3A_863 = arith.addi %scan3A_165, %sub3A_107 : i32
        %get3A_864 = arith.index_cast %add3A_863 : i32 to index
        %get3A_865 = arith.constant 128 : index
        %get3A_866 = tpu.vector_load %arg5[%get3A_864, %get3A_865] {strides = array<i32>} : memref<40x256xf32, #tpu.memory_space<vmem>>, vector<16xf32>,
        %add3A_867 = arith.constant 128 : i32
        %add3A_868 = vector.broadcast %add3A_867 : i32 to vector<16xi32>
        %add3A_869 = arith.addi %add3A_868, %iota3A : vector<16xi32>
        %masked_sort3A_870 = arith.constant dense<true> : vector<16xi1>
        %masked_sort3A_871, %masked_sort3A_872, %masked_sort3A_873 = tpu.sort %get3A_866, %add3A_869 masked %masked_sort3A_870 : (vector<16xf32>, vector<16xi32>, vector<16xi1>) -> (vector<16xi1>, vector<16xf32>, vector<16xi32>)
        %rev3A_874 = arith.constant 15 : i32
        %rev3A_875 = vector.broadcast %rev3A_874 : i32 to vector<16xi32>
        %rev3A_876 = tpu.iota {dimensions = array<i32: 0>} : vector<16xi32>
        %rev3A_877 = arith.subi %rev3A_875, %rev3A_876 : vector<16xi32>
        %rev3A_878 = tpu.dynamic_gather %masked_sort3A_872[%rev3A_877] in [0] : vector<16xf32>, vector<16xi32> -> vector<16xf32>
        %rev3A_879 = arith.constant 15 : i32
        %rev3A_880 = vector.broadcast %rev3A_879 : i32 to vector<16xi32>
        %rev3A_881 = tpu.iota {dimensions = array<i32: 0>} : vector<16xi32>
        %rev3A_882 = arith.subi %rev3A_880, %rev3A_881 : vector<16xi32>
        %rev3A_883 = tpu.dynamic_gather %masked_sort3A_873[%rev3A_882] in [0] : vector<16xi32>, vector<16xi32> -> vector<16xi32>
        %le3A_884 = arith.cmpf ole, %masked_sort3A_805, %rev3A_878 : vector<16xf32>
        %select_n3A_885 = arith.select %le3A_884, %masked_sort3A_805, %rev3A_878 : vector<16xi1>, vector<16xf32>
        %select_n3A_886 = arith.select %le3A_884, %masked_sort3A_806, %rev3A_883 : vector<16xi1>, vector<16xi32>
        %masked_sort3A_887 = arith.constant dense<true> : vector<16xi1>
        %masked_sort3A_888, %masked_sort3A_889, %masked_sort3A_890 = tpu.sort %select_n3A_885, %select_n3A_886 masked %masked_sort3A_887 : (vector<16xf32>, vector<16xi32>, vector<16xi1>) -> (vector<16xi1>, vector<16xf32>, vector<16xi32>)
        %add3A_891 = arith.addi %scan3A_165, %sub3A_143 : i32
        %get3A_892 = arith.index_cast %add3A_891 : i32 to index
        %get3A_893 = arith.constant 128 : index
        %get3A_894 = tpu.vector_load %arg6[%get3A_892, %get3A_893] {strides = array<i32>} : memref<40x256xf32, #tpu.memory_space<vmem>>, vector<16xf32>,
        %add3A_895 = arith.constant 128 : i32
        %add3A_896 = vector.broadcast %add3A_895 : i32 to vector<16xi32>
        %add3A_897 = arith.addi %add3A_896, %iota3A : vector<16xi32>
        %masked_sort3A_898 = arith.constant dense<true> : vector<16xi1>
        %masked_sort3A_899, %masked_sort3A_900, %masked_sort3A_901 = tpu.sort %get3A_894, %add3A_897 masked %masked_sort3A_898 : (vector<16xf32>, vector<16xi32>, vector<16xi1>) -> (vector<16xi1>, vector<16xf32>, vector<16xi32>)
        %rev3A_902 = arith.constant 15 : i32
        %rev3A_903 = vector.broadcast %rev3A_902 : i32 to vector<16xi32>
        %rev3A_904 = tpu.iota {dimensions = array<i32: 0>} : vector<16xi32>
        %rev3A_905 = arith.subi %rev3A_903, %rev3A_904 : vector<16xi32>
        %rev3A_906 = tpu.dynamic_gather %masked_sort3A_900[%rev3A_905] in [0] : vector<16xf32>, vector<16xi32> -> vector<16xf32>
        %rev3A_907 = arith.constant 15 : i32
        %rev3A_908 = vector.broadcast %rev3A_907 : i32 to vector<16xi32>
        %rev3A_909 = tpu.iota {dimensions = array<i32: 0>} : vector<16xi32>
        %rev3A_910 = arith.subi %rev3A_908, %rev3A_909 : vector<16xi32>
        %rev3A_911 = tpu.dynamic_gather %masked_sort3A_901[%rev3A_910] in [0] : vector<16xi32>, vector<16xi32> -> vector<16xi32>
        %le3A_912 = arith.cmpf ole, %masked_sort3A_833, %rev3A_906 : vector<16xf32>
        %select_n3A_913 = arith.select %le3A_912, %masked_sort3A_833, %rev3A_906 : vector<16xi1>, vector<16xf32>
        %select_n3A_914 = arith.select %le3A_912, %masked_sort3A_834, %rev3A_911 : vector<16xi1>, vector<16xi32>
        %masked_sort3A_915 = arith.constant dense<true> : vector<16xi1>
        %masked_sort3A_916, %masked_sort3A_917, %masked_sort3A_918 = tpu.sort %select_n3A_913, %select_n3A_914 masked %masked_sort3A_915 : (vector<16xf32>, vector<16xi32>, vector<16xi1>) -> (vector<16xi1>, vector<16xf32>, vector<16xi32>)
        %add3A_919 = arith.addi %scan3A_165, %sub3A_71 : i32
        %get3A_920 = arith.index_cast %add3A_919 : i32 to index
        %get3A_921 = arith.constant 144 : index
        %get3A_922 = tpu.vector_load %arg4[%get3A_920, %get3A_921] {strides = array<i32>} : memref<40x256xf32, #tpu.memory_space<vmem>>, vector<16xf32>,
        %add3A_923 = arith.constant 144 : i32
        %add3A_924 = vector.broadcast %add3A_923 : i32 to vector<16xi32>
        %add3A_925 = arith.addi %add3A_924, %iota3A : vector<16xi32>
        %masked_sort3A_926 = arith.constant dense<true> : vector<16xi1>
        %masked_sort3A_927, %masked_sort3A_928, %masked_sort3A_929 = tpu.sort %get3A_922, %add3A_925 masked %masked_sort3A_926 : (vector<16xf32>, vector<16xi32>, vector<16xi1>) -> (vector<16xi1>, vector<16xf32>, vector<16xi32>)
        %rev3A_930 = arith.constant 15 : i32
        %rev3A_931 = vector.broadcast %rev3A_930 : i32 to vector<16xi32>
        %rev3A_932 = tpu.iota {dimensions = array<i32: 0>} : vector<16xi32>
        %rev3A_933 = arith.subi %rev3A_931, %rev3A_932 : vector<16xi32>
        %rev3A_934 = tpu.dynamic_gather %masked_sort3A_928[%rev3A_933] in [0] : vector<16xf32>, vector<16xi32> -> vector<16xf32>
        %rev3A_935 = arith.constant 15 : i32
        %rev3A_936 = vector.broadcast %rev3A_935 : i32 to vector<16xi32>
        %rev3A_937 = tpu.iota {dimensions = array<i32: 0>} : vector<16xi32>
        %rev3A_938 = arith.subi %rev3A_936, %rev3A_937 : vector<16xi32>
        %rev3A_939 = tpu.dynamic_gather %masked_sort3A_929[%rev3A_938] in [0] : vector<16xi32>, vector<16xi32> -> vector<16xi32>
        %le3A_940 = arith.cmpf ole, %masked_sort3A_861, %rev3A_934 : vector<16xf32>
        %select_n3A_941 = arith.select %le3A_940, %masked_sort3A_861, %rev3A_934 : vector<16xi1>, vector<16xf32>
        %select_n3A_942 = arith.select %le3A_940, %masked_sort3A_862, %rev3A_939 : vector<16xi1>, vector<16xi32>
        %masked_sort3A_943 = arith.constant dense<true> : vector<16xi1>
        %masked_sort3A_944, %masked_sort3A_945, %masked_sort3A_946 = tpu.sort %select_n3A_941, %select_n3A_942 masked %masked_sort3A_943 : (vector<16xf32>, vector<16xi32>, vector<16xi1>) -> (vector<16xi1>, vector<16xf32>, vector<16xi32>)
        %add3A_947 = arith.addi %scan3A_165, %sub3A_107 : i32
        %get3A_948 = arith.index_cast %add3A_947 : i32 to index
        %get3A_949 = arith.constant 144 : index
        %get3A_950 = tpu.vector_load %arg5[%get3A_948, %get3A_949] {strides = array<i32>} : memref<40x256xf32, #tpu.memory_space<vmem>>, vector<16xf32>,
        %add3A_951 = arith.constant 144 : i32
        %add3A_952 = vector.broadcast %add3A_951 : i32 to vector<16xi32>
        %add3A_953 = arith.addi %add3A_952, %iota3A : vector<16xi32>
        %masked_sort3A_954 = arith.constant dense<true> : vector<16xi1>
        %masked_sort3A_955, %masked_sort3A_956, %masked_sort3A_957 = tpu.sort %get3A_950, %add3A_953 masked %masked_sort3A_954 : (vector<16xf32>, vector<16xi32>, vector<16xi1>) -> (vector<16xi1>, vector<16xf32>, vector<16xi32>)
        %rev3A_958 = arith.constant 15 : i32
        %rev3A_959 = vector.broadcast %rev3A_958 : i32 to vector<16xi32>
        %rev3A_960 = tpu.iota {dimensions = array<i32: 0>} : vector<16xi32>
        %rev3A_961 = arith.subi %rev3A_959, %rev3A_960 : vector<16xi32>
        %rev3A_962 = tpu.dynamic_gather %masked_sort3A_956[%rev3A_961] in [0] : vector<16xf32>, vector<16xi32> -> vector<16xf32>
        %rev3A_963 = arith.constant 15 : i32
        %rev3A_964 = vector.broadcast %rev3A_963 : i32 to vector<16xi32>
        %rev3A_965 = tpu.iota {dimensions = array<i32: 0>} : vector<16xi32>
        %rev3A_966 = arith.subi %rev3A_964, %rev3A_965 : vector<16xi32>
        %rev3A_967 = tpu.dynamic_gather %masked_sort3A_957[%rev3A_966] in [0] : vector<16xi32>, vector<16xi32> -> vector<16xi32>
        %le3A_968 = arith.cmpf ole, %masked_sort3A_889, %rev3A_962 : vector<16xf32>
        %select_n3A_969 = arith.select %le3A_968, %masked_sort3A_889, %rev3A_962 : vector<16xi1>, vector<16xf32>
        %select_n3A_970 = arith.select %le3A_968, %masked_sort3A_890, %rev3A_967 : vector<16xi1>, vector<16xi32>
        %masked_sort3A_971 = arith.constant dense<true> : vector<16xi1>
        %masked_sort3A_972, %masked_sort3A_973, %masked_sort3A_974 = tpu.sort %select_n3A_969, %select_n3A_970 masked %masked_sort3A_971 : (vector<16xf32>, vector<16xi32>, vector<16xi1>) -> (vector<16xi1>, vector<16xf32>, vector<16xi32>)
        %add3A_975 = arith.addi %scan3A_165, %sub3A_143 : i32
        %get3A_976 = arith.index_cast %add3A_975 : i32 to index
        %get3A_977 = arith.constant 144 : index
        %get3A_978 = tpu.vector_load %arg6[%get3A_976, %get3A_977] {strides = array<i32>} : memref<40x256xf32, #tpu.memory_space<vmem>>, vector<16xf32>,
        %add3A_979 = arith.constant 144 : i32
        %add3A_980 = vector.broadcast %add3A_979 : i32 to vector<16xi32>
        %add3A_981 = arith.addi %add3A_980, %iota3A : vector<16xi32>
        %masked_sort3A_982 = arith.constant dense<true> : vector<16xi1>
        %masked_sort3A_983, %masked_sort3A_984, %masked_sort3A_985 = tpu.sort %get3A_978, %add3A_981 masked %masked_sort3A_982 : (vector<16xf32>, vector<16xi32>, vector<16xi1>) -> (vector<16xi1>, vector<16xf32>, vector<16xi32>)
        %rev3A_986 = arith.constant 15 : i32
        %rev3A_987 = vector.broadcast %rev3A_986 : i32 to vector<16xi32>
        %rev3A_988 = tpu.iota {dimensions = array<i32: 0>} : vector<16xi32>
        %rev3A_989 = arith.subi %rev3A_987, %rev3A_988 : vector<16xi32>
        %rev3A_990 = tpu.dynamic_gather %masked_sort3A_984[%rev3A_989] in [0] : vector<16xf32>, vector<16xi32> -> vector<16xf32>
        %rev3A_991 = arith.constant 15 : i32
        %rev3A_992 = vector.broadcast %rev3A_991 : i32 to vector<16xi32>
        %rev3A_993 = tpu.iota {dimensions = array<i32: 0>} : vector<16xi32>
        %rev3A_994 = arith.subi %rev3A_992, %rev3A_993 : vector<16xi32>
        %rev3A_995 = tpu.dynamic_gather %masked_sort3A_985[%rev3A_994] in [0] : vector<16xi32>, vector<16xi32> -> vector<16xi32>
        %le3A_996 = arith.cmpf ole, %masked_sort3A_917, %rev3A_990 : vector<16xf32>
        %select_n3A_997 = arith.select %le3A_996, %masked_sort3A_917, %rev3A_990 : vector<16xi1>, vector<16xf32>
        %select_n3A_998 = arith.select %le3A_996, %masked_sort3A_918, %rev3A_995 : vector<16xi1>, vector<16xi32>
        %masked_sort3A_999 = arith.constant dense<true> : vector<16xi1>
        %masked_sort3A_1000, %masked_sort3A_1001, %masked_sort3A_1002 = tpu.sort %select_n3A_997, %select_n3A_998 masked %masked_sort3A_999 : (vector<16xf32>, vector<16xi32>, vector<16xi1>) -> (vector<16xi1>, vector<16xf32>, vector<16xi32>)
        %add3A_1003 = arith.addi %scan3A_165, %sub3A_71 : i32
        %get3A_1004 = arith.index_cast %add3A_1003 : i32 to index
        %get3A_1005 = arith.constant 160 : index
        %get3A_1006 = tpu.vector_load %arg4[%get3A_1004, %get3A_1005] {strides = array<i32>} : memref<40x256xf32, #tpu.memory_space<vmem>>, vector<16xf32>,
        %add3A_1007 = arith.constant 160 : i32
        %add3A_1008 = vector.broadcast %add3A_1007 : i32 to vector<16xi32>
        %add3A_1009 = arith.addi %add3A_1008, %iota3A : vector<16xi32>
        %masked_sort3A_1010 = arith.constant dense<true> : vector<16xi1>
        %masked_sort3A_1011, %masked_sort3A_1012, %masked_sort3A_1013 = tpu.sort %get3A_1006, %add3A_1009 masked %masked_sort3A_1010 : (vector<16xf32>, vector<16xi32>, vector<16xi1>) -> (vector<16xi1>, vector<16xf32>, vector<16xi32>)
        %rev3A_1014 = arith.constant 15 : i32
        %rev3A_1015 = vector.broadcast %rev3A_1014 : i32 to vector<16xi32>
        %rev3A_1016 = tpu.iota {dimensions = array<i32: 0>} : vector<16xi32>
        %rev3A_1017 = arith.subi %rev3A_1015, %rev3A_1016 : vector<16xi32>
        %rev3A_1018 = tpu.dynamic_gather %masked_sort3A_1012[%rev3A_1017] in [0] : vector<16xf32>, vector<16xi32> -> vector<16xf32>
        %rev3A_1019 = arith.constant 15 : i32
        %rev3A_1020 = vector.broadcast %rev3A_1019 : i32 to vector<16xi32>
        %rev3A_1021 = tpu.iota {dimensions = array<i32: 0>} : vector<16xi32>
        %rev3A_1022 = arith.subi %rev3A_1020, %rev3A_1021 : vector<16xi32>
        %rev3A_1023 = tpu.dynamic_gather %masked_sort3A_1013[%rev3A_1022] in [0] : vector<16xi32>, vector<16xi32> -> vector<16xi32>
        %le3A_1024 = arith.cmpf ole, %masked_sort3A_945, %rev3A_1018 : vector<16xf32>
        %select_n3A_1025 = arith.select %le3A_1024, %masked_sort3A_945, %rev3A_1018 : vector<16xi1>, vector<16xf32>
        %select_n3A_1026 = arith.select %le3A_1024, %masked_sort3A_946, %rev3A_1023 : vector<16xi1>, vector<16xi32>
        %masked_sort3A_1027 = arith.constant dense<true> : vector<16xi1>
        %masked_sort3A_1028, %masked_sort3A_1029, %masked_sort3A_1030 = tpu.sort %select_n3A_1025, %select_n3A_1026 masked %masked_sort3A_1027 : (vector<16xf32>, vector<16xi32>, vector<16xi1>) -> (vector<16xi1>, vector<16xf32>, vector<16xi32>)
        %add3A_1031 = arith.addi %scan3A_165, %sub3A_107 : i32
        %get3A_1032 = arith.index_cast %add3A_1031 : i32 to index
        %get3A_1033 = arith.constant 160 : index
        %get3A_1034 = tpu.vector_load %arg5[%get3A_1032, %get3A_1033] {strides = array<i32>} : memref<40x256xf32, #tpu.memory_space<vmem>>, vector<16xf32>,
        %add3A_1035 = arith.constant 160 : i32
        %add3A_1036 = vector.broadcast %add3A_1035 : i32 to vector<16xi32>
        %add3A_1037 = arith.addi %add3A_1036, %iota3A : vector<16xi32>
        %masked_sort3A_1038 = arith.constant dense<true> : vector<16xi1>
        %masked_sort3A_1039, %masked_sort3A_1040, %masked_sort3A_1041 = tpu.sort %get3A_1034, %add3A_1037 masked %masked_sort3A_1038 : (vector<16xf32>, vector<16xi32>, vector<16xi1>) -> (vector<16xi1>, vector<16xf32>, vector<16xi32>)
        %rev3A_1042 = arith.constant 15 : i32
        %rev3A_1043 = vector.broadcast %rev3A_1042 : i32 to vector<16xi32>
        %rev3A_1044 = tpu.iota {dimensions = array<i32: 0>} : vector<16xi32>
        %rev3A_1045 = arith.subi %rev3A_1043, %rev3A_1044 : vector<16xi32>
        %rev3A_1046 = tpu.dynamic_gather %masked_sort3A_1040[%rev3A_1045] in [0] : vector<16xf32>, vector<16xi32> -> vector<16xf32>
        %rev3A_1047 = arith.constant 15 : i32
        %rev3A_1048 = vector.broadcast %rev3A_1047 : i32 to vector<16xi32>
        %rev3A_1049 = tpu.iota {dimensions = array<i32: 0>} : vector<16xi32>
        %rev3A_1050 = arith.subi %rev3A_1048, %rev3A_1049 : vector<16xi32>
        %rev3A_1051 = tpu.dynamic_gather %masked_sort3A_1041[%rev3A_1050] in [0] : vector<16xi32>, vector<16xi32> -> vector<16xi32>
        %le3A_1052 = arith.cmpf ole, %masked_sort3A_973, %rev3A_1046 : vector<16xf32>
        %select_n3A_1053 = arith.select %le3A_1052, %masked_sort3A_973, %rev3A_1046 : vector<16xi1>, vector<16xf32>
        %select_n3A_1054 = arith.select %le3A_1052, %masked_sort3A_974, %rev3A_1051 : vector<16xi1>, vector<16xi32>
        %masked_sort3A_1055 = arith.constant dense<true> : vector<16xi1>
        %masked_sort3A_1056, %masked_sort3A_1057, %masked_sort3A_1058 = tpu.sort %select_n3A_1053, %select_n3A_1054 masked %masked_sort3A_1055 : (vector<16xf32>, vector<16xi32>, vector<16xi1>) -> (vector<16xi1>, vector<16xf32>, vector<16xi32>)
        %add3A_1059 = arith.addi %scan3A_165, %sub3A_143 : i32
        %get3A_1060 = arith.index_cast %add3A_1059 : i32 to index
        %get3A_1061 = arith.constant 160 : index
        %get3A_1062 = tpu.vector_load %arg6[%get3A_1060, %get3A_1061] {strides = array<i32>} : memref<40x256xf32, #tpu.memory_space<vmem>>, vector<16xf32>,
        %add3A_1063 = arith.constant 160 : i32
        %add3A_1064 = vector.broadcast %add3A_1063 : i32 to vector<16xi32>
        %add3A_1065 = arith.addi %add3A_1064, %iota3A : vector<16xi32>
        %masked_sort3A_1066 = arith.constant dense<true> : vector<16xi1>
        %masked_sort3A_1067, %masked_sort3A_1068, %masked_sort3A_1069 = tpu.sort %get3A_1062, %add3A_1065 masked %masked_sort3A_1066 : (vector<16xf32>, vector<16xi32>, vector<16xi1>) -> (vector<16xi1>, vector<16xf32>, vector<16xi32>)
        %rev3A_1070 = arith.constant 15 : i32
        %rev3A_1071 = vector.broadcast %rev3A_1070 : i32 to vector<16xi32>
        %rev3A_1072 = tpu.iota {dimensions = array<i32: 0>} : vector<16xi32>
        %rev3A_1073 = arith.subi %rev3A_1071, %rev3A_1072 : vector<16xi32>
        %rev3A_1074 = tpu.dynamic_gather %masked_sort3A_1068[%rev3A_1073] in [0] : vector<16xf32>, vector<16xi32> -> vector<16xf32>
        %rev3A_1075 = arith.constant 15 : i32
        %rev3A_1076 = vector.broadcast %rev3A_1075 : i32 to vector<16xi32>
        %rev3A_1077 = tpu.iota {dimensions = array<i32: 0>} : vector<16xi32>
        %rev3A_1078 = arith.subi %rev3A_1076, %rev3A_1077 : vector<16xi32>
        %rev3A_1079 = tpu.dynamic_gather %masked_sort3A_1069[%rev3A_1078] in [0] : vector<16xi32>, vector<16xi32> -> vector<16xi32>
        %le3A_1080 = arith.cmpf ole, %masked_sort3A_1001, %rev3A_1074 : vector<16xf32>
        %select_n3A_1081 = arith.select %le3A_1080, %masked_sort3A_1001, %rev3A_1074 : vector<16xi1>, vector<16xf32>
        %select_n3A_1082 = arith.select %le3A_1080, %masked_sort3A_1002, %rev3A_1079 : vector<16xi1>, vector<16xi32>
        %masked_sort3A_1083 = arith.constant dense<true> : vector<16xi1>
        %masked_sort3A_1084, %masked_sort3A_1085, %masked_sort3A_1086 = tpu.sort %select_n3A_1081, %select_n3A_1082 masked %masked_sort3A_1083 : (vector<16xf32>, vector<16xi32>, vector<16xi1>) -> (vector<16xi1>, vector<16xf32>, vector<16xi32>)
        %add3A_1087 = arith.addi %scan3A_165, %sub3A_71 : i32
        %get3A_1088 = arith.index_cast %add3A_1087 : i32 to index
        %get3A_1089 = arith.constant 176 : index
        %get3A_1090 = tpu.vector_load %arg4[%get3A_1088, %get3A_1089] {strides = array<i32>} : memref<40x256xf32, #tpu.memory_space<vmem>>, vector<16xf32>,
        %add3A_1091 = arith.constant 176 : i32
        %add3A_1092 = vector.broadcast %add3A_1091 : i32 to vector<16xi32>
        %add3A_1093 = arith.addi %add3A_1092, %iota3A : vector<16xi32>
        %masked_sort3A_1094 = arith.constant dense<true> : vector<16xi1>
        %masked_sort3A_1095, %masked_sort3A_1096, %masked_sort3A_1097 = tpu.sort %get3A_1090, %add3A_1093 masked %masked_sort3A_1094 : (vector<16xf32>, vector<16xi32>, vector<16xi1>) -> (vector<16xi1>, vector<16xf32>, vector<16xi32>)
        %rev3A_1098 = arith.constant 15 : i32
        %rev3A_1099 = vector.broadcast %rev3A_1098 : i32 to vector<16xi32>
        %rev3A_1100 = tpu.iota {dimensions = array<i32: 0>} : vector<16xi32>
        %rev3A_1101 = arith.subi %rev3A_1099, %rev3A_1100 : vector<16xi32>
        %rev3A_1102 = tpu.dynamic_gather %masked_sort3A_1096[%rev3A_1101] in [0] : vector<16xf32>, vector<16xi32> -> vector<16xf32>
        %rev3A_1103 = arith.constant 15 : i32
        %rev3A_1104 = vector.broadcast %rev3A_1103 : i32 to vector<16xi32>
        %rev3A_1105 = tpu.iota {dimensions = array<i32: 0>} : vector<16xi32>
        %rev3A_1106 = arith.subi %rev3A_1104, %rev3A_1105 : vector<16xi32>
        %rev3A_1107 = tpu.dynamic_gather %masked_sort3A_1097[%rev3A_1106] in [0] : vector<16xi32>, vector<16xi32> -> vector<16xi32>
        %le3A_1108 = arith.cmpf ole, %masked_sort3A_1029, %rev3A_1102 : vector<16xf32>
        %select_n3A_1109 = arith.select %le3A_1108, %masked_sort3A_1029, %rev3A_1102 : vector<16xi1>, vector<16xf32>
        %select_n3A_1110 = arith.select %le3A_1108, %masked_sort3A_1030, %rev3A_1107 : vector<16xi1>, vector<16xi32>
        %masked_sort3A_1111 = arith.constant dense<true> : vector<16xi1>
        %masked_sort3A_1112, %masked_sort3A_1113, %masked_sort3A_1114 = tpu.sort %select_n3A_1109, %select_n3A_1110 masked %masked_sort3A_1111 : (vector<16xf32>, vector<16xi32>, vector<16xi1>) -> (vector<16xi1>, vector<16xf32>, vector<16xi32>)
        %add3A_1115 = arith.addi %scan3A_165, %sub3A_107 : i32
        %get3A_1116 = arith.index_cast %add3A_1115 : i32 to index
        %get3A_1117 = arith.constant 176 : index
        %get3A_1118 = tpu.vector_load %arg5[%get3A_1116, %get3A_1117] {strides = array<i32>} : memref<40x256xf32, #tpu.memory_space<vmem>>, vector<16xf32>,
        %add3A_1119 = arith.constant 176 : i32
        %add3A_1120 = vector.broadcast %add3A_1119 : i32 to vector<16xi32>
        %add3A_1121 = arith.addi %add3A_1120, %iota3A : vector<16xi32>
        %masked_sort3A_1122 = arith.constant dense<true> : vector<16xi1>
        %masked_sort3A_1123, %masked_sort3A_1124, %masked_sort3A_1125 = tpu.sort %get3A_1118, %add3A_1121 masked %masked_sort3A_1122 : (vector<16xf32>, vector<16xi32>, vector<16xi1>) -> (vector<16xi1>, vector<16xf32>, vector<16xi32>)
        %rev3A_1126 = arith.constant 15 : i32
        %rev3A_1127 = vector.broadcast %rev3A_1126 : i32 to vector<16xi32>
        %rev3A_1128 = tpu.iota {dimensions = array<i32: 0>} : vector<16xi32>
        %rev3A_1129 = arith.subi %rev3A_1127, %rev3A_1128 : vector<16xi32>
        %rev3A_1130 = tpu.dynamic_gather %masked_sort3A_1124[%rev3A_1129] in [0] : vector<16xf32>, vector<16xi32> -> vector<16xf32>
        %rev3A_1131 = arith.constant 15 : i32
        %rev3A_1132 = vector.broadcast %rev3A_1131 : i32 to vector<16xi32>
        %rev3A_1133 = tpu.iota {dimensions = array<i32: 0>} : vector<16xi32>
        %rev3A_1134 = arith.subi %rev3A_1132, %rev3A_1133 : vector<16xi32>
        %rev3A_1135 = tpu.dynamic_gather %masked_sort3A_1125[%rev3A_1134] in [0] : vector<16xi32>, vector<16xi32> -> vector<16xi32>
        %le3A_1136 = arith.cmpf ole, %masked_sort3A_1057, %rev3A_1130 : vector<16xf32>
        %select_n3A_1137 = arith.select %le3A_1136, %masked_sort3A_1057, %rev3A_1130 : vector<16xi1>, vector<16xf32>
        %select_n3A_1138 = arith.select %le3A_1136, %masked_sort3A_1058, %rev3A_1135 : vector<16xi1>, vector<16xi32>
        %masked_sort3A_1139 = arith.constant dense<true> : vector<16xi1>
        %masked_sort3A_1140, %masked_sort3A_1141, %masked_sort3A_1142 = tpu.sort %select_n3A_1137, %select_n3A_1138 masked %masked_sort3A_1139 : (vector<16xf32>, vector<16xi32>, vector<16xi1>) -> (vector<16xi1>, vector<16xf32>, vector<16xi32>)
        %add3A_1143 = arith.addi %scan3A_165, %sub3A_143 : i32
        %get3A_1144 = arith.index_cast %add3A_1143 : i32 to index
        %get3A_1145 = arith.constant 176 : index
        %get3A_1146 = tpu.vector_load %arg6[%get3A_1144, %get3A_1145] {strides = array<i32>} : memref<40x256xf32, #tpu.memory_space<vmem>>, vector<16xf32>,
        %add3A_1147 = arith.constant 176 : i32
        %add3A_1148 = vector.broadcast %add3A_1147 : i32 to vector<16xi32>
        %add3A_1149 = arith.addi %add3A_1148, %iota3A : vector<16xi32>
        %masked_sort3A_1150 = arith.constant dense<true> : vector<16xi1>
        %masked_sort3A_1151, %masked_sort3A_1152, %masked_sort3A_1153 = tpu.sort %get3A_1146, %add3A_1149 masked %masked_sort3A_1150 : (vector<16xf32>, vector<16xi32>, vector<16xi1>) -> (vector<16xi1>, vector<16xf32>, vector<16xi32>)
        %rev3A_1154 = arith.constant 15 : i32
        %rev3A_1155 = vector.broadcast %rev3A_1154 : i32 to vector<16xi32>
        %rev3A_1156 = tpu.iota {dimensions = array<i32: 0>} : vector<16xi32>
        %rev3A_1157 = arith.subi %rev3A_1155, %rev3A_1156 : vector<16xi32>
        %rev3A_1158 = tpu.dynamic_gather %masked_sort3A_1152[%rev3A_1157] in [0] : vector<16xf32>, vector<16xi32> -> vector<16xf32>
        %rev3A_1159 = arith.constant 15 : i32
        %rev3A_1160 = vector.broadcast %rev3A_1159 : i32 to vector<16xi32>
        %rev3A_1161 = tpu.iota {dimensions = array<i32: 0>} : vector<16xi32>
        %rev3A_1162 = arith.subi %rev3A_1160, %rev3A_1161 : vector<16xi32>
        %rev3A_1163 = tpu.dynamic_gather %masked_sort3A_1153[%rev3A_1162] in [0] : vector<16xi32>, vector<16xi32> -> vector<16xi32>
        %le3A_1164 = arith.cmpf ole, %masked_sort3A_1085, %rev3A_1158 : vector<16xf32>
        %select_n3A_1165 = arith.select %le3A_1164, %masked_sort3A_1085, %rev3A_1158 : vector<16xi1>, vector<16xf32>
        %select_n3A_1166 = arith.select %le3A_1164, %masked_sort3A_1086, %rev3A_1163 : vector<16xi1>, vector<16xi32>
        %masked_sort3A_1167 = arith.constant dense<true> : vector<16xi1>
        %masked_sort3A_1168, %masked_sort3A_1169, %masked_sort3A_1170 = tpu.sort %select_n3A_1165, %select_n3A_1166 masked %masked_sort3A_1167 : (vector<16xf32>, vector<16xi32>, vector<16xi1>) -> (vector<16xi1>, vector<16xf32>, vector<16xi32>)
        %add3A_1171 = arith.addi %scan3A_165, %sub3A_71 : i32
        %get3A_1172 = arith.index_cast %add3A_1171 : i32 to index
        %get3A_1173 = arith.constant 192 : index
        %get3A_1174 = tpu.vector_load %arg4[%get3A_1172, %get3A_1173] {strides = array<i32>} : memref<40x256xf32, #tpu.memory_space<vmem>>, vector<16xf32>,
        %add3A_1175 = arith.constant 192 : i32
        %add3A_1176 = vector.broadcast %add3A_1175 : i32 to vector<16xi32>
        %add3A_1177 = arith.addi %add3A_1176, %iota3A : vector<16xi32>
        %masked_sort3A_1178 = arith.constant dense<true> : vector<16xi1>
        %masked_sort3A_1179, %masked_sort3A_1180, %masked_sort3A_1181 = tpu.sort %get3A_1174, %add3A_1177 masked %masked_sort3A_1178 : (vector<16xf32>, vector<16xi32>, vector<16xi1>) -> (vector<16xi1>, vector<16xf32>, vector<16xi32>)
        %rev3A_1182 = arith.constant 15 : i32
        %rev3A_1183 = vector.broadcast %rev3A_1182 : i32 to vector<16xi32>
        %rev3A_1184 = tpu.iota {dimensions = array<i32: 0>} : vector<16xi32>
        %rev3A_1185 = arith.subi %rev3A_1183, %rev3A_1184 : vector<16xi32>
        %rev3A_1186 = tpu.dynamic_gather %masked_sort3A_1180[%rev3A_1185] in [0] : vector<16xf32>, vector<16xi32> -> vector<16xf32>
        %rev3A_1187 = arith.constant 15 : i32
        %rev3A_1188 = vector.broadcast %rev3A_1187 : i32 to vector<16xi32>
        %rev3A_1189 = tpu.iota {dimensions = array<i32: 0>} : vector<16xi32>
        %rev3A_1190 = arith.subi %rev3A_1188, %rev3A_1189 : vector<16xi32>
        %rev3A_1191 = tpu.dynamic_gather %masked_sort3A_1181[%rev3A_1190] in [0] : vector<16xi32>, vector<16xi32> -> vector<16xi32>
        %le3A_1192 = arith.cmpf ole, %masked_sort3A_1113, %rev3A_1186 : vector<16xf32>
        %select_n3A_1193 = arith.select %le3A_1192, %masked_sort3A_1113, %rev3A_1186 : vector<16xi1>, vector<16xf32>
        %select_n3A_1194 = arith.select %le3A_1192, %masked_sort3A_1114, %rev3A_1191 : vector<16xi1>, vector<16xi32>
        %masked_sort3A_1195 = arith.constant dense<true> : vector<16xi1>
        %masked_sort3A_1196, %masked_sort3A_1197, %masked_sort3A_1198 = tpu.sort %select_n3A_1193, %select_n3A_1194 masked %masked_sort3A_1195 : (vector<16xf32>, vector<16xi32>, vector<16xi1>) -> (vector<16xi1>, vector<16xf32>, vector<16xi32>)
        %add3A_1199 = arith.addi %scan3A_165, %sub3A_107 : i32
        %get3A_1200 = arith.index_cast %add3A_1199 : i32 to index
        %get3A_1201 = arith.constant 192 : index
        %get3A_1202 = tpu.vector_load %arg5[%get3A_1200, %get3A_1201] {strides = array<i32>} : memref<40x256xf32, #tpu.memory_space<vmem>>, vector<16xf32>,
        %add3A_1203 = arith.constant 192 : i32
        %add3A_1204 = vector.broadcast %add3A_1203 : i32 to vector<16xi32>
        %add3A_1205 = arith.addi %add3A_1204, %iota3A : vector<16xi32>
        %masked_sort3A_1206 = arith.constant dense<true> : vector<16xi1>
        %masked_sort3A_1207, %masked_sort3A_1208, %masked_sort3A_1209 = tpu.sort %get3A_1202, %add3A_1205 masked %masked_sort3A_1206 : (vector<16xf32>, vector<16xi32>, vector<16xi1>) -> (vector<16xi1>, vector<16xf32>, vector<16xi32>)
        %rev3A_1210 = arith.constant 15 : i32
        %rev3A_1211 = vector.broadcast %rev3A_1210 : i32 to vector<16xi32>
        %rev3A_1212 = tpu.iota {dimensions = array<i32: 0>} : vector<16xi32>
        %rev3A_1213 = arith.subi %rev3A_1211, %rev3A_1212 : vector<16xi32>
        %rev3A_1214 = tpu.dynamic_gather %masked_sort3A_1208[%rev3A_1213] in [0] : vector<16xf32>, vector<16xi32> -> vector<16xf32>
        %rev3A_1215 = arith.constant 15 : i32
        %rev3A_1216 = vector.broadcast %rev3A_1215 : i32 to vector<16xi32>
        %rev3A_1217 = tpu.iota {dimensions = array<i32: 0>} : vector<16xi32>
        %rev3A_1218 = arith.subi %rev3A_1216, %rev3A_1217 : vector<16xi32>
        %rev3A_1219 = tpu.dynamic_gather %masked_sort3A_1209[%rev3A_1218] in [0] : vector<16xi32>, vector<16xi32> -> vector<16xi32>
        %le3A_1220 = arith.cmpf ole, %masked_sort3A_1141, %rev3A_1214 : vector<16xf32>
        %select_n3A_1221 = arith.select %le3A_1220, %masked_sort3A_1141, %rev3A_1214 : vector<16xi1>, vector<16xf32>
        %select_n3A_1222 = arith.select %le3A_1220, %masked_sort3A_1142, %rev3A_1219 : vector<16xi1>, vector<16xi32>
        %masked_sort3A_1223 = arith.constant dense<true> : vector<16xi1>
        %masked_sort3A_1224, %masked_sort3A_1225, %masked_sort3A_1226 = tpu.sort %select_n3A_1221, %select_n3A_1222 masked %masked_sort3A_1223 : (vector<16xf32>, vector<16xi32>, vector<16xi1>) -> (vector<16xi1>, vector<16xf32>, vector<16xi32>)
        %add3A_1227 = arith.addi %scan3A_165, %sub3A_143 : i32
        %get3A_1228 = arith.index_cast %add3A_1227 : i32 to index
        %get3A_1229 = arith.constant 192 : index
        %get3A_1230 = tpu.vector_load %arg6[%get3A_1228, %get3A_1229] {strides = array<i32>} : memref<40x256xf32, #tpu.memory_space<vmem>>, vector<16xf32>,
        %add3A_1231 = arith.constant 192 : i32
        %add3A_1232 = vector.broadcast %add3A_1231 : i32 to vector<16xi32>
        %add3A_1233 = arith.addi %add3A_1232, %iota3A : vector<16xi32>
        %masked_sort3A_1234 = arith.constant dense<true> : vector<16xi1>
        %masked_sort3A_1235, %masked_sort3A_1236, %masked_sort3A_1237 = tpu.sort %get3A_1230, %add3A_1233 masked %masked_sort3A_1234 : (vector<16xf32>, vector<16xi32>, vector<16xi1>) -> (vector<16xi1>, vector<16xf32>, vector<16xi32>)
        %rev3A_1238 = arith.constant 15 : i32
        %rev3A_1239 = vector.broadcast %rev3A_1238 : i32 to vector<16xi32>
        %rev3A_1240 = tpu.iota {dimensions = array<i32: 0>} : vector<16xi32>
        %rev3A_1241 = arith.subi %rev3A_1239, %rev3A_1240 : vector<16xi32>
        %rev3A_1242 = tpu.dynamic_gather %masked_sort3A_1236[%rev3A_1241] in [0] : vector<16xf32>, vector<16xi32> -> vector<16xf32>
        %rev3A_1243 = arith.constant 15 : i32
        %rev3A_1244 = vector.broadcast %rev3A_1243 : i32 to vector<16xi32>
        %rev3A_1245 = tpu.iota {dimensions = array<i32: 0>} : vector<16xi32>
        %rev3A_1246 = arith.subi %rev3A_1244, %rev3A_1245 : vector<16xi32>
        %rev3A_1247 = tpu.dynamic_gather %masked_sort3A_1237[%rev3A_1246] in [0] : vector<16xi32>, vector<16xi32> -> vector<16xi32>
        %le3A_1248 = arith.cmpf ole, %masked_sort3A_1169, %rev3A_1242 : vector<16xf32>
        %select_n3A_1249 = arith.select %le3A_1248, %masked_sort3A_1169, %rev3A_1242 : vector<16xi1>, vector<16xf32>
        %select_n3A_1250 = arith.select %le3A_1248, %masked_sort3A_1170, %rev3A_1247 : vector<16xi1>, vector<16xi32>
        %masked_sort3A_1251 = arith.constant dense<true> : vector<16xi1>
        %masked_sort3A_1252, %masked_sort3A_1253, %masked_sort3A_1254 = tpu.sort %select_n3A_1249, %select_n3A_1250 masked %masked_sort3A_1251 : (vector<16xf32>, vector<16xi32>, vector<16xi1>) -> (vector<16xi1>, vector<16xf32>, vector<16xi32>)
        %add3A_1255 = arith.addi %scan3A_165, %sub3A_71 : i32
        %get3A_1256 = arith.index_cast %add3A_1255 : i32 to index
        %get3A_1257 = arith.constant 208 : index
        %get3A_1258 = tpu.vector_load %arg4[%get3A_1256, %get3A_1257] {strides = array<i32>} : memref<40x256xf32, #tpu.memory_space<vmem>>, vector<16xf32>,
        %add3A_1259 = arith.constant 208 : i32
        %add3A_1260 = vector.broadcast %add3A_1259 : i32 to vector<16xi32>
        %add3A_1261 = arith.addi %add3A_1260, %iota3A : vector<16xi32>
        %masked_sort3A_1262 = arith.constant dense<true> : vector<16xi1>
        %masked_sort3A_1263, %masked_sort3A_1264, %masked_sort3A_1265 = tpu.sort %get3A_1258, %add3A_1261 masked %masked_sort3A_1262 : (vector<16xf32>, vector<16xi32>, vector<16xi1>) -> (vector<16xi1>, vector<16xf32>, vector<16xi32>)
        %rev3A_1266 = arith.constant 15 : i32
        %rev3A_1267 = vector.broadcast %rev3A_1266 : i32 to vector<16xi32>
        %rev3A_1268 = tpu.iota {dimensions = array<i32: 0>} : vector<16xi32>
        %rev3A_1269 = arith.subi %rev3A_1267, %rev3A_1268 : vector<16xi32>
        %rev3A_1270 = tpu.dynamic_gather %masked_sort3A_1264[%rev3A_1269] in [0] : vector<16xf32>, vector<16xi32> -> vector<16xf32>
        %rev3A_1271 = arith.constant 15 : i32
        %rev3A_1272 = vector.broadcast %rev3A_1271 : i32 to vector<16xi32>
        %rev3A_1273 = tpu.iota {dimensions = array<i32: 0>} : vector<16xi32>
        %rev3A_1274 = arith.subi %rev3A_1272, %rev3A_1273 : vector<16xi32>
        %rev3A_1275 = tpu.dynamic_gather %masked_sort3A_1265[%rev3A_1274] in [0] : vector<16xi32>, vector<16xi32> -> vector<16xi32>
        %le3A_1276 = arith.cmpf ole, %masked_sort3A_1197, %rev3A_1270 : vector<16xf32>
        %select_n3A_1277 = arith.select %le3A_1276, %masked_sort3A_1197, %rev3A_1270 : vector<16xi1>, vector<16xf32>
        %select_n3A_1278 = arith.select %le3A_1276, %masked_sort3A_1198, %rev3A_1275 : vector<16xi1>, vector<16xi32>
        %masked_sort3A_1279 = arith.constant dense<true> : vector<16xi1>
        %masked_sort3A_1280, %masked_sort3A_1281, %masked_sort3A_1282 = tpu.sort %select_n3A_1277, %select_n3A_1278 masked %masked_sort3A_1279 : (vector<16xf32>, vector<16xi32>, vector<16xi1>) -> (vector<16xi1>, vector<16xf32>, vector<16xi32>)
        %add3A_1283 = arith.addi %scan3A_165, %sub3A_107 : i32
        %get3A_1284 = arith.index_cast %add3A_1283 : i32 to index
        %get3A_1285 = arith.constant 208 : index
        %get3A_1286 = tpu.vector_load %arg5[%get3A_1284, %get3A_1285] {strides = array<i32>} : memref<40x256xf32, #tpu.memory_space<vmem>>, vector<16xf32>,
        %add3A_1287 = arith.constant 208 : i32
        %add3A_1288 = vector.broadcast %add3A_1287 : i32 to vector<16xi32>
        %add3A_1289 = arith.addi %add3A_1288, %iota3A : vector<16xi32>
        %masked_sort3A_1290 = arith.constant dense<true> : vector<16xi1>
        %masked_sort3A_1291, %masked_sort3A_1292, %masked_sort3A_1293 = tpu.sort %get3A_1286, %add3A_1289 masked %masked_sort3A_1290 : (vector<16xf32>, vector<16xi32>, vector<16xi1>) -> (vector<16xi1>, vector<16xf32>, vector<16xi32>)
        %rev3A_1294 = arith.constant 15 : i32
        %rev3A_1295 = vector.broadcast %rev3A_1294 : i32 to vector<16xi32>
        %rev3A_1296 = tpu.iota {dimensions = array<i32: 0>} : vector<16xi32>
        %rev3A_1297 = arith.subi %rev3A_1295, %rev3A_1296 : vector<16xi32>
        %rev3A_1298 = tpu.dynamic_gather %masked_sort3A_1292[%rev3A_1297] in [0] : vector<16xf32>, vector<16xi32> -> vector<16xf32>
        %rev3A_1299 = arith.constant 15 : i32
        %rev3A_1300 = vector.broadcast %rev3A_1299 : i32 to vector<16xi32>
        %rev3A_1301 = tpu.iota {dimensions = array<i32: 0>} : vector<16xi32>
        %rev3A_1302 = arith.subi %rev3A_1300, %rev3A_1301 : vector<16xi32>
        %rev3A_1303 = tpu.dynamic_gather %masked_sort3A_1293[%rev3A_1302] in [0] : vector<16xi32>, vector<16xi32> -> vector<16xi32>
        %le3A_1304 = arith.cmpf ole, %masked_sort3A_1225, %rev3A_1298 : vector<16xf32>
        %select_n3A_1305 = arith.select %le3A_1304, %masked_sort3A_1225, %rev3A_1298 : vector<16xi1>, vector<16xf32>
        %select_n3A_1306 = arith.select %le3A_1304, %masked_sort3A_1226, %rev3A_1303 : vector<16xi1>, vector<16xi32>
        %masked_sort3A_1307 = arith.constant dense<true> : vector<16xi1>
        %masked_sort3A_1308, %masked_sort3A_1309, %masked_sort3A_1310 = tpu.sort %select_n3A_1305, %select_n3A_1306 masked %masked_sort3A_1307 : (vector<16xf32>, vector<16xi32>, vector<16xi1>) -> (vector<16xi1>, vector<16xf32>, vector<16xi32>)
        %add3A_1311 = arith.addi %scan3A_165, %sub3A_143 : i32
        %get3A_1312 = arith.index_cast %add3A_1311 : i32 to index
        %get3A_1313 = arith.constant 208 : index
        %get3A_1314 = tpu.vector_load %arg6[%get3A_1312, %get3A_1313] {strides = array<i32>} : memref<40x256xf32, #tpu.memory_space<vmem>>, vector<16xf32>,
        %add3A_1315 = arith.constant 208 : i32
        %add3A_1316 = vector.broadcast %add3A_1315 : i32 to vector<16xi32>
        %add3A_1317 = arith.addi %add3A_1316, %iota3A : vector<16xi32>
        %masked_sort3A_1318 = arith.constant dense<true> : vector<16xi1>
        %masked_sort3A_1319, %masked_sort3A_1320, %masked_sort3A_1321 = tpu.sort %get3A_1314, %add3A_1317 masked %masked_sort3A_1318 : (vector<16xf32>, vector<16xi32>, vector<16xi1>) -> (vector<16xi1>, vector<16xf32>, vector<16xi32>)
        %rev3A_1322 = arith.constant 15 : i32
        %rev3A_1323 = vector.broadcast %rev3A_1322 : i32 to vector<16xi32>
        %rev3A_1324 = tpu.iota {dimensions = array<i32: 0>} : vector<16xi32>
        %rev3A_1325 = arith.subi %rev3A_1323, %rev3A_1324 : vector<16xi32>
        %rev3A_1326 = tpu.dynamic_gather %masked_sort3A_1320[%rev3A_1325] in [0] : vector<16xf32>, vector<16xi32> -> vector<16xf32>
        %rev3A_1327 = arith.constant 15 : i32
        %rev3A_1328 = vector.broadcast %rev3A_1327 : i32 to vector<16xi32>
        %rev3A_1329 = tpu.iota {dimensions = array<i32: 0>} : vector<16xi32>
        %rev3A_1330 = arith.subi %rev3A_1328, %rev3A_1329 : vector<16xi32>
        %rev3A_1331 = tpu.dynamic_gather %masked_sort3A_1321[%rev3A_1330] in [0] : vector<16xi32>, vector<16xi32> -> vector<16xi32>
        %le3A_1332 = arith.cmpf ole, %masked_sort3A_1253, %rev3A_1326 : vector<16xf32>
        %select_n3A_1333 = arith.select %le3A_1332, %masked_sort3A_1253, %rev3A_1326 : vector<16xi1>, vector<16xf32>
        %select_n3A_1334 = arith.select %le3A_1332, %masked_sort3A_1254, %rev3A_1331 : vector<16xi1>, vector<16xi32>
        %masked_sort3A_1335 = arith.constant dense<true> : vector<16xi1>
        %masked_sort3A_1336, %masked_sort3A_1337, %masked_sort3A_1338 = tpu.sort %select_n3A_1333, %select_n3A_1334 masked %masked_sort3A_1335 : (vector<16xf32>, vector<16xi32>, vector<16xi1>) -> (vector<16xi1>, vector<16xf32>, vector<16xi32>)
        %add3A_1339 = arith.addi %scan3A_165, %sub3A_71 : i32
        %get3A_1340 = arith.index_cast %add3A_1339 : i32 to index
        %get3A_1341 = arith.constant 224 : index
        %get3A_1342 = tpu.vector_load %arg4[%get3A_1340, %get3A_1341] {strides = array<i32>} : memref<40x256xf32, #tpu.memory_space<vmem>>, vector<16xf32>,
        %add3A_1343 = arith.constant 224 : i32
        %add3A_1344 = vector.broadcast %add3A_1343 : i32 to vector<16xi32>
        %add3A_1345 = arith.addi %add3A_1344, %iota3A : vector<16xi32>
        %masked_sort3A_1346 = arith.constant dense<true> : vector<16xi1>
        %masked_sort3A_1347, %masked_sort3A_1348, %masked_sort3A_1349 = tpu.sort %get3A_1342, %add3A_1345 masked %masked_sort3A_1346 : (vector<16xf32>, vector<16xi32>, vector<16xi1>) -> (vector<16xi1>, vector<16xf32>, vector<16xi32>)
        %rev3A_1350 = arith.constant 15 : i32
        %rev3A_1351 = vector.broadcast %rev3A_1350 : i32 to vector<16xi32>
        %rev3A_1352 = tpu.iota {dimensions = array<i32: 0>} : vector<16xi32>
        %rev3A_1353 = arith.subi %rev3A_1351, %rev3A_1352 : vector<16xi32>
        %rev3A_1354 = tpu.dynamic_gather %masked_sort3A_1348[%rev3A_1353] in [0] : vector<16xf32>, vector<16xi32> -> vector<16xf32>
        %rev3A_1355 = arith.constant 15 : i32
        %rev3A_1356 = vector.broadcast %rev3A_1355 : i32 to vector<16xi32>
        %rev3A_1357 = tpu.iota {dimensions = array<i32: 0>} : vector<16xi32>
        %rev3A_1358 = arith.subi %rev3A_1356, %rev3A_1357 : vector<16xi32>
        %rev3A_1359 = tpu.dynamic_gather %masked_sort3A_1349[%rev3A_1358] in [0] : vector<16xi32>, vector<16xi32> -> vector<16xi32>
        %le3A_1360 = arith.cmpf ole, %masked_sort3A_1281, %rev3A_1354 : vector<16xf32>
        %select_n3A_1361 = arith.select %le3A_1360, %masked_sort3A_1281, %rev3A_1354 : vector<16xi1>, vector<16xf32>
        %select_n3A_1362 = arith.select %le3A_1360, %masked_sort3A_1282, %rev3A_1359 : vector<16xi1>, vector<16xi32>
        %masked_sort3A_1363 = arith.constant dense<true> : vector<16xi1>
        %masked_sort3A_1364, %masked_sort3A_1365, %masked_sort3A_1366 = tpu.sort %select_n3A_1361, %select_n3A_1362 masked %masked_sort3A_1363 : (vector<16xf32>, vector<16xi32>, vector<16xi1>) -> (vector<16xi1>, vector<16xf32>, vector<16xi32>)
        %add3A_1367 = arith.addi %scan3A_165, %sub3A_107 : i32
        %get3A_1368 = arith.index_cast %add3A_1367 : i32 to index
        %get3A_1369 = arith.constant 224 : index
        %get3A_1370 = tpu.vector_load %arg5[%get3A_1368, %get3A_1369] {strides = array<i32>} : memref<40x256xf32, #tpu.memory_space<vmem>>, vector<16xf32>,
        %add3A_1371 = arith.constant 224 : i32
        %add3A_1372 = vector.broadcast %add3A_1371 : i32 to vector<16xi32>
        %add3A_1373 = arith.addi %add3A_1372, %iota3A : vector<16xi32>
        %masked_sort3A_1374 = arith.constant dense<true> : vector<16xi1>
        %masked_sort3A_1375, %masked_sort3A_1376, %masked_sort3A_1377 = tpu.sort %get3A_1370, %add3A_1373 masked %masked_sort3A_1374 : (vector<16xf32>, vector<16xi32>, vector<16xi1>) -> (vector<16xi1>, vector<16xf32>, vector<16xi32>)
        %rev3A_1378 = arith.constant 15 : i32
        %rev3A_1379 = vector.broadcast %rev3A_1378 : i32 to vector<16xi32>
        %rev3A_1380 = tpu.iota {dimensions = array<i32: 0>} : vector<16xi32>
        %rev3A_1381 = arith.subi %rev3A_1379, %rev3A_1380 : vector<16xi32>
        %rev3A_1382 = tpu.dynamic_gather %masked_sort3A_1376[%rev3A_1381] in [0] : vector<16xf32>, vector<16xi32> -> vector<16xf32>
        %rev3A_1383 = arith.constant 15 : i32
        %rev3A_1384 = vector.broadcast %rev3A_1383 : i32 to vector<16xi32>
        %rev3A_1385 = tpu.iota {dimensions = array<i32: 0>} : vector<16xi32>
        %rev3A_1386 = arith.subi %rev3A_1384, %rev3A_1385 : vector<16xi32>
        %rev3A_1387 = tpu.dynamic_gather %masked_sort3A_1377[%rev3A_1386] in [0] : vector<16xi32>, vector<16xi32> -> vector<16xi32>
        %le3A_1388 = arith.cmpf ole, %masked_sort3A_1309, %rev3A_1382 : vector<16xf32>
        %select_n3A_1389 = arith.select %le3A_1388, %masked_sort3A_1309, %rev3A_1382 : vector<16xi1>, vector<16xf32>
        %select_n3A_1390 = arith.select %le3A_1388, %masked_sort3A_1310, %rev3A_1387 : vector<16xi1>, vector<16xi32>
        %masked_sort3A_1391 = arith.constant dense<true> : vector<16xi1>
        %masked_sort3A_1392, %masked_sort3A_1393, %masked_sort3A_1394 = tpu.sort %select_n3A_1389, %select_n3A_1390 masked %masked_sort3A_1391 : (vector<16xf32>, vector<16xi32>, vector<16xi1>) -> (vector<16xi1>, vector<16xf32>, vector<16xi32>)
        %add3A_1395 = arith.addi %scan3A_165, %sub3A_143 : i32
        %get3A_1396 = arith.index_cast %add3A_1395 : i32 to index
        %get3A_1397 = arith.constant 224 : index
        %get3A_1398 = tpu.vector_load %arg6[%get3A_1396, %get3A_1397] {strides = array<i32>} : memref<40x256xf32, #tpu.memory_space<vmem>>, vector<16xf32>,
        %add3A_1399 = arith.constant 224 : i32
        %add3A_1400 = vector.broadcast %add3A_1399 : i32 to vector<16xi32>
        %add3A_1401 = arith.addi %add3A_1400, %iota3A : vector<16xi32>
        %masked_sort3A_1402 = arith.constant dense<true> : vector<16xi1>
        %masked_sort3A_1403, %masked_sort3A_1404, %masked_sort3A_1405 = tpu.sort %get3A_1398, %add3A_1401 masked %masked_sort3A_1402 : (vector<16xf32>, vector<16xi32>, vector<16xi1>) -> (vector<16xi1>, vector<16xf32>, vector<16xi32>)
        %rev3A_1406 = arith.constant 15 : i32
        %rev3A_1407 = vector.broadcast %rev3A_1406 : i32 to vector<16xi32>
        %rev3A_1408 = tpu.iota {dimensions = array<i32: 0>} : vector<16xi32>
        %rev3A_1409 = arith.subi %rev3A_1407, %rev3A_1408 : vector<16xi32>
        %rev3A_1410 = tpu.dynamic_gather %masked_sort3A_1404[%rev3A_1409] in [0] : vector<16xf32>, vector<16xi32> -> vector<16xf32>
        %rev3A_1411 = arith.constant 15 : i32
        %rev3A_1412 = vector.broadcast %rev3A_1411 : i32 to vector<16xi32>
        %rev3A_1413 = tpu.iota {dimensions = array<i32: 0>} : vector<16xi32>
        %rev3A_1414 = arith.subi %rev3A_1412, %rev3A_1413 : vector<16xi32>
        %rev3A_1415 = tpu.dynamic_gather %masked_sort3A_1405[%rev3A_1414] in [0] : vector<16xi32>, vector<16xi32> -> vector<16xi32>
        %le3A_1416 = arith.cmpf ole, %masked_sort3A_1337, %rev3A_1410 : vector<16xf32>
        %select_n3A_1417 = arith.select %le3A_1416, %masked_sort3A_1337, %rev3A_1410 : vector<16xi1>, vector<16xf32>
        %select_n3A_1418 = arith.select %le3A_1416, %masked_sort3A_1338, %rev3A_1415 : vector<16xi1>, vector<16xi32>
        %masked_sort3A_1419 = arith.constant dense<true> : vector<16xi1>
        %masked_sort3A_1420, %masked_sort3A_1421, %masked_sort3A_1422 = tpu.sort %select_n3A_1417, %select_n3A_1418 masked %masked_sort3A_1419 : (vector<16xf32>, vector<16xi32>, vector<16xi1>) -> (vector<16xi1>, vector<16xf32>, vector<16xi32>)
        %add3A_1423 = arith.addi %scan3A_165, %sub3A_71 : i32
        %get3A_1424 = arith.index_cast %add3A_1423 : i32 to index
        %get3A_1425 = arith.constant 240 : index
        %get3A_1426 = tpu.vector_load %arg4[%get3A_1424, %get3A_1425] {strides = array<i32>} : memref<40x256xf32, #tpu.memory_space<vmem>>, vector<16xf32>,
        %add3A_1427 = arith.constant 240 : i32
        %add3A_1428 = vector.broadcast %add3A_1427 : i32 to vector<16xi32>
        %add3A_1429 = arith.addi %add3A_1428, %iota3A : vector<16xi32>
        %masked_sort3A_1430 = arith.constant dense<true> : vector<16xi1>
        %masked_sort3A_1431, %masked_sort3A_1432, %masked_sort3A_1433 = tpu.sort %get3A_1426, %add3A_1429 masked %masked_sort3A_1430 : (vector<16xf32>, vector<16xi32>, vector<16xi1>) -> (vector<16xi1>, vector<16xf32>, vector<16xi32>)
        %rev3A_1434 = arith.constant 15 : i32
        %rev3A_1435 = vector.broadcast %rev3A_1434 : i32 to vector<16xi32>
        %rev3A_1436 = tpu.iota {dimensions = array<i32: 0>} : vector<16xi32>
        %rev3A_1437 = arith.subi %rev3A_1435, %rev3A_1436 : vector<16xi32>
        %rev3A_1438 = tpu.dynamic_gather %masked_sort3A_1432[%rev3A_1437] in [0] : vector<16xf32>, vector<16xi32> -> vector<16xf32>
        %rev3A_1439 = arith.constant 15 : i32
        %rev3A_1440 = vector.broadcast %rev3A_1439 : i32 to vector<16xi32>
        %rev3A_1441 = tpu.iota {dimensions = array<i32: 0>} : vector<16xi32>
        %rev3A_1442 = arith.subi %rev3A_1440, %rev3A_1441 : vector<16xi32>
        %rev3A_1443 = tpu.dynamic_gather %masked_sort3A_1433[%rev3A_1442] in [0] : vector<16xi32>, vector<16xi32> -> vector<16xi32>
        %le3A_1444 = arith.cmpf ole, %masked_sort3A_1365, %rev3A_1438 : vector<16xf32>
        %select_n3A_1445 = arith.select %le3A_1444, %masked_sort3A_1365, %rev3A_1438 : vector<16xi1>, vector<16xf32>
        %select_n3A_1446 = arith.select %le3A_1444, %masked_sort3A_1366, %rev3A_1443 : vector<16xi1>, vector<16xi32>
        %masked_sort3A_1447 = arith.constant dense<true> : vector<16xi1>
        %masked_sort3A_1448, %masked_sort3A_1449, %masked_sort3A_1450 = tpu.sort %select_n3A_1445, %select_n3A_1446 masked %masked_sort3A_1447 : (vector<16xf32>, vector<16xi32>, vector<16xi1>) -> (vector<16xi1>, vector<16xf32>, vector<16xi32>)
        %add3A_1451 = arith.addi %scan3A_165, %sub3A_107 : i32
        %get3A_1452 = arith.index_cast %add3A_1451 : i32 to index
        %get3A_1453 = arith.constant 240 : index
        %get3A_1454 = tpu.vector_load %arg5[%get3A_1452, %get3A_1453] {strides = array<i32>} : memref<40x256xf32, #tpu.memory_space<vmem>>, vector<16xf32>,
        %add3A_1455 = arith.constant 240 : i32
        %add3A_1456 = vector.broadcast %add3A_1455 : i32 to vector<16xi32>
        %add3A_1457 = arith.addi %add3A_1456, %iota3A : vector<16xi32>
        %masked_sort3A_1458 = arith.constant dense<true> : vector<16xi1>
        %masked_sort3A_1459, %masked_sort3A_1460, %masked_sort3A_1461 = tpu.sort %get3A_1454, %add3A_1457 masked %masked_sort3A_1458 : (vector<16xf32>, vector<16xi32>, vector<16xi1>) -> (vector<16xi1>, vector<16xf32>, vector<16xi32>)
        %rev3A_1462 = arith.constant 15 : i32
        %rev3A_1463 = vector.broadcast %rev3A_1462 : i32 to vector<16xi32>
        %rev3A_1464 = tpu.iota {dimensions = array<i32: 0>} : vector<16xi32>
        %rev3A_1465 = arith.subi %rev3A_1463, %rev3A_1464 : vector<16xi32>
        %rev3A_1466 = tpu.dynamic_gather %masked_sort3A_1460[%rev3A_1465] in [0] : vector<16xf32>, vector<16xi32> -> vector<16xf32>
        %rev3A_1467 = arith.constant 15 : i32
        %rev3A_1468 = vector.broadcast %rev3A_1467 : i32 to vector<16xi32>
        %rev3A_1469 = tpu.iota {dimensions = array<i32: 0>} : vector<16xi32>
        %rev3A_1470 = arith.subi %rev3A_1468, %rev3A_1469 : vector<16xi32>
        %rev3A_1471 = tpu.dynamic_gather %masked_sort3A_1461[%rev3A_1470] in [0] : vector<16xi32>, vector<16xi32> -> vector<16xi32>
        %le3A_1472 = arith.cmpf ole, %masked_sort3A_1393, %rev3A_1466 : vector<16xf32>
        %select_n3A_1473 = arith.select %le3A_1472, %masked_sort3A_1393, %rev3A_1466 : vector<16xi1>, vector<16xf32>
        %select_n3A_1474 = arith.select %le3A_1472, %masked_sort3A_1394, %rev3A_1471 : vector<16xi1>, vector<16xi32>
        %masked_sort3A_1475 = arith.constant dense<true> : vector<16xi1>
        %masked_sort3A_1476, %masked_sort3A_1477, %masked_sort3A_1478 = tpu.sort %select_n3A_1473, %select_n3A_1474 masked %masked_sort3A_1475 : (vector<16xf32>, vector<16xi32>, vector<16xi1>) -> (vector<16xi1>, vector<16xf32>, vector<16xi32>)
        %add3A_1479 = arith.addi %scan3A_165, %sub3A_143 : i32
        %get3A_1480 = arith.index_cast %add3A_1479 : i32 to index
        %get3A_1481 = arith.constant 240 : index
        %get3A_1482 = tpu.vector_load %arg6[%get3A_1480, %get3A_1481] {strides = array<i32>} : memref<40x256xf32, #tpu.memory_space<vmem>>, vector<16xf32>,
        %add3A_1483 = arith.constant 240 : i32
        %add3A_1484 = vector.broadcast %add3A_1483 : i32 to vector<16xi32>
        %add3A_1485 = arith.addi %add3A_1484, %iota3A : vector<16xi32>
        %masked_sort3A_1486 = arith.constant dense<true> : vector<16xi1>
        %masked_sort3A_1487, %masked_sort3A_1488, %masked_sort3A_1489 = tpu.sort %get3A_1482, %add3A_1485 masked %masked_sort3A_1486 : (vector<16xf32>, vector<16xi32>, vector<16xi1>) -> (vector<16xi1>, vector<16xf32>, vector<16xi32>)
        %rev3A_1490 = arith.constant 15 : i32
        %rev3A_1491 = vector.broadcast %rev3A_1490 : i32 to vector<16xi32>
        %rev3A_1492 = tpu.iota {dimensions = array<i32: 0>} : vector<16xi32>
        %rev3A_1493 = arith.subi %rev3A_1491, %rev3A_1492 : vector<16xi32>
        %rev3A_1494 = tpu.dynamic_gather %masked_sort3A_1488[%rev3A_1493] in [0] : vector<16xf32>, vector<16xi32> -> vector<16xf32>
        %rev3A_1495 = arith.constant 15 : i32
        %rev3A_1496 = vector.broadcast %rev3A_1495 : i32 to vector<16xi32>
        %rev3A_1497 = tpu.iota {dimensions = array<i32: 0>} : vector<16xi32>
        %rev3A_1498 = arith.subi %rev3A_1496, %rev3A_1497 : vector<16xi32>
        %rev3A_1499 = tpu.dynamic_gather %masked_sort3A_1489[%rev3A_1498] in [0] : vector<16xi32>, vector<16xi32> -> vector<16xi32>
        %le3A_1500 = arith.cmpf ole, %masked_sort3A_1421, %rev3A_1494 : vector<16xf32>
        %select_n3A_1501 = arith.select %le3A_1500, %masked_sort3A_1421, %rev3A_1494 : vector<16xi1>, vector<16xf32>
        %select_n3A_1502 = arith.select %le3A_1500, %masked_sort3A_1422, %rev3A_1499 : vector<16xi1>, vector<16xi32>
        %masked_sort3A_1503 = arith.constant dense<true> : vector<16xi1>
        %masked_sort3A_1504, %masked_sort3A_1505, %masked_sort3A_1506 = tpu.sort %select_n3A_1501, %select_n3A_1502 masked %masked_sort3A_1503 : (vector<16xf32>, vector<16xi32>, vector<16xi1>) -> (vector<16xi1>, vector<16xf32>, vector<16xi32>)
        %add3A_1507 = arith.addi %masked_sort3A_1450, %select_n3A_154 : vector<16xi32>
        %masked_sort3A_1508 = arith.constant dense<true> : vector<16xi1>
        %masked_sort3A_1509 = arith.constant -2147483648 : i32
        %masked_sort3A_1510 = vector.broadcast %masked_sort3A_1509 : i32 to vector<16xi32>
        %masked_sort3A_1511 = arith.xori %add3A_1507, %masked_sort3A_1510 : vector<16xi32>
        %masked_sort3A_1512, %masked_sort3A_1513, %masked_sort3A_1514 = tpu.sort %masked_sort3A_1511, %add3A_1507 masked %masked_sort3A_1508 : (vector<16xi32>, vector<16xi32>, vector<16xi1>) -> (vector<16xi1>, vector<16xi32>, vector<16xi32>)
        %masked_sort3A_1515 = arith.xori %masked_sort3A_1513, %masked_sort3A_1510 : vector<16xi32>
        %mul3A_1516 = arith.constant 8 : i32
        %mul3A_1517 = arith.muli %scan3A_165, %mul3A_1516 : i32
        %add3A_1518 = arith.constant 0 : i32
        %add3A_1519 = arith.addi %add3A_1518, %mul3A_1517 : i32
        %lt3A_1520 = arith.constant 8 : i32
        %lt3A_1521 = vector.broadcast %lt3A_1520 : i32 to vector<16xi32>
        %lt3A_1522 = arith.cmpi slt, %iota3A, %lt3A_1521 : vector<16xi32>
        %swap3A = arith.index_cast %add3A_1519 : i32 to index
        %swap3A_1523 = tpu.vector_load %arg7[%swap3A] masked %lt3A_1522 {strides = array<i32>} : memref<680xi32, #tpu.memory_space<vmem>>, vector<16xi32>, vector<16xi1>
        tpu.vector_store %arg7[%swap3A], %masked_sort3A_1515 masked %lt3A_1522 {strides = array<i32>} : memref<680xi32, #tpu.memory_space<vmem>>, vector<16xi32>, vector<16xi1>
        %add3A_1524 = arith.addi %masked_sort3A_1478, %select_n3A_154 : vector<16xi32>
        %masked_sort3A_1525 = arith.constant dense<true> : vector<16xi1>
        %masked_sort3A_1526 = arith.constant -2147483648 : i32
        %masked_sort3A_1527 = vector.broadcast %masked_sort3A_1526 : i32 to vector<16xi32>
        %masked_sort3A_1528 = arith.xori %add3A_1524, %masked_sort3A_1527 : vector<16xi32>
        %masked_sort3A_1529, %masked_sort3A_1530, %masked_sort3A_1531 = tpu.sort %masked_sort3A_1528, %add3A_1524 masked %masked_sort3A_1525 : (vector<16xi32>, vector<16xi32>, vector<16xi1>) -> (vector<16xi1>, vector<16xi32>, vector<16xi32>)
        %masked_sort3A_1532 = arith.xori %masked_sort3A_1530, %masked_sort3A_1527 : vector<16xi32>
        %mul3A_1533 = arith.constant 8 : i32
        %mul3A_1534 = arith.muli %scan3A_165, %mul3A_1533 : i32
        %add3A_1535 = arith.constant 224 : i32
        %add3A_1536 = arith.addi %add3A_1535, %mul3A_1534 : i32
        %lt3A_1537 = arith.constant 8 : i32
        %lt3A_1538 = vector.broadcast %lt3A_1537 : i32 to vector<16xi32>
        %lt3A_1539 = arith.cmpi slt, %iota3A, %lt3A_1538 : vector<16xi32>
        %swap3A_1540 = arith.index_cast %add3A_1536 : i32 to index
        %swap3A_1541 = tpu.vector_load %arg7[%swap3A_1540] masked %lt3A_1539 {strides = array<i32>} : memref<680xi32, #tpu.memory_space<vmem>>, vector<16xi32>, vector<16xi1>
        tpu.vector_store %arg7[%swap3A_1540], %masked_sort3A_1532 masked %lt3A_1539 {strides = array<i32>} : memref<680xi32, #tpu.memory_space<vmem>>, vector<16xi32>, vector<16xi1>
        %add3A_1542 = arith.addi %masked_sort3A_1506, %select_n3A_154 : vector<16xi32>
        %masked_sort3A_1543 = arith.constant dense<true> : vector<16xi1>
        %masked_sort3A_1544 = arith.constant -2147483648 : i32
        %masked_sort3A_1545 = vector.broadcast %masked_sort3A_1544 : i32 to vector<16xi32>
        %masked_sort3A_1546 = arith.xori %add3A_1542, %masked_sort3A_1545 : vector<16xi32>
        %masked_sort3A_1547, %masked_sort3A_1548, %masked_sort3A_1549 = tpu.sort %masked_sort3A_1546, %add3A_1542 masked %masked_sort3A_1543 : (vector<16xi32>, vector<16xi32>, vector<16xi1>) -> (vector<16xi1>, vector<16xi32>, vector<16xi32>)
        %masked_sort3A_1550 = arith.xori %masked_sort3A_1548, %masked_sort3A_1545 : vector<16xi32>
        %mul3A_1551 = arith.constant 8 : i32
        %mul3A_1552 = arith.muli %scan3A_165, %mul3A_1551 : i32
        %add3A_1553 = arith.constant 448 : i32
        %add3A_1554 = arith.addi %add3A_1553, %mul3A_1552 : i32
        %lt3A_1555 = arith.constant 8 : i32
        %lt3A_1556 = vector.broadcast %lt3A_1555 : i32 to vector<16xi32>
        %lt3A_1557 = arith.cmpi slt, %iota3A, %lt3A_1556 : vector<16xi32>
        %swap3A_1558 = arith.index_cast %add3A_1554 : i32 to index
        %swap3A_1559 = tpu.vector_load %arg7[%swap3A_1558] masked %lt3A_1557 {strides = array<i32>} : memref<680xi32, #tpu.memory_space<vmem>>, vector<16xi32>, vector<16xi1>
        tpu.vector_store %arg7[%swap3A_1558], %masked_sort3A_1550 masked %lt3A_1557 {strides = array<i32>} : memref<680xi32, #tpu.memory_space<vmem>>, vector<16xi32>, vector<16xi1>
        %scan3A_1560 = arith.constant 0 : i32
        scf.yield %scan3A_1560 : i32
      }
      %scan3A_160 = arith.constant 28 : i32
      %mul3A_161 = arith.constant 3 : i32
      %mul3A_162 = arith.muli %add3A, %mul3A_161 : i32
      %mul3A_163 = arith.constant 224 : i32
      %mul3A_164 = arith.muli %mul3A_162, %mul3A_163 : i32
      "tpu.region"() ({
        %run_scoped3A = tpu.sem_alloc : memref<!tpu.dma_semaphore, #tpu.memory_space<semaphore_mem>>
        %dma_start3A = arith.constant 0 : i32
        %dma_start3A_165 = tpu.memref_slice %arg7[%dma_start3A] : memref<680xi32, #tpu.memory_space<vmem>> -> memref<672xi32, #tpu.memory_space<vmem>>
        %dma_start3A_166 = tpu.memref_slice %arg3[%mul3A_164] : memref<18816xi32, #tpu.memory_space<hbm>> -> memref<672xi32, #tpu.memory_space<hbm>>
        %dma_start3A_167 = tpu.memref_slice %arg3[%mul3A_164] : memref<18816xi32, #tpu.memory_space<hbm>> -> memref<672xi32, #tpu.memory_space<hbm>>
        %dma_start3A_168 = arith.constant 0 : i32
        %dma_start3A_169 = tpu.memref_slice %arg7[%dma_start3A_168] : memref<680xi32, #tpu.memory_space<vmem>> -> memref<672xi32, #tpu.memory_space<vmem>>
        tpu.enqueue_dma source(%dma_start3A_169 : memref<672xi32, #tpu.memory_space<vmem>>) target(%dma_start3A_167 : memref<672xi32, #tpu.memory_space<hbm>>) target_semaphore(%run_scoped3A : memref<!tpu.dma_semaphore, #tpu.memory_space<semaphore_mem>>)
        %dma_wait3A = arith.constant 0 : i32
        %dma_wait3A_170 = tpu.memref_slice %arg7[%dma_wait3A] : memref<680xi32, #tpu.memory_space<vmem>> -> memref<672xi32, #tpu.memory_space<vmem>>
        %dma_wait3A_171 = tpu.memref_slice %arg3[%mul3A_164] : memref<18816xi32, #tpu.memory_space<hbm>> -> memref<672xi32, #tpu.memory_space<hbm>>
        %dma_wait3A_172 = tpu.memref_slice %arg3[%mul3A_164] : memref<18816xi32, #tpu.memory_space<hbm>> -> memref<672xi32, #tpu.memory_space<hbm>>
        %dma_wait3A_173 = arith.constant 0 : i32
        %dma_wait3A_174 = tpu.memref_slice %arg7[%dma_wait3A_173] : memref<680xi32, #tpu.memory_space<vmem>> -> memref<672xi32, #tpu.memory_space<vmem>>
        tpu.wait_dma2 semaphore(%run_scoped3A : memref<!tpu.dma_semaphore, #tpu.memory_space<semaphore_mem>>) src(%dma_wait3A_174 : memref<672xi32, #tpu.memory_space<vmem>>) dst(%dma_wait3A_172 : memref<672xi32, #tpu.memory_space<hbm>>)
        tpu.yield
      }) : () -> ()
    } else {
    }
    return
  }
}

module attributes {stable_mosaic.version = 14 : i64} {
  func.func @_fusion_body(%arg0: i32, %arg1: memref<7x3x224xi32, #tpu.memory_space<vmem>>, %arg2: memref<1x1x196x384xbf16, #tpu.memory_space<vmem>>, %arg3: memref<1x1x196x384xbf16, #tpu.memory_space<vmem>>, %arg4: memref<1x1x196x384xbf16, #tpu.memory_space<vmem>>, %arg5: memref<1x1x196x384xbf16, #tpu.memory_space<vmem>>, %arg6: memref<1x1x196x384xf32, #tpu.memory_space<vmem>>, %arg7: memref<384x384xbf16, #tpu.memory_space<vmem>>, %arg8: memref<384x384xf32, #tpu.memory_space<vmem>>, %arg9: memref<384xf32, #tpu.memory_space<vmem>>, %arg10: memref<1568x196xbf16, #tpu.memory_space<vmem>>, %arg11: memref<196x1568xbf16, #tpu.memory_space<vmem>>, %arg12: memref<1x196x384xf32, #tpu.memory_space<vmem>>) attributes {dimension_semantics = [#tpu.dimension_semantics<arbitrary>], iteration_bounds = array<i64: 4>, scalar_prefetch = 0 : i64, scratch_operands = 0 : i64, tpu.core_type = #tpu.core_type<tc>, window_params = [{transform_indices = @transform_0, window_bounds = array<i64: 7, 3, 224>}, {transform_indices = @transform_1, window_bounds = array<i64: 1, 1, 196, 384>}, {transform_indices = @transform_2, window_bounds = array<i64: 1, 1, 196, 384>}, {transform_indices = @transform_3, window_bounds = array<i64: 1, 1, 196, 384>}, {transform_indices = @transform_4, window_bounds = array<i64: 1, 1, 196, 384>}, {transform_indices = @transform_5, window_bounds = array<i64: 1, 1, 196, 384>}, {pipeline_mode = #tpu.pipeline_mode<synchronous>, transform_indices = @transform_6, window_bounds = array<i64: 384, 384>}, {pipeline_mode = #tpu.pipeline_mode<synchronous>, transform_indices = @transform_7, window_bounds = array<i64: 384, 384>}, {pipeline_mode = #tpu.pipeline_mode<synchronous>, transform_indices = @transform_8, window_bounds = array<i64: 384>}, {pipeline_mode = #tpu.pipeline_mode<synchronous>, transform_indices = @transform_9, window_bounds = array<i64: 1568, 196>}, {pipeline_mode = #tpu.pipeline_mode<synchronous>, transform_indices = @transform_10, window_bounds = array<i64: 196, 1568>}, {transform_indices = @transform_11, window_bounds = array<i64: 1, 196, 384>}]} {
    %iota3A = tpu.iota {dimensions = array<i32: 0>} : vector<196x224xi32>
    %get3A = arith.constant 0 : index
    %get3A_0 = arith.constant 0 : index
    %get3A_1 = vector.load %arg10[%get3A, %get3A_0] : memref<1568x196xbf16, #tpu.memory_space<vmem>>, vector<1568x196xbf16>
    %get3A_2 = arith.constant 0 : index
    %get3A_3 = arith.constant 0 : index
    %get3A_4 = arith.constant 0 : index
    %get3A_5 = arith.constant 0 : index
    %get3A_6 = vector.load %arg2[%get3A_2, %get3A_3, %get3A_4, %get3A_5] : memref<1x1x196x384xbf16, #tpu.memory_space<vmem>>, vector<1x1x196x384xbf16>
    %get3A_7 = vector.shape_cast %get3A_6 : vector<1x1x196x384xbf16> to vector<196x384xbf16>
    %dot_general3A = arith.constant dense<0.000000e+00> : vector<1568x384xf32>
    %dot_general3A_8 = tpu.matmul %get3A_1, %get3A_7, %dot_general3A {dimension_numbers = #tpu.dot_dimension_numbers<[1], [0], [0], [1], [0, 0, 1, 1], [], []>, transpose_lhs_hint = false} : vector<1568x196xbf16>, vector<196x384xbf16>, vector<1568x384xf32> -> vector<1568x384xf32>
    %get3A_9 = arith.constant 0 : index
    %get3A_10 = vector.load %arg9[%get3A_9] : memref<384xf32, #tpu.memory_space<vmem>>, vector<384xf32>
    %broadcast_in_dim3A = vector.shape_cast %get3A_10 : vector<384xf32> to vector<1x384xf32>
    %sub3A = vector.broadcast %broadcast_in_dim3A : vector<1x384xf32> to vector<1568x384xf32>
    %sub3A_11 = arith.subf %sub3A, %dot_general3A_8 : vector<1568x384xf32>
    %broadcast_in_dim3A_12 = arith.constant 0.000000e+00 : f32
    %broadcast_in_dim3A_13 = vector.broadcast %broadcast_in_dim3A_12 : f32 to vector<1568x384xf32>
    %broadcast_in_dim3A_14 = arith.constant 0.000000e+00 : f32
    %broadcast_in_dim3A_15 = vector.broadcast %broadcast_in_dim3A_14 : f32 to vector<1568x384xf32>
    %get3A_16 = arith.constant 0 : index
    %get3A_17 = arith.constant 0 : index
    %get3A_18 = arith.constant 0 : index
    %get3A_19 = vector.load %arg1[%get3A_16, %get3A_17, %get3A_18] : memref<7x3x224xi32, #tpu.memory_space<vmem>>, vector<1x1x224xi32>
    %get3A_20 = vector.shape_cast %get3A_19 : vector<1x1x224xi32> to vector<224xi32>
    %reshape3A = vector.shape_cast %get3A_20 : vector<224xi32> to vector<1x224xi32>
    %eq3A = vector.broadcast %reshape3A : vector<1x224xi32> to vector<196x224xi32>
    %eq3A_21 = arith.cmpi eq, %eq3A, %iota3A : vector<196x224xi32>
    %jit3A = arith.constant 1.000000e+00 : f32
    %jit3A_22 = arith.constant 0.000000e+00 : f32
    %broadcast_in_dim3A_23 = vector.broadcast %jit3A : f32 to vector<196x224xf32>
    %broadcast_in_dim3A_24 = vector.broadcast %jit3A_22 : f32 to vector<196x224xf32>
    %select_n3A = arith.select %eq3A_21, %broadcast_in_dim3A_23, %broadcast_in_dim3A_24 : vector<196x224xi1>, vector<196x224xf32>
    %convert_element_type3A = arith.truncf %select_n3A : vector<196x224xf32> to vector<196x224xbf16>
    %get3A_25 = arith.constant 0 : index
    %get3A_26 = arith.constant 0 : index
    %get3A_27 = arith.constant 0 : index
    %get3A_28 = arith.constant 0 : index
    %get3A_29 = vector.load %arg3[%get3A_25, %get3A_26, %get3A_27, %get3A_28] : memref<1x1x196x384xbf16, #tpu.memory_space<vmem>>, vector<1x1x196x384xbf16>
    %get3A_30 = vector.shape_cast %get3A_29 : vector<1x1x196x384xbf16> to vector<196x384xbf16>
    %dot_general3A_31 = arith.constant dense<0.000000e+00> : vector<224x384xf32>
    %dot_general3A_32 = tpu.matmul %convert_element_type3A, %get3A_30, %dot_general3A_31 {dimension_numbers = #tpu.dot_dimension_numbers<[0], [0], [1], [1], [0, 1, 1, 1], [], []>, transpose_lhs_hint = false} : vector<196x224xbf16>, vector<196x384xbf16>, vector<224x384xf32> -> vector<224x384xf32>
    %get3A_33 = arith.constant 1 : index
    %get3A_34 = arith.constant 0 : index
    %get3A_35 = arith.constant 0 : index
    %get3A_36 = vector.load %arg1[%get3A_33, %get3A_34, %get3A_35] : memref<7x3x224xi32, #tpu.memory_space<vmem>>, vector<1x1x224xi32>
    %get3A_37 = vector.shape_cast %get3A_36 : vector<1x1x224xi32> to vector<224xi32>
    %reshape3A_38 = vector.shape_cast %get3A_37 : vector<224xi32> to vector<1x224xi32>
    %eq3A_39 = vector.broadcast %reshape3A_38 : vector<1x224xi32> to vector<196x224xi32>
    %eq3A_40 = arith.cmpi eq, %eq3A_39, %iota3A : vector<196x224xi32>
    %jit3A_41 = arith.constant 1.000000e+00 : f32
    %jit3A_42 = arith.constant 0.000000e+00 : f32
    %broadcast_in_dim3A_43 = vector.broadcast %jit3A_41 : f32 to vector<196x224xf32>
    %broadcast_in_dim3A_44 = vector.broadcast %jit3A_42 : f32 to vector<196x224xf32>
    %select_n3A_45 = arith.select %eq3A_40, %broadcast_in_dim3A_43, %broadcast_in_dim3A_44 : vector<196x224xi1>, vector<196x224xf32>
    %convert_element_type3A_46 = arith.truncf %select_n3A_45 : vector<196x224xf32> to vector<196x224xbf16>
    %get3A_47 = arith.constant 0 : index
    %get3A_48 = arith.constant 0 : index
    %get3A_49 = arith.constant 0 : index
    %get3A_50 = arith.constant 0 : index
    %get3A_51 = vector.load %arg3[%get3A_47, %get3A_48, %get3A_49, %get3A_50] : memref<1x1x196x384xbf16, #tpu.memory_space<vmem>>, vector<1x1x196x384xbf16>
    %get3A_52 = vector.shape_cast %get3A_51 : vector<1x1x196x384xbf16> to vector<196x384xbf16>
    %dot_general3A_53 = arith.constant dense<0.000000e+00> : vector<224x384xf32>
    %dot_general3A_54 = tpu.matmul %convert_element_type3A_46, %get3A_52, %dot_general3A_53 {dimension_numbers = #tpu.dot_dimension_numbers<[0], [0], [1], [1], [0, 1, 1, 1], [], []>, transpose_lhs_hint = false} : vector<196x224xbf16>, vector<196x384xbf16>, vector<224x384xf32> -> vector<224x384xf32>
    %get3A_55 = arith.constant 2 : index
    %get3A_56 = arith.constant 0 : index
    %get3A_57 = arith.constant 0 : index
    %get3A_58 = vector.load %arg1[%get3A_55, %get3A_56, %get3A_57] : memref<7x3x224xi32, #tpu.memory_space<vmem>>, vector<1x1x224xi32>
    %get3A_59 = vector.shape_cast %get3A_58 : vector<1x1x224xi32> to vector<224xi32>
    %reshape3A_60 = vector.shape_cast %get3A_59 : vector<224xi32> to vector<1x224xi32>
    %eq3A_61 = vector.broadcast %reshape3A_60 : vector<1x224xi32> to vector<196x224xi32>
    %eq3A_62 = arith.cmpi eq, %eq3A_61, %iota3A : vector<196x224xi32>
    %jit3A_63 = arith.constant 1.000000e+00 : f32
    %jit3A_64 = arith.constant 0.000000e+00 : f32
    %broadcast_in_dim3A_65 = vector.broadcast %jit3A_63 : f32 to vector<196x224xf32>
    %broadcast_in_dim3A_66 = vector.broadcast %jit3A_64 : f32 to vector<196x224xf32>
    %select_n3A_67 = arith.select %eq3A_62, %broadcast_in_dim3A_65, %broadcast_in_dim3A_66 : vector<196x224xi1>, vector<196x224xf32>
    %convert_element_type3A_68 = arith.truncf %select_n3A_67 : vector<196x224xf32> to vector<196x224xbf16>
    %get3A_69 = arith.constant 0 : index
    %get3A_70 = arith.constant 0 : index
    %get3A_71 = arith.constant 0 : index
    %get3A_72 = arith.constant 0 : index
    %get3A_73 = vector.load %arg3[%get3A_69, %get3A_70, %get3A_71, %get3A_72] : memref<1x1x196x384xbf16, #tpu.memory_space<vmem>>, vector<1x1x196x384xbf16>
    %get3A_74 = vector.shape_cast %get3A_73 : vector<1x1x196x384xbf16> to vector<196x384xbf16>
    %dot_general3A_75 = arith.constant dense<0.000000e+00> : vector<224x384xf32>
    %dot_general3A_76 = tpu.matmul %convert_element_type3A_68, %get3A_74, %dot_general3A_75 {dimension_numbers = #tpu.dot_dimension_numbers<[0], [0], [1], [1], [0, 1, 1, 1], [], []>, transpose_lhs_hint = false} : vector<196x224xbf16>, vector<196x384xbf16>, vector<224x384xf32> -> vector<224x384xf32>
    %get3A_77 = arith.constant 3 : index
    %get3A_78 = arith.constant 0 : index
    %get3A_79 = arith.constant 0 : index
    %get3A_80 = vector.load %arg1[%get3A_77, %get3A_78, %get3A_79] : memref<7x3x224xi32, #tpu.memory_space<vmem>>, vector<1x1x224xi32>
    %get3A_81 = vector.shape_cast %get3A_80 : vector<1x1x224xi32> to vector<224xi32>
    %reshape3A_82 = vector.shape_cast %get3A_81 : vector<224xi32> to vector<1x224xi32>
    %eq3A_83 = vector.broadcast %reshape3A_82 : vector<1x224xi32> to vector<196x224xi32>
    %eq3A_84 = arith.cmpi eq, %eq3A_83, %iota3A : vector<196x224xi32>
    %jit3A_85 = arith.constant 1.000000e+00 : f32
    %jit3A_86 = arith.constant 0.000000e+00 : f32
    %broadcast_in_dim3A_87 = vector.broadcast %jit3A_85 : f32 to vector<196x224xf32>
    %broadcast_in_dim3A_88 = vector.broadcast %jit3A_86 : f32 to vector<196x224xf32>
    %select_n3A_89 = arith.select %eq3A_84, %broadcast_in_dim3A_87, %broadcast_in_dim3A_88 : vector<196x224xi1>, vector<196x224xf32>
    %convert_element_type3A_90 = arith.truncf %select_n3A_89 : vector<196x224xf32> to vector<196x224xbf16>
    %get3A_91 = arith.constant 0 : index
    %get3A_92 = arith.constant 0 : index
    %get3A_93 = arith.constant 0 : index
    %get3A_94 = arith.constant 0 : index
    %get3A_95 = vector.load %arg3[%get3A_91, %get3A_92, %get3A_93, %get3A_94] : memref<1x1x196x384xbf16, #tpu.memory_space<vmem>>, vector<1x1x196x384xbf16>
    %get3A_96 = vector.shape_cast %get3A_95 : vector<1x1x196x384xbf16> to vector<196x384xbf16>
    %dot_general3A_97 = arith.constant dense<0.000000e+00> : vector<224x384xf32>
    %dot_general3A_98 = tpu.matmul %convert_element_type3A_90, %get3A_96, %dot_general3A_97 {dimension_numbers = #tpu.dot_dimension_numbers<[0], [0], [1], [1], [0, 1, 1, 1], [], []>, transpose_lhs_hint = false} : vector<196x224xbf16>, vector<196x384xbf16>, vector<224x384xf32> -> vector<224x384xf32>
    %get3A_99 = arith.constant 4 : index
    %get3A_100 = arith.constant 0 : index
    %get3A_101 = arith.constant 0 : index
    %get3A_102 = vector.load %arg1[%get3A_99, %get3A_100, %get3A_101] : memref<7x3x224xi32, #tpu.memory_space<vmem>>, vector<1x1x224xi32>
    %get3A_103 = vector.shape_cast %get3A_102 : vector<1x1x224xi32> to vector<224xi32>
    %reshape3A_104 = vector.shape_cast %get3A_103 : vector<224xi32> to vector<1x224xi32>
    %eq3A_105 = vector.broadcast %reshape3A_104 : vector<1x224xi32> to vector<196x224xi32>
    %eq3A_106 = arith.cmpi eq, %eq3A_105, %iota3A : vector<196x224xi32>
    %jit3A_107 = arith.constant 1.000000e+00 : f32
    %jit3A_108 = arith.constant 0.000000e+00 : f32
    %broadcast_in_dim3A_109 = vector.broadcast %jit3A_107 : f32 to vector<196x224xf32>
    %broadcast_in_dim3A_110 = vector.broadcast %jit3A_108 : f32 to vector<196x224xf32>
    %select_n3A_111 = arith.select %eq3A_106, %broadcast_in_dim3A_109, %broadcast_in_dim3A_110 : vector<196x224xi1>, vector<196x224xf32>
    %convert_element_type3A_112 = arith.truncf %select_n3A_111 : vector<196x224xf32> to vector<196x224xbf16>
    %get3A_113 = arith.constant 0 : index
    %get3A_114 = arith.constant 0 : index
    %get3A_115 = arith.constant 0 : index
    %get3A_116 = arith.constant 0 : index
    %get3A_117 = vector.load %arg3[%get3A_113, %get3A_114, %get3A_115, %get3A_116] : memref<1x1x196x384xbf16, #tpu.memory_space<vmem>>, vector<1x1x196x384xbf16>
    %get3A_118 = vector.shape_cast %get3A_117 : vector<1x1x196x384xbf16> to vector<196x384xbf16>
    %dot_general3A_119 = arith.constant dense<0.000000e+00> : vector<224x384xf32>
    %dot_general3A_120 = tpu.matmul %convert_element_type3A_112, %get3A_118, %dot_general3A_119 {dimension_numbers = #tpu.dot_dimension_numbers<[0], [0], [1], [1], [0, 1, 1, 1], [], []>, transpose_lhs_hint = false} : vector<196x224xbf16>, vector<196x384xbf16>, vector<224x384xf32> -> vector<224x384xf32>
    %get3A_121 = arith.constant 5 : index
    %get3A_122 = arith.constant 0 : index
    %get3A_123 = arith.constant 0 : index
    %get3A_124 = vector.load %arg1[%get3A_121, %get3A_122, %get3A_123] : memref<7x3x224xi32, #tpu.memory_space<vmem>>, vector<1x1x224xi32>
    %get3A_125 = vector.shape_cast %get3A_124 : vector<1x1x224xi32> to vector<224xi32>
    %reshape3A_126 = vector.shape_cast %get3A_125 : vector<224xi32> to vector<1x224xi32>
    %eq3A_127 = vector.broadcast %reshape3A_126 : vector<1x224xi32> to vector<196x224xi32>
    %eq3A_128 = arith.cmpi eq, %eq3A_127, %iota3A : vector<196x224xi32>
    %jit3A_129 = arith.constant 1.000000e+00 : f32
    %jit3A_130 = arith.constant 0.000000e+00 : f32
    %broadcast_in_dim3A_131 = vector.broadcast %jit3A_129 : f32 to vector<196x224xf32>
    %broadcast_in_dim3A_132 = vector.broadcast %jit3A_130 : f32 to vector<196x224xf32>
    %select_n3A_133 = arith.select %eq3A_128, %broadcast_in_dim3A_131, %broadcast_in_dim3A_132 : vector<196x224xi1>, vector<196x224xf32>
    %convert_element_type3A_134 = arith.truncf %select_n3A_133 : vector<196x224xf32> to vector<196x224xbf16>
    %get3A_135 = arith.constant 0 : index
    %get3A_136 = arith.constant 0 : index
    %get3A_137 = arith.constant 0 : index
    %get3A_138 = arith.constant 0 : index
    %get3A_139 = vector.load %arg3[%get3A_135, %get3A_136, %get3A_137, %get3A_138] : memref<1x1x196x384xbf16, #tpu.memory_space<vmem>>, vector<1x1x196x384xbf16>
    %get3A_140 = vector.shape_cast %get3A_139 : vector<1x1x196x384xbf16> to vector<196x384xbf16>
    %dot_general3A_141 = arith.constant dense<0.000000e+00> : vector<224x384xf32>
    %dot_general3A_142 = tpu.matmul %convert_element_type3A_134, %get3A_140, %dot_general3A_141 {dimension_numbers = #tpu.dot_dimension_numbers<[0], [0], [1], [1], [0, 1, 1, 1], [], []>, transpose_lhs_hint = false} : vector<196x224xbf16>, vector<196x384xbf16>, vector<224x384xf32> -> vector<224x384xf32>
    %get3A_143 = arith.constant 6 : index
    %get3A_144 = arith.constant 0 : index
    %get3A_145 = arith.constant 0 : index
    %get3A_146 = vector.load %arg1[%get3A_143, %get3A_144, %get3A_145] : memref<7x3x224xi32, #tpu.memory_space<vmem>>, vector<1x1x224xi32>
    %get3A_147 = vector.shape_cast %get3A_146 : vector<1x1x224xi32> to vector<224xi32>
    %reshape3A_148 = vector.shape_cast %get3A_147 : vector<224xi32> to vector<1x224xi32>
    %eq3A_149 = vector.broadcast %reshape3A_148 : vector<1x224xi32> to vector<196x224xi32>
    %eq3A_150 = arith.cmpi eq, %eq3A_149, %iota3A : vector<196x224xi32>
    %jit3A_151 = arith.constant 1.000000e+00 : f32
    %jit3A_152 = arith.constant 0.000000e+00 : f32
    %broadcast_in_dim3A_153 = vector.broadcast %jit3A_151 : f32 to vector<196x224xf32>
    %broadcast_in_dim3A_154 = vector.broadcast %jit3A_152 : f32 to vector<196x224xf32>
    %select_n3A_155 = arith.select %eq3A_150, %broadcast_in_dim3A_153, %broadcast_in_dim3A_154 : vector<196x224xi1>, vector<196x224xf32>
    %convert_element_type3A_156 = arith.truncf %select_n3A_155 : vector<196x224xf32> to vector<196x224xbf16>
    %get3A_157 = arith.constant 0 : index
    %get3A_158 = arith.constant 0 : index
    %get3A_159 = arith.constant 0 : index
    %get3A_160 = arith.constant 0 : index
    %get3A_161 = vector.load %arg3[%get3A_157, %get3A_158, %get3A_159, %get3A_160] : memref<1x1x196x384xbf16, #tpu.memory_space<vmem>>, vector<1x1x196x384xbf16>
    %get3A_162 = vector.shape_cast %get3A_161 : vector<1x1x196x384xbf16> to vector<196x384xbf16>
    %dot_general3A_163 = arith.constant dense<0.000000e+00> : vector<224x384xf32>
    %dot_general3A_164 = tpu.matmul %convert_element_type3A_156, %get3A_162, %dot_general3A_163 {dimension_numbers = #tpu.dot_dimension_numbers<[0], [0], [1], [1], [0, 1, 1, 1], [], []>, transpose_lhs_hint = false} : vector<196x224xbf16>, vector<196x384xbf16>, vector<224x384xf32> -> vector<224x384xf32>
    %concatenate3A = tpu.concatenate %dot_general3A_32, %dot_general3A_54, %dot_general3A_76, %dot_general3A_98, %dot_general3A_120, %dot_general3A_142, %dot_general3A_164 in 0 : vector<224x384xf32>, vector<224x384xf32>, vector<224x384xf32>, vector<224x384xf32>, vector<224x384xf32>, vector<224x384xf32>, vector<224x384xf32> -> vector<1568x384xf32>
    %add3A = arith.addf %concatenate3A, %sub3A_11 : vector<1568x384xf32>
    %mul3A = arith.constant 5.000000e-01 : f32
    %mul3A_165 = vector.broadcast %mul3A : f32 to vector<1568x384xf32>
    %mul3A_166 = arith.mulf %mul3A_165, %add3A : vector<1568x384xf32>
    %mul3A_167 = arith.constant 0.707106769 : f32
    %mul3A_168 = vector.broadcast %mul3A_167 : f32 to vector<1568x384xf32>
    %mul3A_169 = arith.mulf %add3A, %mul3A_168 : vector<1568x384xf32>
    %erf3A = math.erf %mul3A_169 : vector<1568x384xf32>
    %add3A_170 = arith.constant 1.000000e+00 : f32
    %add3A_171 = vector.broadcast %add3A_170 : f32 to vector<1568x384xf32>
    %add3A_172 = arith.addf %add3A_171, %erf3A : vector<1568x384xf32>
    %mul3A_173 = arith.mulf %mul3A_166, %add3A_172 : vector<1568x384xf32>
    %convert_element_type3A_174 = arith.truncf %mul3A_173 : vector<1568x384xf32> to vector<1568x384xbf16>
    %get3A_175 = arith.constant 0 : index
    %get3A_176 = arith.constant 0 : index
    %get3A_177 = vector.load %arg7[%get3A_175, %get3A_176] : memref<384x384xbf16, #tpu.memory_space<vmem>>, vector<384x384xbf16>
    %dot_general3A_178 = arith.constant dense<0.000000e+00> : vector<1568x384xf32>
    %dot_general3A_179 = tpu.matmul %convert_element_type3A_174, %get3A_177, %dot_general3A_178 {dimension_numbers = #tpu.dot_dimension_numbers<[1], [0], [0], [1], [0, 0, 1, 1], [], []>, transpose_lhs_hint = false} : vector<1568x384xbf16>, vector<384x384xbf16>, vector<1568x384xf32> -> vector<1568x384xf32>
    %exp3A = math.exp %dot_general3A_179 : vector<1568x384xf32>
    %add3A_180 = arith.addf %broadcast_in_dim3A_15, %exp3A : vector<1568x384xf32>
    %mul3A_181 = arith.mulf %mul3A_173, %exp3A : vector<1568x384xf32>
    %add3A_182 = arith.addf %broadcast_in_dim3A_13, %mul3A_181 : vector<1568x384xf32>
    %get3A_183 = arith.constant 0 : index
    %get3A_184 = arith.constant 1 : index
    %get3A_185 = arith.constant 0 : index
    %get3A_186 = vector.load %arg1[%get3A_183, %get3A_184, %get3A_185] : memref<7x3x224xi32, #tpu.memory_space<vmem>>, vector<1x1x224xi32>
    %get3A_187 = vector.shape_cast %get3A_186 : vector<1x1x224xi32> to vector<224xi32>
    %reshape3A_188 = vector.shape_cast %get3A_187 : vector<224xi32> to vector<1x224xi32>
    %eq3A_189 = vector.broadcast %reshape3A_188 : vector<1x224xi32> to vector<196x224xi32>
    %eq3A_190 = arith.cmpi eq, %eq3A_189, %iota3A : vector<196x224xi32>
    %jit3A_191 = arith.constant 1.000000e+00 : f32
    %jit3A_192 = arith.constant 0.000000e+00 : f32
    %broadcast_in_dim3A_193 = vector.broadcast %jit3A_191 : f32 to vector<196x224xf32>
    %broadcast_in_dim3A_194 = vector.broadcast %jit3A_192 : f32 to vector<196x224xf32>
    %select_n3A_195 = arith.select %eq3A_190, %broadcast_in_dim3A_193, %broadcast_in_dim3A_194 : vector<196x224xi1>, vector<196x224xf32>
    %convert_element_type3A_196 = arith.truncf %select_n3A_195 : vector<196x224xf32> to vector<196x224xbf16>
    %get3A_197 = arith.constant 0 : index
    %get3A_198 = arith.constant 0 : index
    %get3A_199 = arith.constant 0 : index
    %get3A_200 = arith.constant 0 : index
    %get3A_201 = vector.load %arg4[%get3A_197, %get3A_198, %get3A_199, %get3A_200] : memref<1x1x196x384xbf16, #tpu.memory_space<vmem>>, vector<1x1x196x384xbf16>
    %get3A_202 = vector.shape_cast %get3A_201 : vector<1x1x196x384xbf16> to vector<196x384xbf16>
    %dot_general3A_203 = arith.constant dense<0.000000e+00> : vector<224x384xf32>
    %dot_general3A_204 = tpu.matmul %convert_element_type3A_196, %get3A_202, %dot_general3A_203 {dimension_numbers = #tpu.dot_dimension_numbers<[0], [0], [1], [1], [0, 1, 1, 1], [], []>, transpose_lhs_hint = false} : vector<196x224xbf16>, vector<196x384xbf16>, vector<224x384xf32> -> vector<224x384xf32>
    %get3A_205 = arith.constant 1 : index
    %get3A_206 = arith.constant 1 : index
    %get3A_207 = arith.constant 0 : index
    %get3A_208 = vector.load %arg1[%get3A_205, %get3A_206, %get3A_207] : memref<7x3x224xi32, #tpu.memory_space<vmem>>, vector<1x1x224xi32>
    %get3A_209 = vector.shape_cast %get3A_208 : vector<1x1x224xi32> to vector<224xi32>
    %reshape3A_210 = vector.shape_cast %get3A_209 : vector<224xi32> to vector<1x224xi32>
    %eq3A_211 = vector.broadcast %reshape3A_210 : vector<1x224xi32> to vector<196x224xi32>
    %eq3A_212 = arith.cmpi eq, %eq3A_211, %iota3A : vector<196x224xi32>
    %jit3A_213 = arith.constant 1.000000e+00 : f32
    %jit3A_214 = arith.constant 0.000000e+00 : f32
    %broadcast_in_dim3A_215 = vector.broadcast %jit3A_213 : f32 to vector<196x224xf32>
    %broadcast_in_dim3A_216 = vector.broadcast %jit3A_214 : f32 to vector<196x224xf32>
    %select_n3A_217 = arith.select %eq3A_212, %broadcast_in_dim3A_215, %broadcast_in_dim3A_216 : vector<196x224xi1>, vector<196x224xf32>
    %convert_element_type3A_218 = arith.truncf %select_n3A_217 : vector<196x224xf32> to vector<196x224xbf16>
    %get3A_219 = arith.constant 0 : index
    %get3A_220 = arith.constant 0 : index
    %get3A_221 = arith.constant 0 : index
    %get3A_222 = arith.constant 0 : index
    %get3A_223 = vector.load %arg4[%get3A_219, %get3A_220, %get3A_221, %get3A_222] : memref<1x1x196x384xbf16, #tpu.memory_space<vmem>>, vector<1x1x196x384xbf16>
    %get3A_224 = vector.shape_cast %get3A_223 : vector<1x1x196x384xbf16> to vector<196x384xbf16>
    %dot_general3A_225 = arith.constant dense<0.000000e+00> : vector<224x384xf32>
    %dot_general3A_226 = tpu.matmul %convert_element_type3A_218, %get3A_224, %dot_general3A_225 {dimension_numbers = #tpu.dot_dimension_numbers<[0], [0], [1], [1], [0, 1, 1, 1], [], []>, transpose_lhs_hint = false} : vector<196x224xbf16>, vector<196x384xbf16>, vector<224x384xf32> -> vector<224x384xf32>
    %get3A_227 = arith.constant 2 : index
    %get3A_228 = arith.constant 1 : index
    %get3A_229 = arith.constant 0 : index
    %get3A_230 = vector.load %arg1[%get3A_227, %get3A_228, %get3A_229] : memref<7x3x224xi32, #tpu.memory_space<vmem>>, vector<1x1x224xi32>
    %get3A_231 = vector.shape_cast %get3A_230 : vector<1x1x224xi32> to vector<224xi32>
    %reshape3A_232 = vector.shape_cast %get3A_231 : vector<224xi32> to vector<1x224xi32>
    %eq3A_233 = vector.broadcast %reshape3A_232 : vector<1x224xi32> to vector<196x224xi32>
    %eq3A_234 = arith.cmpi eq, %eq3A_233, %iota3A : vector<196x224xi32>
    %jit3A_235 = arith.constant 1.000000e+00 : f32
    %jit3A_236 = arith.constant 0.000000e+00 : f32
    %broadcast_in_dim3A_237 = vector.broadcast %jit3A_235 : f32 to vector<196x224xf32>
    %broadcast_in_dim3A_238 = vector.broadcast %jit3A_236 : f32 to vector<196x224xf32>
    %select_n3A_239 = arith.select %eq3A_234, %broadcast_in_dim3A_237, %broadcast_in_dim3A_238 : vector<196x224xi1>, vector<196x224xf32>
    %convert_element_type3A_240 = arith.truncf %select_n3A_239 : vector<196x224xf32> to vector<196x224xbf16>
    %get3A_241 = arith.constant 0 : index
    %get3A_242 = arith.constant 0 : index
    %get3A_243 = arith.constant 0 : index
    %get3A_244 = arith.constant 0 : index
    %get3A_245 = vector.load %arg4[%get3A_241, %get3A_242, %get3A_243, %get3A_244] : memref<1x1x196x384xbf16, #tpu.memory_space<vmem>>, vector<1x1x196x384xbf16>
    %get3A_246 = vector.shape_cast %get3A_245 : vector<1x1x196x384xbf16> to vector<196x384xbf16>
    %dot_general3A_247 = arith.constant dense<0.000000e+00> : vector<224x384xf32>
    %dot_general3A_248 = tpu.matmul %convert_element_type3A_240, %get3A_246, %dot_general3A_247 {dimension_numbers = #tpu.dot_dimension_numbers<[0], [0], [1], [1], [0, 1, 1, 1], [], []>, transpose_lhs_hint = false} : vector<196x224xbf16>, vector<196x384xbf16>, vector<224x384xf32> -> vector<224x384xf32>
    %get3A_249 = arith.constant 3 : index
    %get3A_250 = arith.constant 1 : index
    %get3A_251 = arith.constant 0 : index
    %get3A_252 = vector.load %arg1[%get3A_249, %get3A_250, %get3A_251] : memref<7x3x224xi32, #tpu.memory_space<vmem>>, vector<1x1x224xi32>
    %get3A_253 = vector.shape_cast %get3A_252 : vector<1x1x224xi32> to vector<224xi32>
    %reshape3A_254 = vector.shape_cast %get3A_253 : vector<224xi32> to vector<1x224xi32>
    %eq3A_255 = vector.broadcast %reshape3A_254 : vector<1x224xi32> to vector<196x224xi32>
    %eq3A_256 = arith.cmpi eq, %eq3A_255, %iota3A : vector<196x224xi32>
    %jit3A_257 = arith.constant 1.000000e+00 : f32
    %jit3A_258 = arith.constant 0.000000e+00 : f32
    %broadcast_in_dim3A_259 = vector.broadcast %jit3A_257 : f32 to vector<196x224xf32>
    %broadcast_in_dim3A_260 = vector.broadcast %jit3A_258 : f32 to vector<196x224xf32>
    %select_n3A_261 = arith.select %eq3A_256, %broadcast_in_dim3A_259, %broadcast_in_dim3A_260 : vector<196x224xi1>, vector<196x224xf32>
    %convert_element_type3A_262 = arith.truncf %select_n3A_261 : vector<196x224xf32> to vector<196x224xbf16>
    %get3A_263 = arith.constant 0 : index
    %get3A_264 = arith.constant 0 : index
    %get3A_265 = arith.constant 0 : index
    %get3A_266 = arith.constant 0 : index
    %get3A_267 = vector.load %arg4[%get3A_263, %get3A_264, %get3A_265, %get3A_266] : memref<1x1x196x384xbf16, #tpu.memory_space<vmem>>, vector<1x1x196x384xbf16>
    %get3A_268 = vector.shape_cast %get3A_267 : vector<1x1x196x384xbf16> to vector<196x384xbf16>
    %dot_general3A_269 = arith.constant dense<0.000000e+00> : vector<224x384xf32>
    %dot_general3A_270 = tpu.matmul %convert_element_type3A_262, %get3A_268, %dot_general3A_269 {dimension_numbers = #tpu.dot_dimension_numbers<[0], [0], [1], [1], [0, 1, 1, 1], [], []>, transpose_lhs_hint = false} : vector<196x224xbf16>, vector<196x384xbf16>, vector<224x384xf32> -> vector<224x384xf32>
    %get3A_271 = arith.constant 4 : index
    %get3A_272 = arith.constant 1 : index
    %get3A_273 = arith.constant 0 : index
    %get3A_274 = vector.load %arg1[%get3A_271, %get3A_272, %get3A_273] : memref<7x3x224xi32, #tpu.memory_space<vmem>>, vector<1x1x224xi32>
    %get3A_275 = vector.shape_cast %get3A_274 : vector<1x1x224xi32> to vector<224xi32>
    %reshape3A_276 = vector.shape_cast %get3A_275 : vector<224xi32> to vector<1x224xi32>
    %eq3A_277 = vector.broadcast %reshape3A_276 : vector<1x224xi32> to vector<196x224xi32>
    %eq3A_278 = arith.cmpi eq, %eq3A_277, %iota3A : vector<196x224xi32>
    %jit3A_279 = arith.constant 1.000000e+00 : f32
    %jit3A_280 = arith.constant 0.000000e+00 : f32
    %broadcast_in_dim3A_281 = vector.broadcast %jit3A_279 : f32 to vector<196x224xf32>
    %broadcast_in_dim3A_282 = vector.broadcast %jit3A_280 : f32 to vector<196x224xf32>
    %select_n3A_283 = arith.select %eq3A_278, %broadcast_in_dim3A_281, %broadcast_in_dim3A_282 : vector<196x224xi1>, vector<196x224xf32>
    %convert_element_type3A_284 = arith.truncf %select_n3A_283 : vector<196x224xf32> to vector<196x224xbf16>
    %get3A_285 = arith.constant 0 : index
    %get3A_286 = arith.constant 0 : index
    %get3A_287 = arith.constant 0 : index
    %get3A_288 = arith.constant 0 : index
    %get3A_289 = vector.load %arg4[%get3A_285, %get3A_286, %get3A_287, %get3A_288] : memref<1x1x196x384xbf16, #tpu.memory_space<vmem>>, vector<1x1x196x384xbf16>
    %get3A_290 = vector.shape_cast %get3A_289 : vector<1x1x196x384xbf16> to vector<196x384xbf16>
    %dot_general3A_291 = arith.constant dense<0.000000e+00> : vector<224x384xf32>
    %dot_general3A_292 = tpu.matmul %convert_element_type3A_284, %get3A_290, %dot_general3A_291 {dimension_numbers = #tpu.dot_dimension_numbers<[0], [0], [1], [1], [0, 1, 1, 1], [], []>, transpose_lhs_hint = false} : vector<196x224xbf16>, vector<196x384xbf16>, vector<224x384xf32> -> vector<224x384xf32>
    %get3A_293 = arith.constant 5 : index
    %get3A_294 = arith.constant 1 : index
    %get3A_295 = arith.constant 0 : index
    %get3A_296 = vector.load %arg1[%get3A_293, %get3A_294, %get3A_295] : memref<7x3x224xi32, #tpu.memory_space<vmem>>, vector<1x1x224xi32>
    %get3A_297 = vector.shape_cast %get3A_296 : vector<1x1x224xi32> to vector<224xi32>
    %reshape3A_298 = vector.shape_cast %get3A_297 : vector<224xi32> to vector<1x224xi32>
    %eq3A_299 = vector.broadcast %reshape3A_298 : vector<1x224xi32> to vector<196x224xi32>
    %eq3A_300 = arith.cmpi eq, %eq3A_299, %iota3A : vector<196x224xi32>
    %jit3A_301 = arith.constant 1.000000e+00 : f32
    %jit3A_302 = arith.constant 0.000000e+00 : f32
    %broadcast_in_dim3A_303 = vector.broadcast %jit3A_301 : f32 to vector<196x224xf32>
    %broadcast_in_dim3A_304 = vector.broadcast %jit3A_302 : f32 to vector<196x224xf32>
    %select_n3A_305 = arith.select %eq3A_300, %broadcast_in_dim3A_303, %broadcast_in_dim3A_304 : vector<196x224xi1>, vector<196x224xf32>
    %convert_element_type3A_306 = arith.truncf %select_n3A_305 : vector<196x224xf32> to vector<196x224xbf16>
    %get3A_307 = arith.constant 0 : index
    %get3A_308 = arith.constant 0 : index
    %get3A_309 = arith.constant 0 : index
    %get3A_310 = arith.constant 0 : index
    %get3A_311 = vector.load %arg4[%get3A_307, %get3A_308, %get3A_309, %get3A_310] : memref<1x1x196x384xbf16, #tpu.memory_space<vmem>>, vector<1x1x196x384xbf16>
    %get3A_312 = vector.shape_cast %get3A_311 : vector<1x1x196x384xbf16> to vector<196x384xbf16>
    %dot_general3A_313 = arith.constant dense<0.000000e+00> : vector<224x384xf32>
    %dot_general3A_314 = tpu.matmul %convert_element_type3A_306, %get3A_312, %dot_general3A_313 {dimension_numbers = #tpu.dot_dimension_numbers<[0], [0], [1], [1], [0, 1, 1, 1], [], []>, transpose_lhs_hint = false} : vector<196x224xbf16>, vector<196x384xbf16>, vector<224x384xf32> -> vector<224x384xf32>
    %get3A_315 = arith.constant 6 : index
    %get3A_316 = arith.constant 1 : index
    %get3A_317 = arith.constant 0 : index
    %get3A_318 = vector.load %arg1[%get3A_315, %get3A_316, %get3A_317] : memref<7x3x224xi32, #tpu.memory_space<vmem>>, vector<1x1x224xi32>
    %get3A_319 = vector.shape_cast %get3A_318 : vector<1x1x224xi32> to vector<224xi32>
    %reshape3A_320 = vector.shape_cast %get3A_319 : vector<224xi32> to vector<1x224xi32>
    %eq3A_321 = vector.broadcast %reshape3A_320 : vector<1x224xi32> to vector<196x224xi32>
    %eq3A_322 = arith.cmpi eq, %eq3A_321, %iota3A : vector<196x224xi32>
    %jit3A_323 = arith.constant 1.000000e+00 : f32
    %jit3A_324 = arith.constant 0.000000e+00 : f32
    %broadcast_in_dim3A_325 = vector.broadcast %jit3A_323 : f32 to vector<196x224xf32>
    %broadcast_in_dim3A_326 = vector.broadcast %jit3A_324 : f32 to vector<196x224xf32>
    %select_n3A_327 = arith.select %eq3A_322, %broadcast_in_dim3A_325, %broadcast_in_dim3A_326 : vector<196x224xi1>, vector<196x224xf32>
    %convert_element_type3A_328 = arith.truncf %select_n3A_327 : vector<196x224xf32> to vector<196x224xbf16>
    %get3A_329 = arith.constant 0 : index
    %get3A_330 = arith.constant 0 : index
    %get3A_331 = arith.constant 0 : index
    %get3A_332 = arith.constant 0 : index
    %get3A_333 = vector.load %arg4[%get3A_329, %get3A_330, %get3A_331, %get3A_332] : memref<1x1x196x384xbf16, #tpu.memory_space<vmem>>, vector<1x1x196x384xbf16>
    %get3A_334 = vector.shape_cast %get3A_333 : vector<1x1x196x384xbf16> to vector<196x384xbf16>
    %dot_general3A_335 = arith.constant dense<0.000000e+00> : vector<224x384xf32>
    %dot_general3A_336 = tpu.matmul %convert_element_type3A_328, %get3A_334, %dot_general3A_335 {dimension_numbers = #tpu.dot_dimension_numbers<[0], [0], [1], [1], [0, 1, 1, 1], [], []>, transpose_lhs_hint = false} : vector<196x224xbf16>, vector<196x384xbf16>, vector<224x384xf32> -> vector<224x384xf32>
    %concatenate3A_337 = tpu.concatenate %dot_general3A_204, %dot_general3A_226, %dot_general3A_248, %dot_general3A_270, %dot_general3A_292, %dot_general3A_314, %dot_general3A_336 in 0 : vector<224x384xf32>, vector<224x384xf32>, vector<224x384xf32>, vector<224x384xf32>, vector<224x384xf32>, vector<224x384xf32>, vector<224x384xf32> -> vector<1568x384xf32>
    %add3A_338 = arith.addf %concatenate3A_337, %sub3A_11 : vector<1568x384xf32>
    %mul3A_339 = arith.constant 5.000000e-01 : f32
    %mul3A_340 = vector.broadcast %mul3A_339 : f32 to vector<1568x384xf32>
    %mul3A_341 = arith.mulf %mul3A_340, %add3A_338 : vector<1568x384xf32>
    %mul3A_342 = arith.constant 0.707106769 : f32
    %mul3A_343 = vector.broadcast %mul3A_342 : f32 to vector<1568x384xf32>
    %mul3A_344 = arith.mulf %add3A_338, %mul3A_343 : vector<1568x384xf32>
    %erf3A_345 = math.erf %mul3A_344 : vector<1568x384xf32>
    %add3A_346 = arith.constant 1.000000e+00 : f32
    %add3A_347 = vector.broadcast %add3A_346 : f32 to vector<1568x384xf32>
    %add3A_348 = arith.addf %add3A_347, %erf3A_345 : vector<1568x384xf32>
    %mul3A_349 = arith.mulf %mul3A_341, %add3A_348 : vector<1568x384xf32>
    %convert_element_type3A_350 = arith.truncf %mul3A_349 : vector<1568x384xf32> to vector<1568x384xbf16>
    %get3A_351 = arith.constant 0 : index
    %get3A_352 = arith.constant 0 : index
    %get3A_353 = vector.load %arg7[%get3A_351, %get3A_352] : memref<384x384xbf16, #tpu.memory_space<vmem>>, vector<384x384xbf16>
    %dot_general3A_354 = arith.constant dense<0.000000e+00> : vector<1568x384xf32>
    %dot_general3A_355 = tpu.matmul %convert_element_type3A_350, %get3A_353, %dot_general3A_354 {dimension_numbers = #tpu.dot_dimension_numbers<[1], [0], [0], [1], [0, 0, 1, 1], [], []>, transpose_lhs_hint = false} : vector<1568x384xbf16>, vector<384x384xbf16>, vector<1568x384xf32> -> vector<1568x384xf32>
    %exp3A_356 = math.exp %dot_general3A_355 : vector<1568x384xf32>
    %add3A_357 = arith.addf %add3A_180, %exp3A_356 : vector<1568x384xf32>
    %mul3A_358 = arith.mulf %mul3A_349, %exp3A_356 : vector<1568x384xf32>
    %add3A_359 = arith.addf %add3A_182, %mul3A_358 : vector<1568x384xf32>
    %get3A_360 = arith.constant 0 : index
    %get3A_361 = arith.constant 2 : index
    %get3A_362 = arith.constant 0 : index
    %get3A_363 = vector.load %arg1[%get3A_360, %get3A_361, %get3A_362] : memref<7x3x224xi32, #tpu.memory_space<vmem>>, vector<1x1x224xi32>
    %get3A_364 = vector.shape_cast %get3A_363 : vector<1x1x224xi32> to vector<224xi32>
    %reshape3A_365 = vector.shape_cast %get3A_364 : vector<224xi32> to vector<1x224xi32>
    %eq3A_366 = vector.broadcast %reshape3A_365 : vector<1x224xi32> to vector<196x224xi32>
    %eq3A_367 = arith.cmpi eq, %eq3A_366, %iota3A : vector<196x224xi32>
    %jit3A_368 = arith.constant 1.000000e+00 : f32
    %jit3A_369 = arith.constant 0.000000e+00 : f32
    %broadcast_in_dim3A_370 = vector.broadcast %jit3A_368 : f32 to vector<196x224xf32>
    %broadcast_in_dim3A_371 = vector.broadcast %jit3A_369 : f32 to vector<196x224xf32>
    %select_n3A_372 = arith.select %eq3A_367, %broadcast_in_dim3A_370, %broadcast_in_dim3A_371 : vector<196x224xi1>, vector<196x224xf32>
    %convert_element_type3A_373 = arith.truncf %select_n3A_372 : vector<196x224xf32> to vector<196x224xbf16>
    %get3A_374 = arith.constant 0 : index
    %get3A_375 = arith.constant 0 : index
    %get3A_376 = arith.constant 0 : index
    %get3A_377 = arith.constant 0 : index
    %get3A_378 = vector.load %arg5[%get3A_374, %get3A_375, %get3A_376, %get3A_377] : memref<1x1x196x384xbf16, #tpu.memory_space<vmem>>, vector<1x1x196x384xbf16>
    %get3A_379 = vector.shape_cast %get3A_378 : vector<1x1x196x384xbf16> to vector<196x384xbf16>
    %dot_general3A_380 = arith.constant dense<0.000000e+00> : vector<224x384xf32>
    %dot_general3A_381 = tpu.matmul %convert_element_type3A_373, %get3A_379, %dot_general3A_380 {dimension_numbers = #tpu.dot_dimension_numbers<[0], [0], [1], [1], [0, 1, 1, 1], [], []>, transpose_lhs_hint = false} : vector<196x224xbf16>, vector<196x384xbf16>, vector<224x384xf32> -> vector<224x384xf32>
    %get3A_382 = arith.constant 1 : index
    %get3A_383 = arith.constant 2 : index
    %get3A_384 = arith.constant 0 : index
    %get3A_385 = vector.load %arg1[%get3A_382, %get3A_383, %get3A_384] : memref<7x3x224xi32, #tpu.memory_space<vmem>>, vector<1x1x224xi32>
    %get3A_386 = vector.shape_cast %get3A_385 : vector<1x1x224xi32> to vector<224xi32>
    %reshape3A_387 = vector.shape_cast %get3A_386 : vector<224xi32> to vector<1x224xi32>
    %eq3A_388 = vector.broadcast %reshape3A_387 : vector<1x224xi32> to vector<196x224xi32>
    %eq3A_389 = arith.cmpi eq, %eq3A_388, %iota3A : vector<196x224xi32>
    %jit3A_390 = arith.constant 1.000000e+00 : f32
    %jit3A_391 = arith.constant 0.000000e+00 : f32
    %broadcast_in_dim3A_392 = vector.broadcast %jit3A_390 : f32 to vector<196x224xf32>
    %broadcast_in_dim3A_393 = vector.broadcast %jit3A_391 : f32 to vector<196x224xf32>
    %select_n3A_394 = arith.select %eq3A_389, %broadcast_in_dim3A_392, %broadcast_in_dim3A_393 : vector<196x224xi1>, vector<196x224xf32>
    %convert_element_type3A_395 = arith.truncf %select_n3A_394 : vector<196x224xf32> to vector<196x224xbf16>
    %get3A_396 = arith.constant 0 : index
    %get3A_397 = arith.constant 0 : index
    %get3A_398 = arith.constant 0 : index
    %get3A_399 = arith.constant 0 : index
    %get3A_400 = vector.load %arg5[%get3A_396, %get3A_397, %get3A_398, %get3A_399] : memref<1x1x196x384xbf16, #tpu.memory_space<vmem>>, vector<1x1x196x384xbf16>
    %get3A_401 = vector.shape_cast %get3A_400 : vector<1x1x196x384xbf16> to vector<196x384xbf16>
    %dot_general3A_402 = arith.constant dense<0.000000e+00> : vector<224x384xf32>
    %dot_general3A_403 = tpu.matmul %convert_element_type3A_395, %get3A_401, %dot_general3A_402 {dimension_numbers = #tpu.dot_dimension_numbers<[0], [0], [1], [1], [0, 1, 1, 1], [], []>, transpose_lhs_hint = false} : vector<196x224xbf16>, vector<196x384xbf16>, vector<224x384xf32> -> vector<224x384xf32>
    %get3A_404 = arith.constant 2 : index
    %get3A_405 = arith.constant 2 : index
    %get3A_406 = arith.constant 0 : index
    %get3A_407 = vector.load %arg1[%get3A_404, %get3A_405, %get3A_406] : memref<7x3x224xi32, #tpu.memory_space<vmem>>, vector<1x1x224xi32>
    %get3A_408 = vector.shape_cast %get3A_407 : vector<1x1x224xi32> to vector<224xi32>
    %reshape3A_409 = vector.shape_cast %get3A_408 : vector<224xi32> to vector<1x224xi32>
    %eq3A_410 = vector.broadcast %reshape3A_409 : vector<1x224xi32> to vector<196x224xi32>
    %eq3A_411 = arith.cmpi eq, %eq3A_410, %iota3A : vector<196x224xi32>
    %jit3A_412 = arith.constant 1.000000e+00 : f32
    %jit3A_413 = arith.constant 0.000000e+00 : f32
    %broadcast_in_dim3A_414 = vector.broadcast %jit3A_412 : f32 to vector<196x224xf32>
    %broadcast_in_dim3A_415 = vector.broadcast %jit3A_413 : f32 to vector<196x224xf32>
    %select_n3A_416 = arith.select %eq3A_411, %broadcast_in_dim3A_414, %broadcast_in_dim3A_415 : vector<196x224xi1>, vector<196x224xf32>
    %convert_element_type3A_417 = arith.truncf %select_n3A_416 : vector<196x224xf32> to vector<196x224xbf16>
    %get3A_418 = arith.constant 0 : index
    %get3A_419 = arith.constant 0 : index
    %get3A_420 = arith.constant 0 : index
    %get3A_421 = arith.constant 0 : index
    %get3A_422 = vector.load %arg5[%get3A_418, %get3A_419, %get3A_420, %get3A_421] : memref<1x1x196x384xbf16, #tpu.memory_space<vmem>>, vector<1x1x196x384xbf16>
    %get3A_423 = vector.shape_cast %get3A_422 : vector<1x1x196x384xbf16> to vector<196x384xbf16>
    %dot_general3A_424 = arith.constant dense<0.000000e+00> : vector<224x384xf32>
    %dot_general3A_425 = tpu.matmul %convert_element_type3A_417, %get3A_423, %dot_general3A_424 {dimension_numbers = #tpu.dot_dimension_numbers<[0], [0], [1], [1], [0, 1, 1, 1], [], []>, transpose_lhs_hint = false} : vector<196x224xbf16>, vector<196x384xbf16>, vector<224x384xf32> -> vector<224x384xf32>
    %get3A_426 = arith.constant 3 : index
    %get3A_427 = arith.constant 2 : index
    %get3A_428 = arith.constant 0 : index
    %get3A_429 = vector.load %arg1[%get3A_426, %get3A_427, %get3A_428] : memref<7x3x224xi32, #tpu.memory_space<vmem>>, vector<1x1x224xi32>
    %get3A_430 = vector.shape_cast %get3A_429 : vector<1x1x224xi32> to vector<224xi32>
    %reshape3A_431 = vector.shape_cast %get3A_430 : vector<224xi32> to vector<1x224xi32>
    %eq3A_432 = vector.broadcast %reshape3A_431 : vector<1x224xi32> to vector<196x224xi32>
    %eq3A_433 = arith.cmpi eq, %eq3A_432, %iota3A : vector<196x224xi32>
    %jit3A_434 = arith.constant 1.000000e+00 : f32
    %jit3A_435 = arith.constant 0.000000e+00 : f32
    %broadcast_in_dim3A_436 = vector.broadcast %jit3A_434 : f32 to vector<196x224xf32>
    %broadcast_in_dim3A_437 = vector.broadcast %jit3A_435 : f32 to vector<196x224xf32>
    %select_n3A_438 = arith.select %eq3A_433, %broadcast_in_dim3A_436, %broadcast_in_dim3A_437 : vector<196x224xi1>, vector<196x224xf32>
    %convert_element_type3A_439 = arith.truncf %select_n3A_438 : vector<196x224xf32> to vector<196x224xbf16>
    %get3A_440 = arith.constant 0 : index
    %get3A_441 = arith.constant 0 : index
    %get3A_442 = arith.constant 0 : index
    %get3A_443 = arith.constant 0 : index
    %get3A_444 = vector.load %arg5[%get3A_440, %get3A_441, %get3A_442, %get3A_443] : memref<1x1x196x384xbf16, #tpu.memory_space<vmem>>, vector<1x1x196x384xbf16>
    %get3A_445 = vector.shape_cast %get3A_444 : vector<1x1x196x384xbf16> to vector<196x384xbf16>
    %dot_general3A_446 = arith.constant dense<0.000000e+00> : vector<224x384xf32>
    %dot_general3A_447 = tpu.matmul %convert_element_type3A_439, %get3A_445, %dot_general3A_446 {dimension_numbers = #tpu.dot_dimension_numbers<[0], [0], [1], [1], [0, 1, 1, 1], [], []>, transpose_lhs_hint = false} : vector<196x224xbf16>, vector<196x384xbf16>, vector<224x384xf32> -> vector<224x384xf32>
    %get3A_448 = arith.constant 4 : index
    %get3A_449 = arith.constant 2 : index
    %get3A_450 = arith.constant 0 : index
    %get3A_451 = vector.load %arg1[%get3A_448, %get3A_449, %get3A_450] : memref<7x3x224xi32, #tpu.memory_space<vmem>>, vector<1x1x224xi32>
    %get3A_452 = vector.shape_cast %get3A_451 : vector<1x1x224xi32> to vector<224xi32>
    %reshape3A_453 = vector.shape_cast %get3A_452 : vector<224xi32> to vector<1x224xi32>
    %eq3A_454 = vector.broadcast %reshape3A_453 : vector<1x224xi32> to vector<196x224xi32>
    %eq3A_455 = arith.cmpi eq, %eq3A_454, %iota3A : vector<196x224xi32>
    %jit3A_456 = arith.constant 1.000000e+00 : f32
    %jit3A_457 = arith.constant 0.000000e+00 : f32
    %broadcast_in_dim3A_458 = vector.broadcast %jit3A_456 : f32 to vector<196x224xf32>
    %broadcast_in_dim3A_459 = vector.broadcast %jit3A_457 : f32 to vector<196x224xf32>
    %select_n3A_460 = arith.select %eq3A_455, %broadcast_in_dim3A_458, %broadcast_in_dim3A_459 : vector<196x224xi1>, vector<196x224xf32>
    %convert_element_type3A_461 = arith.truncf %select_n3A_460 : vector<196x224xf32> to vector<196x224xbf16>
    %get3A_462 = arith.constant 0 : index
    %get3A_463 = arith.constant 0 : index
    %get3A_464 = arith.constant 0 : index
    %get3A_465 = arith.constant 0 : index
    %get3A_466 = vector.load %arg5[%get3A_462, %get3A_463, %get3A_464, %get3A_465] : memref<1x1x196x384xbf16, #tpu.memory_space<vmem>>, vector<1x1x196x384xbf16>
    %get3A_467 = vector.shape_cast %get3A_466 : vector<1x1x196x384xbf16> to vector<196x384xbf16>
    %dot_general3A_468 = arith.constant dense<0.000000e+00> : vector<224x384xf32>
    %dot_general3A_469 = tpu.matmul %convert_element_type3A_461, %get3A_467, %dot_general3A_468 {dimension_numbers = #tpu.dot_dimension_numbers<[0], [0], [1], [1], [0, 1, 1, 1], [], []>, transpose_lhs_hint = false} : vector<196x224xbf16>, vector<196x384xbf16>, vector<224x384xf32> -> vector<224x384xf32>
    %get3A_470 = arith.constant 5 : index
    %get3A_471 = arith.constant 2 : index
    %get3A_472 = arith.constant 0 : index
    %get3A_473 = vector.load %arg1[%get3A_470, %get3A_471, %get3A_472] : memref<7x3x224xi32, #tpu.memory_space<vmem>>, vector<1x1x224xi32>
    %get3A_474 = vector.shape_cast %get3A_473 : vector<1x1x224xi32> to vector<224xi32>
    %reshape3A_475 = vector.shape_cast %get3A_474 : vector<224xi32> to vector<1x224xi32>
    %eq3A_476 = vector.broadcast %reshape3A_475 : vector<1x224xi32> to vector<196x224xi32>
    %eq3A_477 = arith.cmpi eq, %eq3A_476, %iota3A : vector<196x224xi32>
    %jit3A_478 = arith.constant 1.000000e+00 : f32
    %jit3A_479 = arith.constant 0.000000e+00 : f32
    %broadcast_in_dim3A_480 = vector.broadcast %jit3A_478 : f32 to vector<196x224xf32>
    %broadcast_in_dim3A_481 = vector.broadcast %jit3A_479 : f32 to vector<196x224xf32>
    %select_n3A_482 = arith.select %eq3A_477, %broadcast_in_dim3A_480, %broadcast_in_dim3A_481 : vector<196x224xi1>, vector<196x224xf32>
    %convert_element_type3A_483 = arith.truncf %select_n3A_482 : vector<196x224xf32> to vector<196x224xbf16>
    %get3A_484 = arith.constant 0 : index
    %get3A_485 = arith.constant 0 : index
    %get3A_486 = arith.constant 0 : index
    %get3A_487 = arith.constant 0 : index
    %get3A_488 = vector.load %arg5[%get3A_484, %get3A_485, %get3A_486, %get3A_487] : memref<1x1x196x384xbf16, #tpu.memory_space<vmem>>, vector<1x1x196x384xbf16>
    %get3A_489 = vector.shape_cast %get3A_488 : vector<1x1x196x384xbf16> to vector<196x384xbf16>
    %dot_general3A_490 = arith.constant dense<0.000000e+00> : vector<224x384xf32>
    %dot_general3A_491 = tpu.matmul %convert_element_type3A_483, %get3A_489, %dot_general3A_490 {dimension_numbers = #tpu.dot_dimension_numbers<[0], [0], [1], [1], [0, 1, 1, 1], [], []>, transpose_lhs_hint = false} : vector<196x224xbf16>, vector<196x384xbf16>, vector<224x384xf32> -> vector<224x384xf32>
    %get3A_492 = arith.constant 6 : index
    %get3A_493 = arith.constant 2 : index
    %get3A_494 = arith.constant 0 : index
    %get3A_495 = vector.load %arg1[%get3A_492, %get3A_493, %get3A_494] : memref<7x3x224xi32, #tpu.memory_space<vmem>>, vector<1x1x224xi32>
    %get3A_496 = vector.shape_cast %get3A_495 : vector<1x1x224xi32> to vector<224xi32>
    %reshape3A_497 = vector.shape_cast %get3A_496 : vector<224xi32> to vector<1x224xi32>
    %eq3A_498 = vector.broadcast %reshape3A_497 : vector<1x224xi32> to vector<196x224xi32>
    %eq3A_499 = arith.cmpi eq, %eq3A_498, %iota3A : vector<196x224xi32>
    %jit3A_500 = arith.constant 1.000000e+00 : f32
    %jit3A_501 = arith.constant 0.000000e+00 : f32
    %broadcast_in_dim3A_502 = vector.broadcast %jit3A_500 : f32 to vector<196x224xf32>
    %broadcast_in_dim3A_503 = vector.broadcast %jit3A_501 : f32 to vector<196x224xf32>
    %select_n3A_504 = arith.select %eq3A_499, %broadcast_in_dim3A_502, %broadcast_in_dim3A_503 : vector<196x224xi1>, vector<196x224xf32>
    %convert_element_type3A_505 = arith.truncf %select_n3A_504 : vector<196x224xf32> to vector<196x224xbf16>
    %get3A_506 = arith.constant 0 : index
    %get3A_507 = arith.constant 0 : index
    %get3A_508 = arith.constant 0 : index
    %get3A_509 = arith.constant 0 : index
    %get3A_510 = vector.load %arg5[%get3A_506, %get3A_507, %get3A_508, %get3A_509] : memref<1x1x196x384xbf16, #tpu.memory_space<vmem>>, vector<1x1x196x384xbf16>
    %get3A_511 = vector.shape_cast %get3A_510 : vector<1x1x196x384xbf16> to vector<196x384xbf16>
    %dot_general3A_512 = arith.constant dense<0.000000e+00> : vector<224x384xf32>
    %dot_general3A_513 = tpu.matmul %convert_element_type3A_505, %get3A_511, %dot_general3A_512 {dimension_numbers = #tpu.dot_dimension_numbers<[0], [0], [1], [1], [0, 1, 1, 1], [], []>, transpose_lhs_hint = false} : vector<196x224xbf16>, vector<196x384xbf16>, vector<224x384xf32> -> vector<224x384xf32>
    %concatenate3A_514 = tpu.concatenate %dot_general3A_381, %dot_general3A_403, %dot_general3A_425, %dot_general3A_447, %dot_general3A_469, %dot_general3A_491, %dot_general3A_513 in 0 : vector<224x384xf32>, vector<224x384xf32>, vector<224x384xf32>, vector<224x384xf32>, vector<224x384xf32>, vector<224x384xf32>, vector<224x384xf32> -> vector<1568x384xf32>
    %add3A_515 = arith.addf %concatenate3A_514, %sub3A_11 : vector<1568x384xf32>
    %mul3A_516 = arith.constant 5.000000e-01 : f32
    %mul3A_517 = vector.broadcast %mul3A_516 : f32 to vector<1568x384xf32>
    %mul3A_518 = arith.mulf %mul3A_517, %add3A_515 : vector<1568x384xf32>
    %mul3A_519 = arith.constant 0.707106769 : f32
    %mul3A_520 = vector.broadcast %mul3A_519 : f32 to vector<1568x384xf32>
    %mul3A_521 = arith.mulf %add3A_515, %mul3A_520 : vector<1568x384xf32>
    %erf3A_522 = math.erf %mul3A_521 : vector<1568x384xf32>
    %add3A_523 = arith.constant 1.000000e+00 : f32
    %add3A_524 = vector.broadcast %add3A_523 : f32 to vector<1568x384xf32>
    %add3A_525 = arith.addf %add3A_524, %erf3A_522 : vector<1568x384xf32>
    %mul3A_526 = arith.mulf %mul3A_518, %add3A_525 : vector<1568x384xf32>
    %convert_element_type3A_527 = arith.truncf %mul3A_526 : vector<1568x384xf32> to vector<1568x384xbf16>
    %get3A_528 = arith.constant 0 : index
    %get3A_529 = arith.constant 0 : index
    %get3A_530 = vector.load %arg7[%get3A_528, %get3A_529] : memref<384x384xbf16, #tpu.memory_space<vmem>>, vector<384x384xbf16>
    %dot_general3A_531 = arith.constant dense<0.000000e+00> : vector<1568x384xf32>
    %dot_general3A_532 = tpu.matmul %convert_element_type3A_527, %get3A_530, %dot_general3A_531 {dimension_numbers = #tpu.dot_dimension_numbers<[1], [0], [0], [1], [0, 0, 1, 1], [], []>, transpose_lhs_hint = false} : vector<1568x384xbf16>, vector<384x384xbf16>, vector<1568x384xf32> -> vector<1568x384xf32>
    %exp3A_533 = math.exp %dot_general3A_532 : vector<1568x384xf32>
    %add3A_534 = arith.addf %add3A_357, %exp3A_533 : vector<1568x384xf32>
    %mul3A_535 = arith.mulf %mul3A_526, %exp3A_533 : vector<1568x384xf32>
    %add3A_536 = arith.addf %add3A_359, %mul3A_535 : vector<1568x384xf32>
    %convert_element_type3A_537 = arith.truncf %add3A_536 : vector<1568x384xf32> to vector<1568x384xbf16>
    %convert_element_type3A_538 = arith.truncf %add3A_534 : vector<1568x384xf32> to vector<1568x384xbf16>
    %concatenate3A_539 = tpu.concatenate %convert_element_type3A_537, %convert_element_type3A_538 in 1 : vector<1568x384xbf16>, vector<1568x384xbf16> -> vector<1568x768xbf16>
    %get3A_540 = arith.constant 0 : index
    %get3A_541 = arith.constant 0 : index
    %get3A_542 = vector.load %arg11[%get3A_540, %get3A_541] : memref<196x1568xbf16, #tpu.memory_space<vmem>>, vector<196x1568xbf16>
    %dot_general3A_543 = arith.constant dense<0.000000e+00> : vector<196x768xf32>
    %dot_general3A_544 = tpu.matmul %get3A_542, %concatenate3A_539, %dot_general3A_543 {dimension_numbers = #tpu.dot_dimension_numbers<[1], [0], [0], [1], [0, 0, 1, 1], [], []>, transpose_lhs_hint = false} : vector<196x1568xbf16>, vector<1568x768xbf16>, vector<196x768xf32> -> vector<196x768xf32>
    %slice3A = vector.extract_strided_slice %dot_general3A_544 {offsets = [0, 0], sizes = [196, 384], strides = [1, 1]} : vector<196x768xf32> to vector<196x384xf32>
    %slice3A_545 = vector.extract_strided_slice %dot_general3A_544 {offsets = [0, 384], sizes = [196, 384], strides = [1, 1]} : vector<196x768xf32> to vector<196x384xf32>
    %div3A = arith.divf %slice3A, %slice3A_545 : vector<196x384xf32>
    %get3A_546 = arith.constant 0 : index
    %get3A_547 = arith.constant 0 : index
    %get3A_548 = arith.constant 0 : index
    %get3A_549 = arith.constant 0 : index
    %get3A_550 = vector.load %arg6[%get3A_546, %get3A_547, %get3A_548, %get3A_549] : memref<1x1x196x384xf32, #tpu.memory_space<vmem>>, vector<1x1x196x384xf32>
    %get3A_551 = vector.shape_cast %get3A_550 : vector<1x1x196x384xf32> to vector<196x384xf32>
    %get3A_552 = arith.constant 0 : index
    %get3A_553 = arith.constant 0 : index
    %get3A_554 = vector.load %arg8[%get3A_552, %get3A_553] : memref<384x384xf32, #tpu.memory_space<vmem>>, vector<384x384xf32>
    %dot_general3A_555 = arith.constant dense<0.000000e+00> : vector<196x384xf32>
    %dot_general3A_556 = tpu.matmul %div3A, %get3A_554, %dot_general3A_555 {dimension_numbers = #tpu.dot_dimension_numbers<[1], [0], [0], [1], [0, 0, 1, 1], [], []>, transpose_lhs_hint = false} : vector<196x384xf32>, vector<384x384xf32>, vector<196x384xf32> -> vector<196x384xf32>
    %add3A_557 = arith.addf %get3A_551, %dot_general3A_556 : vector<196x384xf32>
    %swap3A = arith.constant 0 : index
    %swap3A_558 = arith.constant 0 : index
    %swap3A_559 = arith.constant 0 : index
    %swap3A_560 = vector.load %arg12[%swap3A, %swap3A_558, %swap3A_559] : memref<1x196x384xf32, #tpu.memory_space<vmem>>, vector<1x196x384xf32>
    %swap3A_561 = vector.shape_cast %swap3A_560 : vector<1x196x384xf32> to vector<196x384xf32>
    %swap3A_562 = vector.shape_cast %add3A_557 : vector<196x384xf32> to vector<1x196x384xf32>
    tpu.vector_store %arg12[%swap3A, %swap3A_558, %swap3A_559], %swap3A_562 {strides = array<i32>} : memref<1x196x384xf32, #tpu.memory_space<vmem>>, vector<1x196x384xf32>,
    return
  }
  func.func @transform_0(%arg0: i32) -> (i32, i32, i32) {
    %c0_i32 = arith.constant 0 : i32
    %c0_i32_0 = arith.constant 0 : i32
    %c0_i32_1 = arith.constant 0 : i32
    return %arg0, %c0_i32, %c0_i32_0 : i32, i32, i32
  }
  func.func @transform_1(%arg0: i32) -> (i32, i32, i32, i32) {
    %c1_i32 = arith.constant 1 : i32
    %c0_i32 = arith.constant 0 : i32
    %c0_i32_0 = arith.constant 0 : i32
    %c0_i32_1 = arith.constant 0 : i32
    return %c1_i32, %arg0, %c0_i32, %c0_i32_0 : i32, i32, i32, i32
  }
  func.func @transform_2(%arg0: i32) -> (i32, i32, i32, i32) {
    %le3A = arith.constant 0 : i32
    %le3A_0 = arith.cmpi sle, %arg0, %le3A : i32
    %convert_element_type3A = arith.extui %le3A_0 : i1 to i32
    %add3A = arith.constant 0 : i32
    %add3A_1 = arith.addi %add3A, %convert_element_type3A : i32
    %c1_i32 = arith.constant 1 : i32
    %c0_i32 = arith.constant 0 : i32
    %c0_i32_2 = arith.constant 0 : i32
    %c0_i32_3 = arith.constant 0 : i32
    return %c1_i32, %add3A_1, %c0_i32, %c0_i32_2 : i32, i32, i32, i32
  }
  func.func @transform_3(%arg0: i32) -> (i32, i32, i32, i32) {
    %le3A = arith.constant 1 : i32
    %le3A_0 = arith.cmpi sle, %arg0, %le3A : i32
    %convert_element_type3A = arith.extui %le3A_0 : i1 to i32
    %add3A = arith.constant 1 : i32
    %add3A_1 = arith.addi %add3A, %convert_element_type3A : i32
    %c1_i32 = arith.constant 1 : i32
    %c0_i32 = arith.constant 0 : i32
    %c0_i32_2 = arith.constant 0 : i32
    %c0_i32_3 = arith.constant 0 : i32
    return %c1_i32, %add3A_1, %c0_i32, %c0_i32_2 : i32, i32, i32, i32
  }
  func.func @transform_4(%arg0: i32) -> (i32, i32, i32, i32) {
    %le3A = arith.constant 2 : i32
    %le3A_0 = arith.cmpi sle, %arg0, %le3A : i32
    %convert_element_type3A = arith.extui %le3A_0 : i1 to i32
    %add3A = arith.constant 2 : i32
    %add3A_1 = arith.addi %add3A, %convert_element_type3A : i32
    %c1_i32 = arith.constant 1 : i32
    %c0_i32 = arith.constant 0 : i32
    %c0_i32_2 = arith.constant 0 : i32
    %c0_i32_3 = arith.constant 0 : i32
    return %c1_i32, %add3A_1, %c0_i32, %c0_i32_2 : i32, i32, i32, i32
  }
  func.func @transform_5(%arg0: i32) -> (i32, i32, i32, i32) {
    %c1_i32 = arith.constant 1 : i32
    %c0_i32 = arith.constant 0 : i32
    %c0_i32_0 = arith.constant 0 : i32
    %c0_i32_1 = arith.constant 0 : i32
    return %c1_i32, %arg0, %c0_i32, %c0_i32_0 : i32, i32, i32, i32
  }
  func.func @transform_6(%arg0: i32) -> (i32, i32) {
    %c0_i32 = arith.constant 0 : i32
    %c0_i32_0 = arith.constant 0 : i32
    %c0_i32_1 = arith.constant 0 : i32
    return %c0_i32, %c0_i32_0 : i32, i32
  }
  func.func @transform_7(%arg0: i32) -> (i32, i32) {
    %c0_i32 = arith.constant 0 : i32
    %c0_i32_0 = arith.constant 0 : i32
    %c0_i32_1 = arith.constant 0 : i32
    return %c0_i32, %c0_i32_0 : i32, i32
  }
  func.func @transform_8(%arg0: i32) -> i32 {
    %c0_i32 = arith.constant 0 : i32
    %c0_i32_0 = arith.constant 0 : i32
    return %c0_i32 : i32
  }
  func.func @transform_9(%arg0: i32) -> (i32, i32) {
    %c0_i32 = arith.constant 0 : i32
    %c0_i32_0 = arith.constant 0 : i32
    %c0_i32_1 = arith.constant 0 : i32
    return %c0_i32, %c0_i32_0 : i32, i32
  }
  func.func @transform_10(%arg0: i32) -> (i32, i32) {
    %c0_i32 = arith.constant 0 : i32
    %c0_i32_0 = arith.constant 0 : i32
    %c0_i32_1 = arith.constant 0 : i32
    return %c0_i32, %c0_i32_0 : i32, i32
  }
  func.func @transform_11(%arg0: i32) -> (i32, i32, i32) {
    %c0_i32 = arith.constant 0 : i32
    %c0_i32_0 = arith.constant 0 : i32
    %c0_i32_1 = arith.constant 0 : i32
    return %arg0, %c0_i32, %c0_i32_0 : i32, i32, i32
  }
}

module attributes {stable_mosaic.version = 14 : i64} {
  func.func @_scores_proj_body(%arg0: i32, %arg1: i32, %arg2: i32, %arg3: memref<1x1x196x384xf32, #tpu.memory_space<vmem>>, %arg4: memref<1x1x196x384xf32, #tpu.memory_space<vmem>>, %arg5: memref<384x384xf32, #tpu.memory_space<vmem>>, %arg6: memref<384x384xf32, #tpu.memory_space<vmem>>, %arg7: memref<384xf32, #tpu.memory_space<vmem>>, %arg8: memref<1x208x256xf32, #tpu.memory_space<vmem>>, %arg9: memref<1x1x196x384xbf16, #tpu.memory_space<vmem>>, %arg10: memref<1x1x196x384xf32, #tpu.memory_space<vmem>>) attributes {dimension_semantics = [#tpu.dimension_semantics<arbitrary>, #tpu.dimension_semantics<arbitrary>, #tpu.dimension_semantics<arbitrary>], iteration_bounds = array<i64: 2, 4, 3>, scalar_prefetch = 0 : i64, scratch_operands = 0 : i64, tpu.core_type = #tpu.core_type<tc>, window_params = [{transform_indices = @transform_0, window_bounds = array<i64: 1, 1, 196, 384>}, {transform_indices = @transform_1, window_bounds = array<i64: 1, 1, 196, 384>}, {pipeline_mode = #tpu.pipeline_mode<synchronous>, transform_indices = @transform_2, window_bounds = array<i64: 384, 384>}, {pipeline_mode = #tpu.pipeline_mode<synchronous>, transform_indices = @transform_3, window_bounds = array<i64: 384, 384>}, {pipeline_mode = #tpu.pipeline_mode<synchronous>, transform_indices = @transform_4, window_bounds = array<i64: 384>}, {transform_indices = @transform_5, window_bounds = array<i64: 1, 208, 256>}, {transform_indices = @transform_6, window_bounds = array<i64: 1, 1, 196, 384>}, {transform_indices = @transform_7, window_bounds = array<i64: 1, 1, 196, 384>}]} {
    %get3A = arith.constant 0 : index
    %get3A_0 = arith.constant 0 : index
    %get3A_1 = arith.constant 0 : index
    %get3A_2 = arith.constant 0 : index
    %get3A_3 = vector.load %arg3[%get3A, %get3A_0, %get3A_1, %get3A_2] : memref<1x1x196x384xf32, #tpu.memory_space<vmem>>, vector<1x1x196x384xf32>
    %get3A_4 = vector.shape_cast %get3A_3 : vector<1x1x196x384xf32> to vector<196x384xf32>
    %get3A_5 = arith.constant 0 : index
    %get3A_6 = arith.constant 0 : index
    %get3A_7 = arith.constant 0 : index
    %get3A_8 = arith.constant 0 : index
    %get3A_9 = vector.load %arg4[%get3A_5, %get3A_6, %get3A_7, %get3A_8] : memref<1x1x196x384xf32, #tpu.memory_space<vmem>>, vector<1x1x196x384xf32>
    %get3A_10 = vector.shape_cast %get3A_9 : vector<1x1x196x384xf32> to vector<196x384xf32>
    %dot_general3A = arith.constant dense<0.000000e+00> : vector<196x196xf32>
    %dot_general3A_11 = tpu.matmul %get3A_4, %get3A_10, %dot_general3A {dimension_numbers = #tpu.dot_dimension_numbers<[1], [1], [0], [0], [0, 0, 1, 0], [], []>, transpose_lhs_hint = false} : vector<196x384xf32>, vector<196x384xf32>, vector<196x196xf32> -> vector<196x196xf32>
    %broadcast_in_dim3A = arith.constant 1.000000e+00 : f32
    %broadcast_in_dim3A_12 = vector.broadcast %broadcast_in_dim3A : f32 to vector<8x384xf32>
    %mul3A = arith.mulf %get3A_10, %get3A_10 : vector<196x384xf32>
    %dot_general3A_13 = arith.constant dense<0.000000e+00> : vector<8x196xf32>
    %dot_general3A_14 = tpu.matmul %broadcast_in_dim3A_12, %mul3A, %dot_general3A_13 {dimension_numbers = #tpu.dot_dimension_numbers<[1], [1], [0], [0], [0, 0, 1, 0], [], []>, transpose_lhs_hint = false} : vector<8x384xf32>, vector<196x384xf32>, vector<8x196xf32> -> vector<8x196xf32>
    %slice3A = vector.extract_strided_slice %dot_general3A_14 {offsets = [0, 0], sizes = [1, 196], strides = [1, 1]} : vector<8x196xf32> to vector<1x196xf32>
    %mul3A_15 = arith.constant 2.000000e+00 : f32
    %mul3A_16 = vector.broadcast %mul3A_15 : f32 to vector<196x196xf32>
    %mul3A_17 = arith.mulf %mul3A_16, %dot_general3A_11 : vector<196x196xf32>
    %sub3A = vector.broadcast %slice3A : vector<1x196xf32> to vector<196x196xf32>
    %sub3A_18 = arith.subf %sub3A, %mul3A_17 : vector<196x196xf32>
    %broadcast_in_dim3A_19 = arith.constant 0x7F800000 : f32
    %broadcast_in_dim3A_20 = vector.broadcast %broadcast_in_dim3A_19 : f32 to vector<196x60xf32>
    %broadcast_in_dim3A_21 = arith.constant 0x7F800000 : f32
    %broadcast_in_dim3A_22 = vector.broadcast %broadcast_in_dim3A_21 : f32 to vector<12x256xf32>
    %concatenate3A = tpu.concatenate %sub3A_18, %broadcast_in_dim3A_20 in 1 : vector<196x196xf32>, vector<196x60xf32> -> vector<196x256xf32>
    %concatenate3A_23 = tpu.concatenate %concatenate3A, %broadcast_in_dim3A_22 in 0 : vector<196x256xf32>, vector<12x256xf32> -> vector<208x256xf32>
    %swap3A = arith.constant 0 : index
    %swap3A_24 = arith.constant 0 : index
    %swap3A_25 = arith.constant 0 : index
    %swap3A_26 = vector.load %arg8[%swap3A, %swap3A_24, %swap3A_25] : memref<1x208x256xf32, #tpu.memory_space<vmem>>, vector<1x208x256xf32>
    %swap3A_27 = vector.shape_cast %swap3A_26 : vector<1x208x256xf32> to vector<208x256xf32>
    %swap3A_28 = vector.shape_cast %concatenate3A_23 : vector<208x256xf32> to vector<1x208x256xf32>
    tpu.vector_store %arg8[%swap3A, %swap3A_24, %swap3A_25], %swap3A_28 {strides = array<i32>} : memref<1x208x256xf32, #tpu.memory_space<vmem>>, vector<1x208x256xf32>,
    %eq3A = arith.constant 0 : i32
    %eq3A_29 = arith.cmpi eq, %arg2, %eq3A : i32
    %convert_element_type3A = arith.extui %eq3A_29 : i1 to i32
    %cond3A = arith.constant 0 : i32
    %cond3A_30 = arith.cmpi ne, %convert_element_type3A, %cond3A : i32
    scf.if %cond3A_30 {
      %get3A_31 = arith.constant 0 : index
      %get3A_32 = arith.constant 0 : index
      %get3A_33 = vector.load %arg5[%get3A_31, %get3A_32] : memref<384x384xf32, #tpu.memory_space<vmem>>, vector<384x384xf32>
      %dot_general3A_34 = arith.constant dense<0.000000e+00> : vector<196x384xf32>
      %dot_general3A_35 = tpu.matmul %get3A_4, %get3A_33, %dot_general3A_34 {dimension_numbers = #tpu.dot_dimension_numbers<[1], [0], [0], [1], [0, 0, 1, 1], [], []>, transpose_lhs_hint = false} : vector<196x384xf32>, vector<384x384xf32>, vector<196x384xf32> -> vector<196x384xf32>
      %convert_element_type3A_36 = arith.truncf %dot_general3A_35 : vector<196x384xf32> to vector<196x384xbf16>
      %swap3A_37 = arith.constant 0 : index
      %swap3A_38 = arith.constant 0 : index
      %swap3A_39 = arith.constant 0 : index
      %swap3A_40 = arith.constant 0 : index
      %swap3A_41 = vector.load %arg9[%swap3A_37, %swap3A_38, %swap3A_39, %swap3A_40] : memref<1x1x196x384xbf16, #tpu.memory_space<vmem>>, vector<1x1x196x384xbf16>
      %swap3A_42 = vector.shape_cast %swap3A_41 : vector<1x1x196x384xbf16> to vector<196x384xbf16>
      %swap3A_43 = vector.shape_cast %convert_element_type3A_36 : vector<196x384xbf16> to vector<1x1x196x384xbf16>
      tpu.vector_store %arg9[%swap3A_37, %swap3A_38, %swap3A_39, %swap3A_40], %swap3A_43 {strides = array<i32>} : memref<1x1x196x384xbf16, #tpu.memory_space<vmem>>, vector<1x1x196x384xbf16>,
      %get3A_44 = arith.constant 0 : index
      %get3A_45 = arith.constant 0 : index
      %get3A_46 = vector.load %arg6[%get3A_44, %get3A_45] : memref<384x384xf32, #tpu.memory_space<vmem>>, vector<384x384xf32>
      %dot_general3A_47 = arith.constant dense<0.000000e+00> : vector<196x384xf32>
      %dot_general3A_48 = tpu.matmul %get3A_4, %get3A_46, %dot_general3A_47 {dimension_numbers = #tpu.dot_dimension_numbers<[1], [0], [0], [1], [0, 0, 1, 1], [], []>, transpose_lhs_hint = false} : vector<196x384xf32>, vector<384x384xf32>, vector<196x384xf32> -> vector<196x384xf32>
      %add3A = arith.addf %get3A_4, %dot_general3A_48 : vector<196x384xf32>
      %get3A_49 = arith.constant 0 : index
      %get3A_50 = vector.load %arg7[%get3A_49] : memref<384xf32, #tpu.memory_space<vmem>>, vector<384xf32>
      %broadcast_in_dim3A_51 = vector.shape_cast %get3A_50 : vector<384xf32> to vector<1x384xf32>
      %add3A_52 = vector.broadcast %broadcast_in_dim3A_51 : vector<1x384xf32> to vector<196x384xf32>
      %add3A_53 = arith.addf %add3A, %add3A_52 : vector<196x384xf32>
      %swap3A_54 = arith.constant 0 : index
      %swap3A_55 = arith.constant 0 : index
      %swap3A_56 = arith.constant 0 : index
      %swap3A_57 = arith.constant 0 : index
      %swap3A_58 = vector.load %arg10[%swap3A_54, %swap3A_55, %swap3A_56, %swap3A_57] : memref<1x1x196x384xf32, #tpu.memory_space<vmem>>, vector<1x1x196x384xf32>
      %swap3A_59 = vector.shape_cast %swap3A_58 : vector<1x1x196x384xf32> to vector<196x384xf32>
      %swap3A_60 = vector.shape_cast %add3A_53 : vector<196x384xf32> to vector<1x1x196x384xf32>
      tpu.vector_store %arg10[%swap3A_54, %swap3A_55, %swap3A_56, %swap3A_57], %swap3A_60 {strides = array<i32>} : memref<1x1x196x384xf32, #tpu.memory_space<vmem>>, vector<1x1x196x384xf32>,
    } else {
    }
    return
  }
  func.func @transform_0(%arg0: i32, %arg1: i32, %arg2: i32) -> (i32, i32, i32, i32) {
    %c0_i32 = arith.constant 0 : i32
    %c0_i32_0 = arith.constant 0 : i32
    %c0_i32_1 = arith.constant 0 : i32
    return %arg0, %arg1, %c0_i32, %c0_i32_0 : i32, i32, i32, i32
  }
  func.func @transform_1(%arg0: i32, %arg1: i32, %arg2: i32) -> (i32, i32, i32, i32) {
    %ge3A = arith.cmpi sge, %arg2, %arg1 : i32
    %convert_element_type3A = arith.extui %ge3A : i1 to i32
    %add3A = arith.addi %arg2, %convert_element_type3A : i32
    %c0_i32 = arith.constant 0 : i32
    %c0_i32_0 = arith.constant 0 : i32
    %c0_i32_1 = arith.constant 0 : i32
    return %arg0, %add3A, %c0_i32, %c0_i32_0 : i32, i32, i32, i32
  }
  func.func @transform_2(%arg0: i32, %arg1: i32, %arg2: i32) -> (i32, i32) {
    %c0_i32 = arith.constant 0 : i32
    %c0_i32_0 = arith.constant 0 : i32
    %c0_i32_1 = arith.constant 0 : i32
    return %c0_i32, %c0_i32_0 : i32, i32
  }
  func.func @transform_3(%arg0: i32, %arg1: i32, %arg2: i32) -> (i32, i32) {
    %c0_i32 = arith.constant 0 : i32
    %c0_i32_0 = arith.constant 0 : i32
    %c0_i32_1 = arith.constant 0 : i32
    return %c0_i32, %c0_i32_0 : i32, i32
  }
  func.func @transform_4(%arg0: i32, %arg1: i32, %arg2: i32) -> i32 {
    %c0_i32 = arith.constant 0 : i32
    %c0_i32_0 = arith.constant 0 : i32
    return %c0_i32 : i32
  }
  func.func @transform_5(%arg0: i32, %arg1: i32, %arg2: i32) -> (i32, i32, i32) {
    %mul3A = arith.constant 4 : i32
    %mul3A_0 = arith.muli %arg0, %mul3A : i32
    %add3A = arith.addi %mul3A_0, %arg1 : i32
    %mul3A_1 = arith.constant 3 : i32
    %mul3A_2 = arith.muli %add3A, %mul3A_1 : i32
    %add3A_3 = arith.addi %mul3A_2, %arg2 : i32
    %c0_i32 = arith.constant 0 : i32
    %c0_i32_4 = arith.constant 0 : i32
    %c0_i32_5 = arith.constant 0 : i32
    return %add3A_3, %c0_i32, %c0_i32_4 : i32, i32, i32
  }
  func.func @transform_6(%arg0: i32, %arg1: i32, %arg2: i32) -> (i32, i32, i32, i32) {
    %c0_i32 = arith.constant 0 : i32
    %c0_i32_0 = arith.constant 0 : i32
    %c0_i32_1 = arith.constant 0 : i32
    return %arg0, %arg1, %c0_i32, %c0_i32_0 : i32, i32, i32, i32
  }
  func.func @transform_7(%arg0: i32, %arg1: i32, %arg2: i32) -> (i32, i32, i32, i32) {
    %c0_i32 = arith.constant 0 : i32
    %c0_i32_0 = arith.constant 0 : i32
    %c0_i32_1 = arith.constant 0 : i32
    return %arg0, %arg1, %c0_i32, %c0_i32_0 : i32, i32, i32, i32
  }
}

module attributes {stable_mosaic.version = 14 : i64} {
  func.func @_fusion_body(%arg0: i32, %arg1: memref<7x3x224xi32, #tpu.memory_space<vmem>>, %arg2: memref<1x1x196x384xbf16, #tpu.memory_space<vmem>>, %arg3: memref<1x1x196x384xbf16, #tpu.memory_space<vmem>>, %arg4: memref<1x1x196x384xbf16, #tpu.memory_space<vmem>>, %arg5: memref<1x1x196x384xbf16, #tpu.memory_space<vmem>>, %arg6: memref<1x1x196x384xf32, #tpu.memory_space<vmem>>, %arg7: memref<384x384xbf16, #tpu.memory_space<vmem>>, %arg8: memref<384x384xf32, #tpu.memory_space<vmem>>, %arg9: memref<384xf32, #tpu.memory_space<vmem>>, %arg10: memref<1568x196xbf16, #tpu.memory_space<vmem>>, %arg11: memref<196x1568xbf16, #tpu.memory_space<vmem>>, %arg12: memref<1x196x384xf32, #tpu.memory_space<vmem>>) attributes {dimension_semantics = [#tpu.dimension_semantics<arbitrary>], iteration_bounds = array<i64: 4>, scalar_prefetch = 0 : i64, scratch_operands = 0 : i64, tpu.core_type = #tpu.core_type<tc>, window_params = [{transform_indices = @transform_0, window_bounds = array<i64: 7, 3, 224>}, {transform_indices = @transform_1, window_bounds = array<i64: 1, 1, 196, 384>}, {transform_indices = @transform_2, window_bounds = array<i64: 1, 1, 196, 384>}, {transform_indices = @transform_3, window_bounds = array<i64: 1, 1, 196, 384>}, {transform_indices = @transform_4, window_bounds = array<i64: 1, 1, 196, 384>}, {transform_indices = @transform_5, window_bounds = array<i64: 1, 1, 196, 384>}, {pipeline_mode = #tpu.pipeline_mode<synchronous>, transform_indices = @transform_6, window_bounds = array<i64: 384, 384>}, {pipeline_mode = #tpu.pipeline_mode<synchronous>, transform_indices = @transform_7, window_bounds = array<i64: 384, 384>}, {pipeline_mode = #tpu.pipeline_mode<synchronous>, transform_indices = @transform_8, window_bounds = array<i64: 384>}, {pipeline_mode = #tpu.pipeline_mode<synchronous>, transform_indices = @transform_9, window_bounds = array<i64: 1568, 196>}, {pipeline_mode = #tpu.pipeline_mode<synchronous>, transform_indices = @transform_10, window_bounds = array<i64: 196, 1568>}, {transform_indices = @transform_11, window_bounds = array<i64: 1, 196, 384>}]} {
    %iota3A = tpu.iota {dimensions = array<i32: 0>} : vector<196x224xi32>
    %get3A = arith.constant 0 : index
    %get3A_0 = arith.constant 0 : index
    %get3A_1 = vector.load %arg10[%get3A, %get3A_0] : memref<1568x196xbf16, #tpu.memory_space<vmem>>, vector<1568x196xbf16>
    %get3A_2 = arith.constant 0 : index
    %get3A_3 = arith.constant 0 : index
    %get3A_4 = arith.constant 0 : index
    %get3A_5 = arith.constant 0 : index
    %get3A_6 = vector.load %arg2[%get3A_2, %get3A_3, %get3A_4, %get3A_5] : memref<1x1x196x384xbf16, #tpu.memory_space<vmem>>, vector<1x1x196x384xbf16>
    %get3A_7 = vector.shape_cast %get3A_6 : vector<1x1x196x384xbf16> to vector<196x384xbf16>
    %dot_general3A = arith.constant dense<0.000000e+00> : vector<1568x384xf32>
    %dot_general3A_8 = tpu.matmul %get3A_1, %get3A_7, %dot_general3A {dimension_numbers = #tpu.dot_dimension_numbers<[1], [0], [0], [1], [0, 0, 1, 1], [], []>, transpose_lhs_hint = false} : vector<1568x196xbf16>, vector<196x384xbf16>, vector<1568x384xf32> -> vector<1568x384xf32>
    %get3A_9 = arith.constant 0 : index
    %get3A_10 = vector.load %arg9[%get3A_9] : memref<384xf32, #tpu.memory_space<vmem>>, vector<384xf32>
    %broadcast_in_dim3A = vector.shape_cast %get3A_10 : vector<384xf32> to vector<1x384xf32>
    %sub3A = vector.broadcast %broadcast_in_dim3A : vector<1x384xf32> to vector<1568x384xf32>
    %sub3A_11 = arith.subf %sub3A, %dot_general3A_8 : vector<1568x384xf32>
    %broadcast_in_dim3A_12 = arith.constant 0.000000e+00 : f32
    %broadcast_in_dim3A_13 = vector.broadcast %broadcast_in_dim3A_12 : f32 to vector<1568x384xf32>
    %broadcast_in_dim3A_14 = arith.constant 0.000000e+00 : f32
    %broadcast_in_dim3A_15 = vector.broadcast %broadcast_in_dim3A_14 : f32 to vector<1568x384xf32>
    %get3A_16 = arith.constant 0 : index
    %get3A_17 = arith.constant 0 : index
    %get3A_18 = arith.constant 0 : index
    %get3A_19 = vector.load %arg1[%get3A_16, %get3A_17, %get3A_18] : memref<7x3x224xi32, #tpu.memory_space<vmem>>, vector<1x1x224xi32>
    %get3A_20 = vector.shape_cast %get3A_19 : vector<1x1x224xi32> to vector<224xi32>
    %reshape3A = vector.shape_cast %get3A_20 : vector<224xi32> to vector<1x224xi32>
    %eq3A = vector.broadcast %reshape3A : vector<1x224xi32> to vector<196x224xi32>
    %eq3A_21 = arith.cmpi eq, %eq3A, %iota3A : vector<196x224xi32>
    %jit3A = arith.constant 1.000000e+00 : f32
    %jit3A_22 = arith.constant 0.000000e+00 : f32
    %broadcast_in_dim3A_23 = vector.broadcast %jit3A : f32 to vector<196x224xf32>
    %broadcast_in_dim3A_24 = vector.broadcast %jit3A_22 : f32 to vector<196x224xf32>
    %select_n3A = arith.select %eq3A_21, %broadcast_in_dim3A_23, %broadcast_in_dim3A_24 : vector<196x224xi1>, vector<196x224xf32>
    %convert_element_type3A = arith.truncf %select_n3A : vector<196x224xf32> to vector<196x224xbf16>
    %get3A_25 = arith.constant 0 : index
    %get3A_26 = arith.constant 0 : index
    %get3A_27 = arith.constant 0 : index
    %get3A_28 = arith.constant 0 : index
    %get3A_29 = vector.load %arg3[%get3A_25, %get3A_26, %get3A_27, %get3A_28] : memref<1x1x196x384xbf16, #tpu.memory_space<vmem>>, vector<1x1x196x384xbf16>
    %get3A_30 = vector.shape_cast %get3A_29 : vector<1x1x196x384xbf16> to vector<196x384xbf16>
    %dot_general3A_31 = arith.constant dense<0.000000e+00> : vector<224x384xf32>
    %dot_general3A_32 = tpu.matmul %convert_element_type3A, %get3A_30, %dot_general3A_31 {dimension_numbers = #tpu.dot_dimension_numbers<[0], [0], [1], [1], [0, 1, 1, 1], [], []>, transpose_lhs_hint = false} : vector<196x224xbf16>, vector<196x384xbf16>, vector<224x384xf32> -> vector<224x384xf32>
    %get3A_33 = arith.constant 1 : index
    %get3A_34 = arith.constant 0 : index
    %get3A_35 = arith.constant 0 : index
    %get3A_36 = vector.load %arg1[%get3A_33, %get3A_34, %get3A_35] : memref<7x3x224xi32, #tpu.memory_space<vmem>>, vector<1x1x224xi32>
    %get3A_37 = vector.shape_cast %get3A_36 : vector<1x1x224xi32> to vector<224xi32>
    %reshape3A_38 = vector.shape_cast %get3A_37 : vector<224xi32> to vector<1x224xi32>
    %eq3A_39 = vector.broadcast %reshape3A_38 : vector<1x224xi32> to vector<196x224xi32>
    %eq3A_40 = arith.cmpi eq, %eq3A_39, %iota3A : vector<196x224xi32>
    %jit3A_41 = arith.constant 1.000000e+00 : f32
    %jit3A_42 = arith.constant 0.000000e+00 : f32
    %broadcast_in_dim3A_43 = vector.broadcast %jit3A_41 : f32 to vector<196x224xf32>
    %broadcast_in_dim3A_44 = vector.broadcast %jit3A_42 : f32 to vector<196x224xf32>
    %select_n3A_45 = arith.select %eq3A_40, %broadcast_in_dim3A_43, %broadcast_in_dim3A_44 : vector<196x224xi1>, vector<196x224xf32>
    %convert_element_type3A_46 = arith.truncf %select_n3A_45 : vector<196x224xf32> to vector<196x224xbf16>
    %get3A_47 = arith.constant 0 : index
    %get3A_48 = arith.constant 0 : index
    %get3A_49 = arith.constant 0 : index
    %get3A_50 = arith.constant 0 : index
    %get3A_51 = vector.load %arg3[%get3A_47, %get3A_48, %get3A_49, %get3A_50] : memref<1x1x196x384xbf16, #tpu.memory_space<vmem>>, vector<1x1x196x384xbf16>
    %get3A_52 = vector.shape_cast %get3A_51 : vector<1x1x196x384xbf16> to vector<196x384xbf16>
    %dot_general3A_53 = arith.constant dense<0.000000e+00> : vector<224x384xf32>
    %dot_general3A_54 = tpu.matmul %convert_element_type3A_46, %get3A_52, %dot_general3A_53 {dimension_numbers = #tpu.dot_dimension_numbers<[0], [0], [1], [1], [0, 1, 1, 1], [], []>, transpose_lhs_hint = false} : vector<196x224xbf16>, vector<196x384xbf16>, vector<224x384xf32> -> vector<224x384xf32>
    %get3A_55 = arith.constant 2 : index
    %get3A_56 = arith.constant 0 : index
    %get3A_57 = arith.constant 0 : index
    %get3A_58 = vector.load %arg1[%get3A_55, %get3A_56, %get3A_57] : memref<7x3x224xi32, #tpu.memory_space<vmem>>, vector<1x1x224xi32>
    %get3A_59 = vector.shape_cast %get3A_58 : vector<1x1x224xi32> to vector<224xi32>
    %reshape3A_60 = vector.shape_cast %get3A_59 : vector<224xi32> to vector<1x224xi32>
    %eq3A_61 = vector.broadcast %reshape3A_60 : vector<1x224xi32> to vector<196x224xi32>
    %eq3A_62 = arith.cmpi eq, %eq3A_61, %iota3A : vector<196x224xi32>
    %jit3A_63 = arith.constant 1.000000e+00 : f32
    %jit3A_64 = arith.constant 0.000000e+00 : f32
    %broadcast_in_dim3A_65 = vector.broadcast %jit3A_63 : f32 to vector<196x224xf32>
    %broadcast_in_dim3A_66 = vector.broadcast %jit3A_64 : f32 to vector<196x224xf32>
    %select_n3A_67 = arith.select %eq3A_62, %broadcast_in_dim3A_65, %broadcast_in_dim3A_66 : vector<196x224xi1>, vector<196x224xf32>
    %convert_element_type3A_68 = arith.truncf %select_n3A_67 : vector<196x224xf32> to vector<196x224xbf16>
    %get3A_69 = arith.constant 0 : index
    %get3A_70 = arith.constant 0 : index
    %get3A_71 = arith.constant 0 : index
    %get3A_72 = arith.constant 0 : index
    %get3A_73 = vector.load %arg3[%get3A_69, %get3A_70, %get3A_71, %get3A_72] : memref<1x1x196x384xbf16, #tpu.memory_space<vmem>>, vector<1x1x196x384xbf16>
    %get3A_74 = vector.shape_cast %get3A_73 : vector<1x1x196x384xbf16> to vector<196x384xbf16>
    %dot_general3A_75 = arith.constant dense<0.000000e+00> : vector<224x384xf32>
    %dot_general3A_76 = tpu.matmul %convert_element_type3A_68, %get3A_74, %dot_general3A_75 {dimension_numbers = #tpu.dot_dimension_numbers<[0], [0], [1], [1], [0, 1, 1, 1], [], []>, transpose_lhs_hint = false} : vector<196x224xbf16>, vector<196x384xbf16>, vector<224x384xf32> -> vector<224x384xf32>
    %get3A_77 = arith.constant 3 : index
    %get3A_78 = arith.constant 0 : index
    %get3A_79 = arith.constant 0 : index
    %get3A_80 = vector.load %arg1[%get3A_77, %get3A_78, %get3A_79] : memref<7x3x224xi32, #tpu.memory_space<vmem>>, vector<1x1x224xi32>
    %get3A_81 = vector.shape_cast %get3A_80 : vector<1x1x224xi32> to vector<224xi32>
    %reshape3A_82 = vector.shape_cast %get3A_81 : vector<224xi32> to vector<1x224xi32>
    %eq3A_83 = vector.broadcast %reshape3A_82 : vector<1x224xi32> to vector<196x224xi32>
    %eq3A_84 = arith.cmpi eq, %eq3A_83, %iota3A : vector<196x224xi32>
    %jit3A_85 = arith.constant 1.000000e+00 : f32
    %jit3A_86 = arith.constant 0.000000e+00 : f32
    %broadcast_in_dim3A_87 = vector.broadcast %jit3A_85 : f32 to vector<196x224xf32>
    %broadcast_in_dim3A_88 = vector.broadcast %jit3A_86 : f32 to vector<196x224xf32>
    %select_n3A_89 = arith.select %eq3A_84, %broadcast_in_dim3A_87, %broadcast_in_dim3A_88 : vector<196x224xi1>, vector<196x224xf32>
    %convert_element_type3A_90 = arith.truncf %select_n3A_89 : vector<196x224xf32> to vector<196x224xbf16>
    %get3A_91 = arith.constant 0 : index
    %get3A_92 = arith.constant 0 : index
    %get3A_93 = arith.constant 0 : index
    %get3A_94 = arith.constant 0 : index
    %get3A_95 = vector.load %arg3[%get3A_91, %get3A_92, %get3A_93, %get3A_94] : memref<1x1x196x384xbf16, #tpu.memory_space<vmem>>, vector<1x1x196x384xbf16>
    %get3A_96 = vector.shape_cast %get3A_95 : vector<1x1x196x384xbf16> to vector<196x384xbf16>
    %dot_general3A_97 = arith.constant dense<0.000000e+00> : vector<224x384xf32>
    %dot_general3A_98 = tpu.matmul %convert_element_type3A_90, %get3A_96, %dot_general3A_97 {dimension_numbers = #tpu.dot_dimension_numbers<[0], [0], [1], [1], [0, 1, 1, 1], [], []>, transpose_lhs_hint = false} : vector<196x224xbf16>, vector<196x384xbf16>, vector<224x384xf32> -> vector<224x384xf32>
    %get3A_99 = arith.constant 4 : index
    %get3A_100 = arith.constant 0 : index
    %get3A_101 = arith.constant 0 : index
    %get3A_102 = vector.load %arg1[%get3A_99, %get3A_100, %get3A_101] : memref<7x3x224xi32, #tpu.memory_space<vmem>>, vector<1x1x224xi32>
    %get3A_103 = vector.shape_cast %get3A_102 : vector<1x1x224xi32> to vector<224xi32>
    %reshape3A_104 = vector.shape_cast %get3A_103 : vector<224xi32> to vector<1x224xi32>
    %eq3A_105 = vector.broadcast %reshape3A_104 : vector<1x224xi32> to vector<196x224xi32>
    %eq3A_106 = arith.cmpi eq, %eq3A_105, %iota3A : vector<196x224xi32>
    %jit3A_107 = arith.constant 1.000000e+00 : f32
    %jit3A_108 = arith.constant 0.000000e+00 : f32
    %broadcast_in_dim3A_109 = vector.broadcast %jit3A_107 : f32 to vector<196x224xf32>
    %broadcast_in_dim3A_110 = vector.broadcast %jit3A_108 : f32 to vector<196x224xf32>
    %select_n3A_111 = arith.select %eq3A_106, %broadcast_in_dim3A_109, %broadcast_in_dim3A_110 : vector<196x224xi1>, vector<196x224xf32>
    %convert_element_type3A_112 = arith.truncf %select_n3A_111 : vector<196x224xf32> to vector<196x224xbf16>
    %get3A_113 = arith.constant 0 : index
    %get3A_114 = arith.constant 0 : index
    %get3A_115 = arith.constant 0 : index
    %get3A_116 = arith.constant 0 : index
    %get3A_117 = vector.load %arg3[%get3A_113, %get3A_114, %get3A_115, %get3A_116] : memref<1x1x196x384xbf16, #tpu.memory_space<vmem>>, vector<1x1x196x384xbf16>
    %get3A_118 = vector.shape_cast %get3A_117 : vector<1x1x196x384xbf16> to vector<196x384xbf16>
    %dot_general3A_119 = arith.constant dense<0.000000e+00> : vector<224x384xf32>
    %dot_general3A_120 = tpu.matmul %convert_element_type3A_112, %get3A_118, %dot_general3A_119 {dimension_numbers = #tpu.dot_dimension_numbers<[0], [0], [1], [1], [0, 1, 1, 1], [], []>, transpose_lhs_hint = false} : vector<196x224xbf16>, vector<196x384xbf16>, vector<224x384xf32> -> vector<224x384xf32>
    %get3A_121 = arith.constant 5 : index
    %get3A_122 = arith.constant 0 : index
    %get3A_123 = arith.constant 0 : index
    %get3A_124 = vector.load %arg1[%get3A_121, %get3A_122, %get3A_123] : memref<7x3x224xi32, #tpu.memory_space<vmem>>, vector<1x1x224xi32>
    %get3A_125 = vector.shape_cast %get3A_124 : vector<1x1x224xi32> to vector<224xi32>
    %reshape3A_126 = vector.shape_cast %get3A_125 : vector<224xi32> to vector<1x224xi32>
    %eq3A_127 = vector.broadcast %reshape3A_126 : vector<1x224xi32> to vector<196x224xi32>
    %eq3A_128 = arith.cmpi eq, %eq3A_127, %iota3A : vector<196x224xi32>
    %jit3A_129 = arith.constant 1.000000e+00 : f32
    %jit3A_130 = arith.constant 0.000000e+00 : f32
    %broadcast_in_dim3A_131 = vector.broadcast %jit3A_129 : f32 to vector<196x224xf32>
    %broadcast_in_dim3A_132 = vector.broadcast %jit3A_130 : f32 to vector<196x224xf32>
    %select_n3A_133 = arith.select %eq3A_128, %broadcast_in_dim3A_131, %broadcast_in_dim3A_132 : vector<196x224xi1>, vector<196x224xf32>
    %convert_element_type3A_134 = arith.truncf %select_n3A_133 : vector<196x224xf32> to vector<196x224xbf16>
    %get3A_135 = arith.constant 0 : index
    %get3A_136 = arith.constant 0 : index
    %get3A_137 = arith.constant 0 : index
    %get3A_138 = arith.constant 0 : index
    %get3A_139 = vector.load %arg3[%get3A_135, %get3A_136, %get3A_137, %get3A_138] : memref<1x1x196x384xbf16, #tpu.memory_space<vmem>>, vector<1x1x196x384xbf16>
    %get3A_140 = vector.shape_cast %get3A_139 : vector<1x1x196x384xbf16> to vector<196x384xbf16>
    %dot_general3A_141 = arith.constant dense<0.000000e+00> : vector<224x384xf32>
    %dot_general3A_142 = tpu.matmul %convert_element_type3A_134, %get3A_140, %dot_general3A_141 {dimension_numbers = #tpu.dot_dimension_numbers<[0], [0], [1], [1], [0, 1, 1, 1], [], []>, transpose_lhs_hint = false} : vector<196x224xbf16>, vector<196x384xbf16>, vector<224x384xf32> -> vector<224x384xf32>
    %get3A_143 = arith.constant 6 : index
    %get3A_144 = arith.constant 0 : index
    %get3A_145 = arith.constant 0 : index
    %get3A_146 = vector.load %arg1[%get3A_143, %get3A_144, %get3A_145] : memref<7x3x224xi32, #tpu.memory_space<vmem>>, vector<1x1x224xi32>
    %get3A_147 = vector.shape_cast %get3A_146 : vector<1x1x224xi32> to vector<224xi32>
    %reshape3A_148 = vector.shape_cast %get3A_147 : vector<224xi32> to vector<1x224xi32>
    %eq3A_149 = vector.broadcast %reshape3A_148 : vector<1x224xi32> to vector<196x224xi32>
    %eq3A_150 = arith.cmpi eq, %eq3A_149, %iota3A : vector<196x224xi32>
    %jit3A_151 = arith.constant 1.000000e+00 : f32
    %jit3A_152 = arith.constant 0.000000e+00 : f32
    %broadcast_in_dim3A_153 = vector.broadcast %jit3A_151 : f32 to vector<196x224xf32>
    %broadcast_in_dim3A_154 = vector.broadcast %jit3A_152 : f32 to vector<196x224xf32>
    %select_n3A_155 = arith.select %eq3A_150, %broadcast_in_dim3A_153, %broadcast_in_dim3A_154 : vector<196x224xi1>, vector<196x224xf32>
    %convert_element_type3A_156 = arith.truncf %select_n3A_155 : vector<196x224xf32> to vector<196x224xbf16>
    %get3A_157 = arith.constant 0 : index
    %get3A_158 = arith.constant 0 : index
    %get3A_159 = arith.constant 0 : index
    %get3A_160 = arith.constant 0 : index
    %get3A_161 = vector.load %arg3[%get3A_157, %get3A_158, %get3A_159, %get3A_160] : memref<1x1x196x384xbf16, #tpu.memory_space<vmem>>, vector<1x1x196x384xbf16>
    %get3A_162 = vector.shape_cast %get3A_161 : vector<1x1x196x384xbf16> to vector<196x384xbf16>
    %dot_general3A_163 = arith.constant dense<0.000000e+00> : vector<224x384xf32>
    %dot_general3A_164 = tpu.matmul %convert_element_type3A_156, %get3A_162, %dot_general3A_163 {dimension_numbers = #tpu.dot_dimension_numbers<[0], [0], [1], [1], [0, 1, 1, 1], [], []>, transpose_lhs_hint = false} : vector<196x224xbf16>, vector<196x384xbf16>, vector<224x384xf32> -> vector<224x384xf32>
    %concatenate3A = tpu.concatenate %dot_general3A_32, %dot_general3A_54, %dot_general3A_76, %dot_general3A_98, %dot_general3A_120, %dot_general3A_142, %dot_general3A_164 in 0 : vector<224x384xf32>, vector<224x384xf32>, vector<224x384xf32>, vector<224x384xf32>, vector<224x384xf32>, vector<224x384xf32>, vector<224x384xf32> -> vector<1568x384xf32>
    %add3A = arith.addf %concatenate3A, %sub3A_11 : vector<1568x384xf32>
    %mul3A = arith.constant 5.000000e-01 : f32
    %mul3A_165 = vector.broadcast %mul3A : f32 to vector<1568x384xf32>
    %mul3A_166 = arith.mulf %mul3A_165, %add3A : vector<1568x384xf32>
    %mul3A_167 = arith.constant 0.707106769 : f32
    %mul3A_168 = vector.broadcast %mul3A_167 : f32 to vector<1568x384xf32>
    %mul3A_169 = arith.mulf %add3A, %mul3A_168 : vector<1568x384xf32>
    %erf3A = math.erf %mul3A_169 : vector<1568x384xf32>
    %add3A_170 = arith.constant 1.000000e+00 : f32
    %add3A_171 = vector.broadcast %add3A_170 : f32 to vector<1568x384xf32>
    %add3A_172 = arith.addf %add3A_171, %erf3A : vector<1568x384xf32>
    %mul3A_173 = arith.mulf %mul3A_166, %add3A_172 : vector<1568x384xf32>
    %convert_element_type3A_174 = arith.truncf %mul3A_173 : vector<1568x384xf32> to vector<1568x384xbf16>
    %get3A_175 = arith.constant 0 : index
    %get3A_176 = arith.constant 0 : index
    %get3A_177 = vector.load %arg7[%get3A_175, %get3A_176] : memref<384x384xbf16, #tpu.memory_space<vmem>>, vector<384x384xbf16>
    %dot_general3A_178 = arith.constant dense<0.000000e+00> : vector<1568x384xf32>
    %dot_general3A_179 = tpu.matmul %convert_element_type3A_174, %get3A_177, %dot_general3A_178 {dimension_numbers = #tpu.dot_dimension_numbers<[1], [0], [0], [1], [0, 0, 1, 1], [], []>, transpose_lhs_hint = false} : vector<1568x384xbf16>, vector<384x384xbf16>, vector<1568x384xf32> -> vector<1568x384xf32>
    %exp3A = math.exp %dot_general3A_179 : vector<1568x384xf32>
    %add3A_180 = arith.addf %broadcast_in_dim3A_15, %exp3A : vector<1568x384xf32>
    %mul3A_181 = arith.mulf %mul3A_173, %exp3A : vector<1568x384xf32>
    %add3A_182 = arith.addf %broadcast_in_dim3A_13, %mul3A_181 : vector<1568x384xf32>
    %get3A_183 = arith.constant 0 : index
    %get3A_184 = arith.constant 1 : index
    %get3A_185 = arith.constant 0 : index
    %get3A_186 = vector.load %arg1[%get3A_183, %get3A_184, %get3A_185] : memref<7x3x224xi32, #tpu.memory_space<vmem>>, vector<1x1x224xi32>
    %get3A_187 = vector.shape_cast %get3A_186 : vector<1x1x224xi32> to vector<224xi32>
    %reshape3A_188 = vector.shape_cast %get3A_187 : vector<224xi32> to vector<1x224xi32>
    %eq3A_189 = vector.broadcast %reshape3A_188 : vector<1x224xi32> to vector<196x224xi32>
    %eq3A_190 = arith.cmpi eq, %eq3A_189, %iota3A : vector<196x224xi32>
    %jit3A_191 = arith.constant 1.000000e+00 : f32
    %jit3A_192 = arith.constant 0.000000e+00 : f32
    %broadcast_in_dim3A_193 = vector.broadcast %jit3A_191 : f32 to vector<196x224xf32>
    %broadcast_in_dim3A_194 = vector.broadcast %jit3A_192 : f32 to vector<196x224xf32>
    %select_n3A_195 = arith.select %eq3A_190, %broadcast_in_dim3A_193, %broadcast_in_dim3A_194 : vector<196x224xi1>, vector<196x224xf32>
    %convert_element_type3A_196 = arith.truncf %select_n3A_195 : vector<196x224xf32> to vector<196x224xbf16>
    %get3A_197 = arith.constant 0 : index
    %get3A_198 = arith.constant 0 : index
    %get3A_199 = arith.constant 0 : index
    %get3A_200 = arith.constant 0 : index
    %get3A_201 = vector.load %arg4[%get3A_197, %get3A_198, %get3A_199, %get3A_200] : memref<1x1x196x384xbf16, #tpu.memory_space<vmem>>, vector<1x1x196x384xbf16>
    %get3A_202 = vector.shape_cast %get3A_201 : vector<1x1x196x384xbf16> to vector<196x384xbf16>
    %dot_general3A_203 = arith.constant dense<0.000000e+00> : vector<224x384xf32>
    %dot_general3A_204 = tpu.matmul %convert_element_type3A_196, %get3A_202, %dot_general3A_203 {dimension_numbers = #tpu.dot_dimension_numbers<[0], [0], [1], [1], [0, 1, 1, 1], [], []>, transpose_lhs_hint = false} : vector<196x224xbf16>, vector<196x384xbf16>, vector<224x384xf32> -> vector<224x384xf32>
    %get3A_205 = arith.constant 1 : index
    %get3A_206 = arith.constant 1 : index
    %get3A_207 = arith.constant 0 : index
    %get3A_208 = vector.load %arg1[%get3A_205, %get3A_206, %get3A_207] : memref<7x3x224xi32, #tpu.memory_space<vmem>>, vector<1x1x224xi32>
    %get3A_209 = vector.shape_cast %get3A_208 : vector<1x1x224xi32> to vector<224xi32>
    %reshape3A_210 = vector.shape_cast %get3A_209 : vector<224xi32> to vector<1x224xi32>
    %eq3A_211 = vector.broadcast %reshape3A_210 : vector<1x224xi32> to vector<196x224xi32>
    %eq3A_212 = arith.cmpi eq, %eq3A_211, %iota3A : vector<196x224xi32>
    %jit3A_213 = arith.constant 1.000000e+00 : f32
    %jit3A_214 = arith.constant 0.000000e+00 : f32
    %broadcast_in_dim3A_215 = vector.broadcast %jit3A_213 : f32 to vector<196x224xf32>
    %broadcast_in_dim3A_216 = vector.broadcast %jit3A_214 : f32 to vector<196x224xf32>
    %select_n3A_217 = arith.select %eq3A_212, %broadcast_in_dim3A_215, %broadcast_in_dim3A_216 : vector<196x224xi1>, vector<196x224xf32>
    %convert_element_type3A_218 = arith.truncf %select_n3A_217 : vector<196x224xf32> to vector<196x224xbf16>
    %get3A_219 = arith.constant 0 : index
    %get3A_220 = arith.constant 0 : index
    %get3A_221 = arith.constant 0 : index
    %get3A_222 = arith.constant 0 : index
    %get3A_223 = vector.load %arg4[%get3A_219, %get3A_220, %get3A_221, %get3A_222] : memref<1x1x196x384xbf16, #tpu.memory_space<vmem>>, vector<1x1x196x384xbf16>
    %get3A_224 = vector.shape_cast %get3A_223 : vector<1x1x196x384xbf16> to vector<196x384xbf16>
    %dot_general3A_225 = arith.constant dense<0.000000e+00> : vector<224x384xf32>
    %dot_general3A_226 = tpu.matmul %convert_element_type3A_218, %get3A_224, %dot_general3A_225 {dimension_numbers = #tpu.dot_dimension_numbers<[0], [0], [1], [1], [0, 1, 1, 1], [], []>, transpose_lhs_hint = false} : vector<196x224xbf16>, vector<196x384xbf16>, vector<224x384xf32> -> vector<224x384xf32>
    %get3A_227 = arith.constant 2 : index
    %get3A_228 = arith.constant 1 : index
    %get3A_229 = arith.constant 0 : index
    %get3A_230 = vector.load %arg1[%get3A_227, %get3A_228, %get3A_229] : memref<7x3x224xi32, #tpu.memory_space<vmem>>, vector<1x1x224xi32>
    %get3A_231 = vector.shape_cast %get3A_230 : vector<1x1x224xi32> to vector<224xi32>
    %reshape3A_232 = vector.shape_cast %get3A_231 : vector<224xi32> to vector<1x224xi32>
    %eq3A_233 = vector.broadcast %reshape3A_232 : vector<1x224xi32> to vector<196x224xi32>
    %eq3A_234 = arith.cmpi eq, %eq3A_233, %iota3A : vector<196x224xi32>
    %jit3A_235 = arith.constant 1.000000e+00 : f32
    %jit3A_236 = arith.constant 0.000000e+00 : f32
    %broadcast_in_dim3A_237 = vector.broadcast %jit3A_235 : f32 to vector<196x224xf32>
    %broadcast_in_dim3A_238 = vector.broadcast %jit3A_236 : f32 to vector<196x224xf32>
    %select_n3A_239 = arith.select %eq3A_234, %broadcast_in_dim3A_237, %broadcast_in_dim3A_238 : vector<196x224xi1>, vector<196x224xf32>
    %convert_element_type3A_240 = arith.truncf %select_n3A_239 : vector<196x224xf32> to vector<196x224xbf16>
    %get3A_241 = arith.constant 0 : index
    %get3A_242 = arith.constant 0 : index
    %get3A_243 = arith.constant 0 : index
    %get3A_244 = arith.constant 0 : index
    %get3A_245 = vector.load %arg4[%get3A_241, %get3A_242, %get3A_243, %get3A_244] : memref<1x1x196x384xbf16, #tpu.memory_space<vmem>>, vector<1x1x196x384xbf16>
    %get3A_246 = vector.shape_cast %get3A_245 : vector<1x1x196x384xbf16> to vector<196x384xbf16>
    %dot_general3A_247 = arith.constant dense<0.000000e+00> : vector<224x384xf32>
    %dot_general3A_248 = tpu.matmul %convert_element_type3A_240, %get3A_246, %dot_general3A_247 {dimension_numbers = #tpu.dot_dimension_numbers<[0], [0], [1], [1], [0, 1, 1, 1], [], []>, transpose_lhs_hint = false} : vector<196x224xbf16>, vector<196x384xbf16>, vector<224x384xf32> -> vector<224x384xf32>
    %get3A_249 = arith.constant 3 : index
    %get3A_250 = arith.constant 1 : index
    %get3A_251 = arith.constant 0 : index
    %get3A_252 = vector.load %arg1[%get3A_249, %get3A_250, %get3A_251] : memref<7x3x224xi32, #tpu.memory_space<vmem>>, vector<1x1x224xi32>
    %get3A_253 = vector.shape_cast %get3A_252 : vector<1x1x224xi32> to vector<224xi32>
    %reshape3A_254 = vector.shape_cast %get3A_253 : vector<224xi32> to vector<1x224xi32>
    %eq3A_255 = vector.broadcast %reshape3A_254 : vector<1x224xi32> to vector<196x224xi32>
    %eq3A_256 = arith.cmpi eq, %eq3A_255, %iota3A : vector<196x224xi32>
    %jit3A_257 = arith.constant 1.000000e+00 : f32
    %jit3A_258 = arith.constant 0.000000e+00 : f32
    %broadcast_in_dim3A_259 = vector.broadcast %jit3A_257 : f32 to vector<196x224xf32>
    %broadcast_in_dim3A_260 = vector.broadcast %jit3A_258 : f32 to vector<196x224xf32>
    %select_n3A_261 = arith.select %eq3A_256, %broadcast_in_dim3A_259, %broadcast_in_dim3A_260 : vector<196x224xi1>, vector<196x224xf32>
    %convert_element_type3A_262 = arith.truncf %select_n3A_261 : vector<196x224xf32> to vector<196x224xbf16>
    %get3A_263 = arith.constant 0 : index
    %get3A_264 = arith.constant 0 : index
    %get3A_265 = arith.constant 0 : index
    %get3A_266 = arith.constant 0 : index
    %get3A_267 = vector.load %arg4[%get3A_263, %get3A_264, %get3A_265, %get3A_266] : memref<1x1x196x384xbf16, #tpu.memory_space<vmem>>, vector<1x1x196x384xbf16>
    %get3A_268 = vector.shape_cast %get3A_267 : vector<1x1x196x384xbf16> to vector<196x384xbf16>
    %dot_general3A_269 = arith.constant dense<0.000000e+00> : vector<224x384xf32>
    %dot_general3A_270 = tpu.matmul %convert_element_type3A_262, %get3A_268, %dot_general3A_269 {dimension_numbers = #tpu.dot_dimension_numbers<[0], [0], [1], [1], [0, 1, 1, 1], [], []>, transpose_lhs_hint = false} : vector<196x224xbf16>, vector<196x384xbf16>, vector<224x384xf32> -> vector<224x384xf32>
    %get3A_271 = arith.constant 4 : index
    %get3A_272 = arith.constant 1 : index
    %get3A_273 = arith.constant 0 : index
    %get3A_274 = vector.load %arg1[%get3A_271, %get3A_272, %get3A_273] : memref<7x3x224xi32, #tpu.memory_space<vmem>>, vector<1x1x224xi32>
    %get3A_275 = vector.shape_cast %get3A_274 : vector<1x1x224xi32> to vector<224xi32>
    %reshape3A_276 = vector.shape_cast %get3A_275 : vector<224xi32> to vector<1x224xi32>
    %eq3A_277 = vector.broadcast %reshape3A_276 : vector<1x224xi32> to vector<196x224xi32>
    %eq3A_278 = arith.cmpi eq, %eq3A_277, %iota3A : vector<196x224xi32>
    %jit3A_279 = arith.constant 1.000000e+00 : f32
    %jit3A_280 = arith.constant 0.000000e+00 : f32
    %broadcast_in_dim3A_281 = vector.broadcast %jit3A_279 : f32 to vector<196x224xf32>
    %broadcast_in_dim3A_282 = vector.broadcast %jit3A_280 : f32 to vector<196x224xf32>
    %select_n3A_283 = arith.select %eq3A_278, %broadcast_in_dim3A_281, %broadcast_in_dim3A_282 : vector<196x224xi1>, vector<196x224xf32>
    %convert_element_type3A_284 = arith.truncf %select_n3A_283 : vector<196x224xf32> to vector<196x224xbf16>
    %get3A_285 = arith.constant 0 : index
    %get3A_286 = arith.constant 0 : index
    %get3A_287 = arith.constant 0 : index
    %get3A_288 = arith.constant 0 : index
    %get3A_289 = vector.load %arg4[%get3A_285, %get3A_286, %get3A_287, %get3A_288] : memref<1x1x196x384xbf16, #tpu.memory_space<vmem>>, vector<1x1x196x384xbf16>
    %get3A_290 = vector.shape_cast %get3A_289 : vector<1x1x196x384xbf16> to vector<196x384xbf16>
    %dot_general3A_291 = arith.constant dense<0.000000e+00> : vector<224x384xf32>
    %dot_general3A_292 = tpu.matmul %convert_element_type3A_284, %get3A_290, %dot_general3A_291 {dimension_numbers = #tpu.dot_dimension_numbers<[0], [0], [1], [1], [0, 1, 1, 1], [], []>, transpose_lhs_hint = false} : vector<196x224xbf16>, vector<196x384xbf16>, vector<224x384xf32> -> vector<224x384xf32>
    %get3A_293 = arith.constant 5 : index
    %get3A_294 = arith.constant 1 : index
    %get3A_295 = arith.constant 0 : index
    %get3A_296 = vector.load %arg1[%get3A_293, %get3A_294, %get3A_295] : memref<7x3x224xi32, #tpu.memory_space<vmem>>, vector<1x1x224xi32>
    %get3A_297 = vector.shape_cast %get3A_296 : vector<1x1x224xi32> to vector<224xi32>
    %reshape3A_298 = vector.shape_cast %get3A_297 : vector<224xi32> to vector<1x224xi32>
    %eq3A_299 = vector.broadcast %reshape3A_298 : vector<1x224xi32> to vector<196x224xi32>
    %eq3A_300 = arith.cmpi eq, %eq3A_299, %iota3A : vector<196x224xi32>
    %jit3A_301 = arith.constant 1.000000e+00 : f32
    %jit3A_302 = arith.constant 0.000000e+00 : f32
    %broadcast_in_dim3A_303 = vector.broadcast %jit3A_301 : f32 to vector<196x224xf32>
    %broadcast_in_dim3A_304 = vector.broadcast %jit3A_302 : f32 to vector<196x224xf32>
    %select_n3A_305 = arith.select %eq3A_300, %broadcast_in_dim3A_303, %broadcast_in_dim3A_304 : vector<196x224xi1>, vector<196x224xf32>
    %convert_element_type3A_306 = arith.truncf %select_n3A_305 : vector<196x224xf32> to vector<196x224xbf16>
    %get3A_307 = arith.constant 0 : index
    %get3A_308 = arith.constant 0 : index
    %get3A_309 = arith.constant 0 : index
    %get3A_310 = arith.constant 0 : index
    %get3A_311 = vector.load %arg4[%get3A_307, %get3A_308, %get3A_309, %get3A_310] : memref<1x1x196x384xbf16, #tpu.memory_space<vmem>>, vector<1x1x196x384xbf16>
    %get3A_312 = vector.shape_cast %get3A_311 : vector<1x1x196x384xbf16> to vector<196x384xbf16>
    %dot_general3A_313 = arith.constant dense<0.000000e+00> : vector<224x384xf32>
    %dot_general3A_314 = tpu.matmul %convert_element_type3A_306, %get3A_312, %dot_general3A_313 {dimension_numbers = #tpu.dot_dimension_numbers<[0], [0], [1], [1], [0, 1, 1, 1], [], []>, transpose_lhs_hint = false} : vector<196x224xbf16>, vector<196x384xbf16>, vector<224x384xf32> -> vector<224x384xf32>
    %get3A_315 = arith.constant 6 : index
    %get3A_316 = arith.constant 1 : index
    %get3A_317 = arith.constant 0 : index
    %get3A_318 = vector.load %arg1[%get3A_315, %get3A_316, %get3A_317] : memref<7x3x224xi32, #tpu.memory_space<vmem>>, vector<1x1x224xi32>
    %get3A_319 = vector.shape_cast %get3A_318 : vector<1x1x224xi32> to vector<224xi32>
    %reshape3A_320 = vector.shape_cast %get3A_319 : vector<224xi32> to vector<1x224xi32>
    %eq3A_321 = vector.broadcast %reshape3A_320 : vector<1x224xi32> to vector<196x224xi32>
    %eq3A_322 = arith.cmpi eq, %eq3A_321, %iota3A : vector<196x224xi32>
    %jit3A_323 = arith.constant 1.000000e+00 : f32
    %jit3A_324 = arith.constant 0.000000e+00 : f32
    %broadcast_in_dim3A_325 = vector.broadcast %jit3A_323 : f32 to vector<196x224xf32>
    %broadcast_in_dim3A_326 = vector.broadcast %jit3A_324 : f32 to vector<196x224xf32>
    %select_n3A_327 = arith.select %eq3A_322, %broadcast_in_dim3A_325, %broadcast_in_dim3A_326 : vector<196x224xi1>, vector<196x224xf32>
    %convert_element_type3A_328 = arith.truncf %select_n3A_327 : vector<196x224xf32> to vector<196x224xbf16>
    %get3A_329 = arith.constant 0 : index
    %get3A_330 = arith.constant 0 : index
    %get3A_331 = arith.constant 0 : index
    %get3A_332 = arith.constant 0 : index
    %get3A_333 = vector.load %arg4[%get3A_329, %get3A_330, %get3A_331, %get3A_332] : memref<1x1x196x384xbf16, #tpu.memory_space<vmem>>, vector<1x1x196x384xbf16>
    %get3A_334 = vector.shape_cast %get3A_333 : vector<1x1x196x384xbf16> to vector<196x384xbf16>
    %dot_general3A_335 = arith.constant dense<0.000000e+00> : vector<224x384xf32>
    %dot_general3A_336 = tpu.matmul %convert_element_type3A_328, %get3A_334, %dot_general3A_335 {dimension_numbers = #tpu.dot_dimension_numbers<[0], [0], [1], [1], [0, 1, 1, 1], [], []>, transpose_lhs_hint = false} : vector<196x224xbf16>, vector<196x384xbf16>, vector<224x384xf32> -> vector<224x384xf32>
    %concatenate3A_337 = tpu.concatenate %dot_general3A_204, %dot_general3A_226, %dot_general3A_248, %dot_general3A_270, %dot_general3A_292, %dot_general3A_314, %dot_general3A_336 in 0 : vector<224x384xf32>, vector<224x384xf32>, vector<224x384xf32>, vector<224x384xf32>, vector<224x384xf32>, vector<224x384xf32>, vector<224x384xf32> -> vector<1568x384xf32>
    %add3A_338 = arith.addf %concatenate3A_337, %sub3A_11 : vector<1568x384xf32>
    %mul3A_339 = arith.constant 5.000000e-01 : f32
    %mul3A_340 = vector.broadcast %mul3A_339 : f32 to vector<1568x384xf32>
    %mul3A_341 = arith.mulf %mul3A_340, %add3A_338 : vector<1568x384xf32>
    %mul3A_342 = arith.constant 0.707106769 : f32
    %mul3A_343 = vector.broadcast %mul3A_342 : f32 to vector<1568x384xf32>
    %mul3A_344 = arith.mulf %add3A_338, %mul3A_343 : vector<1568x384xf32>
    %erf3A_345 = math.erf %mul3A_344 : vector<1568x384xf32>
    %add3A_346 = arith.constant 1.000000e+00 : f32
    %add3A_347 = vector.broadcast %add3A_346 : f32 to vector<1568x384xf32>
    %add3A_348 = arith.addf %add3A_347, %erf3A_345 : vector<1568x384xf32>
    %mul3A_349 = arith.mulf %mul3A_341, %add3A_348 : vector<1568x384xf32>
    %convert_element_type3A_350 = arith.truncf %mul3A_349 : vector<1568x384xf32> to vector<1568x384xbf16>
    %get3A_351 = arith.constant 0 : index
    %get3A_352 = arith.constant 0 : index
    %get3A_353 = vector.load %arg7[%get3A_351, %get3A_352] : memref<384x384xbf16, #tpu.memory_space<vmem>>, vector<384x384xbf16>
    %dot_general3A_354 = arith.constant dense<0.000000e+00> : vector<1568x384xf32>
    %dot_general3A_355 = tpu.matmul %convert_element_type3A_350, %get3A_353, %dot_general3A_354 {dimension_numbers = #tpu.dot_dimension_numbers<[1], [0], [0], [1], [0, 0, 1, 1], [], []>, transpose_lhs_hint = false} : vector<1568x384xbf16>, vector<384x384xbf16>, vector<1568x384xf32> -> vector<1568x384xf32>
    %exp3A_356 = math.exp %dot_general3A_355 : vector<1568x384xf32>
    %add3A_357 = arith.addf %add3A_180, %exp3A_356 : vector<1568x384xf32>
    %mul3A_358 = arith.mulf %mul3A_349, %exp3A_356 : vector<1568x384xf32>
    %add3A_359 = arith.addf %add3A_182, %mul3A_358 : vector<1568x384xf32>
    %get3A_360 = arith.constant 0 : index
    %get3A_361 = arith.constant 2 : index
    %get3A_362 = arith.constant 0 : index
    %get3A_363 = vector.load %arg1[%get3A_360, %get3A_361, %get3A_362] : memref<7x3x224xi32, #tpu.memory_space<vmem>>, vector<1x1x224xi32>
    %get3A_364 = vector.shape_cast %get3A_363 : vector<1x1x224xi32> to vector<224xi32>
    %reshape3A_365 = vector.shape_cast %get3A_364 : vector<224xi32> to vector<1x224xi32>
    %eq3A_366 = vector.broadcast %reshape3A_365 : vector<1x224xi32> to vector<196x224xi32>
    %eq3A_367 = arith.cmpi eq, %eq3A_366, %iota3A : vector<196x224xi32>
    %jit3A_368 = arith.constant 1.000000e+00 : f32
    %jit3A_369 = arith.constant 0.000000e+00 : f32
    %broadcast_in_dim3A_370 = vector.broadcast %jit3A_368 : f32 to vector<196x224xf32>
    %broadcast_in_dim3A_371 = vector.broadcast %jit3A_369 : f32 to vector<196x224xf32>
    %select_n3A_372 = arith.select %eq3A_367, %broadcast_in_dim3A_370, %broadcast_in_dim3A_371 : vector<196x224xi1>, vector<196x224xf32>
    %convert_element_type3A_373 = arith.truncf %select_n3A_372 : vector<196x224xf32> to vector<196x224xbf16>
    %get3A_374 = arith.constant 0 : index
    %get3A_375 = arith.constant 0 : index
    %get3A_376 = arith.constant 0 : index
    %get3A_377 = arith.constant 0 : index
    %get3A_378 = vector.load %arg5[%get3A_374, %get3A_375, %get3A_376, %get3A_377] : memref<1x1x196x384xbf16, #tpu.memory_space<vmem>>, vector<1x1x196x384xbf16>
    %get3A_379 = vector.shape_cast %get3A_378 : vector<1x1x196x384xbf16> to vector<196x384xbf16>
    %dot_general3A_380 = arith.constant dense<0.000000e+00> : vector<224x384xf32>
    %dot_general3A_381 = tpu.matmul %convert_element_type3A_373, %get3A_379, %dot_general3A_380 {dimension_numbers = #tpu.dot_dimension_numbers<[0], [0], [1], [1], [0, 1, 1, 1], [], []>, transpose_lhs_hint = false} : vector<196x224xbf16>, vector<196x384xbf16>, vector<224x384xf32> -> vector<224x384xf32>
    %get3A_382 = arith.constant 1 : index
    %get3A_383 = arith.constant 2 : index
    %get3A_384 = arith.constant 0 : index
    %get3A_385 = vector.load %arg1[%get3A_382, %get3A_383, %get3A_384] : memref<7x3x224xi32, #tpu.memory_space<vmem>>, vector<1x1x224xi32>
    %get3A_386 = vector.shape_cast %get3A_385 : vector<1x1x224xi32> to vector<224xi32>
    %reshape3A_387 = vector.shape_cast %get3A_386 : vector<224xi32> to vector<1x224xi32>
    %eq3A_388 = vector.broadcast %reshape3A_387 : vector<1x224xi32> to vector<196x224xi32>
    %eq3A_389 = arith.cmpi eq, %eq3A_388, %iota3A : vector<196x224xi32>
    %jit3A_390 = arith.constant 1.000000e+00 : f32
    %jit3A_391 = arith.constant 0.000000e+00 : f32
    %broadcast_in_dim3A_392 = vector.broadcast %jit3A_390 : f32 to vector<196x224xf32>
    %broadcast_in_dim3A_393 = vector.broadcast %jit3A_391 : f32 to vector<196x224xf32>
    %select_n3A_394 = arith.select %eq3A_389, %broadcast_in_dim3A_392, %broadcast_in_dim3A_393 : vector<196x224xi1>, vector<196x224xf32>
    %convert_element_type3A_395 = arith.truncf %select_n3A_394 : vector<196x224xf32> to vector<196x224xbf16>
    %get3A_396 = arith.constant 0 : index
    %get3A_397 = arith.constant 0 : index
    %get3A_398 = arith.constant 0 : index
    %get3A_399 = arith.constant 0 : index
    %get3A_400 = vector.load %arg5[%get3A_396, %get3A_397, %get3A_398, %get3A_399] : memref<1x1x196x384xbf16, #tpu.memory_space<vmem>>, vector<1x1x196x384xbf16>
    %get3A_401 = vector.shape_cast %get3A_400 : vector<1x1x196x384xbf16> to vector<196x384xbf16>
    %dot_general3A_402 = arith.constant dense<0.000000e+00> : vector<224x384xf32>
    %dot_general3A_403 = tpu.matmul %convert_element_type3A_395, %get3A_401, %dot_general3A_402 {dimension_numbers = #tpu.dot_dimension_numbers<[0], [0], [1], [1], [0, 1, 1, 1], [], []>, transpose_lhs_hint = false} : vector<196x224xbf16>, vector<196x384xbf16>, vector<224x384xf32> -> vector<224x384xf32>
    %get3A_404 = arith.constant 2 : index
    %get3A_405 = arith.constant 2 : index
    %get3A_406 = arith.constant 0 : index
    %get3A_407 = vector.load %arg1[%get3A_404, %get3A_405, %get3A_406] : memref<7x3x224xi32, #tpu.memory_space<vmem>>, vector<1x1x224xi32>
    %get3A_408 = vector.shape_cast %get3A_407 : vector<1x1x224xi32> to vector<224xi32>
    %reshape3A_409 = vector.shape_cast %get3A_408 : vector<224xi32> to vector<1x224xi32>
    %eq3A_410 = vector.broadcast %reshape3A_409 : vector<1x224xi32> to vector<196x224xi32>
    %eq3A_411 = arith.cmpi eq, %eq3A_410, %iota3A : vector<196x224xi32>
    %jit3A_412 = arith.constant 1.000000e+00 : f32
    %jit3A_413 = arith.constant 0.000000e+00 : f32
    %broadcast_in_dim3A_414 = vector.broadcast %jit3A_412 : f32 to vector<196x224xf32>
    %broadcast_in_dim3A_415 = vector.broadcast %jit3A_413 : f32 to vector<196x224xf32>
    %select_n3A_416 = arith.select %eq3A_411, %broadcast_in_dim3A_414, %broadcast_in_dim3A_415 : vector<196x224xi1>, vector<196x224xf32>
    %convert_element_type3A_417 = arith.truncf %select_n3A_416 : vector<196x224xf32> to vector<196x224xbf16>
    %get3A_418 = arith.constant 0 : index
    %get3A_419 = arith.constant 0 : index
    %get3A_420 = arith.constant 0 : index
    %get3A_421 = arith.constant 0 : index
    %get3A_422 = vector.load %arg5[%get3A_418, %get3A_419, %get3A_420, %get3A_421] : memref<1x1x196x384xbf16, #tpu.memory_space<vmem>>, vector<1x1x196x384xbf16>
    %get3A_423 = vector.shape_cast %get3A_422 : vector<1x1x196x384xbf16> to vector<196x384xbf16>
    %dot_general3A_424 = arith.constant dense<0.000000e+00> : vector<224x384xf32>
    %dot_general3A_425 = tpu.matmul %convert_element_type3A_417, %get3A_423, %dot_general3A_424 {dimension_numbers = #tpu.dot_dimension_numbers<[0], [0], [1], [1], [0, 1, 1, 1], [], []>, transpose_lhs_hint = false} : vector<196x224xbf16>, vector<196x384xbf16>, vector<224x384xf32> -> vector<224x384xf32>
    %get3A_426 = arith.constant 3 : index
    %get3A_427 = arith.constant 2 : index
    %get3A_428 = arith.constant 0 : index
    %get3A_429 = vector.load %arg1[%get3A_426, %get3A_427, %get3A_428] : memref<7x3x224xi32, #tpu.memory_space<vmem>>, vector<1x1x224xi32>
    %get3A_430 = vector.shape_cast %get3A_429 : vector<1x1x224xi32> to vector<224xi32>
    %reshape3A_431 = vector.shape_cast %get3A_430 : vector<224xi32> to vector<1x224xi32>
    %eq3A_432 = vector.broadcast %reshape3A_431 : vector<1x224xi32> to vector<196x224xi32>
    %eq3A_433 = arith.cmpi eq, %eq3A_432, %iota3A : vector<196x224xi32>
    %jit3A_434 = arith.constant 1.000000e+00 : f32
    %jit3A_435 = arith.constant 0.000000e+00 : f32
    %broadcast_in_dim3A_436 = vector.broadcast %jit3A_434 : f32 to vector<196x224xf32>
    %broadcast_in_dim3A_437 = vector.broadcast %jit3A_435 : f32 to vector<196x224xf32>
    %select_n3A_438 = arith.select %eq3A_433, %broadcast_in_dim3A_436, %broadcast_in_dim3A_437 : vector<196x224xi1>, vector<196x224xf32>
    %convert_element_type3A_439 = arith.truncf %select_n3A_438 : vector<196x224xf32> to vector<196x224xbf16>
    %get3A_440 = arith.constant 0 : index
    %get3A_441 = arith.constant 0 : index
    %get3A_442 = arith.constant 0 : index
    %get3A_443 = arith.constant 0 : index
    %get3A_444 = vector.load %arg5[%get3A_440, %get3A_441, %get3A_442, %get3A_443] : memref<1x1x196x384xbf16, #tpu.memory_space<vmem>>, vector<1x1x196x384xbf16>
    %get3A_445 = vector.shape_cast %get3A_444 : vector<1x1x196x384xbf16> to vector<196x384xbf16>
    %dot_general3A_446 = arith.constant dense<0.000000e+00> : vector<224x384xf32>
    %dot_general3A_447 = tpu.matmul %convert_element_type3A_439, %get3A_445, %dot_general3A_446 {dimension_numbers = #tpu.dot_dimension_numbers<[0], [0], [1], [1], [0, 1, 1, 1], [], []>, transpose_lhs_hint = false} : vector<196x224xbf16>, vector<196x384xbf16>, vector<224x384xf32> -> vector<224x384xf32>
    %get3A_448 = arith.constant 4 : index
    %get3A_449 = arith.constant 2 : index
    %get3A_450 = arith.constant 0 : index
    %get3A_451 = vector.load %arg1[%get3A_448, %get3A_449, %get3A_450] : memref<7x3x224xi32, #tpu.memory_space<vmem>>, vector<1x1x224xi32>
    %get3A_452 = vector.shape_cast %get3A_451 : vector<1x1x224xi32> to vector<224xi32>
    %reshape3A_453 = vector.shape_cast %get3A_452 : vector<224xi32> to vector<1x224xi32>
    %eq3A_454 = vector.broadcast %reshape3A_453 : vector<1x224xi32> to vector<196x224xi32>
    %eq3A_455 = arith.cmpi eq, %eq3A_454, %iota3A : vector<196x224xi32>
    %jit3A_456 = arith.constant 1.000000e+00 : f32
    %jit3A_457 = arith.constant 0.000000e+00 : f32
    %broadcast_in_dim3A_458 = vector.broadcast %jit3A_456 : f32 to vector<196x224xf32>
    %broadcast_in_dim3A_459 = vector.broadcast %jit3A_457 : f32 to vector<196x224xf32>
    %select_n3A_460 = arith.select %eq3A_455, %broadcast_in_dim3A_458, %broadcast_in_dim3A_459 : vector<196x224xi1>, vector<196x224xf32>
    %convert_element_type3A_461 = arith.truncf %select_n3A_460 : vector<196x224xf32> to vector<196x224xbf16>
    %get3A_462 = arith.constant 0 : index
    %get3A_463 = arith.constant 0 : index
    %get3A_464 = arith.constant 0 : index
    %get3A_465 = arith.constant 0 : index
    %get3A_466 = vector.load %arg5[%get3A_462, %get3A_463, %get3A_464, %get3A_465] : memref<1x1x196x384xbf16, #tpu.memory_space<vmem>>, vector<1x1x196x384xbf16>
    %get3A_467 = vector.shape_cast %get3A_466 : vector<1x1x196x384xbf16> to vector<196x384xbf16>
    %dot_general3A_468 = arith.constant dense<0.000000e+00> : vector<224x384xf32>
    %dot_general3A_469 = tpu.matmul %convert_element_type3A_461, %get3A_467, %dot_general3A_468 {dimension_numbers = #tpu.dot_dimension_numbers<[0], [0], [1], [1], [0, 1, 1, 1], [], []>, transpose_lhs_hint = false} : vector<196x224xbf16>, vector<196x384xbf16>, vector<224x384xf32> -> vector<224x384xf32>
    %get3A_470 = arith.constant 5 : index
    %get3A_471 = arith.constant 2 : index
    %get3A_472 = arith.constant 0 : index
    %get3A_473 = vector.load %arg1[%get3A_470, %get3A_471, %get3A_472] : memref<7x3x224xi32, #tpu.memory_space<vmem>>, vector<1x1x224xi32>
    %get3A_474 = vector.shape_cast %get3A_473 : vector<1x1x224xi32> to vector<224xi32>
    %reshape3A_475 = vector.shape_cast %get3A_474 : vector<224xi32> to vector<1x224xi32>
    %eq3A_476 = vector.broadcast %reshape3A_475 : vector<1x224xi32> to vector<196x224xi32>
    %eq3A_477 = arith.cmpi eq, %eq3A_476, %iota3A : vector<196x224xi32>
    %jit3A_478 = arith.constant 1.000000e+00 : f32
    %jit3A_479 = arith.constant 0.000000e+00 : f32
    %broadcast_in_dim3A_480 = vector.broadcast %jit3A_478 : f32 to vector<196x224xf32>
    %broadcast_in_dim3A_481 = vector.broadcast %jit3A_479 : f32 to vector<196x224xf32>
    %select_n3A_482 = arith.select %eq3A_477, %broadcast_in_dim3A_480, %broadcast_in_dim3A_481 : vector<196x224xi1>, vector<196x224xf32>
    %convert_element_type3A_483 = arith.truncf %select_n3A_482 : vector<196x224xf32> to vector<196x224xbf16>
    %get3A_484 = arith.constant 0 : index
    %get3A_485 = arith.constant 0 : index
    %get3A_486 = arith.constant 0 : index
    %get3A_487 = arith.constant 0 : index
    %get3A_488 = vector.load %arg5[%get3A_484, %get3A_485, %get3A_486, %get3A_487] : memref<1x1x196x384xbf16, #tpu.memory_space<vmem>>, vector<1x1x196x384xbf16>
    %get3A_489 = vector.shape_cast %get3A_488 : vector<1x1x196x384xbf16> to vector<196x384xbf16>
    %dot_general3A_490 = arith.constant dense<0.000000e+00> : vector<224x384xf32>
    %dot_general3A_491 = tpu.matmul %convert_element_type3A_483, %get3A_489, %dot_general3A_490 {dimension_numbers = #tpu.dot_dimension_numbers<[0], [0], [1], [1], [0, 1, 1, 1], [], []>, transpose_lhs_hint = false} : vector<196x224xbf16>, vector<196x384xbf16>, vector<224x384xf32> -> vector<224x384xf32>
    %get3A_492 = arith.constant 6 : index
    %get3A_493 = arith.constant 2 : index
    %get3A_494 = arith.constant 0 : index
    %get3A_495 = vector.load %arg1[%get3A_492, %get3A_493, %get3A_494] : memref<7x3x224xi32, #tpu.memory_space<vmem>>, vector<1x1x224xi32>
    %get3A_496 = vector.shape_cast %get3A_495 : vector<1x1x224xi32> to vector<224xi32>
    %reshape3A_497 = vector.shape_cast %get3A_496 : vector<224xi32> to vector<1x224xi32>
    %eq3A_498 = vector.broadcast %reshape3A_497 : vector<1x224xi32> to vector<196x224xi32>
    %eq3A_499 = arith.cmpi eq, %eq3A_498, %iota3A : vector<196x224xi32>
    %jit3A_500 = arith.constant 1.000000e+00 : f32
    %jit3A_501 = arith.constant 0.000000e+00 : f32
    %broadcast_in_dim3A_502 = vector.broadcast %jit3A_500 : f32 to vector<196x224xf32>
    %broadcast_in_dim3A_503 = vector.broadcast %jit3A_501 : f32 to vector<196x224xf32>
    %select_n3A_504 = arith.select %eq3A_499, %broadcast_in_dim3A_502, %broadcast_in_dim3A_503 : vector<196x224xi1>, vector<196x224xf32>
    %convert_element_type3A_505 = arith.truncf %select_n3A_504 : vector<196x224xf32> to vector<196x224xbf16>
    %get3A_506 = arith.constant 0 : index
    %get3A_507 = arith.constant 0 : index
    %get3A_508 = arith.constant 0 : index
    %get3A_509 = arith.constant 0 : index
    %get3A_510 = vector.load %arg5[%get3A_506, %get3A_507, %get3A_508, %get3A_509] : memref<1x1x196x384xbf16, #tpu.memory_space<vmem>>, vector<1x1x196x384xbf16>
    %get3A_511 = vector.shape_cast %get3A_510 : vector<1x1x196x384xbf16> to vector<196x384xbf16>
    %dot_general3A_512 = arith.constant dense<0.000000e+00> : vector<224x384xf32>
    %dot_general3A_513 = tpu.matmul %convert_element_type3A_505, %get3A_511, %dot_general3A_512 {dimension_numbers = #tpu.dot_dimension_numbers<[0], [0], [1], [1], [0, 1, 1, 1], [], []>, transpose_lhs_hint = false} : vector<196x224xbf16>, vector<196x384xbf16>, vector<224x384xf32> -> vector<224x384xf32>
    %concatenate3A_514 = tpu.concatenate %dot_general3A_381, %dot_general3A_403, %dot_general3A_425, %dot_general3A_447, %dot_general3A_469, %dot_general3A_491, %dot_general3A_513 in 0 : vector<224x384xf32>, vector<224x384xf32>, vector<224x384xf32>, vector<224x384xf32>, vector<224x384xf32>, vector<224x384xf32>, vector<224x384xf32> -> vector<1568x384xf32>
    %add3A_515 = arith.addf %concatenate3A_514, %sub3A_11 : vector<1568x384xf32>
    %mul3A_516 = arith.constant 5.000000e-01 : f32
    %mul3A_517 = vector.broadcast %mul3A_516 : f32 to vector<1568x384xf32>
    %mul3A_518 = arith.mulf %mul3A_517, %add3A_515 : vector<1568x384xf32>
    %mul3A_519 = arith.constant 0.707106769 : f32
    %mul3A_520 = vector.broadcast %mul3A_519 : f32 to vector<1568x384xf32>
    %mul3A_521 = arith.mulf %add3A_515, %mul3A_520 : vector<1568x384xf32>
    %erf3A_522 = math.erf %mul3A_521 : vector<1568x384xf32>
    %add3A_523 = arith.constant 1.000000e+00 : f32
    %add3A_524 = vector.broadcast %add3A_523 : f32 to vector<1568x384xf32>
    %add3A_525 = arith.addf %add3A_524, %erf3A_522 : vector<1568x384xf32>
    %mul3A_526 = arith.mulf %mul3A_518, %add3A_525 : vector<1568x384xf32>
    %convert_element_type3A_527 = arith.truncf %mul3A_526 : vector<1568x384xf32> to vector<1568x384xbf16>
    %get3A_528 = arith.constant 0 : index
    %get3A_529 = arith.constant 0 : index
    %get3A_530 = vector.load %arg7[%get3A_528, %get3A_529] : memref<384x384xbf16, #tpu.memory_space<vmem>>, vector<384x384xbf16>
    %dot_general3A_531 = arith.constant dense<0.000000e+00> : vector<1568x384xf32>
    %dot_general3A_532 = tpu.matmul %convert_element_type3A_527, %get3A_530, %dot_general3A_531 {dimension_numbers = #tpu.dot_dimension_numbers<[1], [0], [0], [1], [0, 0, 1, 1], [], []>, transpose_lhs_hint = false} : vector<1568x384xbf16>, vector<384x384xbf16>, vector<1568x384xf32> -> vector<1568x384xf32>
    %exp3A_533 = math.exp %dot_general3A_532 : vector<1568x384xf32>
    %add3A_534 = arith.addf %add3A_357, %exp3A_533 : vector<1568x384xf32>
    %mul3A_535 = arith.mulf %mul3A_526, %exp3A_533 : vector<1568x384xf32>
    %add3A_536 = arith.addf %add3A_359, %mul3A_535 : vector<1568x384xf32>
    %convert_element_type3A_537 = arith.truncf %add3A_536 : vector<1568x384xf32> to vector<1568x384xbf16>
    %convert_element_type3A_538 = arith.truncf %add3A_534 : vector<1568x384xf32> to vector<1568x384xbf16>
    %concatenate3A_539 = tpu.concatenate %convert_element_type3A_537, %convert_element_type3A_538 in 1 : vector<1568x384xbf16>, vector<1568x384xbf16> -> vector<1568x768xbf16>
    %get3A_540 = arith.constant 0 : index
    %get3A_541 = arith.constant 0 : index
    %get3A_542 = vector.load %arg11[%get3A_540, %get3A_541] : memref<196x1568xbf16, #tpu.memory_space<vmem>>, vector<196x1568xbf16>
    %dot_general3A_543 = arith.constant dense<0.000000e+00> : vector<196x768xf32>
    %dot_general3A_544 = tpu.matmul %get3A_542, %concatenate3A_539, %dot_general3A_543 {dimension_numbers = #tpu.dot_dimension_numbers<[1], [0], [0], [1], [0, 0, 1, 1], [], []>, transpose_lhs_hint = false} : vector<196x1568xbf16>, vector<1568x768xbf16>, vector<196x768xf32> -> vector<196x768xf32>
    %slice3A = vector.extract_strided_slice %dot_general3A_544 {offsets = [0, 0], sizes = [196, 384], strides = [1, 1]} : vector<196x768xf32> to vector<196x384xf32>
    %slice3A_545 = vector.extract_strided_slice %dot_general3A_544 {offsets = [0, 384], sizes = [196, 384], strides = [1, 1]} : vector<196x768xf32> to vector<196x384xf32>
    %div3A = arith.divf %slice3A, %slice3A_545 : vector<196x384xf32>
    %get3A_546 = arith.constant 0 : index
    %get3A_547 = arith.constant 0 : index
    %get3A_548 = arith.constant 0 : index
    %get3A_549 = arith.constant 0 : index
    %get3A_550 = vector.load %arg6[%get3A_546, %get3A_547, %get3A_548, %get3A_549] : memref<1x1x196x384xf32, #tpu.memory_space<vmem>>, vector<1x1x196x384xf32>
    %get3A_551 = vector.shape_cast %get3A_550 : vector<1x1x196x384xf32> to vector<196x384xf32>
    %get3A_552 = arith.constant 0 : index
    %get3A_553 = arith.constant 0 : index
    %get3A_554 = vector.load %arg8[%get3A_552, %get3A_553] : memref<384x384xf32, #tpu.memory_space<vmem>>, vector<384x384xf32>
    %dot_general3A_555 = arith.constant dense<0.000000e+00> : vector<196x384xf32>
    %dot_general3A_556 = tpu.matmul %div3A, %get3A_554, %dot_general3A_555 {dimension_numbers = #tpu.dot_dimension_numbers<[1], [0], [0], [1], [0, 0, 1, 1], [], []>, transpose_lhs_hint = false} : vector<196x384xf32>, vector<384x384xf32>, vector<196x384xf32> -> vector<196x384xf32>
    %add3A_557 = arith.addf %get3A_551, %dot_general3A_556 : vector<196x384xf32>
    %swap3A = arith.constant 0 : index
    %swap3A_558 = arith.constant 0 : index
    %swap3A_559 = arith.constant 0 : index
    %swap3A_560 = vector.load %arg12[%swap3A, %swap3A_558, %swap3A_559] : memref<1x196x384xf32, #tpu.memory_space<vmem>>, vector<1x196x384xf32>
    %swap3A_561 = vector.shape_cast %swap3A_560 : vector<1x196x384xf32> to vector<196x384xf32>
    %swap3A_562 = vector.shape_cast %add3A_557 : vector<196x384xf32> to vector<1x196x384xf32>
    tpu.vector_store %arg12[%swap3A, %swap3A_558, %swap3A_559], %swap3A_562 {strides = array<i32>} : memref<1x196x384xf32, #tpu.memory_space<vmem>>, vector<1x196x384xf32>,
    return
  }
  func.func @transform_0(%arg0: i32) -> (i32, i32, i32) {
    %c0_i32 = arith.constant 0 : i32
    %c0_i32_0 = arith.constant 0 : i32
    %c0_i32_1 = arith.constant 0 : i32
    return %arg0, %c0_i32, %c0_i32_0 : i32, i32, i32
  }
  func.func @transform_1(%arg0: i32) -> (i32, i32, i32, i32) {
    %c0_i32 = arith.constant 0 : i32
    %c0_i32_0 = arith.constant 0 : i32
    %c0_i32_1 = arith.constant 0 : i32
    %c0_i32_2 = arith.constant 0 : i32
    return %c0_i32, %arg0, %c0_i32_0, %c0_i32_1 : i32, i32, i32, i32
  }
  func.func @transform_2(%arg0: i32) -> (i32, i32, i32, i32) {
    %le3A = arith.constant 0 : i32
    %le3A_0 = arith.cmpi sle, %arg0, %le3A : i32
    %convert_element_type3A = arith.extui %le3A_0 : i1 to i32
    %add3A = arith.constant 0 : i32
    %add3A_1 = arith.addi %add3A, %convert_element_type3A : i32
    %c0_i32 = arith.constant 0 : i32
    %c0_i32_2 = arith.constant 0 : i32
    %c0_i32_3 = arith.constant 0 : i32
    %c0_i32_4 = arith.constant 0 : i32
    return %c0_i32, %add3A_1, %c0_i32_2, %c0_i32_3 : i32, i32, i32, i32
  }
  func.func @transform_3(%arg0: i32) -> (i32, i32, i32, i32) {
    %le3A = arith.constant 1 : i32
    %le3A_0 = arith.cmpi sle, %arg0, %le3A : i32
    %convert_element_type3A = arith.extui %le3A_0 : i1 to i32
    %add3A = arith.constant 1 : i32
    %add3A_1 = arith.addi %add3A, %convert_element_type3A : i32
    %c0_i32 = arith.constant 0 : i32
    %c0_i32_2 = arith.constant 0 : i32
    %c0_i32_3 = arith.constant 0 : i32
    %c0_i32_4 = arith.constant 0 : i32
    return %c0_i32, %add3A_1, %c0_i32_2, %c0_i32_3 : i32, i32, i32, i32
  }
  func.func @transform_4(%arg0: i32) -> (i32, i32, i32, i32) {
    %le3A = arith.constant 2 : i32
    %le3A_0 = arith.cmpi sle, %arg0, %le3A : i32
    %convert_element_type3A = arith.extui %le3A_0 : i1 to i32
    %add3A = arith.constant 2 : i32
    %add3A_1 = arith.addi %add3A, %convert_element_type3A : i32
    %c0_i32 = arith.constant 0 : i32
    %c0_i32_2 = arith.constant 0 : i32
    %c0_i32_3 = arith.constant 0 : i32
    %c0_i32_4 = arith.constant 0 : i32
    return %c0_i32, %add3A_1, %c0_i32_2, %c0_i32_3 : i32, i32, i32, i32
  }
  func.func @transform_5(%arg0: i32) -> (i32, i32, i32, i32) {
    %c0_i32 = arith.constant 0 : i32
    %c0_i32_0 = arith.constant 0 : i32
    %c0_i32_1 = arith.constant 0 : i32
    %c0_i32_2 = arith.constant 0 : i32
    return %c0_i32, %arg0, %c0_i32_0, %c0_i32_1 : i32, i32, i32, i32
  }
  func.func @transform_6(%arg0: i32) -> (i32, i32) {
    %c0_i32 = arith.constant 0 : i32
    %c0_i32_0 = arith.constant 0 : i32
    %c0_i32_1 = arith.constant 0 : i32
    return %c0_i32, %c0_i32_0 : i32, i32
  }
  func.func @transform_7(%arg0: i32) -> (i32, i32) {
    %c0_i32 = arith.constant 0 : i32
    %c0_i32_0 = arith.constant 0 : i32
    %c0_i32_1 = arith.constant 0 : i32
    return %c0_i32, %c0_i32_0 : i32, i32
  }
  func.func @transform_8(%arg0: i32) -> i32 {
    %c0_i32 = arith.constant 0 : i32
    %c0_i32_0 = arith.constant 0 : i32
    return %c0_i32 : i32
  }
  func.func @transform_9(%arg0: i32) -> (i32, i32) {
    %c0_i32 = arith.constant 0 : i32
    %c0_i32_0 = arith.constant 0 : i32
    %c0_i32_1 = arith.constant 0 : i32
    return %c0_i32, %c0_i32_0 : i32, i32
  }
  func.func @transform_10(%arg0: i32) -> (i32, i32) {
    %c0_i32 = arith.constant 0 : i32
    %c0_i32_0 = arith.constant 0 : i32
    %c0_i32_1 = arith.constant 0 : i32
    return %c0_i32, %c0_i32_0 : i32, i32
  }
  func.func @transform_11(%arg0: i32) -> (i32, i32, i32) {
    %c0_i32 = arith.constant 0 : i32
    %c0_i32_0 = arith.constant 0 : i32
    %c0_i32_1 = arith.constant 0 : i32
    return %arg0, %c0_i32, %c0_i32_0 : i32, i32, i32
  }
}

</mosaic_0001>

<sc_bundles>
// kernel: kernel.10.cloned.1.call-start
scs
__scs_entry_jumppad:
0x0: {  	(pc) =	sbr.rel $0x88, $3  }
0x1: {  	(tag) =	ssettag $0x0;
	lr =	simm.s32 $0x1  }
0x2: {  	[smem:$0x3F9B] =	sst lr;
	_ =	strace $0xD0000000  }
0x3: {  	_ = 	snop  }
0x4: {  	_ = 	snop  }
0x5: {  	_ = 	snop  }
0x6: {  	_ = 	snop  }
0x7: {  	_ = 	snop  }
__scs_overlays_trampoline_lowered:
0x8: {  	[smem:$0x3FAA] =	sst s0  }
0x9: {  	[smem:$0x3FAB] =	sst s1  }
0xa: {  	[smem:$0x3FAC] =	sst s2  }
0xb: {  	[smem:$0x3FAD] =	sst s3  }
0xc: {  	[smem:$0x3FAE] =	sst s4  }
0xd: {  	[smem:$0x3FAF] =	sst s5  }
0xe: {  	[smem:$0x3FB0] =	sst s6  }
0xf: {  	[smem:$0x3FB1] =	sst s7  }
0x10: {  	[smem:$0x3FB2] =	sst s8  }
0x11: {  	[smem:$0x3FB3] =	sst s9;
	s0 =	simm.s32 @!p0 $0x0  }
0x12: {  	s1 =	sld [smem:$0x3F99];
	s0 =	simm.s32 @p0 $0x1  }
0x13: {  	[smem:$0x3FB4] =	sst s0;
	s0 =	simm.s32 @!p1 $0x0  }
0x14: {  	s2 =	sld [smem:$0x3F98];
	s0 =	simm.s32 @p1 $0x1  }
0x15: {  	[smem:$0x3FB5] =	sst s0;
	s0 =	simm.s32 @!p2 $0x0  }
0x16: {  	s3 =	sld [smem:$0x3FDB];
	s0 =	simm.s32 @p2 $0x1  }
0x17: {  	s4 =	simm.s32 $0x1BF5;
	[smem:$0x3FB7] =	sst s0  }
0x18: {  	s0 =	sld [smem:$0x3F9A];
	_ =	swait.ge [sflag:s4], $0x0  }
0x19: {  	s7 =	sld [smem:$0x3F9B]  }
0x1a: {  	s8 =	sadd.s32 $0xFFFFE003, lr  }
0x1b: {  	s9 =	sadd.s32 $0xFFFFFEF7, lr;
	s5 =	simm.s32 $0xFFFFFFFF;
	p2 =	slt.u32 s8, $0xFFFFF086  }
0x1c: {  	p1 =	slt.u32 s9, $0xF7A;
	s5 =	simm.s32 @!p2 $0x0  }
0x1d: {  	s5 =	simm.s32 @p1 $0x1;
	p0 =	seq.s32 s7, s2  }
0x1e: {  	s7 =	smul.u32 @!p0 $0xF7A, s2;
	p2 =	seq.s32 @!p0 s5, $0x0  }
0x1f: {  	s9 =	smul.u32 $0xF7A, s1;
	s8 =	simm.s32 @!p0 $0x1BF5;
	p2 =	por !p2, p0  }
0x20: {  	[sflag:s8] =	ssyncset.s32 @!p0 $0xFFFFF086;
	s6 =	sadd.s32 @!p0 s3, s7;
	s7 =	simm.s32 @!p0 $0x108  }
0x21: {  	s3 =	sadd.s32 s3, s9;
	s6 =	sadd.s32 @!p0 $0x88, s6;
	s7 =	simm.s32 @p2 $0x1082  }
0x22: {  	[simem:s7], [sflag:s8] =	dma.local @!p0 [hbm:s6], $0xF7A  }
0x23: {  	s9 =	sor.u32 $0xD0000000, s2;
	s6 =	simm.s32 $0x108;
	_ =	swait.ge @!p0 [sflag:s8], $0x0  }
0x24: {  	s3 =	sadd.s32 $0x88, s3;
	s6 =	simm.s32 @!p1 $0x1082;
	[sflag:s4] =	ssyncset.s32 $0xFFFFF086  }
0x25: {  	[simem:s6], [sflag:s4] =	dma.local [hbm:s3], $0xF7A  }
0x26: {  	[smem:$0x3F9B] =	sst s1;
	(tag) =	ssettag s2;
	_ =	strace s9  }
0x27: {  	s1 =	sld [smem:$0x3FAB]  }
0x28: {  	s2 =	sld [smem:$0x3FAC]  }
0x29: {  	s4 =	sld [smem:$0x3FAE]  }
0x2a: {  	p0 =	seq.s32 s5, $0x0;
	s5 =	sld [smem:$0x3FAF]  }
0x2b: {  	s6 =	sld [smem:$0x3FB0]  }
0x2c: {  	s7 =	sld [smem:$0x3FB1]  }
0x2d: {  	s3 =	simm.s32 $0x108;
	s8 =	sld [smem:$0x3FB2]  }
0x2e: {  	s3 =	simm.s32 @!p0 $0x1082;
	s9 =	sld [smem:$0x3FB3]  }
0x2f: {  	lr =	sadd.s32 s0, s3;
	s0 =	sld [smem:$0x3FAA]  }
0x30: {  	s3 =	sld [smem:$0x3FAD]  }
0x31: {  	[smem:$0x3FB6] =	sst s10  }
0x32: {  	s10 =	sld [smem:$0x3FB4];
	_ =	sdelay $0x3  }
0x33: {  	p0 =	seq.s32 s10, $0x1;
	s10 =	sld [smem:$0x3FB6];
	_ =	sdelay $0x3  }
0x34: {  	[smem:$0x3FB6] =	sst s10  }
0x35: {  	s10 =	sld [smem:$0x3FB5];
	_ =	sdelay $0x3  }
0x36: {  	p1 =	seq.s32 s10, $0x1;
	s10 =	sld [smem:$0x3FB6];
	_ =	sdelay $0x3  }
0x37: {  	[smem:$0x3FB6] =	sst s10  }
0x38: {  	s10 =	sld [smem:$0x3FB7]  }
0x39: {  	_ = 	snop;
	(pc) =	sbr.ind lr, $3  }
0x3a: {  	_ = 	snop  }
0x3b: {  	_ = 	snop  }
0x3c: {  	p2 =	seq.s32 s10, $0x1;
	s10 =	sld [smem:$0x3FB6]  }
0x3d: {  	_ =	shalt  }
0x3e: {  	_ =	shalt  }
0x3f: {  	_ =	shalt  }
0x40: {  	_ =	shalt  }
0x41: {  	_ =	shalt  }
0x42: {  	_ =	shalt  }
0x43: {  	_ =	shalt  }
0x44: {  	_ =	shalt  }
0x45: {  	_ =	shalt  }
0x46: {  	_ =	shalt  }
0x47: {  	_ =	shalt  }
0x48: {  	_ =	shalt  }
0x49: {  	_ =	shalt  }
0x4a: {  	_ =	shalt  }
0x4b: {  	_ =	shalt  }
0x4c: {  	_ =	shalt  }
0x4d: {  	_ =	shalt  }
0x4e: {  	_ =	shalt  }
0x4f: {  	_ =	shalt  }
0x50: {  	_ =	shalt  }
0x51: {  	_ =	shalt  }
0x52: {  	_ =	shalt  }
0x53: {  	_ =	shalt  }
0x54: {  	_ =	shalt  }
0x55: {  	_ =	shalt  }
0x56: {  	_ =	shalt  }
0x57: {  	_ =	shalt  }
0x58: {  	_ =	shalt  }
0x59: {  	_ =	shalt  }
0x5a: {  	_ =	shalt  }
0x5b: {  	_ =	shalt  }
0x5c: {  	_ =	shalt  }
0x5d: {  	_ =	shalt  }
0x5e: {  	_ =	shalt  }
0x5f: {  	_ =	shalt  }
0x60: {  	_ =	shalt  }
0x61: {  	_ =	shalt  }
0x62: {  	_ =	shalt  }
0x63: {  	_ =	shalt  }
0x64: {  	_ =	shalt  }
0x65: {  	_ =	shalt  }
0x66: {  	_ =	shalt  }
0x67: {  	_ =	shalt  }
0x68: {  	_ =	shalt  }
0x69: {  	_ =	shalt  }
0x6a: {  	_ =	shalt  }
0x6b: {  	_ =	shalt  }
0x6c: {  	_ =	shalt  }
0x6d: {  	_ =	shalt  }
0x6e: {  	_ =	shalt  }
0x6f: {  	_ =	shalt  }
0x70: {  	_ =	shalt  }
0x71: {  	_ =	shalt  }
0x72: {  	_ =	shalt  }
0x73: {  	_ =	shalt  }
0x74: {  	_ =	shalt  }
0x75: {  	_ =	shalt  }
0x76: {  	_ =	shalt  }
0x77: {  	_ =	shalt  }
0x78: {  	_ =	shalt  }
0x79: {  	_ =	shalt  }
0x7a: {  	_ =	shalt  }
0x7b: {  	_ =	shalt  }
0x7c: {  	_ =	shalt  }
0x7d: {  	_ =	shalt  }
0x7e: {  	_ =	shalt  }
0x7f: {  	_ =	shalt  }
0x80: {  	_ =	shalt  }
0x81: {  	_ =	shalt  }
0x82: {  	_ =	shalt  }
0x83: {  	_ =	shalt  }
0x84: {  	_ =	shalt  }
0x85: {  	_ =	shalt  }
0x86: {  	_ =	shalt  }
0x87: {  	_ =	shalt  }
.Lfunc_end0:
.L_simem_size_0:
called_computation.1_lowered:
.L_overlay_start_0:
0x88: {  	s2 =	sld [smem:$0x3FD9]  }
0x89: {  	s3 =	sld [smem:$0x3FFE];
	_ =	sdelay $0x1  }
0x8a: {  	s1 =	srdreg.scid  }
0x8b: {  	s0 =	sand.u32 $0x1, s1  }
0x8c: {  	s17 =	sshll.u32 s0, $0xA;
	s2 =	sadd.s32 s3, s2  }
0x8d: {  	s2 =	sadd.s32 s2, s17  }
0x8e: {  	[smem:$0x3FC2] =	sst s2  }
0x8f: {  	_ = 	snop  }
0x90: {  	s18 =	sld [smem:$0x3FD0];
	(tm) =	ssettm $0x1  }
0x91: {  	s19 =	sld [smem:$0x3FFB];
	_ =	sdelay $0x3  }
0x92: {  	_ =	strace s19  }
0x93: {  	s2 =	sld [smem:$0x3FFC];
	_ =	sdelay $0x3  }
0x94: {  	_ =	strace s2  }
0x95: {  	s2 =	sld [smem:$0x3FFD];
	_ =	sdelay $0x3  }
0x96: {  	_ =	strace s2  }
0x97: {  	_ =	strace $0x8FFFFFFF  }
0x98: {  	s20 =	sld [smem:$0x3FDB];
	_ =	sdelay $0x1  }
0x99: {  	s4 =	simm.s32 $_scs_section_size  }
0x9a: {  	s5 =	simm.s32 $_size__tile_overlayer_lowered;
	s6 =	simm.s32 $_tile_overlayer_lowered  }
0x9b: {  	s7 =	simm.s32 $0x1BFF;
	s21 =	sshll.u32 s6, $0x1;
	s4 =	sadd.s32 s4, s20  }
0x9c: {  	s22 =	simm.s32 $0x0;
	s5 =	sshll.u32 s5, $0x1;
	s6 =	sadd.s32 s21, s4  }
0x9d: {  	[timem:s22], [sflag:s7] =	dma.local [hbm:s6], s5  }
0x9e: {  	_ =	swait.ge [sflag:s7], s5  }
0x9f: {  	s5 =	ssub.s32 $0x0, s5;
	[sflag:s7] =	ssyncset.done $0x0  }
0xa0: {  	[sflag:s7] =	ssyncadd.s32 s5;
	_ =	sdelay $0x1  }
0xa1: {  	s23 =	simm.s32 $0x1B8B  }
0xa2: {  	_ =	swait.ge [sflag:s23], $0x1  }
0xa3: {  	[sflag:s23] =	ssyncset.done $0x0  }
0xa4: {  	[sflag:s23] =	ssyncadd.s32 $0xFFFFFFFF  }
0xa5: {  	s5 =	sld [smem:$0x0]  }
0xa6: {  	s6 =	sand.u32 $0xFFFFFFFE, s1  }
0xa7: {  	p0 =	sne.s32 s1, s6  }
0xa8: {  	s6 =	sshll.u32 @p0 s6, $0xE  }
0xa9: {  	s6 =	sadd.s32 @p0 $0x11B8D, s6;
	s7 =	sshll.u32 @p0 s5, $0x11  }
0xaa: {  	s6 =	sor.u32 @p0 s7, s6  }
0xab: {  	[sflag:s6] =	ssyncadd.remote.s32 @p0 $0x1;
	_ =	sdelay $0x1  }
0xac: {  	s6 =	simm.s32 @p0 $0x1B8D  }
0xad: {  	_ =	swait.eq @p0 [sflag:s6], $0x1  }
0xae: {  	[sflag:s6] =	ssyncadd.s32 @p0 $0xFFFFFFFF  }
0xaf: {  	s7 =	sshll.u32 @!p0 s1, $0xE  }
0xb0: {  	s7 =	sor.u32 @!p0 $0x4000, s7;
	s6 =	simm.s32 @!p0 $0x1B8D  }
0xb1: {  	s5 =	sshll.u32 @!p0 s5, $0x11;
	s7 =	sadd.s32 @!p0 $0x11B8D, s7;
	_ =	swait.eq @!p0 [sflag:s6], $0x1  }
0xb2: {  	s5 =	sor.u32 @!p0 s5, s7;
	[sflag:s6] =	ssyncadd.s32 @!p0 $0xFFFFFFFF  }
0xb3: {  	s25 =	simm.s32 $0x1B8E;
	s24 =	sld [smem:$0x3FFE];
	[sflag:s5] =	ssyncadd.remote.s32 @!p0 $0x1  }
0xb4: {  	s26 =	simm.s32 $execute0_lowered;
	[smem:$0x3FD2] =	sst s25  }
0xb5: {  	s6 =	sshll.u32 s26, $0x1;
	_ =	strace $0x80000049;
	[dreg:$0x1] =	wrdreg $0xFFFFFFFF  }
0xb6: {  	s28 =	simm.s32 $_size_execute0_lowered;
	s4 =	sadd.s32 s4, s6;
	[dreg:$0x0] =	wrdreg $0x0  }
0xb7: {  	s6 =	sshll.u32 s28, $0x1;
	[dreg:$0x2] =	wrdreg s4  }
0xb8: {  	[dreg:$0x3] =	wrdreg s6  }
0xb9: {  	[dreg:$0x4] =	wrdreg $0xC0  }
0xba: {  	_ =	task [dreg:s22], $0x5FFFF  }
0xbb: {  	[dreg:$0x1] =	wrdreg $0xFFFFFFFF  }
0xbc: {  	[dreg:$0x0] =	wrdreg $0x60  }
0xbd: {  	[dreg:$0x2] =	wrdreg s24  }
0xbe: {  	[dreg:$0x3] =	wrdreg s18  }
0xbf: {  	[dreg:$0x4] =	wrdreg $0xA  }
0xc0: {  	_ =	task.clear_ibuf [dreg:s22], $0x5FFFF;
	_ =	strace $0x90000049  }
0xc1: {  	s29 =	simm.s32 $0xA;
	_ =	strace $0x8000004B  }
0xc2: {  	_ =	swait.ge [sflag:s29], $0x1  }
0xc3: {  	[sflag:s29] =	ssyncadd.s32 $0xFFFFFFFF  }
0xc4: {  	_ =	strace $0x9000004B  }
0xc5: {  	_ =	sfence  }
0xc6: {  	s30 =	sld [smem:$0x0];
	_ =	sdelay $0x2  }
0xc7: {  	s31 =	sshll.u32 s1, $0xD;
	s1 =	sshrl.u32 s1, $0x2  }
0xc8: {  	s4 =	sand.u32 $0x4000, s31;
	s1 =	sadd.s32 s1, s30  }
0xc9: {  	s0 =	sor.u32 s4, s0;
	s1 =	sshll.u32 s1, $0x11  }
0xca: {  	s0 =	sor.u32 s1, s0  }
0xcb: {  	s0 =	sadd.s32 $0x8F2B, s0  }
0xcc: {  	[sflag:s0] =	ssyncadd.remote.s32 $0x1  }
0xcd: {  	_ =	sfence.sel $0xFFFF  }
0xce: {  	[dreg:$0x0] =	wrdreg $0xFFFFFFFF;
	(pc) =	sbr.abs _section_cstart, $3  }
0xcf: {  	[dreg:$0x1] =	wrdreg $0xFFFFFFFF  }
0xd0: {  	_ =	task.clear_ibuf [dreg:s22], $0x2FFFF;
	_ =	strace $0x9FFFFFFF  }
0xd1: {  	(tm) =	ssettm $0x7FFFFFFF  }
tec
execute0_lowered:
.L_overlay_start_1:
0x0: {  	(tag) =	ssettag $0x1  }
0x1: {  	s1 =	stileid.u32  }
0x2: {  	p0 =	sgt.u32 s1, $0xD  }
.Ltmp0:
0x3: {  	_ = 	snop;
	(pc) =	sbr.rel @p0 .LBB2_5-.Ltmp0, $4  }
0x4: {  	s3 =	rddreg [dreg:$0x0]  }
0x5: {  	s5 =	rddreg [dreg:$0x1];
	s2 =	simm.s32 $0x0  }
0x6: {  	[smem:$0x7FF] =	sst s2  }
0x7: {  	s0 =	rddreg [dreg:$0x2];
	_ =	strace $0x8000004A  }
0x8: {  	s4 =	srdreg.scid  }
0x9: {  	s21 =	sshll.u32 s1, $0x1;
	s22 =	smul.u32 $0x38, s1;
	s6 =	sand.u32 $0x1, s4  }
0xa: {  	s4 =	sor.u32 s6, s21;
	s10 =	smul.u32 $0x1C, s6  }
0xb: {  	s7 =	smul.u32 $0x492C, s4  }
0xc: {  	s8 =	smul.u32 $0x25, s4  }
0xd: {  	s11 =	sadd.s32 $0x1A00, s3;
	s9 =	smul.u32 $0x1C, s4;
	s23 =	sadd.s32 s10, s22  }
0xe: {  	s13 =	simm.s32 $0x7800;
	s7 =	sshrl.u32 s7, $0x11;
	s10 =	smul.u32 $0x29D, s23  }
0xf: {  	s14 =	simm.s32 $0x0;
	s6 =	ssub.s32 $0x2, s6;
	s7 =	smul.u32 $0xC4, s7  }
0x10: {  	s12 =	smul.u32 $0x54, s4;
	s29 =	sshrl.u32 s6, $0x1;
	s8 =	sshrl.u32 s8, $0x8  }
0x11: {  	s8 =	smul.u32 $0x270, s8;
	s10 =	sshrl.u32 s10, $0xF;
	s7 =	ssub.s32 s9, s7  }
0x12: {  	v0 =	vlaneseq.u32;
	s5 =	sadd.s32 s5, s12;
	s28 =	sand.u32 $0x4, s10;
	s7 =	sand.u32 $0xFFFC, s7  }
0x13: {  	v1 =	vmul.u32 $0xFFFFFFFF, v0;
	s12 =	simm.s32 $0x5000;
	s7 =	sadd.s32 s7, s8;
	s8 =	sadd.s32 s28, s23  }
0x14: {  	v2 =	vor.u32 $0x10, v0;
	v3 =	vor.u32 $0x20, v0;
	v4 =	vor.u32 $0x30, v0;
	s10 =	simm.s32 $0x1;
	s7 =	sshll.u32 s7, $0x5;
	s8 =	sshrl.u32 s8, $0x2  }
0x15: {  	v5 =	vor.u32 $0x40, v0;
	v6 =	vor.u32 $0x50, v0;
	v7 =	vor.u32 $0x60, v0;
	s24 =	sadd.s32 $0x15200, s7;
	s26 =	sadd.s32 $0x16C00, s7;
	s7 =	sadd.s32 $0x13800, s7  }
0x16: {  	v8 =	vor.u32 $0x70, v0;
	v9 =	vor.u32 $0x80, v0;
	v10 =	vor.u32 $0x90, v0;
	s31 =	sand.u32 $0x1, s8;
	s25 =	sand.u32 $0x7FFF00, s24;
	s9 =	sand.u32 $0x7FFF00, s26  }
0x17: {  	v11 =	vor.u32 $0xA0, v0;
	v12 =	vor.u32 $0xB0, v0;
	v13 =	vor.u32 $0xC0, v0;
	s30 =	sand.u32 $0xFFFF00, s7;
	s8 =	sshll.u32 s31, $0x9;
	s3 =	sadd.s32 s11, s25  }
0x18: {  	v14 =	vor.u32 $0xD0, v0;
	v17 =	vshrl.u32 v0, $0x3;
	v15 =	vor.u32 $0xE0, v0;
	s4 =	sadd.s32 s11, s9;
	s9 =	ssub.s32 s6, s29;
	s6 =	sadd.s32 s11, s30  }
0x19: {  	v16 =	vor.u32 $0xF0, v0;
	v17 =	vmul.u32 $0x40000000, v17;
	v1 =	vadd.s32 $0xF, v1;
	s11 =	simm.s32 $0x2800;
	s7 =	smax.u32 s9, $0x1;
	s9 =	sshll.u32 s31, $0xA  }
.LBB2_2:
0x1a: {  	s15 =	simm.s32 $0x0  }
0x1b: {  	[tilespmem:s15], [sflag:$0x1] =	stream.linear.gather [hbm4b:s6+s15], $0x2800, $0x38;
	[tilespmem:$0x7B00] =	vst v63  }
0x1c: {  	_ =	swait.ge [sflag:s10], $0x2800  }
0x1d: {  	[sflag:s10] =	ssyncset.done $0x0  }
0x1e: {  	[sflag:s10] =	ssyncadd.s32 $0xFFFFD800  }
0x1f: {  	[tilespmem:s11], [sflag:$0x1] =	stream.linear.gather [hbm4b:s3+s15], $0x2800, $0x38;
	[tilespmem:$0x7B00] =	vst v63  }
0x20: {  	_ =	swait.ge [sflag:s10], $0x2800  }
0x21: {  	[sflag:s10] =	ssyncset.done $0x0  }
0x22: {  	[sflag:s10] =	ssyncadd.s32 $0xFFFFD800  }
0x23: {  	[tilespmem:s12], [sflag:$0x1] =	stream.linear.gather [hbm4b:s4+s15], $0x2800, $0x38;
	[tilespmem:$0x7B00] =	vst v63  }
0x24: {  	s31 =	sadd.s32 $0x0, s8;
	_ =	swait.ge [sflag:s10], $0x2800  }
0x25: {  	s16 =	sand.u32 $0x3800, s9;
	s15 =	sand.u32 $0x380, s31;
	[sflag:s10] =	ssyncset.done $0x0  }
0x26: {  	s15 =	sor.u32 s15, s16;
	[sflag:s10] =	ssyncadd.s32 $0xFFFFD800  }
0x27: {  	v18 =	vld [tilespmem:s15+$0x5000]  }
0x28: {  	v19 =	vld [tilespmem:s15+$0x2800];
	_ =	sdelay $0x1  }
0x29: {  	v20 =	vld [tilespmem:s15+$0x0];
	_ =	sdelay $0x1  }
0x2a: {  	(xrf1) =	vsort.ascd.msk.f32 $0xffff, v18, v0  }
0x2b: {  	(xrf1) =	vsort.ascd.msk.f32 $0xffff, v19, v0;
	_ =	sdelay $0x1  }
0x2c: {  	(xrf1) =	vsort.ascd.msk.f32 $0xffff, v20, v0;
	_ =	sdelay $0x7  }
0x2d: {  	v18 =	vld [tilespmem:s15+$0x5010]  }
0x2e: {  	v19 =	vld [tilespmem:s15+$0x10]  }
0x2f: {  	v61 =	vld [tilespmem:s15+$0x2810]  }
0x30: {  	v21, v22, _ =	vpop (xrf1)  }
0x31: {  	v21 =	vperm.xlane v21, v1;
	v23, v24, _ =	vpop (xrf1)  }
0x32: {  	(xrf1) =	vsort.ascd.msk.f32 $0xffff, v18, v2;
	v22 =	vperm.xlane v22, v1;
	v18 =	vperm.xlane v23, v1  }
0x33: {  	(xrf1) =	vsort.ascd.msk.f32 $0xffff, v19, v2;
	v19 =	vperm.xlane v24, v1;
	v62, v63, _ =	vpop (xrf1);
	vm0 =	veq.f32 v21, $+Inf  }
0x34: {  	(xrf1) =	vsort.ascd.msk.f32 $0xffff, v61, v2;
	v26 =	vperm.xlane v62, v1;
	vm1 =	veq.f32 v18, $+Inf;
	v22 =	vsel vm0, $0x0, v22  }
0x35: {  	v27 =	vperm.xlane v63, v1;
	v19 =	vsel vm1, $0x0, v19;
	(xrf1) =	vsort.ascd.msk.f32 $0xffff, v21, v22  }
0x36: {  	vm6 =	veq.f32 v26, $+Inf;
	(xrf1) =	vsort.ascd.msk.f32 $0xffff, v18, v19  }
0x37: {  	v18 =	vsel vm6, $0x0, v27  }
0x38: {  	(xrf1) =	vsort.ascd.msk.f32 $0xffff, v26, v18;
	_ =	sdelay $0x3  }
0x39: {  	v18 =	vld [tilespmem:s15+$0x2820]  }
0x3a: {  	v19 =	vld [tilespmem:s15+$0x5020]  }
0x3b: {  	v28 =	vld [tilespmem:s15+$0x20];
	_ =	sdelay $0x1  }
0x3c: {  	v21, v22, _ =	vpop (xrf1)  }
0x3d: {  	(xrf1) =	vsort.ascd.msk.f32 $0xffff, v18, v3;
	v29, v24, _ =	vpop (xrf1)  }
0x3e: {  	(xrf1) =	vsort.ascd.msk.f32 $0xffff, v19, v3;
	v21 =	vperm.xlane v21, v1;
	v30 =	vperm.xlane v22, v1;
	v18, v25, _ =	vpop (xrf1)  }
0x3f: {  	v19 =	vperm.xlane v24, v1;
	(xrf1) =	vsort.ascd.msk.f32 $0xffff, v28, v3;
	v18 =	vperm.xlane v18, v1;
	v32, v31, _ =	vpop (xrf1)  }
0x40: {  	v23 =	vperm.xlane v29, v1;
	v25 =	vperm.xlane v25, v1;
	vm7 =	vle.f32 v32, v21;
	v26, v27, _ =	vpop (xrf1)  }
0x41: {  	vm8 =	vle.f32 v26, v18;
	v21 =	vsel vm7, v32, v21;
	v20 =	vsel vm7, v31, v30  }
0x42: {  	v34, v35, _ =	vpop (xrf1);
	v18 =	vsel vm8, v26, v18;
	v33 =	vsel vm8, v27, v25;
	(xrf1) =	vsort.ascd.msk.f32 $0xffff, v21, v20  }
0x43: {  	vm9 =	vle.f32 v34, v23;
	(xrf1) =	vsort.ascd.msk.f32 $0xffff, v18, v33  }
0x44: {  	v18 =	vsel vm9, v34, v23;
	v19 =	vsel vm9, v35, v19  }
0x45: {  	(xrf1) =	vsort.ascd.msk.f32 $0xffff, v18, v19;
	_ =	sdelay $0x4  }
0x46: {  	v18 =	vld [tilespmem:s15+$0x2830]  }
0x47: {  	v19 =	vld [tilespmem:s15+$0x30]  }
0x48: {  	v36 =	vld [tilespmem:s15+$0x5030]  }
0x49: {  	v37, v38, _ =	vpop (xrf1)  }
0x4a: {  	v23, v24, _ =	vpop (xrf1);
	v22 =	vperm.xlane v38, v1  }
0x4b: {  	(xrf1) =	vsort.ascd.msk.f32 $0xffff, v18, v4;
	v21 =	vperm.xlane v37, v1;
	v40, v39, _ =	vpop (xrf1);
	v23 =	vperm.xlane v23, v1  }
0x4c: {  	v24 =	vperm.xlane v24, v1;
	(xrf1) =	vsort.ascd.msk.f32 $0xffff, v19, v4;
	v18 =	vperm.xlane v39, v1;
	v42, v41, _ =	vpop (xrf1)  }
0x4d: {  	v19 =	vperm.xlane v40, v1;
	(xrf1) =	vsort.ascd.msk.f32 $0xffff, v36, v4;
	vm10 =	vle.f32 v42, v23;
	v43, v28, _ =	vpop (xrf1)  }
0x4e: {  	vm11 =	vle.f32 v43, v21;
	v44 =	vsel vm10, v42, v23;
	v45 =	vsel vm10, v41, v24  }
0x4f: {  	v46, v47, _ =	vpop (xrf1);
	v21 =	vsel vm11, v43, v21;
	v22 =	vsel vm11, v28, v22;
	(xrf1) =	vsort.ascd.msk.f32 $0xffff, v44, v45  }
0x50: {  	vm12 =	vle.f32 v46, v19;
	(xrf1) =	vsort.ascd.msk.f32 $0xffff, v21, v22  }
0x51: {  	v19 =	vsel vm12, v46, v19;
	v18 =	vsel vm12, v47, v18  }
0x52: {  	(xrf1) =	vsort.ascd.msk.f32 $0xffff, v19, v18;
	_ =	sdelay $0x4  }
0x53: {  	v18 =	vld [tilespmem:s15+$0x5040]  }
0x54: {  	v19 =	vld [tilespmem:s15+$0x2840]  }
0x55: {  	v50 =	vld [tilespmem:s15+$0x40];
	v48, v49, _ =	vpop (xrf1)  }
0x56: {  	v51, v52, _ =	vpop (xrf1)  }
0x57: {  	v21 =	vperm.xlane v49, v1;
	v54, v53, _ =	vpop (xrf1)  }
0x58: {  	v24 =	vperm.xlane v52, v1;
	v25 =	vperm.xlane v54, v1;
	(xrf1) =	vsort.ascd.msk.f32 $0xffff, v18, v5  }
0x59: {  	v18 =	vperm.xlane v48, v1;
	v55 =	vperm.xlane v53, v1;
	(xrf1) =	vsort.ascd.msk.f32 $0xffff, v19, v5;
	v57, v56, _ =	vpop (xrf1)  }
0x5a: {  	v19 =	vperm.xlane v51, v1;
	(xrf1) =	vsort.ascd.msk.f32 $0xffff, v50, v5;
	vm13 =	vle.f32 v57, v25;
	v59, v58, _ =	vpop (xrf1)  }
0x5b: {  	vm14 =	vle.f32 v59, v18;
	v60 =	vsel vm13, v57, v25;
	v20 =	vsel vm13, v56, v55  }
0x5c: {  	v62, v61, _ =	vpop (xrf1);
	v18 =	vsel vm14, v59, v18;
	v21 =	vsel vm14, v58, v21;
	(xrf1) =	vsort.ascd.msk.f32 $0xffff, v60, v20  }
0x5d: {  	vm15 =	vle.f32 v62, v19;
	(xrf1) =	vsort.ascd.msk.f32 $0xffff, v18, v21  }
0x5e: {  	v18 =	vsel vm15, v62, v19;
	v19 =	vsel vm15, v61, v24  }
0x5f: {  	(xrf1) =	vsort.ascd.msk.f32 $0xffff, v18, v19;
	_ =	sdelay $0x4  }
0x60: {  	v18 =	vld [tilespmem:s15+$0x5050]  }
0x61: {  	v19 =	vld [tilespmem:s15+$0x2850]  }
0x62: {  	v63 =	vld [tilespmem:s15+$0x50];
	v30, v29, _ =	vpop (xrf1)  }
0x63: {  	v31, v32, _ =	vpop (xrf1)  }
0x64: {  	v21 =	vperm.xlane v30, v1;
	v34, v33, _ =	vpop (xrf1)  }
0x65: {  	v22 =	vperm.xlane v29, v1;
	v25 =	vperm.xlane v34, v1;
	(xrf1) =	vsort.ascd.msk.f32 $0xffff, v18, v6  }
0x66: {  	v18 =	vperm.xlane v31, v1;
	v35 =	vperm.xlane v33, v1;
	(xrf1) =	vsort.ascd.msk.f32 $0xffff, v19, v6;
	v37, v36, _ =	vpop (xrf1)  }
0x67: {  	v19 =	vperm.xlane v32, v1;
	(xrf1) =	vsort.ascd.msk.f32 $0xffff, v63, v6;
	vm4 =	vle.f32 v37, v21;
	v39, v38, _ =	vpop (xrf1)  }
0x68: {  	vm5 =	vle.f32 v39, v18;
	v40 =	vsel vm4, v37, v21;
	v41 =	vsel vm4, v36, v22  }
0x69: {  	v42, v43, _ =	vpop (xrf1);
	v18 =	vsel vm5, v39, v18;
	v19 =	vsel vm5, v38, v19;
	(xrf1) =	vsort.ascd.msk.f32 $0xffff, v40, v41  }
0x6a: {  	vm6 =	vle.f32 v42, v25;
	(xrf1) =	vsort.ascd.msk.f32 $0xffff, v18, v19  }
0x6b: {  	v18 =	vsel vm6, v42, v25;
	v19 =	vsel vm6, v43, v35  }
0x6c: {  	(xrf1) =	vsort.ascd.msk.f32 $0xffff, v18, v19;
	_ =	sdelay $0x4  }
0x6d: {  	v18 =	vld [tilespmem:s15+$0x5060]  }
0x6e: {  	v19 =	vld [tilespmem:s15+$0x2860]  }
0x6f: {  	v44 =	vld [tilespmem:s15+$0x60];
	v45, v46, _ =	vpop (xrf1)  }
0x70: {  	v23, v24, _ =	vpop (xrf1)  }
0x71: {  	v21 =	vperm.xlane v45, v1;
	v48, v47, _ =	vpop (xrf1)  }
0x72: {  	v22 =	vperm.xlane v46, v1;
	v25 =	vperm.xlane v48, v1;
	(xrf1) =	vsort.ascd.msk.f32 $0xffff, v18, v7  }
0x73: {  	v18 =	vperm.xlane v23, v1;
	v49 =	vperm.xlane v47, v1;
	(xrf1) =	vsort.ascd.msk.f32 $0xffff, v19, v7;
	v51, v50, _ =	vpop (xrf1)  }
0x74: {  	v19 =	vperm.xlane v24, v1;
	(xrf1) =	vsort.ascd.msk.f32 $0xffff, v44, v7;
	vm7 =	vle.f32 v51, v21;
	v53, v52, _ =	vpop (xrf1)  }
0x75: {  	vm8 =	vle.f32 v53, v18;
	v54 =	vsel vm7, v51, v21;
	v55 =	vsel vm7, v50, v22  }
0x76: {  	v56, v57, _ =	vpop (xrf1);
	v18 =	vsel vm8, v53, v18;
	v19 =	vsel vm8, v52, v19;
	(xrf1) =	vsort.ascd.msk.f32 $0xffff, v54, v55  }
0x77: {  	vm9 =	vle.f32 v56, v25;
	(xrf1) =	vsort.ascd.msk.f32 $0xffff, v18, v19  }
0x78: {  	v18 =	vsel vm9, v56, v25;
	v19 =	vsel vm9, v57, v49  }
0x79: {  	(xrf1) =	vsort.ascd.msk.f32 $0xffff, v18, v19;
	_ =	sdelay $0x4  }
0x7a: {  	v18 =	vld [tilespmem:s15+$0x5070]  }
0x7b: {  	v19 =	vld [tilespmem:s15+$0x2870]  }
0x7c: {  	v58 =	vld [tilespmem:s15+$0x70];
	v59, v60, _ =	vpop (xrf1)  }
0x7d: {  	v23, v24, _ =	vpop (xrf1)  }
0x7e: {  	v21 =	vperm.xlane v59, v1;
	v62, v61, _ =	vpop (xrf1)  }
0x7f: {  	v22 =	vperm.xlane v60, v1;
	v25 =	vperm.xlane v62, v1;
	(xrf1) =	vsort.ascd.msk.f32 $0xffff, v18, v8  }
0x80: {  	v18 =	vperm.xlane v23, v1;
	v63 =	vperm.xlane v61, v1;
	(xrf1) =	vsort.ascd.msk.f32 $0xffff, v19, v8;
	v33, v32, _ =	vpop (xrf1)  }
0x81: {  	v19 =	vperm.xlane v24, v1;
	(xrf1) =	vsort.ascd.msk.f32 $0xffff, v58, v8;
	vm10 =	vle.f32 v33, v21;
	v35, v34, _ =	vpop (xrf1)  }
0x82: {  	vm11 =	vle.f32 v35, v18;
	v36 =	vsel vm10, v33, v21;
	v37 =	vsel vm10, v32, v22  }
0x83: {  	v38, v39, _ =	vpop (xrf1);
	v18 =	vsel vm11, v35, v18;
	v19 =	vsel vm11, v34, v19;
	(xrf1) =	vsort.ascd.msk.f32 $0xffff, v36, v37  }
0x84: {  	vm12 =	vle.f32 v38, v25;
	(xrf1) =	vsort.ascd.msk.f32 $0xffff, v18, v19  }
0x85: {  	v18 =	vsel vm12, v38, v25;
	v19 =	vsel vm12, v39, v63  }
0x86: {  	(xrf1) =	vsort.ascd.msk.f32 $0xffff, v18, v19;
	_ =	sdelay $0x4  }
0x87: {  	v18 =	vld [tilespmem:s15+$0x5400]  }
0x88: {  	v19 =	vld [tilespmem:s15+$0x2C00]  }
0x89: {  	v40 =	vld [tilespmem:s15+$0x400];
	v41, v42, _ =	vpop (xrf1)  }
0x8a: {  	v23, v24, _ =	vpop (xrf1)  }
0x8b: {  	v21 =	vperm.xlane v41, v1;
	v44, v43, _ =	vpop (xrf1)  }
0x8c: {  	v22 =	vperm.xlane v42, v1;
	v25 =	vperm.xlane v44, v1;
	(xrf1) =	vsort.ascd.msk.f32 $0xffff, v18, v9  }
0x8d: {  	v18 =	vperm.xlane v23, v1;
	v45 =	vperm.xlane v43, v1;
	(xrf1) =	vsort.ascd.msk.f32 $0xffff, v19, v9;
	v47, v46, _ =	vpop (xrf1)  }
0x8e: {  	v19 =	vperm.xlane v24, v1;
	(xrf1) =	vsort.ascd.msk.f32 $0xffff, v40, v9;
	vm13 =	vle.f32 v47, v21;
	v49, v48, _ =	vpop (xrf1)  }
0x8f: {  	vm14 =	vle.f32 v49, v18;
	v50 =	vsel vm13, v47, v21;
	v51 =	vsel vm13, v46, v22  }
0x90: {  	v52, v53, _ =	vpop (xrf1);
	v18 =	vsel vm14, v49, v18;
	v19 =	vsel vm14, v48, v19;
	(xrf1) =	vsort.ascd.msk.f32 $0xffff, v50, v51  }
0x91: {  	vm15 =	vle.f32 v52, v25;
	(xrf1) =	vsort.ascd.msk.f32 $0xffff, v18, v19  }
0x92: {  	v18 =	vsel vm15, v52, v25;
	v19 =	vsel vm15, v53, v45  }
0x93: {  	(xrf1) =	vsort.ascd.msk.f32 $0xffff, v18, v19;
	_ =	sdelay $0x4  }
0x94: {  	v18 =	vld [tilespmem:s15+$0x5410]  }
0x95: {  	v19 =	vld [tilespmem:s15+$0x2C10]  }
0x96: {  	v54 =	vld [tilespmem:s15+$0x410];
	v55, v56, _ =	vpop (xrf1)  }
0x97: {  	v23, v24, _ =	vpop (xrf1)  }
0x98: {  	v21 =	vperm.xlane v55, v1;
	v58, v57, _ =	vpop (xrf1)  }
0x99: {  	v22 =	vperm.xlane v56, v1;
	v25 =	vperm.xlane v58, v1;
	(xrf1) =	vsort.ascd.msk.f32 $0xffff, v18, v10  }
0x9a: {  	v18 =	vperm.xlane v23, v1;
	v59 =	vperm.xlane v57, v1;
	(xrf1) =	vsort.ascd.msk.f32 $0xffff, v19, v10;
	v61, v60, _ =	vpop (xrf1)  }
0x9b: {  	v19 =	vperm.xlane v24, v1;
	(xrf1) =	vsort.ascd.msk.f32 $0xffff, v54, v10;
	vm4 =	vle.f32 v61, v21;
	v63, v62, _ =	vpop (xrf1)  }
0x9c: {  	vm5 =	vle.f32 v63, v18;
	v31 =	vsel vm4, v61, v21;
	v32 =	vsel vm4, v60, v22  }
0x9d: {  	v33, v34, _ =	vpop (xrf1);
	v18 =	vsel vm5, v63, v18;
	v19 =	vsel vm5, v62, v19;
	(xrf1) =	vsort.ascd.msk.f32 $0xffff, v31, v32  }
0x9e: {  	vm6 =	vle.f32 v33, v25;
	(xrf1) =	vsort.ascd.msk.f32 $0xffff, v18, v19  }
0x9f: {  	v18 =	vsel vm6, v33, v25;
	v19 =	vsel vm6, v34, v59  }
0xa0: {  	(xrf1) =	vsort.ascd.msk.f32 $0xffff, v18, v19;
	_ =	sdelay $0x4  }
0xa1: {  	v18 =	vld [tilespmem:s15+$0x5420]  }
0xa2: {  	v19 =	vld [tilespmem:s15+$0x2C20]  }
0xa3: {  	v35 =	vld [tilespmem:s15+$0x420];
	v36, v37, _ =	vpop (xrf1)  }
0xa4: {  	v23, v24, _ =	vpop (xrf1)  }
0xa5: {  	v21 =	vperm.xlane v36, v1;
	v39, v38, _ =	vpop (xrf1)  }
0xa6: {  	v22 =	vperm.xlane v37, v1;
	v25 =	vperm.xlane v39, v1;
	(xrf1) =	vsort.ascd.msk.f32 $0xffff, v18, v11  }
0xa7: {  	v18 =	vperm.xlane v23, v1;
	v40 =	vperm.xlane v38, v1;
	(xrf1) =	vsort.ascd.msk.f32 $0xffff, v19, v11;
	v42, v41, _ =	vpop (xrf1)  }
0xa8: {  	v19 =	vperm.xlane v24, v1;
	(xrf1) =	vsort.ascd.msk.f32 $0xffff, v35, v11;
	vm7 =	vle.f32 v42, v21;
	v44, v43, _ =	vpop (xrf1)  }
0xa9: {  	vm8 =	vle.f32 v44, v18;
	v45 =	vsel vm7, v42, v21;
	v46 =	vsel vm7, v41, v22  }
0xaa: {  	v47, v48, _ =	vpop (xrf1);
	v18 =	vsel vm8, v44, v18;
	v19 =	vsel vm8, v43, v19;
	(xrf1) =	vsort.ascd.msk.f32 $0xffff, v45, v46  }
0xab: {  	vm9 =	vle.f32 v47, v25;
	(xrf1) =	vsort.ascd.msk.f32 $0xffff, v18, v19  }
0xac: {  	v18 =	vsel vm9, v47, v25;
	v19 =	vsel vm9, v48, v40  }
0xad: {  	(xrf1) =	vsort.ascd.msk.f32 $0xffff, v18, v19;
	_ =	sdelay $0x4  }
0xae: {  	v18 =	vld [tilespmem:s15+$0x5430]  }
0xaf: {  	v19 =	vld [tilespmem:s15+$0x2C30]  }
0xb0: {  	v49 =	vld [tilespmem:s15+$0x430];
	v50, v51, _ =	vpop (xrf1)  }
0xb1: {  	v23, v24, _ =	vpop (xrf1)  }
0xb2: {  	v21 =	vperm.xlane v50, v1;
	v53, v52, _ =	vpop (xrf1)  }
0xb3: {  	v22 =	vperm.xlane v51, v1;
	v25 =	vperm.xlane v53, v1;
	(xrf1) =	vsort.ascd.msk.f32 $0xffff, v18, v12  }
0xb4: {  	v18 =	vperm.xlane v23, v1;
	v54 =	vperm.xlane v52, v1;
	(xrf1) =	vsort.ascd.msk.f32 $0xffff, v19, v12;
	v56, v55, _ =	vpop (xrf1)  }
0xb5: {  	v19 =	vperm.xlane v24, v1;
	(xrf1) =	vsort.ascd.msk.f32 $0xffff, v49, v12;
	vm10 =	vle.f32 v56, v21;
	v58, v57, _ =	vpop (xrf1)  }
0xb6: {  	vm11 =	vle.f32 v58, v18;
	v59 =	vsel vm10, v56, v21;
	v60 =	vsel vm10, v55, v22  }
0xb7: {  	v61, v62, _ =	vpop (xrf1);
	v18 =	vsel vm11, v58, v18;
	v19 =	vsel vm11, v57, v19;
	(xrf1) =	vsort.ascd.msk.f32 $0xffff, v59, v60  }
0xb8: {  	vm12 =	vle.f32 v61, v25;
	(xrf1) =	vsort.ascd.msk.f32 $0xffff, v18, v19  }
0xb9: {  	v18 =	vsel vm12, v61, v25;
	v19 =	vsel vm12, v62, v54  }
0xba: {  	(xrf1) =	vsort.ascd.msk.f32 $0xffff, v18, v19;
	_ =	sdelay $0x4  }
0xbb: {  	v18 =	vld [tilespmem:s15+$0x5440]  }
0xbc: {  	v19 =	vld [tilespmem:s15+$0x2C40]  }
0xbd: {  	v63 =	vld [tilespmem:s15+$0x440];
	v30, v31, _ =	vpop (xrf1)  }
0xbe: {  	v23, v24, _ =	vpop (xrf1)  }
0xbf: {  	v21 =	vperm.xlane v30, v1;
	v33, v32, _ =	vpop (xrf1)  }
0xc0: {  	v22 =	vperm.xlane v31, v1;
	v25 =	vperm.xlane v33, v1;
	(xrf1) =	vsort.ascd.msk.f32 $0xffff, v18, v13  }
0xc1: {  	v18 =	vperm.xlane v23, v1;
	v34 =	vperm.xlane v32, v1;
	(xrf1) =	vsort.ascd.msk.f32 $0xffff, v19, v13;
	v36, v35, _ =	vpop (xrf1)  }
0xc2: {  	v19 =	vperm.xlane v24, v1;
	(xrf1) =	vsort.ascd.msk.f32 $0xffff, v63, v13;
	vm13 =	vle.f32 v36, v21;
	v38, v37, _ =	vpop (xrf1)  }
0xc3: {  	vm14 =	vle.f32 v38, v18;
	v39 =	vsel vm13, v36, v21;
	v40 =	vsel vm13, v35, v22  }
0xc4: {  	v41, v42, _ =	vpop (xrf1);
	v18 =	vsel vm14, v38, v18;
	v19 =	vsel vm14, v37, v19;
	(xrf1) =	vsort.ascd.msk.f32 $0xffff, v39, v40  }
0xc5: {  	vm15 =	vle.f32 v41, v25;
	(xrf1) =	vsort.ascd.msk.f32 $0xffff, v18, v19  }
0xc6: {  	v18 =	vsel vm15, v41, v25;
	v19 =	vsel vm15, v42, v34  }
0xc7: {  	(xrf1) =	vsort.ascd.msk.f32 $0xffff, v18, v19;
	_ =	sdelay $0x4  }
0xc8: {  	v18 =	vld [tilespmem:s15+$0x5450]  }
0xc9: {  	v19 =	vld [tilespmem:s15+$0x2C50]  }
0xca: {  	v43 =	vld [tilespmem:s15+$0x450];
	v44, v45, _ =	vpop (xrf1)  }
0xcb: {  	v23, v24, _ =	vpop (xrf1)  }
0xcc: {  	v21 =	vperm.xlane v44, v1;
	v47, v46, _ =	vpop (xrf1)  }
0xcd: {  	v22 =	vperm.xlane v45, v1;
	v25 =	vperm.xlane v47, v1;
	(xrf1) =	vsort.ascd.msk.f32 $0xffff, v18, v14  }
0xce: {  	v18 =	vperm.xlane v23, v1;
	v48 =	vperm.xlane v46, v1;
	(xrf1) =	vsort.ascd.msk.f32 $0xffff, v19, v14;
	v50, v49, _ =	vpop (xrf1)  }
0xcf: {  	v19 =	vperm.xlane v24, v1;
	(xrf1) =	vsort.ascd.msk.f32 $0xffff, v43, v14;
	vm4 =	vle.f32 v50, v21;
	v52, v51, _ =	vpop (xrf1)  }
0xd0: {  	vm5 =	vle.f32 v52, v18;
	v53 =	vsel vm4, v50, v21;
	v54 =	vsel vm4, v49, v22  }
0xd1: {  	v55, v56, _ =	vpop (xrf1);
	v18 =	vsel vm5, v52, v18;
	v19 =	vsel vm5, v51, v19;
	(xrf1) =	vsort.ascd.msk.f32 $0xffff, v53, v54  }
0xd2: {  	vm6 =	vle.f32 v55, v25;
	(xrf1) =	vsort.ascd.msk.f32 $0xffff, v18, v19  }
0xd3: {  	v18 =	vsel vm6, v55, v25;
	v19 =	vsel vm6, v56, v48  }
0xd4: {  	(xrf1) =	vsort.ascd.msk.f32 $0xffff, v18, v19;
	_ =	sdelay $0x4  }
0xd5: {  	v18 =	vld [tilespmem:s15+$0x5460]  }
0xd6: {  	v19 =	vld [tilespmem:s15+$0x2C60]  }
0xd7: {  	v57 =	vld [tilespmem:s15+$0x460];
	v58, v59, _ =	vpop (xrf1)  }
0xd8: {  	v23, v24, _ =	vpop (xrf1)  }
0xd9: {  	v21 =	vperm.xlane v58, v1;
	v61, v60, _ =	vpop (xrf1)  }
0xda: {  	v22 =	vperm.xlane v59, v1;
	v25 =	vperm.xlane v61, v1;
	(xrf1) =	vsort.ascd.msk.f32 $0xffff, v18, v15  }
0xdb: {  	v18 =	vperm.xlane v23, v1;
	v62 =	vperm.xlane v60, v1;
	(xrf1) =	vsort.ascd.msk.f32 $0xffff, v19, v15;
	v32, v63, _ =	vpop (xrf1)  }
0xdc: {  	v19 =	vperm.xlane v24, v1;
	(xrf1) =	vsort.ascd.msk.f32 $0xffff, v57, v15;
	vm7 =	vle.f32 v32, v21;
	v34, v33, _ =	vpop (xrf1)  }
0xdd: {  	vm8 =	vle.f32 v34, v18;
	v35 =	vsel vm7, v32, v21;
	v36 =	vsel vm7, v63, v22  }
0xde: {  	v37, v38, _ =	vpop (xrf1);
	v18 =	vsel vm8, v34, v18;
	v19 =	vsel vm8, v33, v19;
	(xrf1) =	vsort.ascd.msk.f32 $0xffff, v35, v36  }
0xdf: {  	vm9 =	vle.f32 v37, v25;
	(xrf1) =	vsort.ascd.msk.f32 $0xffff, v18, v19  }
0xe0: {  	v18 =	vsel vm9, v37, v25;
	v19 =	vsel vm9, v38, v62  }
0xe1: {  	(xrf1) =	vsort.ascd.msk.f32 $0xffff, v18, v19;
	_ =	sdelay $0x4  }
0xe2: {  	v18 =	vld [tilespmem:s15+$0x5470]  }
0xe3: {  	v19 =	vld [tilespmem:s15+$0x2C70]  }
0xe4: {  	v39 =	vld [tilespmem:s15+$0x470];
	v40, v41, _ =	vpop (xrf1)  }
0xe5: {  	v23, v24, _ =	vpop (xrf1)  }
0xe6: {  	v21 =	vperm.xlane v40, v1;
	v43, v42, _ =	vpop (xrf1)  }
0xe7: {  	v22 =	vperm.xlane v41, v1;
	v25 =	vperm.xlane v43, v1;
	(xrf1) =	vsort.ascd.msk.f32 $0xffff, v18, v16  }
0xe8: {  	v18 =	vperm.xlane v23, v1;
	v44 =	vperm.xlane v42, v1;
	(xrf1) =	vsort.ascd.msk.f32 $0xffff, v19, v16;
	v46, v45, _ =	vpop (xrf1)  }
0xe9: {  	v19 =	vperm.xlane v24, v1;
	(xrf1) =	vsort.ascd.msk.f32 $0xffff, v39, v16;
	vm10 =	vle.f32 v46, v21;
	v48, v47, _ =	vpop (xrf1)  }
0xea: {  	vm11 =	vle.f32 v48, v18;
	v49 =	vsel vm10, v46, v21;
	v50 =	vsel vm10, v45, v22  }
0xeb: {  	v51, v52, _ =	vpop (xrf1);
	v18 =	vsel vm11, v48, v18;
	v19 =	vsel vm11, v47, v19;
	(xrf1) =	vsort.ascd.msk.f32 $0xffff, v49, v50  }
0xec: {  	vm12 =	vle.f32 v51, v25;
	(xrf1) =	vsort.ascd.msk.f32 $0xffff, v18, v19  }
0xed: {  	v18 =	vsel vm12, v51, v25;
	v19 =	vsel vm12, v52, v44  }
0xee: {  	(xrf1) =	vsort.ascd.msk.f32 $0xffff, v18, v19;
	_ =	sdelay $0x7  }
0xef: {  	v18, v19, _ =	vpop (xrf1)  }
0xf0: {  	v20, v21, _ =	vpop (xrf1)  }
0xf1: {  	v18 =	vperm.xlane v18, v1;
	v19 =	vperm.xlane v19, v1;
	v53, v54, _ =	vpop (xrf1)  }
0xf2: {  	v20 =	vperm.xlane v20, v1;
	v21 =	vperm.xlane v21, v1;
	v56, v55, _ =	vpop (xrf1)  }
0xf3: {  	v22 =	vperm.xlane v53, v1;
	v23 =	vperm.xlane v54, v1;
	v57, v58, _ =	vpop (xrf1);
	vm13 =	vle.f32 v56, v18  }
0xf4: {  	vm14 =	vle.f32 v57, v20;
	v18 =	vsel vm13, v56, v18;
	v19 =	vsel vm13, v55, v19  }
0xf5: {  	v59, v60, _ =	vpop (xrf1);
	v20 =	vsel vm14, v57, v20;
	v21 =	vsel vm14, v58, v21;
	(xrf1) =	vsort.ascd.msk.f32 $0xffff, v18, v19  }
0xf6: {  	vm15 =	vle.f32 v59, v22;
	(xrf1) =	vsort.ascd.msk.f32 $0xffff, v20, v21  }
0xf7: {  	v18 =	vsel vm15, v59, v22;
	v19 =	vsel vm15, v60, v23  }
0xf8: {  	(xrf1) =	vsort.ascd.msk.f32 $0xffff, v18, v19;
	_ =	sdelay $0xa  }
0xf9: {  	_, v18, _ =	vpop (xrf1)  }
0xfa: {  	v18 =	vadd.s32 v17, v18;
	_, v19, _ =	vpop (xrf1)  }
0xfb: {  	v19 =	vadd.s32 v17, v19;
	v61 =	vxor.u32 $0x80000000, v18  }
0xfc: {  	_, v62, _ =	vpop (xrf1);
	v63 =	vxor.u32 $0x80000000, v19;
	(xrf1) =	vsort.ascd.msk.u32 $0xffff, v61, v18  }
0xfd: {  	v18 =	vadd.s32 v17, v62;
	(xrf1) =	vsort.ascd.msk.u32 $0xffff, v63, v19  }
0xfe: {  	s17 =	simm.s32 $0x80;
	v19 =	vxor.u32 $0x80000000, v18  }
0xff: {  	s18 =	smov.u32 s9;
	s16 =	simm.s32 $0x78E0;
	s15 =	simm.s32 $0x78E0;
	(xrf1) =	vsort.ascd.msk.u32 $0xffff, v19, v18  }
.LBB2_3:
0x100: {  	_ =	sdelay $0x3  }
0x101: {  	p0 =	sne.s32 s17, $0xD80;
	s18 =	sadd.s32 $0x100, s18;
	s16 =	sadd.s32 $0x8, s16  }
0x102: {  	s19 =	sadd.s32 s17, s8;
	s17 =	sadd.s32 $0x80, s17  }
0x103: {  	s20 =	sand.u32 $0x3800, s18;
	s19 =	sand.u32 $0x380, s19  }
0x104: {  	s19 =	sor.u32 s19, s20;
	_ =	sdelay $0x2  }
0x105: {  	v18, _, _ =	vpop (xrf1)  }
0x106: {  	v20 =	vxor.u32 $0x80000000, v18;
	v19, _, _ =	vpop (xrf1)  }
0x107: {  	v19 =	vxor.u32 $0x80000000, v19;
	[tilespmem:s15+$0xE0] =	vst.msk $0xff, v20  }
0x108: {  	[tilespmem:s15+$0x0] =	vst.msk $0xff, v19;
	v18, _, _ =	vpop (xrf1)  }
0x109: {  	v18 =	vxor.u32 $0x80000000, v18  }
0x10a: {  	[tilespmem:s15+$0xFFFFFF20] =	vst.msk $0xff, v18;
	s15 =	smov.u32 s16  }
0x10b: {  	v18 =	vld [tilespmem:s19+$0x5000]  }
0x10c: {  	v19 =	vld [tilespmem:s19+$0x2800];
	_ =	sdelay $0x1  }
0x10d: {  	v20 =	vld [tilespmem:s19+$0x0];
	_ =	sdelay $0x1  }
0x10e: {  	(xrf1) =	vsort.ascd.msk.f32 $0xffff, v18, v0  }
0x10f: {  	(xrf1) =	vsort.ascd.msk.f32 $0xffff, v19, v0;
	_ =	sdelay $0x1  }
0x110: {  	(xrf1) =	vsort.ascd.msk.f32 $0xffff, v20, v0  }
0x111: {  	v18 =	vld [tilespmem:s19+$0x5010];
	_ =	sdelay $0x1  }
0x112: {  	v19 =	vld [tilespmem:s19+$0x10]  }
0x113: {  	v20 =	vld [tilespmem:s19+$0x2810];
	_ =	sdelay $0x1  }
0x114: {  	(xrf1) =	vsort.ascd.msk.f32 $0xffff, v18, v2;
	_ =	sdelay $0x1  }
0x115: {  	(xrf1) =	vsort.ascd.msk.f32 $0xffff, v19, v2  }
0x116: {  	(xrf1) =	vsort.ascd.msk.f32 $0xffff, v20, v2;
	_ =	sdelay $0x1  }
0x117: {  	v18, v19, _ =	vpop (xrf1)  }
0x118: {  	v18 =	vperm.xlane v18, v1;
	v20, v21, _ =	vpop (xrf1)  }
0x119: {  	v19 =	vperm.xlane v19, v1;
	v20 =	vperm.xlane v20, v1  }
0x11a: {  	v21 =	vperm.xlane v21, v1;
	vm0 =	veq.f32 v18, $+Inf;
	v22, v23, _ =	vpop (xrf1)  }
0x11b: {  	v22 =	vperm.xlane v22, v1;
	vm1 =	veq.f32 v20, $+Inf;
	v19 =	vsel vm0, $0x0, v19  }
0x11c: {  	v23 =	vperm.xlane v23, v1;
	v21 =	vsel vm1, $0x0, v21;
	(xrf1) =	vsort.ascd.msk.f32 $0xffff, v18, v19  }
0x11d: {  	vm0 =	veq.f32 v22, $+Inf;
	(xrf1) =	vsort.ascd.msk.f32 $0xffff, v20, v21  }
0x11e: {  	v20 =	vsel vm0, $0x0, v23  }
0x11f: {  	(xrf1) =	vsort.ascd.msk.f32 $0xffff, v22, v20  }
0x120: {  	v18, v19, _ =	vpop (xrf1)  }
0x121: {  	v20 =	vld [tilespmem:s19+$0x2820]  }
0x122: {  	v21, v22, _ =	vpop (xrf1)  }
0x123: {  	v23 =	vld [tilespmem:s19+$0x5020];
	v24, v25, _ =	vpop (xrf1)  }
0x124: {  	v26 =	vld [tilespmem:s19+$0x20];
	_ =	sdelay $0x1  }
0x125: {  	(xrf1) =	vsort.ascd.msk.f32 $0xffff, v20, v3;
	_ =	sdelay $0x1  }
0x126: {  	v25 =	vperm.xlane v25, v1;
	(xrf1) =	vsort.ascd.msk.f32 $0xffff, v23, v3  }
0x127: {  	v18 =	vperm.xlane v18, v1;
	v20 =	vperm.xlane v22, v1;
	(xrf1) =	vsort.ascd.msk.f32 $0xffff, v26, v3  }
0x128: {  	v19 =	vperm.xlane v19, v1;
	v22 =	vperm.xlane v24, v1;
	v23, v24, _ =	vpop (xrf1)  }
0x129: {  	v21 =	vperm.xlane v21, v1;
	vm0 =	vle.f32 v23, v18;
	v26, v27, _ =	vpop (xrf1)  }
0x12a: {  	vm1 =	vle.f32 v26, v22;
	v18 =	vsel vm0, v23, v18;
	v19 =	vsel vm0, v24, v19  }
0x12b: {  	v22 =	vsel vm1, v26, v22;
	v23 =	vsel vm1, v27, v25;
	v24, v25, _ =	vpop (xrf1);
	(xrf1) =	vsort.ascd.msk.f32 $0xffff, v18, v19  }
0x12c: {  	vm0 =	vle.f32 v24, v21;
	(xrf1) =	vsort.ascd.msk.f32 $0xffff, v22, v23  }
0x12d: {  	v18 =	vsel vm0, v24, v21;
	v19 =	vsel vm0, v25, v20  }
0x12e: {  	(xrf1) =	vsort.ascd.msk.f32 $0xffff, v18, v19;
	_ =	sdelay $0x1  }
0x12f: {  	v18 =	vld [tilespmem:s19+$0x2830];
	_ =	sdelay $0x1  }
0x130: {  	v19 =	vld [tilespmem:s19+$0x5030];
	v20, v21, _ =	vpop (xrf1);
	_ =	sdelay $0x1  }
0x131: {  	v22 =	vld [tilespmem:s19+$0x30];
	v23, v24, _ =	vpop (xrf1)  }
0x132: {  	v25, v26, _ =	vpop (xrf1);
	(xrf1) =	vsort.ascd.msk.f32 $0xffff, v18, v4;
	_ =	sdelay $0x1  }
0x133: {  	v18 =	vperm.xlane v21, v1;
	v23 =	vperm.xlane v23, v1  }
0x134: {  	v24 =	vperm.xlane v24, v1;
	v21 =	vperm.xlane v26, v1  }
0x135: {  	v20 =	vperm.xlane v20, v1;
	v26, v27, _ =	vpop (xrf1);
	(xrf1) =	vsort.ascd.msk.f32 $0xffff, v22, v4  }
0x136: {  	v22 =	vperm.xlane v25, v1;
	vm0 =	vle.f32 v26, v23;
	v25, v28, _ =	vpop (xrf1);
	(xrf1) =	vsort.ascd.msk.f32 $0xffff, v19, v4  }
0x137: {  	vm1 =	vle.f32 v25, v20;
	v19 =	vsel vm0, v26, v23;
	v23 =	vsel vm0, v27, v24  }
0x138: {  	v20 =	vsel vm1, v25, v20;
	v18 =	vsel vm1, v28, v18;
	v24, v25, _ =	vpop (xrf1);
	(xrf1) =	vsort.ascd.msk.f32 $0xffff, v19, v23  }
0x139: {  	vm0 =	vle.f32 v24, v22;
	(xrf1) =	vsort.ascd.msk.f32 $0xffff, v20, v18  }
0x13a: {  	v18 =	vsel vm0, v24, v22;
	v19 =	vsel vm0, v25, v21  }
0x13b: {  	(xrf1) =	vsort.ascd.msk.f32 $0xffff, v18, v19;
	_ =	sdelay $0x3  }
0x13c: {  	v18, v19, _ =	vpop (xrf1)  }
0x13d: {  	v20 =	vld [tilespmem:s19+$0x5040]  }
0x13e: {  	v21 =	vld [tilespmem:s19+$0x2840]  }
0x13f: {  	v22 =	vld [tilespmem:s19+$0x40]  }
0x140: {  	v23, v24, _ =	vpop (xrf1)  }
0x141: {  	v24 =	vperm.xlane v24, v1;
	v25, v26, _ =	vpop (xrf1)  }
0x142: {  	v19 =	vperm.xlane v19, v1;
	v29 =	vperm.xlane v25, v1;
	(xrf1) =	vsort.ascd.msk.f32 $0xffff, v20, v5  }
0x143: {  	v18 =	vperm.xlane v18, v1;
	v20 =	vperm.xlane v26, v1;
	v26, v27, _ =	vpop (xrf1);
	(xrf1) =	vsort.ascd.msk.f32 $0xffff, v21, v5  }
0x144: {  	v21 =	vperm.xlane v23, v1;
	vm0 =	vle.f32 v26, v29;
	v23, v28, _ =	vpop (xrf1);
	(xrf1) =	vsort.ascd.msk.f32 $0xffff, v22, v5  }
0x145: {  	vm1 =	vle.f32 v23, v18;
	v22 =	vsel vm0, v26, v29;
	v20 =	vsel vm0, v27, v20  }
0x146: {  	v18 =	vsel vm1, v23, v18;
	v19 =	vsel vm1, v28, v19;
	v23, v25, _ =	vpop (xrf1);
	(xrf1) =	vsort.ascd.msk.f32 $0xffff, v22, v20  }
0x147: {  	vm0 =	vle.f32 v23, v21;
	(xrf1) =	vsort.ascd.msk.f32 $0xffff, v18, v19  }
0x148: {  	v18 =	vsel vm0, v23, v21;
	v19 =	vsel vm0, v25, v24  }
0x149: {  	(xrf1) =	vsort.ascd.msk.f32 $0xffff, v18, v19;
	_ =	sdelay $0x4  }
0x14a: {  	v18 =	vld [tilespmem:s19+$0x5050]  }
0x14b: {  	v19 =	vld [tilespmem:s19+$0x2850]  }
0x14c: {  	v20 =	vld [tilespmem:s19+$0x50];
	v21, v22, _ =	vpop (xrf1)  }
0x14d: {  	v23, v24, _ =	vpop (xrf1)  }
0x14e: {  	v21 =	vperm.xlane v21, v1;
	v22 =	vperm.xlane v22, v1;
	v25, v26, _ =	vpop (xrf1)  }
0x14f: {  	v23 =	vperm.xlane v23, v1;
	v25 =	vperm.xlane v25, v1;
	(xrf1) =	vsort.ascd.msk.f32 $0xffff, v18, v6  }
0x150: {  	v29 =	vperm.xlane v24, v1;
	v18 =	vperm.xlane v26, v1;
	v26, v27, _ =	vpop (xrf1);
	(xrf1) =	vsort.ascd.msk.f32 $0xffff, v19, v6  }
0x151: {  	vm0 =	vle.f32 v26, v21;
	v19, v28, _ =	vpop (xrf1);
	(xrf1) =	vsort.ascd.msk.f32 $0xffff, v20, v6  }
0x152: {  	vm1 =	vle.f32 v19, v23;
	v20 =	vsel vm0, v26, v21;
	v21 =	vsel vm0, v27, v22  }
0x153: {  	v19 =	vsel vm1, v19, v23;
	v22 =	vsel vm1, v28, v29;
	v23, v24, _ =	vpop (xrf1);
	(xrf1) =	vsort.ascd.msk.f32 $0xffff, v20, v21  }
0x154: {  	vm0 =	vle.f32 v23, v25;
	(xrf1) =	vsort.ascd.msk.f32 $0xffff, v19, v22  }
0x155: {  	v19 =	vsel vm0, v23, v25;
	v18 =	vsel vm0, v24, v18  }
0x156: {  	(xrf1) =	vsort.ascd.msk.f32 $0xffff, v19, v18;
	_ =	sdelay $0x4  }
0x157: {  	v18 =	vld [tilespmem:s19+$0x5060]  }
0x158: {  	v19 =	vld [tilespmem:s19+$0x2860]  }
0x159: {  	v20 =	vld [tilespmem:s19+$0x60];
	v21, v22, _ =	vpop (xrf1)  }
0x15a: {  	v23, v24, _ =	vpop (xrf1)  }
0x15b: {  	v21 =	vperm.xlane v21, v1;
	v22 =	vperm.xlane v22, v1;
	v25, v26, _ =	vpop (xrf1)  }
0x15c: {  	v23 =	vperm.xlane v23, v1;
	v25 =	vperm.xlane v25, v1;
	(xrf1) =	vsort.ascd.msk.f32 $0xffff, v18, v7  }
0x15d: {  	v29 =	vperm.xlane v24, v1;
	v18 =	vperm.xlane v26, v1;
	v26, v27, _ =	vpop (xrf1);
	(xrf1) =	vsort.ascd.msk.f32 $0xffff, v19, v7  }
0x15e: {  	vm0 =	vle.f32 v26, v21;
	v19, v28, _ =	vpop (xrf1);
	(xrf1) =	vsort.ascd.msk.f32 $0xffff, v20, v7  }
0x15f: {  	vm1 =	vle.f32 v19, v23;
	v20 =	vsel vm0, v26, v21;
	v21 =	vsel vm0, v27, v22  }
0x160: {  	v19 =	vsel vm1, v19, v23;
	v22 =	vsel vm1, v28, v29;
	v23, v24, _ =	vpop (xrf1);
	(xrf1) =	vsort.ascd.msk.f32 $0xffff, v20, v21  }
0x161: {  	vm0 =	vle.f32 v23, v25;
	(xrf1) =	vsort.ascd.msk.f32 $0xffff, v19, v22  }
0x162: {  	v19 =	vsel vm0, v23, v25;
	v18 =	vsel vm0, v24, v18  }
0x163: {  	(xrf1) =	vsort.ascd.msk.f32 $0xffff, v19, v18;
	_ =	sdelay $0x4  }
0x164: {  	v18 =	vld [tilespmem:s19+$0x5070]  }
0x165: {  	v19 =	vld [tilespmem:s19+$0x2870]  }
0x166: {  	v20 =	vld [tilespmem:s19+$0x70];
	v21, v22, _ =	vpop (xrf1)  }
0x167: {  	v23, v24, _ =	vpop (xrf1)  }
0x168: {  	v21 =	vperm.xlane v21, v1;
	v22 =	vperm.xlane v22, v1;
	v25, v26, _ =	vpop (xrf1)  }
0x169: {  	v23 =	vperm.xlane v23, v1;
	v25 =	vperm.xlane v25, v1;
	(xrf1) =	vsort.ascd.msk.f32 $0xffff, v18, v8  }
0x16a: {  	v29 =	vperm.xlane v24, v1;
	v18 =	vperm.xlane v26, v1;
	v26, v27, _ =	vpop (xrf1);
	(xrf1) =	vsort.ascd.msk.f32 $0xffff, v19, v8  }
0x16b: {  	vm0 =	vle.f32 v26, v21;
	v19, v28, _ =	vpop (xrf1);
	(xrf1) =	vsort.ascd.msk.f32 $0xffff, v20, v8  }
0x16c: {  	vm1 =	vle.f32 v19, v23;
	v20 =	vsel vm0, v26, v21;
	v21 =	vsel vm0, v27, v22  }
0x16d: {  	v19 =	vsel vm1, v19, v23;
	v22 =	vsel vm1, v28, v29;
	v23, v24, _ =	vpop (xrf1);
	(xrf1) =	vsort.ascd.msk.f32 $0xffff, v20, v21  }
0x16e: {  	vm0 =	vle.f32 v23, v25;
	(xrf1) =	vsort.ascd.msk.f32 $0xffff, v19, v22  }
0x16f: {  	v19 =	vsel vm0, v23, v25;
	v18 =	vsel vm0, v24, v18  }
0x170: {  	(xrf1) =	vsort.ascd.msk.f32 $0xffff, v19, v18;
	_ =	sdelay $0x4  }
0x171: {  	v18 =	vld [tilespmem:s19+$0x5400]  }
0x172: {  	v19 =	vld [tilespmem:s19+$0x2C00]  }
0x173: {  	v20 =	vld [tilespmem:s19+$0x400];
	v21, v22, _ =	vpop (xrf1)  }
0x174: {  	v23, v24, _ =	vpop (xrf1)  }
0x175: {  	v21 =	vperm.xlane v21, v1;
	v22 =	vperm.xlane v22, v1;
	v25, v26, _ =	vpop (xrf1)  }
0x176: {  	v23 =	vperm.xlane v23, v1;
	v25 =	vperm.xlane v25, v1;
	(xrf1) =	vsort.ascd.msk.f32 $0xffff, v18, v9  }
0x177: {  	v29 =	vperm.xlane v24, v1;
	v18 =	vperm.xlane v26, v1;
	v26, v27, _ =	vpop (xrf1);
	(xrf1) =	vsort.ascd.msk.f32 $0xffff, v19, v9  }
0x178: {  	vm0 =	vle.f32 v26, v21;
	v19, v28, _ =	vpop (xrf1);
	(xrf1) =	vsort.ascd.msk.f32 $0xffff, v20, v9  }
0x179: {  	vm1 =	vle.f32 v19, v23;
	v20 =	vsel vm0, v26, v21;
	v21 =	vsel vm0, v27, v22  }
0x17a: {  	v19 =	vsel vm1, v19, v23;
	v22 =	vsel vm1, v28, v29;
	v23, v24, _ =	vpop (xrf1);
	(xrf1) =	vsort.ascd.msk.f32 $0xffff, v20, v21  }
0x17b: {  	vm0 =	vle.f32 v23, v25;
	(xrf1) =	vsort.ascd.msk.f32 $0xffff, v19, v22  }
0x17c: {  	v19 =	vsel vm0, v23, v25;
	v18 =	vsel vm0, v24, v18  }
0x17d: {  	(xrf1) =	vsort.ascd.msk.f32 $0xffff, v19, v18;
	_ =	sdelay $0x4  }
0x17e: {  	v18 =	vld [tilespmem:s19+$0x5410]  }
0x17f: {  	v19 =	vld [tilespmem:s19+$0x2C10]  }
0x180: {  	v20 =	vld [tilespmem:s19+$0x410];
	v21, v22, _ =	vpop (xrf1)  }
0x181: {  	v23, v24, _ =	vpop (xrf1)  }
0x182: {  	v21 =	vperm.xlane v21, v1;
	v22 =	vperm.xlane v22, v1;
	v25, v26, _ =	vpop (xrf1)  }
0x183: {  	v23 =	vperm.xlane v23, v1;
	v25 =	vperm.xlane v25, v1;
	(xrf1) =	vsort.ascd.msk.f32 $0xffff, v18, v10  }
0x184: {  	v29 =	vperm.xlane v24, v1;
	v18 =	vperm.xlane v26, v1;
	v26, v27, _ =	vpop (xrf1);
	(xrf1) =	vsort.ascd.msk.f32 $0xffff, v19, v10  }
0x185: {  	vm0 =	vle.f32 v26, v21;
	v19, v28, _ =	vpop (xrf1);
	(xrf1) =	vsort.ascd.msk.f32 $0xffff, v20, v10  }
0x186: {  	vm1 =	vle.f32 v19, v23;
	v20 =	vsel vm0, v26, v21;
	v21 =	vsel vm0, v27, v22  }
0x187: {  	v19 =	vsel vm1, v19, v23;
	v22 =	vsel vm1, v28, v29;
	v23, v24, _ =	vpop (xrf1);
	(xrf1) =	vsort.ascd.msk.f32 $0xffff, v20, v21  }
0x188: {  	vm0 =	vle.f32 v23, v25;
	(xrf1) =	vsort.ascd.msk.f32 $0xffff, v19, v22  }
0x189: {  	v19 =	vsel vm0, v23, v25;
	v18 =	vsel vm0, v24, v18  }
0x18a: {  	(xrf1) =	vsort.ascd.msk.f32 $0xffff, v19, v18;
	_ =	sdelay $0x4  }
0x18b: {  	v18 =	vld [tilespmem:s19+$0x5420]  }
0x18c: {  	v19 =	vld [tilespmem:s19+$0x2C20]  }
0x18d: {  	v20 =	vld [tilespmem:s19+$0x420];
	v21, v22, _ =	vpop (xrf1)  }
0x18e: {  	v23, v24, _ =	vpop (xrf1)  }
0x18f: {  	v21 =	vperm.xlane v21, v1;
	v22 =	vperm.xlane v22, v1;
	v25, v26, _ =	vpop (xrf1)  }
0x190: {  	v23 =	vperm.xlane v23, v1;
	v25 =	vperm.xlane v25, v1;
	(xrf1) =	vsort.ascd.msk.f32 $0xffff, v18, v11  }
0x191: {  	v29 =	vperm.xlane v24, v1;
	v18 =	vperm.xlane v26, v1;
	v26, v27, _ =	vpop (xrf1);
	(xrf1) =	vsort.ascd.msk.f32 $0xffff, v19, v11  }
0x192: {  	vm0 =	vle.f32 v26, v21;
	v19, v28, _ =	vpop (xrf1);
	(xrf1) =	vsort.ascd.msk.f32 $0xffff, v20, v11  }
0x193: {  	vm1 =	vle.f32 v19, v23;
	v20 =	vsel vm0, v26, v21;
	v21 =	vsel vm0, v27, v22  }
0x194: {  	v19 =	vsel vm1, v19, v23;
	v22 =	vsel vm1, v28, v29;
	v23, v24, _ =	vpop (xrf1);
	(xrf1) =	vsort.ascd.msk.f32 $0xffff, v20, v21  }
0x195: {  	vm0 =	vle.f32 v23, v25;
	(xrf1) =	vsort.ascd.msk.f32 $0xffff, v19, v22  }
0x196: {  	v19 =	vsel vm0, v23, v25;
	v18 =	vsel vm0, v24, v18  }
0x197: {  	(xrf1) =	vsort.ascd.msk.f32 $0xffff, v19, v18;
	_ =	sdelay $0x4  }
0x198: {  	v18 =	vld [tilespmem:s19+$0x5430]  }
0x199: {  	v19 =	vld [tilespmem:s19+$0x2C30]  }
0x19a: {  	v20 =	vld [tilespmem:s19+$0x430];
	v21, v22, _ =	vpop (xrf1)  }
0x19b: {  	v23, v24, _ =	vpop (xrf1)  }
0x19c: {  	v21 =	vperm.xlane v21, v1;
	v22 =	vperm.xlane v22, v1;
	v25, v26, _ =	vpop (xrf1)  }
0x19d: {  	v23 =	vperm.xlane v23, v1;
	v25 =	vperm.xlane v25, v1;
	(xrf1) =	vsort.ascd.msk.f32 $0xffff, v18, v12  }
0x19e: {  	v29 =	vperm.xlane v24, v1;
	v18 =	vperm.xlane v26, v1;
	v26, v27, _ =	vpop (xrf1);
	(xrf1) =	vsort.ascd.msk.f32 $0xffff, v19, v12  }
0x19f: {  	vm0 =	vle.f32 v26, v21;
	v19, v28, _ =	vpop (xrf1);
	(xrf1) =	vsort.ascd.msk.f32 $0xffff, v20, v12  }
0x1a0: {  	vm1 =	vle.f32 v19, v23;
	v20 =	vsel vm0, v26, v21;
	v21 =	vsel vm0, v27, v22  }
0x1a1: {  	v19 =	vsel vm1, v19, v23;
	v22 =	vsel vm1, v28, v29;
	v23, v24, _ =	vpop (xrf1);
	(xrf1) =	vsort.ascd.msk.f32 $0xffff, v20, v21  }
0x1a2: {  	vm0 =	vle.f32 v23, v25;
	(xrf1) =	vsort.ascd.msk.f32 $0xffff, v19, v22  }
0x1a3: {  	v19 =	vsel vm0, v23, v25;
	v18 =	vsel vm0, v24, v18  }
0x1a4: {  	(xrf1) =	vsort.ascd.msk.f32 $0xffff, v19, v18;
	_ =	sdelay $0x4  }
0x1a5: {  	v18 =	vld [tilespmem:s19+$0x5440]  }
0x1a6: {  	v19 =	vld [tilespmem:s19+$0x2C40]  }
0x1a7: {  	v20 =	vld [tilespmem:s19+$0x440];
	v21, v22, _ =	vpop (xrf1)  }
0x1a8: {  	v23, v24, _ =	vpop (xrf1)  }
0x1a9: {  	v21 =	vperm.xlane v21, v1;
	v22 =	vperm.xlane v22, v1;
	v25, v26, _ =	vpop (xrf1)  }
0x1aa: {  	v23 =	vperm.xlane v23, v1;
	v25 =	vperm.xlane v25, v1;
	(xrf1) =	vsort.ascd.msk.f32 $0xffff, v18, v13  }
0x1ab: {  	v29 =	vperm.xlane v24, v1;
	v18 =	vperm.xlane v26, v1;
	v26, v27, _ =	vpop (xrf1);
	(xrf1) =	vsort.ascd.msk.f32 $0xffff, v19, v13  }
0x1ac: {  	vm0 =	vle.f32 v26, v21;
	v19, v28, _ =	vpop (xrf1);
	(xrf1) =	vsort.ascd.msk.f32 $0xffff, v20, v13  }
0x1ad: {  	vm1 =	vle.f32 v19, v23;
	v20 =	vsel vm0, v26, v21;
	v21 =	vsel vm0, v27, v22  }
0x1ae: {  	v19 =	vsel vm1, v19, v23;
	v22 =	vsel vm1, v28, v29;
	v23, v24, _ =	vpop (xrf1);
	(xrf1) =	vsort.ascd.msk.f32 $0xffff, v20, v21  }
0x1af: {  	vm0 =	vle.f32 v23, v25;
	(xrf1) =	vsort.ascd.msk.f32 $0xffff, v19, v22  }
0x1b0: {  	v19 =	vsel vm0, v23, v25;
	v18 =	vsel vm0, v24, v18  }
0x1b1: {  	(xrf1) =	vsort.ascd.msk.f32 $0xffff, v19, v18;
	_ =	sdelay $0x4  }
0x1b2: {  	v18 =	vld [tilespmem:s19+$0x5450]  }
0x1b3: {  	v19 =	vld [tilespmem:s19+$0x2C50]  }
0x1b4: {  	v20 =	vld [tilespmem:s19+$0x450];
	v21, v22, _ =	vpop (xrf1)  }
0x1b5: {  	v23, v24, _ =	vpop (xrf1)  }
0x1b6: {  	v21 =	vperm.xlane v21, v1;
	v22 =	vperm.xlane v22, v1;
	v25, v26, _ =	vpop (xrf1)  }
0x1b7: {  	v23 =	vperm.xlane v23, v1;
	v25 =	vperm.xlane v25, v1;
	(xrf1) =	vsort.ascd.msk.f32 $0xffff, v18, v14  }
0x1b8: {  	v29 =	vperm.xlane v24, v1;
	v18 =	vperm.xlane v26, v1;
	v26, v27, _ =	vpop (xrf1);
	(xrf1) =	vsort.ascd.msk.f32 $0xffff, v19, v14  }
0x1b9: {  	vm0 =	vle.f32 v26, v21;
	v19, v28, _ =	vpop (xrf1);
	(xrf1) =	vsort.ascd.msk.f32 $0xffff, v20, v14  }
0x1ba: {  	vm1 =	vle.f32 v19, v23;
	v20 =	vsel vm0, v26, v21;
	v21 =	vsel vm0, v27, v22  }
0x1bb: {  	v19 =	vsel vm1, v19, v23;
	v22 =	vsel vm1, v28, v29;
	v23, v24, _ =	vpop (xrf1);
	(xrf1) =	vsort.ascd.msk.f32 $0xffff, v20, v21  }
0x1bc: {  	vm0 =	vle.f32 v23, v25;
	(xrf1) =	vsort.ascd.msk.f32 $0xffff, v19, v22  }
0x1bd: {  	v19 =	vsel vm0, v23, v25;
	v18 =	vsel vm0, v24, v18  }
0x1be: {  	(xrf1) =	vsort.ascd.msk.f32 $0xffff, v19, v18;
	_ =	sdelay $0x4  }
0x1bf: {  	v18 =	vld [tilespmem:s19+$0x5460]  }
0x1c0: {  	v19 =	vld [tilespmem:s19+$0x2C60]  }
0x1c1: {  	v20 =	vld [tilespmem:s19+$0x460];
	v21, v22, _ =	vpop (xrf1)  }
0x1c2: {  	v23, v24, _ =	vpop (xrf1)  }
0x1c3: {  	v21 =	vperm.xlane v21, v1;
	v22 =	vperm.xlane v22, v1;
	v25, v26, _ =	vpop (xrf1)  }
0x1c4: {  	v23 =	vperm.xlane v23, v1;
	v25 =	vperm.xlane v25, v1;
	(xrf1) =	vsort.ascd.msk.f32 $0xffff, v18, v15  }
0x1c5: {  	v29 =	vperm.xlane v24, v1;
	v18 =	vperm.xlane v26, v1;
	v26, v27, _ =	vpop (xrf1);
	(xrf1) =	vsort.ascd.msk.f32 $0xffff, v19, v15  }
0x1c6: {  	vm0 =	vle.f32 v26, v21;
	v19, v28, _ =	vpop (xrf1);
	(xrf1) =	vsort.ascd.msk.f32 $0xffff, v20, v15  }
0x1c7: {  	vm1 =	vle.f32 v19, v23;
	v20 =	vsel vm0, v26, v21;
	v21 =	vsel vm0, v27, v22  }
0x1c8: {  	v19 =	vsel vm1, v19, v23;
	v22 =	vsel vm1, v28, v29;
	v23, v24, _ =	vpop (xrf1);
	(xrf1) =	vsort.ascd.msk.f32 $0xffff, v20, v21  }
0x1c9: {  	vm0 =	vle.f32 v23, v25;
	(xrf1) =	vsort.ascd.msk.f32 $0xffff, v19, v22  }
0x1ca: {  	v19 =	vsel vm0, v23, v25;
	v18 =	vsel vm0, v24, v18  }
0x1cb: {  	(xrf1) =	vsort.ascd.msk.f32 $0xffff, v19, v18;
	_ =	sdelay $0x4  }
0x1cc: {  	v18 =	vld [tilespmem:s19+$0x5470]  }
0x1cd: {  	v19 =	vld [tilespmem:s19+$0x2C70]  }
0x1ce: {  	v20 =	vld [tilespmem:s19+$0x470];
	v21, v22, _ =	vpop (xrf1)  }
0x1cf: {  	v23, v24, _ =	vpop (xrf1);
	v21 =	vperm.xlane v21, v1  }
0x1d0: {  	v22 =	vperm.xlane v22, v1;
	v25, v26, _ =	vpop (xrf1);
	v24 =	vperm.xlane v24, v1  }
0x1d1: {  	v23 =	vperm.xlane v23, v1;
	v25 =	vperm.xlane v25, v1;
	(xrf1) =	vsort.ascd.msk.f32 $0xffff, v18, v16  }
0x1d2: {  	v18 =	vperm.xlane v26, v1;
	v26, v27, _ =	vpop (xrf1);
	(xrf1) =	vsort.ascd.msk.f32 $0xffff, v19, v16  }
0x1d3: {  	vm0 =	vle.f32 v26, v21;
	v19, v28, _ =	vpop (xrf1);
	(xrf1) =	vsort.ascd.msk.f32 $0xffff, v20, v16  }
0x1d4: {  	vm1 =	vle.f32 v19, v23;
	v20 =	vsel vm0, v26, v21;
	v21 =	vsel vm0, v27, v22  }
0x1d5: {  	v19 =	vsel vm1, v19, v23;
	v22 =	vsel vm1, v28, v24;
	v23, v24, _ =	vpop (xrf1);
	(xrf1) =	vsort.ascd.msk.f32 $0xffff, v20, v21  }
0x1d6: {  	vm0 =	vle.f32 v23, v25;
	(xrf1) =	vsort.ascd.msk.f32 $0xffff, v19, v22  }
0x1d7: {  	v19 =	vsel vm0, v23, v25;
	v18 =	vsel vm0, v24, v18  }
0x1d8: {  	(xrf1) =	vsort.ascd.msk.f32 $0xffff, v19, v18;
	_ =	sdelay $0x6  }
0x1d9: {  	v18, v19, _ =	vpop (xrf1)  }
0x1da: {  	v20, v21, _ =	vpop (xrf1)  }
0x1db: {  	v18 =	vperm.xlane v18, v1;
	v19 =	vperm.xlane v19, v1;
	v22, v23, _ =	vpop (xrf1)  }
0x1dc: {  	v20 =	vperm.xlane v20, v1;
	v22 =	vperm.xlane v22, v1  }
0x1dd: {  	v21 =	vperm.xlane v21, v1;
	v23 =	vperm.xlane v23, v1;
	v24, v25, _ =	vpop (xrf1)  }
0x1de: {  	vm0 =	vle.f32 v24, v18;
	v26, v27, _ =	vpop (xrf1)  }
0x1df: {  	vm1 =	vle.f32 v26, v20;
	v18 =	vsel vm0, v24, v18;
	v19 =	vsel vm0, v25, v19  }
0x1e0: {  	v20 =	vsel vm1, v26, v20;
	v21 =	vsel vm1, v27, v21;
	v24, v25, _ =	vpop (xrf1);
	(xrf1) =	vsort.ascd.msk.f32 $0xffff, v18, v19  }
0x1e1: {  	vm0 =	vle.f32 v24, v22;
	(xrf1) =	vsort.ascd.msk.f32 $0xffff, v20, v21  }
0x1e2: {  	v18 =	vsel vm0, v24, v22;
	v19 =	vsel vm0, v25, v23  }
0x1e3: {  	(xrf1) =	vsort.ascd.msk.f32 $0xffff, v18, v19;
	_ =	sdelay $0xa  }
0x1e4: {  	_, v18, _ =	vpop (xrf1)  }
0x1e5: {  	v18 =	vadd.s32 v17, v18;
	_, v19, _ =	vpop (xrf1)  }
.Ltmp1:
0x1e6: {  	v19 =	vadd.s32 v17, v19;
	v20 =	vxor.u32 $0x80000000, v18;
	(pc) =	sbr.rel @p0 .LBB2_3-.Ltmp1, $4  }
0x1e7: {  	v21 =	vxor.u32 $0x80000000, v19;
	_, v22, _ =	vpop (xrf1);
	(xrf1) =	vsort.ascd.msk.u32 $0xffff, v20, v18  }
0x1e8: {  	v18 =	vadd.s32 v17, v22;
	(xrf1) =	vsort.ascd.msk.u32 $0xffff, v21, v19  }
0x1e9: {  	v19 =	vxor.u32 $0x80000000, v18  }
0x1ea: {  	(xrf1) =	vsort.ascd.msk.u32 $0xffff, v19, v18  }
0x1eb: {  	_ =	sdelay $0x9  }
0x1ec: {  	v18, _, _ =	vpop (xrf1)  }
0x1ed: {  	v18 =	vxor.u32 $0x80000000, v18;
	_ =	sdelay $0x1  }
0x1ee: {  	v19, _, _ =	vpop (xrf1)  }
0x1ef: {  	s14 =	sadd.s32 $0x1, s14;
	v19 =	vxor.u32 $0x80000000, v19;
	[tilespmem:s15+$0xE0] =	vst.msk $0xff, v18;
	v18, _, _ =	vpop (xrf1)  }
0x1f0: {  	p0 =	sne.s32 s14, s7;
	[tilespmem:s15+$0x0] =	vst.msk $0xff, v19;
	v18 =	vxor.u32 $0x80000000, v18  }
.Ltmp2:
0x1f1: {  	[tilespmem:s15+$0xFFFFFF20] =	vst.msk $0xff, v18;
	(pc) =	sbr.rel @p0 .LBB2_2-.Ltmp2, $4  }
0x1f2: {  	[hbm4b:s5+s2] =	stream.linear.scatter [tilespmem:s13], [sflag:$0x1], $0x2A0, $0x38;
	[tilespmem:$0x7B00] =	vst v63  }
0x1f3: {  	_ =	swait.ge [sflag:s10], $0x2A0  }
0x1f4: {  	[sflag:s10] =	ssyncset.done $0x0  }
0x1f5: {  	[sflag:s10] =	ssyncadd.s32 $0xFFFFFD60  }
.LBB2_5:
0x1f6: {  	_ =	sfence.sel $0x180000  }
0x1f7: {  	[bflag:$0x0] =	sbarrier.arrive $0xFFFF  }
0x1f8: {  	p0 =	sne.s32 s1, $0x0;
	_ =	strace $0x9000004A  }
0x1f9: {  	s0 =	sadd.s32 @!p0 $0x100000, s0;
	[bflag:$0x2] =	sbarrier.arrive $0xFFFF  }
0x1fa: {  	[sflag:s0] =	ssyncadd.tile.s32 @!p0 $0x1;
	_ =	shalt  }
.Lfunc_end2:
_tile_overlayer_lowered:
.L_overlay_start_2:
0x1fb: {  	(tag) =	ssettag $0x2  }
0x1fc: {  	s0 =	rddreg [dreg:$0x0];
	s2 =	stileid.u32  }
0x1fd: {  	s1 =	rddreg [dreg:$0x1];
	p0 =	sne.s32 s2, $0x0  }
0x1fe: {  	s3 =	rddreg [dreg:$0x2];
	[bflag:$0x3] =	sbarrier.arrive $0xFFFF;
	s2 =	simm.s32 @!p0 $0x1C01  }
0x1ff: {  	[timem:s3], [sflag:s2] =	dma.local @!p0 [hbm:s0], s1  }
0x200: {  	s0 =	simm.s32 @!p0 $0x1  }
0x201: {  	_ =	swait.ge @!p0 [sflag:s0], s1  }
0x202: {  	s1 =	ssub.s32 @!p0 $0x0, s1;
	[sflag:s0] =	ssyncset.done @!p0 $0x0  }
0x203: {  	[sflag:s0] =	ssyncadd.s32 @!p0 s1  }
0x204: {  	[bflag:$0x3] =	sbarrier.arrive $0xFFFF  }
0x205: {  	_ =	shalt  }

// kernel: kernel.7.cloned.1.call-start
scs
__scs_entry_jumppad:
0x0: {  	(pc) =	sbr.rel $0x88, $3  }
0x1: {  	(tag) =	ssettag $0x0;
	lr =	simm.s32 $0x1  }
0x2: {  	[smem:$0x3F9B] =	sst lr;
	_ =	strace $0xD0000000  }
0x3: {  	_ = 	snop  }
0x4: {  	_ = 	snop  }
0x5: {  	_ = 	snop  }
0x6: {  	_ = 	snop  }
0x7: {  	_ = 	snop  }
__scs_overlays_trampoline_lowered:
0x8: {  	[smem:$0x3FAA] =	sst s0  }
0x9: {  	[smem:$0x3FAB] =	sst s1  }
0xa: {  	[smem:$0x3FAC] =	sst s2  }
0xb: {  	[smem:$0x3FAD] =	sst s3  }
0xc: {  	[smem:$0x3FAE] =	sst s4  }
0xd: {  	[smem:$0x3FAF] =	sst s5  }
0xe: {  	[smem:$0x3FB0] =	sst s6  }
0xf: {  	[smem:$0x3FB1] =	sst s7  }
0x10: {  	[smem:$0x3FB2] =	sst s8  }
0x11: {  	[smem:$0x3FB3] =	sst s9;
	s0 =	simm.s32 @!p0 $0x0  }
0x12: {  	s1 =	sld [smem:$0x3F99];
	s0 =	simm.s32 @p0 $0x1  }
0x13: {  	[smem:$0x3FB4] =	sst s0;
	s0 =	simm.s32 @!p1 $0x0  }
0x14: {  	s2 =	sld [smem:$0x3F98];
	s0 =	simm.s32 @p1 $0x1  }
0x15: {  	[smem:$0x3FB5] =	sst s0;
	s0 =	simm.s32 @!p2 $0x0  }
0x16: {  	s3 =	sld [smem:$0x3FDB];
	s0 =	simm.s32 @p2 $0x1  }
0x17: {  	s4 =	simm.s32 $0x1BF5;
	[smem:$0x3FB7] =	sst s0  }
0x18: {  	s0 =	sld [smem:$0x3F9A];
	_ =	swait.ge [sflag:s4], $0x0  }
0x19: {  	s7 =	sld [smem:$0x3F9B]  }
0x1a: {  	s8 =	sadd.s32 $0xFFFFE003, lr  }
0x1b: {  	s9 =	sadd.s32 $0xFFFFFEF7, lr;
	s5 =	simm.s32 $0xFFFFFFFF;
	p2 =	slt.u32 s8, $0xFFFFF086  }
0x1c: {  	p1 =	slt.u32 s9, $0xF7A;
	s5 =	simm.s32 @!p2 $0x0  }
0x1d: {  	s5 =	simm.s32 @p1 $0x1;
	p0 =	seq.s32 s7, s2  }
0x1e: {  	s7 =	smul.u32 @!p0 $0xF7A, s2;
	p2 =	seq.s32 @!p0 s5, $0x0  }
0x1f: {  	s9 =	smul.u32 $0xF7A, s1;
	s8 =	simm.s32 @!p0 $0x1BF5;
	p2 =	por !p2, p0  }
0x20: {  	[sflag:s8] =	ssyncset.s32 @!p0 $0xFFFFF086;
	s6 =	sadd.s32 @!p0 s3, s7;
	s7 =	simm.s32 @!p0 $0x108  }
0x21: {  	s3 =	sadd.s32 s3, s9;
	s6 =	sadd.s32 @!p0 $0x88, s6;
	s7 =	simm.s32 @p2 $0x1082  }
0x22: {  	[simem:s7], [sflag:s8] =	dma.local @!p0 [hbm:s6], $0xF7A  }
0x23: {  	s9 =	sor.u32 $0xD0000000, s2;
	s6 =	simm.s32 $0x108;
	_ =	swait.ge @!p0 [sflag:s8], $0x0  }
0x24: {  	s3 =	sadd.s32 $0x88, s3;
	s6 =	simm.s32 @!p1 $0x1082;
	[sflag:s4] =	ssyncset.s32 $0xFFFFF086  }
0x25: {  	[simem:s6], [sflag:s4] =	dma.local [hbm:s3], $0xF7A  }
0x26: {  	[smem:$0x3F9B] =	sst s1;
	(tag) =	ssettag s2;
	_ =	strace s9  }
0x27: {  	s1 =	sld [smem:$0x3FAB]  }
0x28: {  	s2 =	sld [smem:$0x3FAC]  }
0x29: {  	s4 =	sld [smem:$0x3FAE]  }
0x2a: {  	p0 =	seq.s32 s5, $0x0;
	s5 =	sld [smem:$0x3FAF]  }
0x2b: {  	s6 =	sld [smem:$0x3FB0]  }
0x2c: {  	s7 =	sld [smem:$0x3FB1]  }
0x2d: {  	s3 =	simm.s32 $0x108;
	s8 =	sld [smem:$0x3FB2]  }
0x2e: {  	s3 =	simm.s32 @!p0 $0x1082;
	s9 =	sld [smem:$0x3FB3]  }
0x2f: {  	lr =	sadd.s32 s0, s3;
	s0 =	sld [smem:$0x3FAA]  }
0x30: {  	s3 =	sld [smem:$0x3FAD]  }
0x31: {  	[smem:$0x3FB6] =	sst s10  }
0x32: {  	s10 =	sld [smem:$0x3FB4];
	_ =	sdelay $0x3  }
0x33: {  	p0 =	seq.s32 s10, $0x1;
	s10 =	sld [smem:$0x3FB6];
	_ =	sdelay $0x3  }
0x34: {  	[smem:$0x3FB6] =	sst s10  }
0x35: {  	s10 =	sld [smem:$0x3FB5];
	_ =	sdelay $0x3  }
0x36: {  	p1 =	seq.s32 s10, $0x1;
	s10 =	sld [smem:$0x3FB6];
	_ =	sdelay $0x3  }
0x37: {  	[smem:$0x3FB6] =	sst s10  }
0x38: {  	s10 =	sld [smem:$0x3FB7]  }
0x39: {  	_ = 	snop;
	(pc) =	sbr.ind lr, $3  }
0x3a: {  	_ = 	snop  }
0x3b: {  	_ = 	snop  }
0x3c: {  	p2 =	seq.s32 s10, $0x1;
	s10 =	sld [smem:$0x3FB6]  }
0x3d: {  	_ =	shalt  }
0x3e: {  	_ =	shalt  }
0x3f: {  	_ =	shalt  }
0x40: {  	_ =	shalt  }
0x41: {  	_ =	shalt  }
0x42: {  	_ =	shalt  }
0x43: {  	_ =	shalt  }
0x44: {  	_ =	shalt  }
0x45: {  	_ =	shalt  }
0x46: {  	_ =	shalt  }
0x47: {  	_ =	shalt  }
0x48: {  	_ =	shalt  }
0x49: {  	_ =	shalt  }
0x4a: {  	_ =	shalt  }
0x4b: {  	_ =	shalt  }
0x4c: {  	_ =	shalt  }
0x4d: {  	_ =	shalt  }
0x4e: {  	_ =	shalt  }
0x4f: {  	_ =	shalt  }
0x50: {  	_ =	shalt  }
0x51: {  	_ =	shalt  }
0x52: {  	_ =	shalt  }
0x53: {  	_ =	shalt  }
0x54: {  	_ =	shalt  }
0x55: {  	_ =	shalt  }
0x56: {  	_ =	shalt  }
0x57: {  	_ =	shalt  }
0x58: {  	_ =	shalt  }
0x59: {  	_ =	shalt  }
0x5a: {  	_ =	shalt  }
0x5b: {  	_ =	shalt  }
0x5c: {  	_ =	shalt  }
0x5d: {  	_ =	shalt  }
0x5e: {  	_ =	shalt  }
0x5f: {  	_ =	shalt  }
0x60: {  	_ =	shalt  }
0x61: {  	_ =	shalt  }
0x62: {  	_ =	shalt  }
0x63: {  	_ =	shalt  }
0x64: {  	_ =	shalt  }
0x65: {  	_ =	shalt  }
0x66: {  	_ =	shalt  }
0x67: {  	_ =	shalt  }
0x68: {  	_ =	shalt  }
0x69: {  	_ =	shalt  }
0x6a: {  	_ =	shalt  }
0x6b: {  	_ =	shalt  }
0x6c: {  	_ =	shalt  }
0x6d: {  	_ =	shalt  }
0x6e: {  	_ =	shalt  }
0x6f: {  	_ =	shalt  }
0x70: {  	_ =	shalt  }
0x71: {  	_ =	shalt  }
0x72: {  	_ =	shalt  }
0x73: {  	_ =	shalt  }
0x74: {  	_ =	shalt  }
0x75: {  	_ =	shalt  }
0x76: {  	_ =	shalt  }
0x77: {  	_ =	shalt  }
0x78: {  	_ =	shalt  }
0x79: {  	_ =	shalt  }
0x7a: {  	_ =	shalt  }
0x7b: {  	_ =	shalt  }
0x7c: {  	_ =	shalt  }
0x7d: {  	_ =	shalt  }
0x7e: {  	_ =	shalt  }
0x7f: {  	_ =	shalt  }
0x80: {  	_ =	shalt  }
0x81: {  	_ =	shalt  }
0x82: {  	_ =	shalt  }
0x83: {  	_ =	shalt  }
0x84: {  	_ =	shalt  }
0x85: {  	_ =	shalt  }
0x86: {  	_ =	shalt  }
0x87: {  	_ =	shalt  }
.Lfunc_end0:
.L_simem_size_0:
called_computation_lowered:
.L_overlay_start_0:
0x88: {  	s2 =	sld [smem:$0x3FD9]  }
0x89: {  	s3 =	sld [smem:$0x3FFE];
	_ =	sdelay $0x1  }
0x8a: {  	s1 =	srdreg.scid  }
0x8b: {  	s0 =	sand.u32 $0x1, s1  }
0x8c: {  	s16 =	sshll.u32 s0, $0xA;
	s2 =	sadd.s32 s3, s2  }
0x8d: {  	s2 =	sadd.s32 s2, s16  }
0x8e: {  	[smem:$0x3FC2] =	sst s2  }
0x8f: {  	_ = 	snop  }
0x90: {  	(tm) =	ssettm $0x1  }
0x91: {  	s17 =	sld [smem:$0x3FFB];
	_ =	sdelay $0x3  }
0x92: {  	_ =	strace s17  }
0x93: {  	s2 =	sld [smem:$0x3FFC];
	_ =	sdelay $0x3  }
0x94: {  	_ =	strace s2  }
0x95: {  	s2 =	sld [smem:$0x3FFD];
	_ =	sdelay $0x3  }
0x96: {  	_ =	strace s2  }
0x97: {  	_ =	strace $0x8FFFFFFF  }
0x98: {  	s18 =	sld [smem:$0x3FDB];
	_ =	sdelay $0x1  }
0x99: {  	s19 =	simm.s32 $_scs_section_size  }
0x9a: {  	s4 =	simm.s32 $_size__tile_overlayer_lowered;
	s5 =	simm.s32 $_tile_overlayer_lowered  }
0x9b: {  	s22 =	simm.s32 $0x1BFF;
	s21 =	sshll.u32 s5, $0x1;
	s2 =	sadd.s32 s19, s18  }
0x9c: {  	s6 =	simm.s32 $0x0;
	s20 =	sshll.u32 s4, $0x1;
	s4 =	sadd.s32 s21, s2  }
0x9d: {  	[timem:s6], [sflag:s22] =	dma.local [hbm:s4], s20  }
0x9e: {  	_ =	swait.ge [sflag:s22], s20  }
0x9f: {  	s3 =	ssub.s32 $0x0, s20;
	[sflag:s22] =	ssyncset.done $0x0  }
0xa0: {  	[sflag:s22] =	ssyncadd.s32 s3;
	_ =	sdelay $0x1  }
0xa1: {  	s23 =	simm.s32 $0x1B8B  }
0xa2: {  	_ =	swait.ge [sflag:s23], $0x1  }
0xa3: {  	[sflag:s23] =	ssyncset.done $0x0  }
0xa4: {  	s25 =	simm.s32 $0x1B8E;
	s24 =	sld [smem:$0x3FFE];
	[sflag:s23] =	ssyncadd.s32 $0xFFFFFFFF  }
0xa5: {  	s26 =	simm.s32 $execute0_lowered;
	[smem:$0x3FD2] =	sst s25  }
0xa6: {  	s4 =	sshll.u32 s26, $0x1;
	_ =	strace $0x80000046;
	[dreg:$0x1] =	wrdreg $0xFFFFFFFF  }
0xa7: {  	s28 =	simm.s32 $_size_execute0_lowered;
	s2 =	sadd.s32 s2, s4;
	[dreg:$0x0] =	wrdreg $0x0  }
0xa8: {  	s4 =	sshll.u32 s28, $0x1;
	[dreg:$0x2] =	wrdreg s2  }
0xa9: {  	[dreg:$0x3] =	wrdreg s4  }
0xaa: {  	[dreg:$0x4] =	wrdreg $0xC0  }
0xab: {  	_ =	task [dreg:s6], $0x5FFFF  }
0xac: {  	[dreg:$0x1] =	wrdreg $0xFFFFFFFF  }
0xad: {  	[dreg:$0x0] =	wrdreg $0x60  }
0xae: {  	[dreg:$0x2] =	wrdreg s24  }
0xaf: {  	[dreg:$0x3] =	wrdreg $0x9  }
0xb0: {  	_ =	task.clear_ibuf [dreg:s6], $0x4FFFF;
	_ =	strace $0x90000046  }
0xb1: {  	s29 =	simm.s32 $0x9;
	_ =	strace $0x80000048  }
0xb2: {  	_ =	swait.ge [sflag:s29], $0x1  }
0xb3: {  	[sflag:s29] =	ssyncadd.s32 $0xFFFFFFFF  }
0xb4: {  	_ =	strace $0x90000048  }
0xb5: {  	_ =	sfence  }
0xb6: {  	s30 =	sld [smem:$0x0];
	_ =	sdelay $0x2  }
0xb7: {  	s31 =	sshll.u32 s1, $0xD;
	s1 =	sshrl.u32 s1, $0x2  }
0xb8: {  	s3 =	sand.u32 $0x4000, s31;
	s1 =	sadd.s32 s1, s30  }
0xb9: {  	s0 =	sor.u32 s3, s0;
	s1 =	sshll.u32 s1, $0x11  }
0xba: {  	s0 =	sor.u32 s1, s0  }
0xbb: {  	s0 =	sadd.s32 $0x8F2B, s0  }
0xbc: {  	[sflag:s0] =	ssyncadd.remote.s32 $0x1  }
0xbd: {  	_ =	sfence.sel $0xFFFF  }
0xbe: {  	[dreg:$0x0] =	wrdreg $0xFFFFFFFF;
	(pc) =	sbr.abs _section_cstart, $3  }
0xbf: {  	[dreg:$0x1] =	wrdreg $0xFFFFFFFF  }
0xc0: {  	_ =	task.clear_ibuf [dreg:s6], $0x2FFFF;
	_ =	strace $0x9FFFFFFF  }
0xc1: {  	(tm) =	ssettm $0x7FFFFFFF  }
tec
execute0_lowered:
.L_overlay_start_1:
0x0: {  	(tag) =	ssettag $0x1  }
0x1: {  	s1 =	stileid.u32  }
0x2: {  	p0 =	sgt.u32 s1, $0xD  }
.Ltmp0:
0x3: {  	_ = 	snop;
	(pc) =	sbr.rel @p0 .LBB2_5-.Ltmp0, $4  }
0x4: {  	_ = 	snop  }
0x5: {  	s3 =	rddreg [dreg:$0x0];
	s2 =	simm.s32 $0x0  }
0x6: {  	[smem:$0x7FF] =	sst s2  }
0x7: {  	s0 =	rddreg [dreg:$0x1];
	_ =	strace $0x80000047  }
0x8: {  	s4 =	srdreg.scid  }
0x9: {  	s16 =	sshll.u32 s1, $0x1;
	s18 =	smul.u32 $0x38, s1;
	s5 =	sand.u32 $0x1, s4  }
0xa: {  	s6 =	sor.u32 s5, s16;
	s10 =	smul.u32 $0x1C, s5  }
0xb: {  	s4 =	smul.u32 $0x492C, s6  }
0xc: {  	s7 =	smul.u32 $0x25, s6  }
0xd: {  	s8 =	smul.u32 $0x1C, s6  }
0xe: {  	s17 =	smul.u32 $0x54, s6  }
0xf: {  	s9 =	sadd.s32 $0x1A00, s3;
	s15 =	smulhi.u32 $0x24924925, s6;
	s10 =	sadd.s32 s10, s18  }
0x10: {  	s11 =	simm.s32 $0xFFFFFFFF;
	s21 =	ssub.s32 $0x2, s5;
	s14 =	smul.u32 $0x29D, s10  }
0x11: {  	s22 =	sshrl.u32 s21, $0x1;
	s4 =	sshrl.u32 s4, $0x11;
	s25 =	smul.u32 $0x270, s15  }
0x12: {  	s13 =	simm.s32 $0x1;
	s23 =	ssub.s32 s21, s22;
	s4 =	smul.u32 $0xC4, s4  }
0x13: {  	s7 =	sshrl.u32 s7, $0x8;
	s28 =	smul.u32 $0x13800, s15;
	s15 =	simm.s32 $0x7800  }
0x14: {  	s7 =	smul.u32 $0x270, s7;
	s20 =	sshrl.u32 s14, $0x11;
	s4 =	ssub.s32 s8, s4  }
0x15: {  	s14 =	simm.s32 $0x5000;
	s8 =	sand.u32 $0xFFFC, s4;
	s4 =	sshrl.u32 s4, $0x2  }
0x16: {  	s7 =	sadd.s32 s8, s7;
	s4 =	sand.u32 $0x1, s4;
	s8 =	sadd.s32 s17, s3  }
0x17: {  	s3 =	simm.s32 $0x1;
	p0 =	seq.s32 s7, $0x0;
	p1 =	seq.s32 s4, $0x1  }
0x18: {  	s12 =	sshrl.u32 s7, $0x3;
	s7 =	sshll.u32 s7, $0x5;
	p0 =	por !p0, !p1  }
0x19: {  	s6 =	sadd.s32 $0x28A00, s8;
	s8 =	smax.u32 s23, $0x1;
	p0 =	por !p0, !p0  }
0x1a: {  	s19 =	sadd.s32 $0x1A00, s7;
	s7 =	sadd.s32 $0x3400, s7;
	s13 =	simm.s32 @!p0 $0x0  }
0x1b: {  	s4 =	sand.u32 $0x7FFF00, s19;
	s12 =	ssub.s32 s12, s13;
	s13 =	smul.u32 $0xC4, s20  }
0x1c: {  	s7 =	sand.u32 $0x7FFF00, s7;
	s11 =	simm.s32 @!p0 $0x0;
	s4 =	sadd.s32 s9, s4  }
0x1d: {  	v0 =	vlaneseq.u32;
	s5 =	sadd.s32 s9, s7;
	s24 =	sshll.u32 s12, $0x8;
	s10 =	ssub.s32 s10, s13  }
0x1e: {  	v1 =	vmul.u32 $0xFFFFFFFF, v0;
	s7 =	sand.u32 $0x1FFFFF00, s24;
	s13 =	sand.u32 $0xFFFC, s10;
	s26 =	sshrl.u32 s10, $0x2  }
0x1f: {  	v2 =	vor.u32 $0x10, v0;
	v3 =	vor.u32 $0x20, v0;
	v4 =	vor.u32 $0x30, v0;
	s7 =	sadd.s32 s9, s7;
	s10 =	sand.u32 $0x1, s26;
	s12 =	sadd.s32 s13, s25  }
0x20: {  	v5 =	vor.u32 $0x40, v0;
	v6 =	vor.u32 $0x50, v0;
	v7 =	vor.u32 $0x60, v0;
	s13 =	sshll.u32 s13, $0x7;
	s9 =	sshll.u32 s10, $0x9;
	s29 =	sshrl.u32 s12, $0x3  }
0x21: {  	v8 =	vor.u32 $0x70, v0;
	v9 =	vor.u32 $0x80, v0;
	v10 =	vor.u32 $0x90, v0;
	s10 =	sshll.u32 s10, $0xA;
	s13 =	sadd.s32 s13, s28;
	s16 =	sadd.s32 s11, s29  }
0x22: {  	v11 =	vor.u32 $0xA0, v0;
	v12 =	vor.u32 $0xB0, v0;
	v13 =	vor.u32 $0xC0, v0;
	s30 =	sshll.u32 s29, $0xA;
	s11 =	sshll.u32 s11, $0xA;
	s31 =	sshll.u32 s16, $0x3  }
0x23: {  	v14 =	vor.u32 $0xD0, v0;
	v17 =	vshrl.u32 v0, $0x3;
	v15 =	vor.u32 $0xE0, v0;
	s13 =	ssub.s32 s13, s30;
	s16 =	simm.s32 $0x0;
	s12 =	ssub.s32 s12, s31  }
0x24: {  	v16 =	vor.u32 $0xF0, v0;
	v17 =	vmul.u32 $0x40000000, v17;
	v1 =	vadd.s32 $0xF, v1;
	s11 =	ssub.s32 s13, s11;
	s13 =	simm.s32 $0x2800;
	s12 =	sshll.u32 s12, $0x8  }
.LBB2_2:
0x25: {  	s17 =	simm.s32 $0x0  }
0x26: {  	[tilespmem:s17], [sflag:$0x1] =	stream.linear.gather [hbm4b:s7+s17], $0x2800, $0x38;
	[tilespmem:$0x7B00] =	vst v63  }
0x27: {  	_ =	swait.ge [sflag:s3], $0x2800  }
0x28: {  	[sflag:s3] =	ssyncset.done $0x0  }
0x29: {  	[sflag:s3] =	ssyncadd.s32 $0xFFFFD800  }
0x2a: {  	[tilespmem:s13], [sflag:$0x1] =	stream.linear.gather [hbm4b:s4+s17], $0x2800, $0x38;
	[tilespmem:$0x7B00] =	vst v63  }
0x2b: {  	_ =	swait.ge [sflag:s3], $0x2800  }
0x2c: {  	[sflag:s3] =	ssyncset.done $0x0  }
0x2d: {  	s31 =	sadd.s32 $0x0, s9;
	[sflag:s3] =	ssyncadd.s32 $0xFFFFD800  }
0x2e: {  	[tilespmem:s14], [sflag:$0x1] =	stream.linear.gather [hbm4b:s5+s17], $0x2800, $0x38;
	[tilespmem:$0x7B00] =	vst v63  }
0x2f: {  	s18 =	sadd.s32 $0x0, s11;
	s19 =	sand.u32 $0x3800, s10;
	_ =	swait.ge [sflag:s3], $0x2800  }
0x30: {  	s20 =	sand.u32 $0xFFFFF800, s12;
	s17 =	sand.u32 $0x380, s31;
	[sflag:s3] =	ssyncset.done $0x0  }
0x31: {  	s18 =	sand.u32 $0x380, s18;
	s17 =	sor.u32 s17, s19;
	[sflag:s3] =	ssyncadd.s32 $0xFFFFD800  }
0x32: {  	s18 =	sor.u32 s18, s20;
	v18 =	vld [tilespmem:s17+$0x5000]  }
0x33: {  	v19 =	vld [tilespmem:s18+$0x0];
	_ =	sdelay $0x3  }
0x34: {  	(xrf1) =	vsort.ascd.msk.f32 $0xffff, v18, v0  }
0x35: {  	(xrf1) =	vsort.ascd.msk.f32 $0xffff, v19, v0;
	_ =	sdelay $0x2  }
0x36: {  	v18 =	vld [tilespmem:s17+$0x2800];
	_ =	sdelay $0x4  }
0x37: {  	v19 =	vld [tilespmem:s17+$0x2810];
	(xrf1) =	vsort.ascd.msk.f32 $0xffff, v18, v0;
	_ =	sdelay $0x2  }
0x38: {  	v18 =	vld [tilespmem:s17+$0x5010]  }
0x39: {  	v20 =	vld [tilespmem:s18+$0x10]  }
0x3a: {  	v21, v22, _ =	vpop (xrf1);
	(xrf1) =	vsort.ascd.msk.f32 $0xffff, v19, v2  }
0x3b: {  	v21 =	vperm.xlane v21, v1;
	v23, v24, _ =	vpop (xrf1)  }
0x3c: {  	v22 =	vperm.xlane v22, v1;
	v23 =	vperm.xlane v23, v1  }
0x3d: {  	(xrf1) =	vsort.ascd.msk.f32 $0xffff, v18, v2;
	v19 =	vperm.xlane v24, v1;
	vm0 =	veq.f32 v21, $+Inf  }
0x3e: {  	(xrf1) =	vsort.ascd.msk.f32 $0xffff, v20, v2;
	vm1 =	veq.f32 v23, $+Inf;
	v18 =	vsel vm0, $0x0, v22  }
0x3f: {  	v19 =	vsel vm1, $0x0, v19;
	(xrf1) =	vsort.ascd.msk.f32 $0xffff, v21, v18  }
0x40: {  	(xrf1) =	vsort.ascd.msk.f32 $0xffff, v23, v19;
	_ =	sdelay $0x2  }
0x41: {  	v18, v19, _ =	vpop (xrf1)  }
0x42: {  	v18 =	vperm.xlane v18, v1  }
0x43: {  	v19 =	vperm.xlane v19, v1  }
0x44: {  	vm6 =	veq.f32 v18, $+Inf  }
0x45: {  	v19 =	vsel vm6, $0x0, v19  }
0x46: {  	v40, v39, _ =	vpop (xrf1);
	(xrf1) =	vsort.ascd.msk.f32 $0xffff, v18, v19;
	_ =	sdelay $0x1  }
0x47: {  	v20 =	vld [tilespmem:s18+$0x20]  }
0x48: {  	v18 =	vld [tilespmem:s17+$0x2820];
	v19, v41, _ =	vpop (xrf1)  }
0x49: {  	v42, v25, _ =	vpop (xrf1)  }
0x4a: {  	v24 =	vperm.xlane v42, v1;
	v26, v27, _ =	vpop (xrf1)  }
0x4b: {  	v25 =	vperm.xlane v25, v1;
	v28, v29, _ =	vpop (xrf1)  }
0x4c: {  	(xrf1) =	vsort.ascd.msk.f32 $0xffff, v20, v3;
	vm7 =	vle.f32 v28, v24  }
0x4d: {  	(xrf1) =	vsort.ascd.msk.f32 $0xffff, v18, v3;
	v20 =	vsel vm7, v28, v24;
	v43 =	vsel vm7, v29, v25  }
0x4e: {  	(xrf1) =	vsort.ascd.msk.f32 $0xffff, v20, v43  }
0x4f: {  	v18 =	vld [tilespmem:s17+$0x5020]  }
0x50: {  	v19 =	vperm.xlane v19, v1;
	_ =	sdelay $0x1  }
0x51: {  	v21 =	vperm.xlane v40, v1;
	vm8 =	vle.f32 v26, v19;
	v20 =	vperm.xlane v41, v1  }
0x52: {  	v22 =	vperm.xlane v39, v1;
	v19 =	vsel vm8, v26, v19;
	v45, v44, _ =	vpop (xrf1)  }
0x53: {  	v20 =	vsel vm8, v27, v20;
	(xrf1) =	vsort.ascd.msk.f32 $0xffff, v18, v3;
	vm9 =	vle.f32 v45, v21  }
0x54: {  	(xrf1) =	vsort.ascd.msk.f32 $0xffff, v19, v20;
	v18 =	vsel vm9, v45, v21;
	v46 =	vsel vm9, v44, v22  }
0x55: {  	(xrf1) =	vsort.ascd.msk.f32 $0xffff, v18, v46  }
0x56: {  	v19 =	vld [tilespmem:s18+$0x30];
	_ =	sdelay $0x2  }
0x57: {  	v18, v20, _ =	vpop (xrf1)  }
0x58: {  	v18 =	vperm.xlane v18, v1;
	v47, v22, _ =	vpop (xrf1)  }
0x59: {  	v20 =	vperm.xlane v20, v1;
	(xrf1) =	vsort.ascd.msk.f32 $0xffff, v19, v4;
	v48, v49, _ =	vpop (xrf1)  }
0x5a: {  	vm10 =	vle.f32 v48, v18  }
0x5b: {  	v18 =	vsel vm10, v48, v18;
	v19 =	vsel vm10, v49, v20  }
0x5c: {  	(xrf1) =	vsort.ascd.msk.f32 $0xffff, v18, v19  }
0x5d: {  	v18 =	vld [tilespmem:s17+$0x2830]  }
0x5e: {  	v19 =	vld [tilespmem:s17+$0x5030]  }
0x5f: {  	v20, v50, _ =	vpop (xrf1)  }
0x60: {  	v21 =	vperm.xlane v47, v1;
	v52, v51, _ =	vpop (xrf1)  }
0x61: {  	v22 =	vperm.xlane v22, v1;
	v53, v54, _ =	vpop (xrf1)  }
0x62: {  	v20 =	vperm.xlane v20, v1;
	(xrf1) =	vsort.ascd.msk.f32 $0xffff, v18, v4;
	vm11 =	vle.f32 v53, v21  }
0x63: {  	(xrf1) =	vsort.ascd.msk.f32 $0xffff, v19, v4;
	v18 =	vsel vm11, v53, v21;
	v55 =	vsel vm11, v54, v22  }
0x64: {  	v56 =	vperm.xlane v50, v1;
	(xrf1) =	vsort.ascd.msk.f32 $0xffff, v18, v55  }
0x65: {  	vm12 =	vle.f32 v52, v20;
	v19 =	vld [tilespmem:s18+$0x40]  }
0x66: {  	v20 =	vsel vm12, v52, v20;
	v22 =	vsel vm12, v51, v56  }
0x67: {  	v18, v21, _ =	vpop (xrf1);
	(xrf1) =	vsort.ascd.msk.f32 $0xffff, v20, v22;
	_ =	sdelay $0x2  }
0x68: {  	v18 =	vperm.xlane v18, v1;
	v58, v57, _ =	vpop (xrf1);
	(xrf1) =	vsort.ascd.msk.f32 $0xffff, v19, v5  }
0x69: {  	v20 =	vperm.xlane v21, v1  }
0x6a: {  	vm13 =	vle.f32 v58, v18  }
0x6b: {  	v18 =	vsel vm13, v58, v18;
	v19 =	vsel vm13, v57, v20  }
0x6c: {  	(xrf1) =	vsort.ascd.msk.f32 $0xffff, v18, v19;
	v18 =	vld [tilespmem:s17+$0x2840];
	_ =	sdelay $0x1  }
0x6d: {  	v19, v20, _ =	vpop (xrf1)  }
0x6e: {  	v59 =	vld [tilespmem:s17+$0x5040];
	v19 =	vperm.xlane v19, v1;
	v61, v60, _ =	vpop (xrf1)  }
0x6f: {  	v20 =	vperm.xlane v20, v1;
	v62, v63, _ =	vpop (xrf1)  }
0x70: {  	(xrf1) =	vsort.ascd.msk.f32 $0xffff, v18, v5;
	vm14 =	vle.f32 v62, v19  }
0x71: {  	v18 =	vperm.xlane v61, v1;
	v19 =	vsel vm14, v62, v19;
	v20 =	vsel vm14, v63, v20  }
0x72: {  	v23 =	vperm.xlane v60, v1;
	v29, v30, _ =	vpop (xrf1);
	(xrf1) =	vsort.ascd.msk.f32 $0xffff, v19, v20  }
0x73: {  	vm15 =	vle.f32 v29, v18;
	(xrf1) =	vsort.ascd.msk.f32 $0xffff, v59, v5  }
0x74: {  	v18 =	vsel vm15, v29, v18;
	v31 =	vsel vm15, v30, v23  }
0x75: {  	v28 =	vld [tilespmem:s18+$0x50];
	v19, v20, _ =	vpop (xrf1);
	(xrf1) =	vsort.ascd.msk.f32 $0xffff, v18, v31;
	_ =	sdelay $0x2  }
0x76: {  	v19 =	vperm.xlane v19, v1  }
0x77: {  	v18 =	vperm.xlane v20, v1;
	v20, v32, _ =	vpop (xrf1)  }
0x78: {  	(xrf1) =	vsort.ascd.msk.f32 $0xffff, v28, v6;
	vm4 =	vle.f32 v20, v19  }
0x79: {  	v19 =	vsel vm4, v20, v19;
	v18 =	vsel vm4, v32, v18  }
0x7a: {  	(xrf1) =	vsort.ascd.msk.f32 $0xffff, v19, v18;
	v18 =	vld [tilespmem:s17+$0x2850]  }
0x7b: {  	v19 =	vld [tilespmem:s17+$0x5050];
	_ =	sdelay $0x1  }
0x7c: {  	v20, v33, _ =	vpop (xrf1)  }
0x7d: {  	v20 =	vperm.xlane v20, v1;
	v35, v34, _ =	vpop (xrf1)  }
0x7e: {  	v21 =	vperm.xlane v33, v1;
	(xrf1) =	vsort.ascd.msk.f32 $0xffff, v18, v6;
	v36, v37, _ =	vpop (xrf1)  }
0x7f: {  	vm5 =	vle.f32 v35, v20;
	(xrf1) =	vsort.ascd.msk.f32 $0xffff, v19, v6;
	v24 =	vperm.xlane v36, v1  }
0x80: {  	v25 =	vperm.xlane v37, v1;
	v20 =	vsel vm5, v35, v20;
	v21 =	vsel vm5, v34, v21;
	v38, v39, _ =	vpop (xrf1)  }
0x81: {  	(xrf1) =	vsort.ascd.msk.f32 $0xffff, v20, v21;
	vm6 =	vle.f32 v38, v24  }
0x82: {  	v40 =	vsel vm6, v38, v24;
	v41 =	vsel vm6, v39, v25  }
0x83: {  	v18 =	vld [tilespmem:s18+$0x60];
	(xrf1) =	vsort.ascd.msk.f32 $0xffff, v40, v41;
	_ =	sdelay $0x1  }
0x84: {  	v19, v20, _ =	vpop (xrf1)  }
0x85: {  	v19 =	vperm.xlane v19, v1  }
0x86: {  	v20 =	vperm.xlane v20, v1;
	v21, v22, _ =	vpop (xrf1)  }
0x87: {  	(xrf1) =	vsort.ascd.msk.f32 $0xffff, v18, v7;
	vm7 =	vle.f32 v21, v19  }
0x88: {  	v18 =	vsel vm7, v21, v19;
	v19 =	vsel vm7, v22, v20  }
0x89: {  	(xrf1) =	vsort.ascd.msk.f32 $0xffff, v18, v19  }
0x8a: {  	v18 =	vld [tilespmem:s17+$0x2860]  }
0x8b: {  	v19 =	vld [tilespmem:s17+$0x5060]  }
0x8c: {  	v20, v42, _ =	vpop (xrf1)  }
0x8d: {  	v20 =	vperm.xlane v20, v1;
	v44, v43, _ =	vpop (xrf1)  }
0x8e: {  	v21 =	vperm.xlane v42, v1;
	v22 =	vperm.xlane v44, v1;
	v45, v46, _ =	vpop (xrf1)  }
0x8f: {  	v23 =	vperm.xlane v43, v1;
	(xrf1) =	vsort.ascd.msk.f32 $0xffff, v18, v7;
	vm8 =	vle.f32 v45, v20  }
0x90: {  	(xrf1) =	vsort.ascd.msk.f32 $0xffff, v19, v7;
	v20 =	vsel vm8, v45, v20;
	v21 =	vsel vm8, v46, v21;
	v47, v48, _ =	vpop (xrf1)  }
0x91: {  	(xrf1) =	vsort.ascd.msk.f32 $0xffff, v20, v21;
	vm9 =	vle.f32 v47, v22  }
0x92: {  	v49 =	vsel vm9, v47, v22;
	v50 =	vsel vm9, v48, v23  }
0x93: {  	v18 =	vld [tilespmem:s18+$0x70];
	(xrf1) =	vsort.ascd.msk.f32 $0xffff, v49, v50;
	_ =	sdelay $0x1  }
0x94: {  	v19, v20, _ =	vpop (xrf1)  }
0x95: {  	v19 =	vperm.xlane v19, v1  }
0x96: {  	v20 =	vperm.xlane v20, v1;
	v21, v22, _ =	vpop (xrf1)  }
0x97: {  	(xrf1) =	vsort.ascd.msk.f32 $0xffff, v18, v8;
	vm10 =	vle.f32 v21, v19  }
0x98: {  	v18 =	vsel vm10, v21, v19;
	v19 =	vsel vm10, v22, v20  }
0x99: {  	(xrf1) =	vsort.ascd.msk.f32 $0xffff, v18, v19  }
0x9a: {  	v18 =	vld [tilespmem:s17+$0x2870]  }
0x9b: {  	v19 =	vld [tilespmem:s17+$0x5070]  }
0x9c: {  	v20, v51, _ =	vpop (xrf1)  }
0x9d: {  	v20 =	vperm.xlane v20, v1;
	v53, v52, _ =	vpop (xrf1)  }
0x9e: {  	v21 =	vperm.xlane v51, v1;
	v22 =	vperm.xlane v53, v1;
	v54, v55, _ =	vpop (xrf1)  }
0x9f: {  	v23 =	vperm.xlane v52, v1;
	(xrf1) =	vsort.ascd.msk.f32 $0xffff, v18, v8;
	vm11 =	vle.f32 v54, v20  }
0xa0: {  	(xrf1) =	vsort.ascd.msk.f32 $0xffff, v19, v8;
	v20 =	vsel vm11, v54, v20;
	v21 =	vsel vm11, v55, v21;
	v56, v57, _ =	vpop (xrf1)  }
0xa1: {  	(xrf1) =	vsort.ascd.msk.f32 $0xffff, v20, v21;
	vm12 =	vle.f32 v56, v22  }
0xa2: {  	v58 =	vsel vm12, v56, v22;
	v59 =	vsel vm12, v57, v23  }
0xa3: {  	v18 =	vld [tilespmem:s18+$0x400];
	(xrf1) =	vsort.ascd.msk.f32 $0xffff, v58, v59;
	_ =	sdelay $0x1  }
0xa4: {  	v19, v20, _ =	vpop (xrf1)  }
0xa5: {  	v19 =	vperm.xlane v19, v1  }
0xa6: {  	v20 =	vperm.xlane v20, v1;
	v21, v22, _ =	vpop (xrf1)  }
0xa7: {  	(xrf1) =	vsort.ascd.msk.f32 $0xffff, v18, v9;
	vm13 =	vle.f32 v21, v19  }
0xa8: {  	v18 =	vsel vm13, v21, v19;
	v19 =	vsel vm13, v22, v20  }
0xa9: {  	(xrf1) =	vsort.ascd.msk.f32 $0xffff, v18, v19  }
0xaa: {  	v18 =	vld [tilespmem:s17+$0x2C00]  }
0xab: {  	v19 =	vld [tilespmem:s17+$0x5400]  }
0xac: {  	v20, v60, _ =	vpop (xrf1)  }
0xad: {  	v20 =	vperm.xlane v20, v1;
	v62, v61, _ =	vpop (xrf1)  }
0xae: {  	v21 =	vperm.xlane v60, v1;
	v22 =	vperm.xlane v62, v1;
	v63, v28, _ =	vpop (xrf1)  }
0xaf: {  	v23 =	vperm.xlane v61, v1;
	(xrf1) =	vsort.ascd.msk.f32 $0xffff, v18, v9;
	vm14 =	vle.f32 v63, v20  }
0xb0: {  	(xrf1) =	vsort.ascd.msk.f32 $0xffff, v19, v9;
	v20 =	vsel vm14, v63, v20;
	v21 =	vsel vm14, v28, v21;
	v29, v30, _ =	vpop (xrf1)  }
0xb1: {  	(xrf1) =	vsort.ascd.msk.f32 $0xffff, v20, v21;
	vm15 =	vle.f32 v29, v22  }
0xb2: {  	v31 =	vsel vm15, v29, v22;
	v32 =	vsel vm15, v30, v23  }
0xb3: {  	v18 =	vld [tilespmem:s18+$0x410];
	(xrf1) =	vsort.ascd.msk.f32 $0xffff, v31, v32;
	_ =	sdelay $0x1  }
0xb4: {  	v19, v20, _ =	vpop (xrf1)  }
0xb5: {  	v19 =	vperm.xlane v19, v1  }
0xb6: {  	v20 =	vperm.xlane v20, v1;
	v21, v22, _ =	vpop (xrf1)  }
0xb7: {  	(xrf1) =	vsort.ascd.msk.f32 $0xffff, v18, v10;
	vm4 =	vle.f32 v21, v19  }
0xb8: {  	v18 =	vsel vm4, v21, v19;
	v19 =	vsel vm4, v22, v20  }
0xb9: {  	(xrf1) =	vsort.ascd.msk.f32 $0xffff, v18, v19  }
0xba: {  	v18 =	vld [tilespmem:s17+$0x2C10]  }
0xbb: {  	v19 =	vld [tilespmem:s17+$0x5410]  }
0xbc: {  	v20, v33, _ =	vpop (xrf1)  }
0xbd: {  	v20 =	vperm.xlane v20, v1;
	v35, v34, _ =	vpop (xrf1)  }
0xbe: {  	v21 =	vperm.xlane v33, v1;
	v22 =	vperm.xlane v35, v1;
	v36, v37, _ =	vpop (xrf1)  }
0xbf: {  	v23 =	vperm.xlane v34, v1;
	(xrf1) =	vsort.ascd.msk.f32 $0xffff, v18, v10;
	vm5 =	vle.f32 v36, v20  }
0xc0: {  	(xrf1) =	vsort.ascd.msk.f32 $0xffff, v19, v10;
	v20 =	vsel vm5, v36, v20;
	v21 =	vsel vm5, v37, v21;
	v38, v39, _ =	vpop (xrf1)  }
0xc1: {  	(xrf1) =	vsort.ascd.msk.f32 $0xffff, v20, v21;
	vm6 =	vle.f32 v38, v22  }
0xc2: {  	v40 =	vsel vm6, v38, v22;
	v41 =	vsel vm6, v39, v23  }
0xc3: {  	v18 =	vld [tilespmem:s18+$0x420];
	(xrf1) =	vsort.ascd.msk.f32 $0xffff, v40, v41;
	_ =	sdelay $0x1  }
0xc4: {  	v19, v20, _ =	vpop (xrf1)  }
0xc5: {  	v19 =	vperm.xlane v19, v1  }
0xc6: {  	v20 =	vperm.xlane v20, v1;
	v21, v22, _ =	vpop (xrf1)  }
0xc7: {  	(xrf1) =	vsort.ascd.msk.f32 $0xffff, v18, v11;
	vm7 =	vle.f32 v21, v19  }
0xc8: {  	v18 =	vsel vm7, v21, v19;
	v19 =	vsel vm7, v22, v20  }
0xc9: {  	(xrf1) =	vsort.ascd.msk.f32 $0xffff, v18, v19  }
0xca: {  	v18 =	vld [tilespmem:s17+$0x2C20]  }
0xcb: {  	v19 =	vld [tilespmem:s17+$0x5420]  }
0xcc: {  	v20, v42, _ =	vpop (xrf1)  }
0xcd: {  	v20 =	vperm.xlane v20, v1;
	v44, v43, _ =	vpop (xrf1)  }
0xce: {  	v21 =	vperm.xlane v42, v1;
	v22 =	vperm.xlane v44, v1;
	v45, v46, _ =	vpop (xrf1)  }
0xcf: {  	v23 =	vperm.xlane v43, v1;
	(xrf1) =	vsort.ascd.msk.f32 $0xffff, v18, v11;
	vm8 =	vle.f32 v45, v20  }
0xd0: {  	(xrf1) =	vsort.ascd.msk.f32 $0xffff, v19, v11;
	v20 =	vsel vm8, v45, v20;
	v21 =	vsel vm8, v46, v21;
	v47, v48, _ =	vpop (xrf1)  }
0xd1: {  	(xrf1) =	vsort.ascd.msk.f32 $0xffff, v20, v21;
	vm9 =	vle.f32 v47, v22  }
0xd2: {  	v49 =	vsel vm9, v47, v22;
	v50 =	vsel vm9, v48, v23  }
0xd3: {  	v18 =	vld [tilespmem:s18+$0x430];
	(xrf1) =	vsort.ascd.msk.f32 $0xffff, v49, v50;
	_ =	sdelay $0x1  }
0xd4: {  	v19, v20, _ =	vpop (xrf1)  }
0xd5: {  	v19 =	vperm.xlane v19, v1  }
0xd6: {  	v20 =	vperm.xlane v20, v1;
	v21, v22, _ =	vpop (xrf1)  }
0xd7: {  	(xrf1) =	vsort.ascd.msk.f32 $0xffff, v18, v12;
	vm10 =	vle.f32 v21, v19  }
0xd8: {  	v18 =	vsel vm10, v21, v19;
	v19 =	vsel vm10, v22, v20  }
0xd9: {  	(xrf1) =	vsort.ascd.msk.f32 $0xffff, v18, v19  }
0xda: {  	v18 =	vld [tilespmem:s17+$0x2C30]  }
0xdb: {  	v19 =	vld [tilespmem:s17+$0x5430]  }
0xdc: {  	v20, v51, _ =	vpop (xrf1)  }
0xdd: {  	v20 =	vperm.xlane v20, v1;
	v53, v52, _ =	vpop (xrf1)  }
0xde: {  	v21 =	vperm.xlane v51, v1;
	v22 =	vperm.xlane v53, v1;
	v54, v55, _ =	vpop (xrf1)  }
0xdf: {  	v23 =	vperm.xlane v52, v1;
	(xrf1) =	vsort.ascd.msk.f32 $0xffff, v18, v12;
	vm11 =	vle.f32 v54, v20  }
0xe0: {  	(xrf1) =	vsort.ascd.msk.f32 $0xffff, v19, v12;
	v20 =	vsel vm11, v54, v20;
	v21 =	vsel vm11, v55, v21;
	v56, v57, _ =	vpop (xrf1)  }
0xe1: {  	(xrf1) =	vsort.ascd.msk.f32 $0xffff, v20, v21;
	vm12 =	vle.f32 v56, v22  }
0xe2: {  	v58 =	vsel vm12, v56, v22;
	v59 =	vsel vm12, v57, v23  }
0xe3: {  	v18 =	vld [tilespmem:s18+$0x440];
	(xrf1) =	vsort.ascd.msk.f32 $0xffff, v58, v59;
	_ =	sdelay $0x1  }
0xe4: {  	v19, v20, _ =	vpop (xrf1)  }
0xe5: {  	v19 =	vperm.xlane v19, v1  }
0xe6: {  	v20 =	vperm.xlane v20, v1;
	v21, v22, _ =	vpop (xrf1)  }
0xe7: {  	(xrf1) =	vsort.ascd.msk.f32 $0xffff, v18, v13;
	vm13 =	vle.f32 v21, v19  }
0xe8: {  	v18 =	vsel vm13, v21, v19;
	v19 =	vsel vm13, v22, v20  }
0xe9: {  	(xrf1) =	vsort.ascd.msk.f32 $0xffff, v18, v19  }
0xea: {  	v18 =	vld [tilespmem:s17+$0x2C40]  }
0xeb: {  	v19 =	vld [tilespmem:s17+$0x5440]  }
0xec: {  	v20, v60, _ =	vpop (xrf1)  }
0xed: {  	v20 =	vperm.xlane v20, v1;
	v62, v61, _ =	vpop (xrf1)  }
0xee: {  	v21 =	vperm.xlane v60, v1;
	v22 =	vperm.xlane v62, v1;
	v63, v28, _ =	vpop (xrf1)  }
0xef: {  	v23 =	vperm.xlane v61, v1;
	(xrf1) =	vsort.ascd.msk.f32 $0xffff, v18, v13;
	vm14 =	vle.f32 v63, v20  }
0xf0: {  	(xrf1) =	vsort.ascd.msk.f32 $0xffff, v19, v13;
	v20 =	vsel vm14, v63, v20;
	v21 =	vsel vm14, v28, v21;
	v29, v30, _ =	vpop (xrf1)  }
0xf1: {  	(xrf1) =	vsort.ascd.msk.f32 $0xffff, v20, v21;
	vm15 =	vle.f32 v29, v22  }
0xf2: {  	v31 =	vsel vm15, v29, v22;
	v32 =	vsel vm15, v30, v23  }
0xf3: {  	v18 =	vld [tilespmem:s18+$0x450];
	(xrf1) =	vsort.ascd.msk.f32 $0xffff, v31, v32;
	_ =	sdelay $0x1  }
0xf4: {  	v19, v20, _ =	vpop (xrf1)  }
0xf5: {  	v19 =	vperm.xlane v19, v1  }
0xf6: {  	v20 =	vperm.xlane v20, v1;
	v21, v22, _ =	vpop (xrf1)  }
0xf7: {  	(xrf1) =	vsort.ascd.msk.f32 $0xffff, v18, v14;
	vm4 =	vle.f32 v21, v19  }
0xf8: {  	v18 =	vsel vm4, v21, v19;
	v19 =	vsel vm4, v22, v20  }
0xf9: {  	(xrf1) =	vsort.ascd.msk.f32 $0xffff, v18, v19  }
0xfa: {  	v18 =	vld [tilespmem:s17+$0x2C50]  }
0xfb: {  	v19 =	vld [tilespmem:s17+$0x5450]  }
0xfc: {  	v20, v33, _ =	vpop (xrf1)  }
0xfd: {  	v20 =	vperm.xlane v20, v1;
	v35, v34, _ =	vpop (xrf1)  }
0xfe: {  	v21 =	vperm.xlane v33, v1;
	v22 =	vperm.xlane v35, v1;
	v36, v37, _ =	vpop (xrf1)  }
0xff: {  	v23 =	vperm.xlane v34, v1;
	(xrf1) =	vsort.ascd.msk.f32 $0xffff, v18, v14;
	vm5 =	vle.f32 v36, v20  }
0x100: {  	(xrf1) =	vsort.ascd.msk.f32 $0xffff, v19, v14;
	v20 =	vsel vm5, v36, v20;
	v21 =	vsel vm5, v37, v21;
	v38, v39, _ =	vpop (xrf1)  }
0x101: {  	(xrf1) =	vsort.ascd.msk.f32 $0xffff, v20, v21;
	vm6 =	vle.f32 v38, v22  }
0x102: {  	v40 =	vsel vm6, v38, v22;
	v41 =	vsel vm6, v39, v23  }
0x103: {  	v18 =	vld [tilespmem:s18+$0x460];
	(xrf1) =	vsort.ascd.msk.f32 $0xffff, v40, v41;
	_ =	sdelay $0x1  }
0x104: {  	v19, v20, _ =	vpop (xrf1)  }
0x105: {  	v19 =	vperm.xlane v19, v1  }
0x106: {  	v20 =	vperm.xlane v20, v1;
	v21, v22, _ =	vpop (xrf1)  }
0x107: {  	(xrf1) =	vsort.ascd.msk.f32 $0xffff, v18, v15;
	vm7 =	vle.f32 v21, v19  }
0x108: {  	v18 =	vsel vm7, v21, v19;
	v19 =	vsel vm7, v22, v20  }
0x109: {  	(xrf1) =	vsort.ascd.msk.f32 $0xffff, v18, v19  }
0x10a: {  	v18 =	vld [tilespmem:s17+$0x2C60]  }
0x10b: {  	v19 =	vld [tilespmem:s17+$0x5460]  }
0x10c: {  	v20, v42, _ =	vpop (xrf1)  }
0x10d: {  	v20 =	vperm.xlane v20, v1;
	v44, v43, _ =	vpop (xrf1)  }
0x10e: {  	v21 =	vperm.xlane v42, v1;
	v22 =	vperm.xlane v44, v1;
	v45, v46, _ =	vpop (xrf1)  }
0x10f: {  	v23 =	vperm.xlane v43, v1;
	(xrf1) =	vsort.ascd.msk.f32 $0xffff, v18, v15;
	vm8 =	vle.f32 v45, v20  }
0x110: {  	(xrf1) =	vsort.ascd.msk.f32 $0xffff, v19, v15;
	v20 =	vsel vm8, v45, v20;
	v21 =	vsel vm8, v46, v21;
	v47, v48, _ =	vpop (xrf1)  }
0x111: {  	(xrf1) =	vsort.ascd.msk.f32 $0xffff, v20, v21;
	vm9 =	vle.f32 v47, v22  }
0x112: {  	v49 =	vsel vm9, v47, v22;
	v50 =	vsel vm9, v48, v23  }
0x113: {  	v18 =	vld [tilespmem:s18+$0x470];
	(xrf1) =	vsort.ascd.msk.f32 $0xffff, v49, v50;
	_ =	sdelay $0x1  }
0x114: {  	v19, v20, _ =	vpop (xrf1)  }
0x115: {  	v19 =	vperm.xlane v19, v1  }
0x116: {  	v20 =	vperm.xlane v20, v1;
	v21, v22, _ =	vpop (xrf1)  }
0x117: {  	(xrf1) =	vsort.ascd.msk.f32 $0xffff, v18, v16;
	vm10 =	vle.f32 v21, v19  }
0x118: {  	v18 =	vsel vm10, v21, v19;
	v19 =	vsel vm10, v22, v20  }
0x119: {  	(xrf1) =	vsort.ascd.msk.f32 $0xffff, v18, v19  }
0x11a: {  	v18 =	vld [tilespmem:s17+$0x2C70]  }
0x11b: {  	v19 =	vld [tilespmem:s17+$0x5470]  }
0x11c: {  	v20, v51, _ =	vpop (xrf1)  }
0x11d: {  	v20 =	vperm.xlane v20, v1;
	v53, v52, _ =	vpop (xrf1)  }
0x11e: {  	v21 =	vperm.xlane v51, v1;
	v22 =	vperm.xlane v53, v1;
	v54, v55, _ =	vpop (xrf1)  }
0x11f: {  	v23 =	vperm.xlane v52, v1;
	(xrf1) =	vsort.ascd.msk.f32 $0xffff, v18, v16;
	vm11 =	vle.f32 v54, v20  }
0x120: {  	(xrf1) =	vsort.ascd.msk.f32 $0xffff, v19, v16;
	v18 =	vsel vm11, v54, v20;
	v20 =	vsel vm11, v55, v21;
	v57, v56, _ =	vpop (xrf1)  }
0x121: {  	(xrf1) =	vsort.ascd.msk.f32 $0xffff, v18, v20;
	vm12 =	vle.f32 v57, v22  }
0x122: {  	v20 =	vsel vm12, v57, v22;
	v58 =	vsel vm12, v56, v23  }
0x123: {  	(xrf1) =	vsort.ascd.msk.f32 $0xffff, v20, v58;
	_ =	sdelay $0x1  }
0x124: {  	v18, v19, _ =	vpop (xrf1)  }
0x125: {  	v18 =	vperm.xlane v18, v1  }
0x126: {  	v19 =	vperm.xlane v19, v1;
	v20, v21, _ =	vpop (xrf1)  }
0x127: {  	vm13 =	vle.f32 v20, v18  }
0x128: {  	v19 =	vsel vm13, v21, v19  }
0x129: {  	v18 =	vsel vm13, v20, v18;
	_ =	sdelay $0x2  }
0x12a: {  	(xrf1) =	vsort.ascd.msk.f32 $0xffff, v18, v19;
	v18, v19, _ =	vpop (xrf1)  }
0x12b: {  	v18 =	vperm.xlane v18, v1;
	v20, v59, _ =	vpop (xrf1)  }
0x12c: {  	v19 =	vperm.xlane v19, v1;
	v60, v61, _ =	vpop (xrf1)  }
0x12d: {  	v20 =	vperm.xlane v20, v1;
	vm14 =	vle.f32 v60, v18  }
0x12e: {  	v21 =	vperm.xlane v59, v1;
	v18 =	vsel vm14, v60, v18;
	v19 =	vsel vm14, v61, v19;
	v63, v62, _ =	vpop (xrf1)  }
0x12f: {  	(xrf1) =	vsort.ascd.msk.f32 $0xffff, v18, v19;
	vm15 =	vle.f32 v63, v20  }
0x130: {  	v18 =	vsel vm15, v63, v20;
	v19 =	vsel vm15, v62, v21  }
0x131: {  	(xrf1) =	vsort.ascd.msk.f32 $0xffff, v18, v19;
	_ =	sdelay $0x6  }
0x132: {  	_, v18, _ =	vpop (xrf1)  }
0x133: {  	v18 =	vadd.s32 v17, v18  }
0x134: {  	v19 =	vxor.u32 $0x80000000, v18  }
0x135: {  	(xrf1) =	vsort.ascd.msk.u32 $0xffff, v19, v18;
	_ =	sdelay $0x1  }
0x136: {  	_, v18, _ =	vpop (xrf1)  }
0x137: {  	v18 =	vadd.s32 v17, v18  }
0x138: {  	v20 =	vxor.u32 $0x80000000, v18;
	_, v19, _ =	vpop (xrf1)  }
0x139: {  	(xrf1) =	vsort.ascd.msk.u32 $0xffff, v20, v18;
	v19 =	vadd.s32 v17, v19  }
0x13a: {  	v18 =	vxor.u32 $0x80000000, v19  }
0x13b: {  	(xrf1) =	vsort.ascd.msk.u32 $0xffff, v18, v19;
	_ =	sdelay $0x5  }
0x13c: {  	s21 =	smov.u32 s12;
	s20 =	smov.u32 s10  }
0x13d: {  	s19 =	simm.s32 $0x80;
	s18 =	simm.s32 $0x78E0;
	s17 =	simm.s32 $0x78E0;
	v18, _, _ =	vpop (xrf1)  }
.LBB2_3:
0x13e: {  	s20 =	sadd.s32 $0x100, s20;
	s21 =	sadd.s32 $0x100, s21;
	s18 =	sadd.s32 $0x8, s18  }
0x13f: {  	p0 =	sne.s32 s19, $0xD80;
	s22 =	smov.u32 s19;
	s19 =	sadd.s32 $0x80, s19  }
0x140: {  	_ =	sdelay $0x1  }
0x141: {  	v19, _, _ =	vpop (xrf1)  }
0x142: {  	v20 =	vxor.u32 $0x80000000, v19  }
0x143: {  	v18 =	vxor.u32 $0x80000000, v18;
	[tilespmem:s17+$0x0] =	vst.msk $0xff, v20;
	v19, _, _ =	vpop (xrf1)  }
0x144: {  	[tilespmem:s17+$0xFFFFFF20] =	vst.msk $0xff, v18;
	v18 =	vxor.u32 $0x80000000, v19  }
0x145: {  	[tilespmem:s17+$0xE0] =	vst.msk $0xff, v18;
	s17 =	smov.u32 s18;
	_ =	sdelay $0x7  }
0x146: {  	s23 =	sand.u32 $0xFFFFF800, s21;
	s24 =	sadd.s32 s22, s11;
	s22 =	sadd.s32 s22, s9  }
0x147: {  	s25 =	sand.u32 $0x3800, s20;
	s24 =	sand.u32 $0x380, s24;
	s22 =	sand.u32 $0x380, s22  }
0x148: {  	s23 =	sor.u32 s24, s23;
	s22 =	sor.u32 s22, s25  }
0x149: {  	v18 =	vld [tilespmem:s22+$0x5000]  }
0x14a: {  	v19 =	vld [tilespmem:s23+$0x0]  }
0x14b: {  	v20 =	vld [tilespmem:s22+$0x2800];
	_ =	sdelay $0x2  }
0x14c: {  	(xrf1) =	vsort.ascd.msk.f32 $0xffff, v18, v0  }
0x14d: {  	(xrf1) =	vsort.ascd.msk.f32 $0xffff, v19, v0  }
0x14e: {  	(xrf1) =	vsort.ascd.msk.f32 $0xffff, v20, v0;
	_ =	sdelay $0x8  }
0x14f: {  	v18 =	vld [tilespmem:s22+$0x2810]  }
0x150: {  	v19 =	vld [tilespmem:s22+$0x5010]  }
0x151: {  	v20 =	vld [tilespmem:s23+$0x10]  }
0x152: {  	v21, v22, _ =	vpop (xrf1)  }
0x153: {  	v21 =	vperm.xlane v21, v1;
	v22 =	vperm.xlane v22, v1;
	v23, v24, _ =	vpop (xrf1)  }
0x154: {  	v23 =	vperm.xlane v23, v1;
	v24 =	vperm.xlane v24, v1;
	v25, v26, _ =	vpop (xrf1);
	(xrf1) =	vsort.ascd.msk.f32 $0xffff, v18, v2  }
0x155: {  	v18 =	vperm.xlane v25, v1;
	v25 =	vperm.xlane v26, v1;
	vm0 =	veq.f32 v21, $+Inf;
	(xrf1) =	vsort.ascd.msk.f32 $0xffff, v19, v2  }
0x156: {  	vm1 =	veq.f32 v23, $+Inf;
	v19 =	vsel vm0, $0x0, v22;
	(xrf1) =	vsort.ascd.msk.f32 $0xffff, v20, v2  }
0x157: {  	v20 =	vsel vm1, $0x0, v24;
	vm0 =	veq.f32 v18, $+Inf;
	(xrf1) =	vsort.ascd.msk.f32 $0xffff, v21, v19  }
0x158: {  	v19 =	vsel vm0, $0x0, v25;
	(xrf1) =	vsort.ascd.msk.f32 $0xffff, v23, v20  }
0x159: {  	(xrf1) =	vsort.ascd.msk.f32 $0xffff, v18, v19;
	_ =	sdelay $0x8  }
0x15a: {  	v18 =	vld [tilespmem:s23+$0x20];
	v19, v20, _ =	vpop (xrf1)  }
0x15b: {  	v21 =	vld [tilespmem:s22+$0x2820];
	v22, v23, _ =	vpop (xrf1)  }
0x15c: {  	v22 =	vperm.xlane v22, v1;
	v23 =	vperm.xlane v23, v1;
	v24, v25, _ =	vpop (xrf1)  }
0x15d: {  	v20 =	vperm.xlane v20, v1;
	v24 =	vperm.xlane v24, v1;
	v26 =	vld [tilespmem:s22+$0x5020];
	v27, v28, _ =	vpop (xrf1)  }
0x15e: {  	v19 =	vperm.xlane v19, v1;
	v25 =	vperm.xlane v25, v1;
	vm0 =	vle.f32 v27, v22;
	v29, v30, _ =	vpop (xrf1)  }
0x15f: {  	vm1 =	vle.f32 v29, v24;
	v22 =	vsel vm0, v27, v22;
	v27, v31, _ =	vpop (xrf1);
	(xrf1) =	vsort.ascd.msk.f32 $0xffff, v18, v3  }
0x160: {  	v18 =	vsel vm1, v29, v24;
	v24 =	vsel vm1, v30, v25;
	(xrf1) =	vsort.ascd.msk.f32 $0xffff, v21, v3  }
0x161: {  	vm1 =	vle.f32 v27, v19;
	(xrf1) =	vsort.ascd.msk.f32 $0xffff, v18, v24  }
0x162: {  	v18 =	vsel vm1, v27, v19;
	v19 =	vsel vm0, v28, v23;
	(xrf1) =	vsort.ascd.msk.f32 $0xffff, v26, v3  }
0x163: {  	v20 =	vsel vm1, v31, v20;
	(xrf1) =	vsort.ascd.msk.f32 $0xffff, v22, v19  }
0x164: {  	(xrf1) =	vsort.ascd.msk.f32 $0xffff, v18, v20;
	_ =	sdelay $0x6  }
0x165: {  	v18 =	vld [tilespmem:s23+$0x30];
	_ =	sdelay $0x1  }
0x166: {  	v19, v20, _ =	vpop (xrf1)  }
0x167: {  	v19 =	vperm.xlane v19, v1;
	v21, v22, _ =	vpop (xrf1)  }
0x168: {  	v20 =	vperm.xlane v20, v1;
	v23 =	vld [tilespmem:s22+$0x2830];
	v24, v25, _ =	vpop (xrf1)  }
0x169: {  	vm0 =	vle.f32 v24, v19;
	v26 =	vld [tilespmem:s22+$0x5030];
	v27, v28, _ =	vpop (xrf1);
	(xrf1) =	vsort.ascd.msk.f32 $0xffff, v18, v4  }
0x16a: {  	v18 =	vsel vm0, v24, v19;
	v19 =	vsel vm0, v25, v20;
	v20 =	vperm.xlane v21, v1;
	v21, v24, _ =	vpop (xrf1)  }
0x16b: {  	v22 =	vperm.xlane v22, v1;
	v25 =	vperm.xlane v27, v1;
	v27, v29, _ =	vpop (xrf1);
	(xrf1) =	vsort.ascd.msk.f32 $0xffff, v18, v19  }
0x16c: {  	v18 =	vperm.xlane v28, v1;
	vm0 =	vle.f32 v27, v20  }
0x16d: {  	vm1 =	vle.f32 v21, v25;
	v19 =	vsel vm0, v27, v20;
	(xrf1) =	vsort.ascd.msk.f32 $0xffff, v23, v4  }
0x16e: {  	v20 =	vsel vm0, v29, v22;
	v21 =	vsel vm1, v21, v25;
	(xrf1) =	vsort.ascd.msk.f32 $0xffff, v26, v4  }
0x16f: {  	v18 =	vsel vm1, v24, v18;
	(xrf1) =	vsort.ascd.msk.f32 $0xffff, v19, v20  }
0x170: {  	(xrf1) =	vsort.ascd.msk.f32 $0xffff, v21, v18;
	_ =	sdelay $0x4  }
0x171: {  	v18 =	vld [tilespmem:s23+$0x40];
	_ =	sdelay $0x1  }
0x172: {  	v19, v20, _ =	vpop (xrf1)  }
0x173: {  	v27 =	vperm.xlane v19, v1;
	v20 =	vperm.xlane v20, v1  }
0x174: {  	v22, v23, _ =	vpop (xrf1)  }
0x175: {  	v21 =	vld [tilespmem:s22+$0x2840];
	vm0 =	vle.f32 v22, v27  }
0x176: {  	v24 =	vld [tilespmem:s22+$0x5040];
	(xrf1) =	vsort.ascd.msk.f32 $0xffff, v18, v5;
	v27 =	vsel vm0, v22, v27  }
0x177: {  	v26 =	vsel vm0, v23, v20;
	v20, v22, _ =	vpop (xrf1)  }
0x178: {  	v20 =	vperm.xlane v20, v1;
	(xrf1) =	vsort.ascd.msk.f32 $0xffff, v27, v26;
	v18, v19, _ =	vpop (xrf1)  }
0x179: {  	v22 =	vperm.xlane v22, v1;
	v18 =	vperm.xlane v18, v1;
	v23, v25, _ =	vpop (xrf1)  }
0x17a: {  	v19 =	vperm.xlane v19, v1;
	vm0 =	vle.f32 v23, v20;
	v26, v27, _ =	vpop (xrf1);
	(xrf1) =	vsort.ascd.msk.f32 $0xffff, v21, v5  }
0x17b: {  	v20 =	vsel vm0, v23, v20;
	v21 =	vsel vm0, v25, v22;
	vm0 =	vle.f32 v26, v18  }
0x17c: {  	v18 =	vsel vm0, v26, v18;
	v19 =	vsel vm0, v27, v19;
	(xrf1) =	vsort.ascd.msk.f32 $0xffff, v20, v21  }
0x17d: {  	(xrf1) =	vsort.ascd.msk.f32 $0xffff, v24, v5  }
0x17e: {  	(xrf1) =	vsort.ascd.msk.f32 $0xffff, v18, v19;
	_ =	sdelay $0x3  }
0x17f: {  	v18 =	vld [tilespmem:s23+$0x50];
	_ =	sdelay $0x1  }
0x180: {  	v19, v20, _ =	vpop (xrf1)  }
0x181: {  	v19 =	vperm.xlane v19, v1  }
0x182: {  	v20 =	vperm.xlane v20, v1;
	v21, v22, _ =	vpop (xrf1)  }
0x183: {  	vm0 =	vle.f32 v21, v19;
	v23 =	vld [tilespmem:s22+$0x2850];
	(xrf1) =	vsort.ascd.msk.f32 $0xffff, v18, v6  }
0x184: {  	v18 =	vsel vm0, v21, v19;
	v24 =	vsel vm0, v22, v20;
	v20 =	vld [tilespmem:s22+$0x5050];
	v21, v22, _ =	vpop (xrf1)  }
0x185: {  	v21 =	vperm.xlane v21, v1;
	(xrf1) =	vsort.ascd.msk.f32 $0xffff, v18, v24  }
0x186: {  	v18 =	vperm.xlane v22, v1;
	v19, v22, _ =	vpop (xrf1)  }
0x187: {  	vm0 =	vle.f32 v19, v21;
	v24, v25, _ =	vpop (xrf1)  }
0x188: {  	v24 =	vperm.xlane v24, v1;
	v25 =	vperm.xlane v25, v1;
	v26, v27, _ =	vpop (xrf1);
	(xrf1) =	vsort.ascd.msk.f32 $0xffff, v23, v6  }
0x189: {  	v19 =	vsel vm0, v19, v21;
	v18 =	vsel vm0, v22, v18;
	(xrf1) =	vsort.ascd.msk.f32 $0xffff, v20, v6  }
0x18a: {  	vm0 =	vle.f32 v26, v24;
	(xrf1) =	vsort.ascd.msk.f32 $0xffff, v19, v18  }
0x18b: {  	v18 =	vsel vm0, v26, v24;
	v19 =	vsel vm0, v27, v25  }
0x18c: {  	(xrf1) =	vsort.ascd.msk.f32 $0xffff, v18, v19;
	_ =	sdelay $0x2  }
0x18d: {  	v18 =	vld [tilespmem:s23+$0x60];
	_ =	sdelay $0x1  }
0x18e: {  	v19, v20, _ =	vpop (xrf1)  }
0x18f: {  	v26 =	vperm.xlane v19, v1  }
0x190: {  	v20 =	vperm.xlane v20, v1;
	v21, v22, _ =	vpop (xrf1)  }
0x191: {  	vm0 =	vle.f32 v21, v26  }
0x192: {  	v23 =	vld [tilespmem:s22+$0x2860];
	(xrf1) =	vsort.ascd.msk.f32 $0xffff, v18, v7;
	v25 =	vsel vm0, v22, v20  }
0x193: {  	v24 =	vsel vm0, v21, v26;
	v20 =	vld [tilespmem:s22+$0x5060]  }
0x194: {  	(xrf1) =	vsort.ascd.msk.f32 $0xffff, v24, v25;
	v18, v19, _ =	vpop (xrf1)  }
0x195: {  	v18 =	vperm.xlane v18, v1;
	v21, v22, _ =	vpop (xrf1)  }
0x196: {  	v19 =	vperm.xlane v19, v1;
	v21 =	vperm.xlane v21, v1;
	v24, v25, _ =	vpop (xrf1)  }
0x197: {  	v22 =	vperm.xlane v22, v1;
	vm0 =	vle.f32 v24, v18;
	(xrf1) =	vsort.ascd.msk.f32 $0xffff, v23, v7  }
0x198: {  	v18 =	vsel vm0, v24, v18;
	v19 =	vsel vm0, v25, v19;
	v23, v24, _ =	vpop (xrf1);
	(xrf1) =	vsort.ascd.msk.f32 $0xffff, v20, v7  }
0x199: {  	vm0 =	vle.f32 v23, v21;
	(xrf1) =	vsort.ascd.msk.f32 $0xffff, v18, v19  }
0x19a: {  	v18 =	vsel vm0, v23, v21;
	v19 =	vsel vm0, v24, v22  }
0x19b: {  	(xrf1) =	vsort.ascd.msk.f32 $0xffff, v18, v19;
	_ =	sdelay $0x2  }
0x19c: {  	v18 =	vld [tilespmem:s23+$0x70];
	_ =	sdelay $0x1  }
0x19d: {  	v19, v20, _ =	vpop (xrf1)  }
0x19e: {  	v26 =	vperm.xlane v19, v1  }
0x19f: {  	v20 =	vperm.xlane v20, v1;
	v21, v22, _ =	vpop (xrf1)  }
0x1a0: {  	vm0 =	vle.f32 v21, v26  }
0x1a1: {  	v23 =	vld [tilespmem:s22+$0x2870];
	(xrf1) =	vsort.ascd.msk.f32 $0xffff, v18, v8;
	v25 =	vsel vm0, v22, v20  }
0x1a2: {  	v24 =	vsel vm0, v21, v26;
	v20 =	vld [tilespmem:s22+$0x5070]  }
0x1a3: {  	(xrf1) =	vsort.ascd.msk.f32 $0xffff, v24, v25;
	v18, v19, _ =	vpop (xrf1)  }
0x1a4: {  	v18 =	vperm.xlane v18, v1;
	v21, v22, _ =	vpop (xrf1)  }
0x1a5: {  	v19 =	vperm.xlane v19, v1;
	v21 =	vperm.xlane v21, v1;
	v24, v25, _ =	vpop (xrf1)  }
0x1a6: {  	v22 =	vperm.xlane v22, v1;
	vm0 =	vle.f32 v24, v18;
	(xrf1) =	vsort.ascd.msk.f32 $0xffff, v23, v8  }
0x1a7: {  	v18 =	vsel vm0, v24, v18;
	v19 =	vsel vm0, v25, v19;
	v23, v24, _ =	vpop (xrf1);
	(xrf1) =	vsort.ascd.msk.f32 $0xffff, v20, v8  }
0x1a8: {  	vm0 =	vle.f32 v23, v21;
	(xrf1) =	vsort.ascd.msk.f32 $0xffff, v18, v19  }
0x1a9: {  	v18 =	vsel vm0, v23, v21;
	v19 =	vsel vm0, v24, v22  }
0x1aa: {  	(xrf1) =	vsort.ascd.msk.f32 $0xffff, v18, v19;
	_ =	sdelay $0x2  }
0x1ab: {  	v18 =	vld [tilespmem:s23+$0x400];
	_ =	sdelay $0x1  }
0x1ac: {  	v19, v20, _ =	vpop (xrf1)  }
0x1ad: {  	v26 =	vperm.xlane v19, v1  }
0x1ae: {  	v20 =	vperm.xlane v20, v1;
	v21, v22, _ =	vpop (xrf1)  }
0x1af: {  	vm0 =	vle.f32 v21, v26  }
0x1b0: {  	v23 =	vld [tilespmem:s22+$0x2C00];
	(xrf1) =	vsort.ascd.msk.f32 $0xffff, v18, v9;
	v25 =	vsel vm0, v22, v20  }
0x1b1: {  	v24 =	vsel vm0, v21, v26;
	v20 =	vld [tilespmem:s22+$0x5400]  }
0x1b2: {  	(xrf1) =	vsort.ascd.msk.f32 $0xffff, v24, v25;
	v18, v19, _ =	vpop (xrf1)  }
0x1b3: {  	v18 =	vperm.xlane v18, v1;
	v21, v22, _ =	vpop (xrf1)  }
0x1b4: {  	v19 =	vperm.xlane v19, v1;
	v21 =	vperm.xlane v21, v1;
	v24, v25, _ =	vpop (xrf1)  }
0x1b5: {  	v22 =	vperm.xlane v22, v1;
	vm0 =	vle.f32 v24, v18;
	(xrf1) =	vsort.ascd.msk.f32 $0xffff, v23, v9  }
0x1b6: {  	v18 =	vsel vm0, v24, v18;
	v19 =	vsel vm0, v25, v19;
	v23, v24, _ =	vpop (xrf1);
	(xrf1) =	vsort.ascd.msk.f32 $0xffff, v20, v9  }
0x1b7: {  	vm0 =	vle.f32 v23, v21;
	(xrf1) =	vsort.ascd.msk.f32 $0xffff, v18, v19  }
0x1b8: {  	v18 =	vsel vm0, v23, v21;
	v19 =	vsel vm0, v24, v22  }
0x1b9: {  	(xrf1) =	vsort.ascd.msk.f32 $0xffff, v18, v19;
	_ =	sdelay $0x2  }
0x1ba: {  	v18 =	vld [tilespmem:s23+$0x410];
	_ =	sdelay $0x1  }
0x1bb: {  	v19, v20, _ =	vpop (xrf1)  }
0x1bc: {  	v26 =	vperm.xlane v19, v1  }
0x1bd: {  	v20 =	vperm.xlane v20, v1;
	v21, v22, _ =	vpop (xrf1)  }
0x1be: {  	vm0 =	vle.f32 v21, v26  }
0x1bf: {  	v23 =	vld [tilespmem:s22+$0x2C10];
	(xrf1) =	vsort.ascd.msk.f32 $0xffff, v18, v10;
	v25 =	vsel vm0, v22, v20  }
0x1c0: {  	v24 =	vsel vm0, v21, v26;
	v20 =	vld [tilespmem:s22+$0x5410]  }
0x1c1: {  	(xrf1) =	vsort.ascd.msk.f32 $0xffff, v24, v25;
	v18, v19, _ =	vpop (xrf1)  }
0x1c2: {  	v18 =	vperm.xlane v18, v1;
	v21, v22, _ =	vpop (xrf1)  }
0x1c3: {  	v19 =	vperm.xlane v19, v1;
	v21 =	vperm.xlane v21, v1;
	v24, v25, _ =	vpop (xrf1)  }
0x1c4: {  	v22 =	vperm.xlane v22, v1;
	vm0 =	vle.f32 v24, v18;
	(xrf1) =	vsort.ascd.msk.f32 $0xffff, v23, v10  }
0x1c5: {  	v18 =	vsel vm0, v24, v18;
	v19 =	vsel vm0, v25, v19;
	v23, v24, _ =	vpop (xrf1);
	(xrf1) =	vsort.ascd.msk.f32 $0xffff, v20, v10  }
0x1c6: {  	vm0 =	vle.f32 v23, v21;
	(xrf1) =	vsort.ascd.msk.f32 $0xffff, v18, v19  }
0x1c7: {  	v18 =	vsel vm0, v23, v21;
	v19 =	vsel vm0, v24, v22  }
0x1c8: {  	(xrf1) =	vsort.ascd.msk.f32 $0xffff, v18, v19;
	_ =	sdelay $0x2  }
0x1c9: {  	v18 =	vld [tilespmem:s23+$0x420];
	_ =	sdelay $0x1  }
0x1ca: {  	v19, v20, _ =	vpop (xrf1)  }
0x1cb: {  	v26 =	vperm.xlane v19, v1  }
0x1cc: {  	v20 =	vperm.xlane v20, v1;
	v21, v22, _ =	vpop (xrf1)  }
0x1cd: {  	vm0 =	vle.f32 v21, v26  }
0x1ce: {  	v23 =	vld [tilespmem:s22+$0x2C20];
	(xrf1) =	vsort.ascd.msk.f32 $0xffff, v18, v11;
	v25 =	vsel vm0, v22, v20  }
0x1cf: {  	v24 =	vsel vm0, v21, v26;
	v20 =	vld [tilespmem:s22+$0x5420]  }
0x1d0: {  	(xrf1) =	vsort.ascd.msk.f32 $0xffff, v24, v25;
	v18, v19, _ =	vpop (xrf1)  }
0x1d1: {  	v18 =	vperm.xlane v18, v1;
	v21, v22, _ =	vpop (xrf1)  }
0x1d2: {  	v19 =	vperm.xlane v19, v1;
	v21 =	vperm.xlane v21, v1;
	v24, v25, _ =	vpop (xrf1)  }
0x1d3: {  	v22 =	vperm.xlane v22, v1;
	vm0 =	vle.f32 v24, v18;
	(xrf1) =	vsort.ascd.msk.f32 $0xffff, v23, v11  }
0x1d4: {  	v18 =	vsel vm0, v24, v18;
	v19 =	vsel vm0, v25, v19;
	v23, v24, _ =	vpop (xrf1);
	(xrf1) =	vsort.ascd.msk.f32 $0xffff, v20, v11  }
0x1d5: {  	vm0 =	vle.f32 v23, v21;
	(xrf1) =	vsort.ascd.msk.f32 $0xffff, v18, v19  }
0x1d6: {  	v18 =	vsel vm0, v23, v21;
	v19 =	vsel vm0, v24, v22  }
0x1d7: {  	(xrf1) =	vsort.ascd.msk.f32 $0xffff, v18, v19;
	_ =	sdelay $0x2  }
0x1d8: {  	v18 =	vld [tilespmem:s23+$0x430];
	_ =	sdelay $0x1  }
0x1d9: {  	v19, v20, _ =	vpop (xrf1)  }
0x1da: {  	v26 =	vperm.xlane v19, v1  }
0x1db: {  	v20 =	vperm.xlane v20, v1;
	v21, v22, _ =	vpop (xrf1)  }
0x1dc: {  	vm0 =	vle.f32 v21, v26  }
0x1dd: {  	v23 =	vld [tilespmem:s22+$0x2C30];
	(xrf1) =	vsort.ascd.msk.f32 $0xffff, v18, v12;
	v25 =	vsel vm0, v22, v20  }
0x1de: {  	v24 =	vsel vm0, v21, v26;
	v20 =	vld [tilespmem:s22+$0x5430]  }
0x1df: {  	(xrf1) =	vsort.ascd.msk.f32 $0xffff, v24, v25;
	v18, v19, _ =	vpop (xrf1)  }
0x1e0: {  	v18 =	vperm.xlane v18, v1;
	v21, v22, _ =	vpop (xrf1)  }
0x1e1: {  	v19 =	vperm.xlane v19, v1;
	v21 =	vperm.xlane v21, v1;
	v24, v25, _ =	vpop (xrf1)  }
0x1e2: {  	v22 =	vperm.xlane v22, v1;
	vm0 =	vle.f32 v24, v18;
	(xrf1) =	vsort.ascd.msk.f32 $0xffff, v23, v12  }
0x1e3: {  	v18 =	vsel vm0, v24, v18;
	v19 =	vsel vm0, v25, v19;
	v23, v24, _ =	vpop (xrf1);
	(xrf1) =	vsort.ascd.msk.f32 $0xffff, v20, v12  }
0x1e4: {  	vm0 =	vle.f32 v23, v21;
	(xrf1) =	vsort.ascd.msk.f32 $0xffff, v18, v19  }
0x1e5: {  	v18 =	vsel vm0, v23, v21;
	v19 =	vsel vm0, v24, v22  }
0x1e6: {  	(xrf1) =	vsort.ascd.msk.f32 $0xffff, v18, v19;
	_ =	sdelay $0x2  }
0x1e7: {  	v18 =	vld [tilespmem:s23+$0x440];
	_ =	sdelay $0x1  }
0x1e8: {  	v19, v20, _ =	vpop (xrf1)  }
0x1e9: {  	v26 =	vperm.xlane v19, v1  }
0x1ea: {  	v20 =	vperm.xlane v20, v1;
	v21, v22, _ =	vpop (xrf1)  }
0x1eb: {  	vm0 =	vle.f32 v21, v26  }
0x1ec: {  	v23 =	vld [tilespmem:s22+$0x2C40];
	(xrf1) =	vsort.ascd.msk.f32 $0xffff, v18, v13;
	v25 =	vsel vm0, v22, v20  }
0x1ed: {  	v24 =	vsel vm0, v21, v26;
	v20 =	vld [tilespmem:s22+$0x5440]  }
0x1ee: {  	(xrf1) =	vsort.ascd.msk.f32 $0xffff, v24, v25;
	v18, v19, _ =	vpop (xrf1)  }
0x1ef: {  	v18 =	vperm.xlane v18, v1;
	v21, v22, _ =	vpop (xrf1)  }
0x1f0: {  	v19 =	vperm.xlane v19, v1;
	v21 =	vperm.xlane v21, v1;
	v24, v25, _ =	vpop (xrf1)  }
0x1f1: {  	v22 =	vperm.xlane v22, v1;
	vm0 =	vle.f32 v24, v18;
	(xrf1) =	vsort.ascd.msk.f32 $0xffff, v23, v13  }
0x1f2: {  	v18 =	vsel vm0, v24, v18;
	v19 =	vsel vm0, v25, v19;
	v23, v24, _ =	vpop (xrf1);
	(xrf1) =	vsort.ascd.msk.f32 $0xffff, v20, v13  }
0x1f3: {  	vm0 =	vle.f32 v23, v21;
	(xrf1) =	vsort.ascd.msk.f32 $0xffff, v18, v19  }
0x1f4: {  	v18 =	vsel vm0, v23, v21;
	v19 =	vsel vm0, v24, v22  }
0x1f5: {  	(xrf1) =	vsort.ascd.msk.f32 $0xffff, v18, v19;
	_ =	sdelay $0x2  }
0x1f6: {  	v18 =	vld [tilespmem:s23+$0x450];
	_ =	sdelay $0x1  }
0x1f7: {  	v19, v20, _ =	vpop (xrf1)  }
0x1f8: {  	v26 =	vperm.xlane v19, v1  }
0x1f9: {  	v20 =	vperm.xlane v20, v1;
	v21, v22, _ =	vpop (xrf1)  }
0x1fa: {  	vm0 =	vle.f32 v21, v26  }
0x1fb: {  	v23 =	vld [tilespmem:s22+$0x2C50];
	(xrf1) =	vsort.ascd.msk.f32 $0xffff, v18, v14;
	v25 =	vsel vm0, v22, v20  }
0x1fc: {  	v24 =	vsel vm0, v21, v26;
	v20 =	vld [tilespmem:s22+$0x5450]  }
0x1fd: {  	(xrf1) =	vsort.ascd.msk.f32 $0xffff, v24, v25;
	v18, v19, _ =	vpop (xrf1)  }
0x1fe: {  	v18 =	vperm.xlane v18, v1;
	v21, v22, _ =	vpop (xrf1)  }
0x1ff: {  	v19 =	vperm.xlane v19, v1;
	v21 =	vperm.xlane v21, v1;
	v24, v25, _ =	vpop (xrf1)  }
0x200: {  	v22 =	vperm.xlane v22, v1;
	vm0 =	vle.f32 v24, v18;
	(xrf1) =	vsort.ascd.msk.f32 $0xffff, v23, v14  }
0x201: {  	v18 =	vsel vm0, v24, v18;
	v19 =	vsel vm0, v25, v19;
	v23, v24, _ =	vpop (xrf1);
	(xrf1) =	vsort.ascd.msk.f32 $0xffff, v20, v14  }
0x202: {  	vm0 =	vle.f32 v23, v21;
	(xrf1) =	vsort.ascd.msk.f32 $0xffff, v18, v19  }
0x203: {  	v18 =	vsel vm0, v23, v21;
	v19 =	vsel vm0, v24, v22  }
0x204: {  	(xrf1) =	vsort.ascd.msk.f32 $0xffff, v18, v19;
	_ =	sdelay $0x2  }
0x205: {  	v18 =	vld [tilespmem:s23+$0x460];
	_ =	sdelay $0x1  }
0x206: {  	v19, v20, _ =	vpop (xrf1)  }
0x207: {  	v26 =	vperm.xlane v19, v1  }
0x208: {  	v20 =	vperm.xlane v20, v1;
	v21, v22, _ =	vpop (xrf1)  }
0x209: {  	vm0 =	vle.f32 v21, v26  }
0x20a: {  	v23 =	vld [tilespmem:s22+$0x2C60];
	(xrf1) =	vsort.ascd.msk.f32 $0xffff, v18, v15;
	v25 =	vsel vm0, v22, v20  }
0x20b: {  	v24 =	vsel vm0, v21, v26;
	v20 =	vld [tilespmem:s22+$0x5460]  }
0x20c: {  	(xrf1) =	vsort.ascd.msk.f32 $0xffff, v24, v25;
	v18, v19, _ =	vpop (xrf1)  }
0x20d: {  	v18 =	vperm.xlane v18, v1;
	v21, v22, _ =	vpop (xrf1)  }
0x20e: {  	v19 =	vperm.xlane v19, v1;
	v21 =	vperm.xlane v21, v1;
	v24, v25, _ =	vpop (xrf1)  }
0x20f: {  	v22 =	vperm.xlane v22, v1;
	vm0 =	vle.f32 v24, v18;
	(xrf1) =	vsort.ascd.msk.f32 $0xffff, v23, v15  }
0x210: {  	v18 =	vsel vm0, v24, v18;
	v19 =	vsel vm0, v25, v19;
	v23, v24, _ =	vpop (xrf1);
	(xrf1) =	vsort.ascd.msk.f32 $0xffff, v20, v15  }
0x211: {  	vm0 =	vle.f32 v23, v21;
	(xrf1) =	vsort.ascd.msk.f32 $0xffff, v18, v19  }
0x212: {  	v18 =	vsel vm0, v23, v21;
	v19 =	vsel vm0, v24, v22  }
0x213: {  	(xrf1) =	vsort.ascd.msk.f32 $0xffff, v18, v19;
	_ =	sdelay $0x2  }
0x214: {  	v18 =	vld [tilespmem:s23+$0x470];
	_ =	sdelay $0x1  }
0x215: {  	v19, v20, _ =	vpop (xrf1)  }
0x216: {  	v26 =	vperm.xlane v19, v1  }
0x217: {  	v20 =	vperm.xlane v20, v1;
	v21, v22, _ =	vpop (xrf1)  }
0x218: {  	vm0 =	vle.f32 v21, v26  }
0x219: {  	v23 =	vld [tilespmem:s22+$0x2C70];
	(xrf1) =	vsort.ascd.msk.f32 $0xffff, v18, v16;
	v25 =	vsel vm0, v22, v20  }
0x21a: {  	v24 =	vsel vm0, v21, v26;
	v20 =	vld [tilespmem:s22+$0x5470]  }
0x21b: {  	(xrf1) =	vsort.ascd.msk.f32 $0xffff, v24, v25;
	v18, v19, _ =	vpop (xrf1)  }
0x21c: {  	v18 =	vperm.xlane v18, v1;
	v21, v22, _ =	vpop (xrf1)  }
0x21d: {  	v19 =	vperm.xlane v19, v1;
	v21 =	vperm.xlane v21, v1;
	v24, v25, _ =	vpop (xrf1)  }
0x21e: {  	v22 =	vperm.xlane v22, v1;
	vm0 =	vle.f32 v24, v18;
	(xrf1) =	vsort.ascd.msk.f32 $0xffff, v23, v16  }
0x21f: {  	v18 =	vsel vm0, v24, v18;
	v19 =	vsel vm0, v25, v19;
	v23, v24, _ =	vpop (xrf1);
	(xrf1) =	vsort.ascd.msk.f32 $0xffff, v20, v16  }
0x220: {  	vm0 =	vle.f32 v23, v21;
	(xrf1) =	vsort.ascd.msk.f32 $0xffff, v18, v19  }
0x221: {  	v18 =	vsel vm0, v23, v21;
	v19 =	vsel vm0, v24, v22  }
0x222: {  	(xrf1) =	vsort.ascd.msk.f32 $0xffff, v18, v19;
	_ =	sdelay $0x4  }
0x223: {  	v18, v19, _ =	vpop (xrf1)  }
0x224: {  	v18 =	vperm.xlane v18, v1  }
0x225: {  	v24 =	vperm.xlane v19, v1;
	v20, v21, _ =	vpop (xrf1)  }
0x226: {  	vm0 =	vle.f32 v20, v18  }
0x227: {  	v22 =	vsel vm0, v20, v18;
	v24 =	vsel vm0, v21, v24  }
0x228: {  	(xrf1) =	vsort.ascd.msk.f32 $0xffff, v22, v24;
	v18, v19, _ =	vpop (xrf1)  }
0x229: {  	v18 =	vperm.xlane v18, v1;
	v20, v21, _ =	vpop (xrf1)  }
0x22a: {  	v19 =	vperm.xlane v19, v1;
	v20 =	vperm.xlane v20, v1;
	v22, v23, _ =	vpop (xrf1)  }
0x22b: {  	v21 =	vperm.xlane v21, v1;
	vm0 =	vle.f32 v22, v18  }
0x22c: {  	v18 =	vsel vm0, v22, v18;
	v19 =	vsel vm0, v23, v19;
	v22, v23, _ =	vpop (xrf1)  }
0x22d: {  	vm0 =	vle.f32 v22, v20;
	(xrf1) =	vsort.ascd.msk.f32 $0xffff, v18, v19  }
0x22e: {  	v18 =	vsel vm0, v22, v20;
	v19 =	vsel vm0, v23, v21  }
0x22f: {  	(xrf1) =	vsort.ascd.msk.f32 $0xffff, v18, v19;
	_ =	sdelay $0x6  }
0x230: {  	_, v18, _ =	vpop (xrf1)  }
0x231: {  	v18 =	vadd.s32 v17, v18  }
0x232: {  	v19 =	vxor.u32 $0x80000000, v18  }
0x233: {  	(xrf1) =	vsort.ascd.msk.u32 $0xffff, v19, v18;
	_ =	sdelay $0x1  }
0x234: {  	_, v18, _ =	vpop (xrf1)  }
0x235: {  	v18 =	vadd.s32 v17, v18  }
0x236: {  	v19 =	vxor.u32 $0x80000000, v18;
	_, v20, _ =	vpop (xrf1)  }
0x237: {  	v20 =	vadd.s32 v17, v20;
	(xrf1) =	vsort.ascd.msk.u32 $0xffff, v19, v18  }
0x238: {  	v18 =	vxor.u32 $0x80000000, v20  }
0x239: {  	(xrf1) =	vsort.ascd.msk.u32 $0xffff, v18, v20;
	_ =	sdelay $0x2  }
.Ltmp1:
0x23a: {  	(pc) =	sbr.rel @p0 .LBB2_3-.Ltmp1, $2  }
0x23b: {  	_ =	sdelay $0x2  }
0x23c: {  	v18, _, _ =	vpop (xrf1)  }
0x23d: {  	_ =	sdelay $0x3  }
0x23e: {  	v19, _, _ =	vpop (xrf1)  }
0x23f: {  	v19 =	vxor.u32 $0x80000000, v19;
	_ =	sdelay $0x2  }
0x240: {  	v18 =	vxor.u32 $0x80000000, v18;
	s16 =	sadd.s32 $0x1, s16;
	[tilespmem:s17+$0x0] =	vst.msk $0xff, v19;
	v19, _, _ =	vpop (xrf1)  }
0x241: {  	[tilespmem:s17+$0xFFFFFF20] =	vst.msk $0xff, v18;
	p0 =	sne.s32 s16, s8;
	v18 =	vxor.u32 $0x80000000, v19  }
.Ltmp2:
0x242: {  	[tilespmem:s17+$0xE0] =	vst.msk $0xff, v18;
	(pc) =	sbr.rel @p0 .LBB2_2-.Ltmp2, $4  }
0x243: {  	[hbm4b:s6+s2] =	stream.linear.scatter [tilespmem:s15], [sflag:$0x1], $0x2A0, $0x38;
	[tilespmem:$0x7B00] =	vst v63  }
0x244: {  	_ =	swait.ge [sflag:s3], $0x2A0  }
0x245: {  	[sflag:s3] =	ssyncset.done $0x0  }
0x246: {  	[sflag:s3] =	ssyncadd.s32 $0xFFFFFD60  }
.LBB2_5:
0x247: {  	_ =	sfence.sel $0x180000  }
0x248: {  	[bflag:$0x0] =	sbarrier.arrive $0xFFFF  }
0x249: {  	p0 =	sne.s32 s1, $0x0;
	_ =	strace $0x90000047  }
0x24a: {  	s0 =	sadd.s32 @!p0 $0x100000, s0;
	[bflag:$0x2] =	sbarrier.arrive $0xFFFF  }
0x24b: {  	[sflag:s0] =	ssyncadd.tile.s32 @!p0 $0x1;
	_ =	shalt  }
.Lfunc_end2:
_tile_overlayer_lowered:
.L_overlay_start_2:
0x24c: {  	(tag) =	ssettag $0x2  }
0x24d: {  	s0 =	rddreg [dreg:$0x0];
	s2 =	stileid.u32  }
0x24e: {  	s1 =	rddreg [dreg:$0x1];
	p0 =	sne.s32 s2, $0x0  }
0x24f: {  	s3 =	rddreg [dreg:$0x2];
	[bflag:$0x3] =	sbarrier.arrive $0xFFFF;
	s2 =	simm.s32 @!p0 $0x1C01  }
0x250: {  	[timem:s3], [sflag:s2] =	dma.local @!p0 [hbm:s0], s1  }
0x251: {  	s0 =	simm.s32 @!p0 $0x1  }
0x252: {  	_ =	swait.ge @!p0 [sflag:s0], s1  }
0x253: {  	s1 =	ssub.s32 @!p0 $0x0, s1;
	[sflag:s0] =	ssyncset.done @!p0 $0x0  }
0x254: {  	[sflag:s0] =	ssyncadd.s32 @!p0 s1  }
0x255: {  	[bflag:$0x3] =	sbarrier.arrive $0xFFFF  }
0x256: {  	_ =	shalt  }

</sc_bundles>
